<compile_context>
chip_gen: v7x
topology: tpu7x:2x2x1
jax: 0.10.2.dev20260603
libtpu: 0.0.44.dev20260713+nightly
codegen_flags: <defaults>
</compile_context>

<pallas_src>
import dataclasses
import functools

import jax
import jax.numpy as jnp
from jax import lax
from jax.experimental import pallas as pl
from jax.experimental.pallas import tpu as pltpu
from jax.experimental.pallas import tpu_sc as plsc

B = 16384
C = 5
E = 64
NC = 2
NS = 16
NW = NC * NS
BPW = B // NW
CHUNK = 64
NCHUNK = BPW // CHUNK
NBUF = 2
LANES = 16


def _sc_note2vec(t_table, c_table, tgt_idx, ctx_idx):
  mesh = plsc.VectorSubcoreMesh(core_axis_name="c", subcore_axis_name="s")

  cp = pltpu.CompilerParams()
  if "needs_layout_passes" in pltpu.CompilerParams.__dataclass_fields__:
    cp = dataclasses.replace(cp, needs_layout_passes=False)

  @functools.partial(
      pl.kernel,
      out_type=jax.ShapeDtypeStruct((C * B,), jnp.float32),
      mesh=mesh,
      compiler_params=cp,
      scratch_types=[
          pltpu.VMEM((BPW,), jnp.int32),
          pltpu.VMEM((C * BPW,), jnp.int32),
          pltpu.VMEM((NBUF, CHUNK, 2 * E), jnp.float32),
          pltpu.VMEM((NBUF, C * CHUNK, 2 * E), jnp.float32),
          pltpu.VMEM((C * BPW,), jnp.float32),
          pltpu.SemaphoreType.DMA,
          pltpu.SemaphoreType.DMA,
      ],
  )
  def k(ttab_hbm, ctab_hbm, tgt_hbm, ctx_hbm, out_hbm,
        tidx_v, cidx_v, trows_v, crows_v, out_v, sem0, sem1):
    wid = lax.axis_index("s") * NC + lax.axis_index("c")
    pltpu.sync_copy(tgt_hbm.at[pl.ds(wid * BPW, BPW)], tidx_v)
    for c in range(C):
      pltpu.sync_copy(ctx_hbm.at[pl.ds(c * B + wid * BPW, BPW)],
                      cidx_v.at[pl.ds(c * BPW, BPW)])

    lane = lax.iota(jnp.int32, LANES)
    cmask = [lane == c for c in range(C)]
    store_mask = lane < C
    sems = [sem0, sem1]

    def issue(j):
      buf = j % NBUF
      sem = sems[buf]
      cps = [pltpu.async_copy(
          ttab_hbm.at[tidx_v.at[pl.ds(j * CHUNK, CHUNK)]],
          trows_v.at[buf], sem)]
      for i in range(C):
        cps.append(
            pltpu.async_copy(
                ctab_hbm.at[cidx_v.at[pl.ds(i * BPW + j * CHUNK, CHUNK)]],
                crows_v.at[buf].at[pl.ds(i * CHUNK, CHUNK)], sem))
      return cps

    inflight = [issue(0)]
    for j in range(NCHUNK):
      if j + 1 < NCHUNK:
        inflight.append(issue(j + 1))
      for cp_ in inflight.pop(0):
        cp_.wait()
      buf = j % NBUF

      @pl.loop(0, CHUNK)
      def _(b):
        w = [trows_v[buf, b, pl.ds(LANES * k, LANES)]
             for k in range(E // LANES)]
        dots = jnp.zeros((LANES,), jnp.float32)
        for c in range(C):
          r = c * CHUNK + b
          acc = w[0] * crows_v[buf, r, pl.ds(0, LANES)]
          for k in range(1, E // LANES):
            acc = acc + w[k] * crows_v[buf, r, pl.ds(LANES * k, LANES)]
          dots = jnp.where(cmask[c], jnp.sum(acc), dots)
        plsc.store_scatter(out_v, [lane * BPW + (j * CHUNK + b)], dots,
                           mask=store_mask)

    for c in range(C):
      pltpu.sync_copy(out_v.at[pl.ds(c * BPW, BPW)],
                      out_hbm.at[pl.ds(c * B + wid * BPW, BPW)])

  return k(t_table, c_table, tgt_idx, ctx_idx)


def kernel(target, context, target_table, context_table):
  eye = jnp.eye(E, 2 * E, dtype=jnp.bfloat16)
  t_table = jnp.einsum("ve,ef->vf", target_table.astype(jnp.bfloat16), eye,
                       preferred_element_type=jnp.float32)
  c_table = jnp.einsum("ve,ef->vf", context_table.astype(jnp.bfloat16), eye,
                       preferred_element_type=jnp.float32)
  tgt_idx = target.reshape(-1).astype(jnp.int32)
  ctx_idx = context.T.reshape(-1).astype(jnp.int32)
  out = _sc_note2vec(t_table, c_table, tgt_idx, ctx_idx)
  return out.reshape(C, B).T

# --- scband reference (transcript-rebuilt; emitter-appended) ---
"""Pipeline reference for scband-note2-vec-53635551593164 (READ-ONLY COPY).

The authoritative reference and input builder live on the scoring server;
editing this copy changes nothing except your own understanding.
"""

import jax, jax.numpy as jnp
import numpy as np

VOCAB = 100000
DIM = 64
NUM_NS = 4
BATCH = 16384

def setup_inputs(seed: int = 0) -> dict:
    key = jax.random.key(seed)
    k1, k2, k3, k4 = jax.random.split(key, 4)
    target = jax.random.randint(k1, (BATCH, 1), 0, VOCAB, dtype=jnp.int64 if jax.config.jax_enable_x64 else jnp.int32)
    context = jax.random.randint(k2, (BATCH, NUM_NS + 1), 0, VOCAB, dtype=jnp.int64 if jax.config.jax_enable_x64 else jnp.int32)
    # Learned parameters: two embedding tables (keras Embedding default: uniform init)
    target_table = jax.random.uniform(k3, (VOCAB, DIM), dtype=jnp.float32, minval=-0.05, maxval=0.05)
    context_table = jax.random.uniform(k4, (VOCAB, DIM), dtype=jnp.float32, minval=-0.05, maxval=0.05)
    return {"target": target, "context": context, "target_table": target_table, "context_table": context_table}

def reference(target, context, target_table, context_table):
    # target: int[B, 1] -> squeeze to [B]
    if target.ndim == 2:
        target = jnp.squeeze(target, axis=1)
    # embedding lookups (SparseCore gather)
    word_emb = jnp.take(target_table, target, axis=0)        # [B, E]
    context_emb = jnp.take(context_table, context, axis=0)   # [B, C, E]
    # dots = einsum('be,bce->bc')
    dots = jnp.einsum('be,bce->bc', word_emb, context_emb)   # [B, C]
    return dots

if __name__ == "__main__":
    import jax
    _d = setup_inputs()
    print(jax.jit(kernel)(*tuple(_d.values())))

</pallas_src>

<mosaic_0001>
#map = affine_map<(d0, d1) -> (0, 0)>
#map1 = affine_map<(d0, d1) -> (0)>
module attributes {stable_mosaic.version = 14 : i64} {
  func.func @k(%arg0: i32, %arg1: i32, %arg2: memref<100000x128xf32, #tpu.memory_space<hbm>>, %arg3: memref<100000x128xf32, #tpu.memory_space<hbm>>, %arg4: memref<16384xi32, #tpu.memory_space<hbm>>, %arg5: memref<81920xi32, #tpu.memory_space<hbm>>, %arg6: memref<81920xf32, #tpu.memory_space<hbm>>, %arg7: memref<512xi32, #tpu.memory_space<vmem>>, %arg8: memref<2560xi32, #tpu.memory_space<vmem>>, %arg9: memref<2x64x128xf32, #tpu.memory_space<vmem>>, %arg10: memref<2x320x128xf32, #tpu.memory_space<vmem>>, %arg11: memref<2560xf32, #tpu.memory_space<vmem>>, %arg12: memref<!tpu.dma_semaphore, #tpu.memory_space<semaphore_mem>>, %arg13: memref<!tpu.dma_semaphore, #tpu.memory_space<semaphore_mem>>) attributes {dimension_semantics = [#tpu.dimension_semantics<core_parallel>, #tpu.dimension_semantics<subcore_parallel>], iteration_bounds = array<i64: 2, 16>, scalar_prefetch = 0 : i64, scratch_operands = 7 : i64, tpu.core_type = #tpu.core_type<sc_vector_subcore>, window_params = [{transform_indices = #map}, {transform_indices = #map}, {transform_indices = #map1}, {transform_indices = #map1}, {transform_indices = #map1}]} {
    %mul3A = arith.constant 2 : i32
    %mul3A_0 = arith.muli %arg1, %mul3A : i32
    %add3A = arith.addi %mul3A_0, %arg0 : i32
    %mul3A_1 = arith.constant 512 : i32
    %mul3A_2 = arith.muli %add3A, %mul3A_1 : i32
    "tpu.region"() ({
      %run_scoped3A = tpu.sem_alloc : memref<!tpu.dma_semaphore, #tpu.memory_space<semaphore_mem>>
      %dma_start3A_1296 = tpu.memref_slice %arg4[%mul3A_2] : memref<16384xi32, #tpu.memory_space<hbm>> -> memref<512xi32, #tpu.memory_space<hbm>>
      %dma_start3A_1297 = tpu.memref_slice %arg4[%mul3A_2] : memref<16384xi32, #tpu.memory_space<hbm>> -> memref<512xi32, #tpu.memory_space<hbm>>
      tpu.enqueue_dma source(%dma_start3A_1297 : memref<512xi32, #tpu.memory_space<hbm>>) target(%arg7 : memref<512xi32, #tpu.memory_space<vmem>>) target_semaphore(%run_scoped3A : memref<!tpu.dma_semaphore, #tpu.memory_space<semaphore_mem>>)
      %dma_wait3A_1298 = tpu.memref_slice %arg4[%mul3A_2] : memref<16384xi32, #tpu.memory_space<hbm>> -> memref<512xi32, #tpu.memory_space<hbm>>
      %dma_wait3A_1299 = tpu.memref_slice %arg4[%mul3A_2] : memref<16384xi32, #tpu.memory_space<hbm>> -> memref<512xi32, #tpu.memory_space<hbm>>
      tpu.wait_dma2 semaphore(%run_scoped3A : memref<!tpu.dma_semaphore, #tpu.memory_space<semaphore_mem>>) src(%dma_wait3A_1299 : memref<512xi32, #tpu.memory_space<hbm>>) dst(%arg7 : memref<512xi32, #tpu.memory_space<vmem>>)
      tpu.yield
    }) : () -> ()
    %mul3A_3 = arith.constant 512 : i32
    %mul3A_4 = arith.muli %add3A, %mul3A_3 : i32
    %add3A_5 = arith.constant 0 : i32
    %add3A_6 = arith.addi %add3A_5, %mul3A_4 : i32
    "tpu.region"() ({
      %run_scoped3A = tpu.sem_alloc : memref<!tpu.dma_semaphore, #tpu.memory_space<semaphore_mem>>
      %dma_start3A_1296 = arith.constant 0 : i32
      %dma_start3A_1297 = tpu.memref_slice %arg8[%dma_start3A_1296] : memref<2560xi32, #tpu.memory_space<vmem>> -> memref<512xi32, #tpu.memory_space<vmem>>
      %dma_start3A_1298 = tpu.memref_slice %arg5[%add3A_6] : memref<81920xi32, #tpu.memory_space<hbm>> -> memref<512xi32, #tpu.memory_space<hbm>>
      %dma_start3A_1299 = arith.constant 0 : i32
      %dma_start3A_1300 = tpu.memref_slice %arg8[%dma_start3A_1299] : memref<2560xi32, #tpu.memory_space<vmem>> -> memref<512xi32, #tpu.memory_space<vmem>>
      %dma_start3A_1301 = tpu.memref_slice %arg5[%add3A_6] : memref<81920xi32, #tpu.memory_space<hbm>> -> memref<512xi32, #tpu.memory_space<hbm>>
      tpu.enqueue_dma source(%dma_start3A_1301 : memref<512xi32, #tpu.memory_space<hbm>>) target(%dma_start3A_1300 : memref<512xi32, #tpu.memory_space<vmem>>) target_semaphore(%run_scoped3A : memref<!tpu.dma_semaphore, #tpu.memory_space<semaphore_mem>>)
      %dma_wait3A_1302 = arith.constant 0 : i32
      %dma_wait3A_1303 = tpu.memref_slice %arg8[%dma_wait3A_1302] : memref<2560xi32, #tpu.memory_space<vmem>> -> memref<512xi32, #tpu.memory_space<vmem>>
      %dma_wait3A_1304 = tpu.memref_slice %arg5[%add3A_6] : memref<81920xi32, #tpu.memory_space<hbm>> -> memref<512xi32, #tpu.memory_space<hbm>>
      %dma_wait3A_1305 = arith.constant 0 : i32
      %dma_wait3A_1306 = tpu.memref_slice %arg8[%dma_wait3A_1305] : memref<2560xi32, #tpu.memory_space<vmem>> -> memref<512xi32, #tpu.memory_space<vmem>>
      %dma_wait3A_1307 = tpu.memref_slice %arg5[%add3A_6] : memref<81920xi32, #tpu.memory_space<hbm>> -> memref<512xi32, #tpu.memory_space<hbm>>
      tpu.wait_dma2 semaphore(%run_scoped3A : memref<!tpu.dma_semaphore, #tpu.memory_space<semaphore_mem>>) src(%dma_wait3A_1307 : memref<512xi32, #tpu.memory_space<hbm>>) dst(%dma_wait3A_1306 : memref<512xi32, #tpu.memory_space<vmem>>)
      tpu.yield
    }) : () -> ()
    %mul3A_7 = arith.constant 512 : i32
    %mul3A_8 = arith.muli %add3A, %mul3A_7 : i32
    %add3A_9 = arith.constant 16384 : i32
    %add3A_10 = arith.addi %add3A_9, %mul3A_8 : i32
    "tpu.region"() ({
      %run_scoped3A = tpu.sem_alloc : memref<!tpu.dma_semaphore, #tpu.memory_space<semaphore_mem>>
      %dma_start3A_1296 = arith.constant 512 : i32
      %dma_start3A_1297 = tpu.memref_slice %arg8[%dma_start3A_1296] : memref<2560xi32, #tpu.memory_space<vmem>> -> memref<512xi32, #tpu.memory_space<vmem>>
      %dma_start3A_1298 = tpu.memref_slice %arg5[%add3A_10] : memref<81920xi32, #tpu.memory_space<hbm>> -> memref<512xi32, #tpu.memory_space<hbm>>
      %dma_start3A_1299 = arith.constant 512 : i32
      %dma_start3A_1300 = tpu.memref_slice %arg8[%dma_start3A_1299] : memref<2560xi32, #tpu.memory_space<vmem>> -> memref<512xi32, #tpu.memory_space<vmem>>
      %dma_start3A_1301 = tpu.memref_slice %arg5[%add3A_10] : memref<81920xi32, #tpu.memory_space<hbm>> -> memref<512xi32, #tpu.memory_space<hbm>>
      tpu.enqueue_dma source(%dma_start3A_1301 : memref<512xi32, #tpu.memory_space<hbm>>) target(%dma_start3A_1300 : memref<512xi32, #tpu.memory_space<vmem>>) target_semaphore(%run_scoped3A : memref<!tpu.dma_semaphore, #tpu.memory_space<semaphore_mem>>)
      %dma_wait3A_1302 = arith.constant 512 : i32
      %dma_wait3A_1303 = tpu.memref_slice %arg8[%dma_wait3A_1302] : memref<2560xi32, #tpu.memory_space<vmem>> -> memref<512xi32, #tpu.memory_space<vmem>>
      %dma_wait3A_1304 = tpu.memref_slice %arg5[%add3A_10] : memref<81920xi32, #tpu.memory_space<hbm>> -> memref<512xi32, #tpu.memory_space<hbm>>
      %dma_wait3A_1305 = arith.constant 512 : i32
      %dma_wait3A_1306 = tpu.memref_slice %arg8[%dma_wait3A_1305] : memref<2560xi32, #tpu.memory_space<vmem>> -> memref<512xi32, #tpu.memory_space<vmem>>
      %dma_wait3A_1307 = tpu.memref_slice %arg5[%add3A_10] : memref<81920xi32, #tpu.memory_space<hbm>> -> memref<512xi32, #tpu.memory_space<hbm>>
      tpu.wait_dma2 semaphore(%run_scoped3A : memref<!tpu.dma_semaphore, #tpu.memory_space<semaphore_mem>>) src(%dma_wait3A_1307 : memref<512xi32, #tpu.memory_space<hbm>>) dst(%dma_wait3A_1306 : memref<512xi32, #tpu.memory_space<vmem>>)
      tpu.yield
    }) : () -> ()
    %mul3A_11 = arith.constant 512 : i32
    %mul3A_12 = arith.muli %add3A, %mul3A_11 : i32
    %add3A_13 = arith.constant 32768 : i32
    %add3A_14 = arith.addi %add3A_13, %mul3A_12 : i32
    "tpu.region"() ({
      %run_scoped3A = tpu.sem_alloc : memref<!tpu.dma_semaphore, #tpu.memory_space<semaphore_mem>>
      %dma_start3A_1296 = arith.constant 1024 : i32
      %dma_start3A_1297 = tpu.memref_slice %arg8[%dma_start3A_1296] : memref<2560xi32, #tpu.memory_space<vmem>> -> memref<512xi32, #tpu.memory_space<vmem>>
      %dma_start3A_1298 = tpu.memref_slice %arg5[%add3A_14] : memref<81920xi32, #tpu.memory_space<hbm>> -> memref<512xi32, #tpu.memory_space<hbm>>
      %dma_start3A_1299 = arith.constant 1024 : i32
      %dma_start3A_1300 = tpu.memref_slice %arg8[%dma_start3A_1299] : memref<2560xi32, #tpu.memory_space<vmem>> -> memref<512xi32, #tpu.memory_space<vmem>>
      %dma_start3A_1301 = tpu.memref_slice %arg5[%add3A_14] : memref<81920xi32, #tpu.memory_space<hbm>> -> memref<512xi32, #tpu.memory_space<hbm>>
      tpu.enqueue_dma source(%dma_start3A_1301 : memref<512xi32, #tpu.memory_space<hbm>>) target(%dma_start3A_1300 : memref<512xi32, #tpu.memory_space<vmem>>) target_semaphore(%run_scoped3A : memref<!tpu.dma_semaphore, #tpu.memory_space<semaphore_mem>>)
      %dma_wait3A_1302 = arith.constant 1024 : i32
      %dma_wait3A_1303 = tpu.memref_slice %arg8[%dma_wait3A_1302] : memref<2560xi32, #tpu.memory_space<vmem>> -> memref<512xi32, #tpu.memory_space<vmem>>
      %dma_wait3A_1304 = tpu.memref_slice %arg5[%add3A_14] : memref<81920xi32, #tpu.memory_space<hbm>> -> memref<512xi32, #tpu.memory_space<hbm>>
      %dma_wait3A_1305 = arith.constant 1024 : i32
      %dma_wait3A_1306 = tpu.memref_slice %arg8[%dma_wait3A_1305] : memref<2560xi32, #tpu.memory_space<vmem>> -> memref<512xi32, #tpu.memory_space<vmem>>
      %dma_wait3A_1307 = tpu.memref_slice %arg5[%add3A_14] : memref<81920xi32, #tpu.memory_space<hbm>> -> memref<512xi32, #tpu.memory_space<hbm>>
      tpu.wait_dma2 semaphore(%run_scoped3A : memref<!tpu.dma_semaphore, #tpu.memory_space<semaphore_mem>>) src(%dma_wait3A_1307 : memref<512xi32, #tpu.memory_space<hbm>>) dst(%dma_wait3A_1306 : memref<512xi32, #tpu.memory_space<vmem>>)
      tpu.yield
    }) : () -> ()
    %mul3A_15 = arith.constant 512 : i32
    %mul3A_16 = arith.muli %add3A, %mul3A_15 : i32
    %add3A_17 = arith.constant 49152 : i32
    %add3A_18 = arith.addi %add3A_17, %mul3A_16 : i32
    "tpu.region"() ({
      %run_scoped3A = tpu.sem_alloc : memref<!tpu.dma_semaphore, #tpu.memory_space<semaphore_mem>>
      %dma_start3A_1296 = arith.constant 1536 : i32
      %dma_start3A_1297 = tpu.memref_slice %arg8[%dma_start3A_1296] : memref<2560xi32, #tpu.memory_space<vmem>> -> memref<512xi32, #tpu.memory_space<vmem>>
      %dma_start3A_1298 = tpu.memref_slice %arg5[%add3A_18] : memref<81920xi32, #tpu.memory_space<hbm>> -> memref<512xi32, #tpu.memory_space<hbm>>
      %dma_start3A_1299 = arith.constant 1536 : i32
      %dma_start3A_1300 = tpu.memref_slice %arg8[%dma_start3A_1299] : memref<2560xi32, #tpu.memory_space<vmem>> -> memref<512xi32, #tpu.memory_space<vmem>>
      %dma_start3A_1301 = tpu.memref_slice %arg5[%add3A_18] : memref<81920xi32, #tpu.memory_space<hbm>> -> memref<512xi32, #tpu.memory_space<hbm>>
      tpu.enqueue_dma source(%dma_start3A_1301 : memref<512xi32, #tpu.memory_space<hbm>>) target(%dma_start3A_1300 : memref<512xi32, #tpu.memory_space<vmem>>) target_semaphore(%run_scoped3A : memref<!tpu.dma_semaphore, #tpu.memory_space<semaphore_mem>>)
      %dma_wait3A_1302 = arith.constant 1536 : i32
      %dma_wait3A_1303 = tpu.memref_slice %arg8[%dma_wait3A_1302] : memref<2560xi32, #tpu.memory_space<vmem>> -> memref<512xi32, #tpu.memory_space<vmem>>
      %dma_wait3A_1304 = tpu.memref_slice %arg5[%add3A_18] : memref<81920xi32, #tpu.memory_space<hbm>> -> memref<512xi32, #tpu.memory_space<hbm>>
      %dma_wait3A_1305 = arith.constant 1536 : i32
      %dma_wait3A_1306 = tpu.memref_slice %arg8[%dma_wait3A_1305] : memref<2560xi32, #tpu.memory_space<vmem>> -> memref<512xi32, #tpu.memory_space<vmem>>
      %dma_wait3A_1307 = tpu.memref_slice %arg5[%add3A_18] : memref<81920xi32, #tpu.memory_space<hbm>> -> memref<512xi32, #tpu.memory_space<hbm>>
      tpu.wait_dma2 semaphore(%run_scoped3A : memref<!tpu.dma_semaphore, #tpu.memory_space<semaphore_mem>>) src(%dma_wait3A_1307 : memref<512xi32, #tpu.memory_space<hbm>>) dst(%dma_wait3A_1306 : memref<512xi32, #tpu.memory_space<vmem>>)
      tpu.yield
    }) : () -> ()
    %mul3A_19 = arith.constant 512 : i32
    %mul3A_20 = arith.muli %add3A, %mul3A_19 : i32
    %add3A_21 = arith.constant 65536 : i32
    %add3A_22 = arith.addi %add3A_21, %mul3A_20 : i32
    "tpu.region"() ({
      %run_scoped3A = tpu.sem_alloc : memref<!tpu.dma_semaphore, #tpu.memory_space<semaphore_mem>>
      %dma_start3A_1296 = arith.constant 2048 : i32
      %dma_start3A_1297 = tpu.memref_slice %arg8[%dma_start3A_1296] : memref<2560xi32, #tpu.memory_space<vmem>> -> memref<512xi32, #tpu.memory_space<vmem>>
      %dma_start3A_1298 = tpu.memref_slice %arg5[%add3A_22] : memref<81920xi32, #tpu.memory_space<hbm>> -> memref<512xi32, #tpu.memory_space<hbm>>
      %dma_start3A_1299 = arith.constant 2048 : i32
      %dma_start3A_1300 = tpu.memref_slice %arg8[%dma_start3A_1299] : memref<2560xi32, #tpu.memory_space<vmem>> -> memref<512xi32, #tpu.memory_space<vmem>>
      %dma_start3A_1301 = tpu.memref_slice %arg5[%add3A_22] : memref<81920xi32, #tpu.memory_space<hbm>> -> memref<512xi32, #tpu.memory_space<hbm>>
      tpu.enqueue_dma source(%dma_start3A_1301 : memref<512xi32, #tpu.memory_space<hbm>>) target(%dma_start3A_1300 : memref<512xi32, #tpu.memory_space<vmem>>) target_semaphore(%run_scoped3A : memref<!tpu.dma_semaphore, #tpu.memory_space<semaphore_mem>>)
      %dma_wait3A_1302 = arith.constant 2048 : i32
      %dma_wait3A_1303 = tpu.memref_slice %arg8[%dma_wait3A_1302] : memref<2560xi32, #tpu.memory_space<vmem>> -> memref<512xi32, #tpu.memory_space<vmem>>
      %dma_wait3A_1304 = tpu.memref_slice %arg5[%add3A_22] : memref<81920xi32, #tpu.memory_space<hbm>> -> memref<512xi32, #tpu.memory_space<hbm>>
      %dma_wait3A_1305 = arith.constant 2048 : i32
      %dma_wait3A_1306 = tpu.memref_slice %arg8[%dma_wait3A_1305] : memref<2560xi32, #tpu.memory_space<vmem>> -> memref<512xi32, #tpu.memory_space<vmem>>
      %dma_wait3A_1307 = tpu.memref_slice %arg5[%add3A_22] : memref<81920xi32, #tpu.memory_space<hbm>> -> memref<512xi32, #tpu.memory_space<hbm>>
      tpu.wait_dma2 semaphore(%run_scoped3A : memref<!tpu.dma_semaphore, #tpu.memory_space<semaphore_mem>>) src(%dma_wait3A_1307 : memref<512xi32, #tpu.memory_space<hbm>>) dst(%dma_wait3A_1306 : memref<512xi32, #tpu.memory_space<vmem>>)
      tpu.yield
    }) : () -> ()
    %iota3A = tpu.iota {dimensions = array<i32: 0>} : vector<16xi32>
    %eq3A = arith.constant 0 : i32
    %eq3A_23 = vector.broadcast %eq3A : i32 to vector<16xi32>
    %eq3A_24 = arith.cmpi eq, %iota3A, %eq3A_23 : vector<16xi32>
    %eq3A_25 = arith.constant 1 : i32
    %eq3A_26 = vector.broadcast %eq3A_25 : i32 to vector<16xi32>
    %eq3A_27 = arith.cmpi eq, %iota3A, %eq3A_26 : vector<16xi32>
    %eq3A_28 = arith.constant 2 : i32
    %eq3A_29 = vector.broadcast %eq3A_28 : i32 to vector<16xi32>
    %eq3A_30 = arith.cmpi eq, %iota3A, %eq3A_29 : vector<16xi32>
    %eq3A_31 = arith.constant 3 : i32
    %eq3A_32 = vector.broadcast %eq3A_31 : i32 to vector<16xi32>
    %eq3A_33 = arith.cmpi eq, %iota3A, %eq3A_32 : vector<16xi32>
    %eq3A_34 = arith.constant 4 : i32
    %eq3A_35 = vector.broadcast %eq3A_34 : i32 to vector<16xi32>
    %eq3A_36 = arith.cmpi eq, %iota3A, %eq3A_35 : vector<16xi32>
    %lt3A = arith.constant 5 : i32
    %lt3A_37 = vector.broadcast %lt3A : i32 to vector<16xi32>
    %lt3A_38 = arith.cmpi slt, %iota3A, %lt3A_37 : vector<16xi32>
    %dma_start3A = arith.constant 0 : i32
    %dma_start3A_39 = arith.constant 0 : i32
    %dma_start3A_40 = arith.constant 0 : i32
    %dma_start3A_41 = tpu.memref_slice %arg9[%dma_start3A, %dma_start3A_39, %dma_start3A_40] : memref<2x64x128xf32, #tpu.memory_space<vmem>> -> memref<1x64x128xf32, #tpu.memory_space<vmem>>
    %dma_start3A_42 = tpu.memref_squeeze %dma_start3A_41 : memref<1x64x128xf32, #tpu.memory_space<vmem>> -> memref<64x128xf32, #tpu.memory_space<vmem>>
    %dma_start3A_43 = arith.constant 0 : i32
    %dma_start3A_44 = tpu.memref_slice %arg7[%dma_start3A_43] : memref<512xi32, #tpu.memory_space<vmem>> -> memref<64xi32, #tpu.memory_space<vmem>>
    %dma_start3A_45 = arith.constant 0 : i32
    %dma_start3A_46 = arith.constant 0 : i32
    %dma_start3A_47 = tpu.memref_slice %arg2[%dma_start3A_45, %dma_start3A_46] : memref<100000x128xf32, #tpu.memory_space<hbm>> -> memref<100000x128xf32, #tpu.memory_space<hbm>>
    tpu.enqueue_indirect_dma source(%dma_start3A_47 : memref<100000x128xf32, #tpu.memory_space<hbm>>) target(%dma_start3A_42 : memref<64x128xf32, #tpu.memory_space<vmem>>) offsets(%dma_start3A_44 : memref<64xi32, #tpu.memory_space<vmem>>) semaphore(%arg12 : memref<!tpu.dma_semaphore, #tpu.memory_space<semaphore_mem>>)
    %dma_start3A_48 = arith.constant 0 : i32
    %dma_start3A_49 = arith.constant 0 : i32
    %dma_start3A_50 = arith.constant 0 : i32
    %dma_start3A_51 = tpu.memref_slice %arg10[%dma_start3A_48, %dma_start3A_49, %dma_start3A_50] : memref<2x320x128xf32, #tpu.memory_space<vmem>> -> memref<1x320x128xf32, #tpu.memory_space<vmem>>
    %dma_start3A_52 = tpu.memref_squeeze %dma_start3A_51 : memref<1x320x128xf32, #tpu.memory_space<vmem>> -> memref<320x128xf32, #tpu.memory_space<vmem>>
    %dma_start3A_53 = arith.constant 0 : i32
    %dma_start3A_54 = arith.constant 0 : i32
    %dma_start3A_55 = tpu.memref_slice %dma_start3A_52[%dma_start3A_53, %dma_start3A_54] : memref<320x128xf32, #tpu.memory_space<vmem>> -> memref<64x128xf32, #tpu.memory_space<vmem>>
    %dma_start3A_56 = arith.constant 0 : i32
    %dma_start3A_57 = tpu.memref_slice %arg8[%dma_start3A_56] : memref<2560xi32, #tpu.memory_space<vmem>> -> memref<64xi32, #tpu.memory_space<vmem>>
    %dma_start3A_58 = arith.constant 0 : i32
    %dma_start3A_59 = arith.constant 0 : i32
    %dma_start3A_60 = tpu.memref_slice %arg3[%dma_start3A_58, %dma_start3A_59] : memref<100000x128xf32, #tpu.memory_space<hbm>> -> memref<100000x128xf32, #tpu.memory_space<hbm>>
    tpu.enqueue_indirect_dma source(%dma_start3A_60 : memref<100000x128xf32, #tpu.memory_space<hbm>>) target(%dma_start3A_55 : memref<64x128xf32, #tpu.memory_space<vmem>>) offsets(%dma_start3A_57 : memref<64xi32, #tpu.memory_space<vmem>>) semaphore(%arg12 : memref<!tpu.dma_semaphore, #tpu.memory_space<semaphore_mem>>)
    %dma_start3A_61 = arith.constant 0 : i32
    %dma_start3A_62 = arith.constant 0 : i32
    %dma_start3A_63 = arith.constant 0 : i32
    %dma_start3A_64 = tpu.memref_slice %arg10[%dma_start3A_61, %dma_start3A_62, %dma_start3A_63] : memref<2x320x128xf32, #tpu.memory_space<vmem>> -> memref<1x320x128xf32, #tpu.memory_space<vmem>>
    %dma_start3A_65 = tpu.memref_squeeze %dma_start3A_64 : memref<1x320x128xf32, #tpu.memory_space<vmem>> -> memref<320x128xf32, #tpu.memory_space<vmem>>
    %dma_start3A_66 = arith.constant 64 : i32
    %dma_start3A_67 = arith.constant 0 : i32
    %dma_start3A_68 = tpu.memref_slice %dma_start3A_65[%dma_start3A_66, %dma_start3A_67] : memref<320x128xf32, #tpu.memory_space<vmem>> -> memref<64x128xf32, #tpu.memory_space<vmem>>
    %dma_start3A_69 = arith.constant 512 : i32
    %dma_start3A_70 = tpu.memref_slice %arg8[%dma_start3A_69] : memref<2560xi32, #tpu.memory_space<vmem>> -> memref<64xi32, #tpu.memory_space<vmem>>
    %dma_start3A_71 = arith.constant 0 : i32
    %dma_start3A_72 = arith.constant 0 : i32
    %dma_start3A_73 = tpu.memref_slice %arg3[%dma_start3A_71, %dma_start3A_72] : memref<100000x128xf32, #tpu.memory_space<hbm>> -> memref<100000x128xf32, #tpu.memory_space<hbm>>
    tpu.enqueue_indirect_dma source(%dma_start3A_73 : memref<100000x128xf32, #tpu.memory_space<hbm>>) target(%dma_start3A_68 : memref<64x128xf32, #tpu.memory_space<vmem>>) offsets(%dma_start3A_70 : memref<64xi32, #tpu.memory_space<vmem>>) semaphore(%arg12 : memref<!tpu.dma_semaphore, #tpu.memory_space<semaphore_mem>>)
    %dma_start3A_74 = arith.constant 0 : i32
    %dma_start3A_75 = arith.constant 0 : i32
    %dma_start3A_76 = arith.constant 0 : i32
    %dma_start3A_77 = tpu.memref_slice %arg10[%dma_start3A_74, %dma_start3A_75, %dma_start3A_76] : memref<2x320x128xf32, #tpu.memory_space<vmem>> -> memref<1x320x128xf32, #tpu.memory_space<vmem>>
    %dma_start3A_78 = tpu.memref_squeeze %dma_start3A_77 : memref<1x320x128xf32, #tpu.memory_space<vmem>> -> memref<320x128xf32, #tpu.memory_space<vmem>>
    %dma_start3A_79 = arith.constant 128 : i32
    %dma_start3A_80 = arith.constant 0 : i32
    %dma_start3A_81 = tpu.memref_slice %dma_start3A_78[%dma_start3A_79, %dma_start3A_80] : memref<320x128xf32, #tpu.memory_space<vmem>> -> memref<64x128xf32, #tpu.memory_space<vmem>>
    %dma_start3A_82 = arith.constant 1024 : i32
    %dma_start3A_83 = tpu.memref_slice %arg8[%dma_start3A_82] : memref<2560xi32, #tpu.memory_space<vmem>> -> memref<64xi32, #tpu.memory_space<vmem>>
    %dma_start3A_84 = arith.constant 0 : i32
    %dma_start3A_85 = arith.constant 0 : i32
    %dma_start3A_86 = tpu.memref_slice %arg3[%dma_start3A_84, %dma_start3A_85] : memref<100000x128xf32, #tpu.memory_space<hbm>> -> memref<100000x128xf32, #tpu.memory_space<hbm>>
    tpu.enqueue_indirect_dma source(%dma_start3A_86 : memref<100000x128xf32, #tpu.memory_space<hbm>>) target(%dma_start3A_81 : memref<64x128xf32, #tpu.memory_space<vmem>>) offsets(%dma_start3A_83 : memref<64xi32, #tpu.memory_space<vmem>>) semaphore(%arg12 : memref<!tpu.dma_semaphore, #tpu.memory_space<semaphore_mem>>)
    %dma_start3A_87 = arith.constant 0 : i32
    %dma_start3A_88 = arith.constant 0 : i32
    %dma_start3A_89 = arith.constant 0 : i32
    %dma_start3A_90 = tpu.memref_slice %arg10[%dma_start3A_87, %dma_start3A_88, %dma_start3A_89] : memref<2x320x128xf32, #tpu.memory_space<vmem>> -> memref<1x320x128xf32, #tpu.memory_space<vmem>>
    %dma_start3A_91 = tpu.memref_squeeze %dma_start3A_90 : memref<1x320x128xf32, #tpu.memory_space<vmem>> -> memref<320x128xf32, #tpu.memory_space<vmem>>
    %dma_start3A_92 = arith.constant 192 : i32
    %dma_start3A_93 = arith.constant 0 : i32
    %dma_start3A_94 = tpu.memref_slice %dma_start3A_91[%dma_start3A_92, %dma_start3A_93] : memref<320x128xf32, #tpu.memory_space<vmem>> -> memref<64x128xf32, #tpu.memory_space<vmem>>
    %dma_start3A_95 = arith.constant 1536 : i32
    %dma_start3A_96 = tpu.memref_slice %arg8[%dma_start3A_95] : memref<2560xi32, #tpu.memory_space<vmem>> -> memref<64xi32, #tpu.memory_space<vmem>>
    %dma_start3A_97 = arith.constant 0 : i32
    %dma_start3A_98 = arith.constant 0 : i32
    %dma_start3A_99 = tpu.memref_slice %arg3[%dma_start3A_97, %dma_start3A_98] : memref<100000x128xf32, #tpu.memory_space<hbm>> -> memref<100000x128xf32, #tpu.memory_space<hbm>>
    tpu.enqueue_indirect_dma source(%dma_start3A_99 : memref<100000x128xf32, #tpu.memory_space<hbm>>) target(%dma_start3A_94 : memref<64x128xf32, #tpu.memory_space<vmem>>) offsets(%dma_start3A_96 : memref<64xi32, #tpu.memory_space<vmem>>) semaphore(%arg12 : memref<!tpu.dma_semaphore, #tpu.memory_space<semaphore_mem>>)
    %dma_start3A_100 = arith.constant 0 : i32
    %dma_start3A_101 = arith.constant 0 : i32
    %dma_start3A_102 = arith.constant 0 : i32
    %dma_start3A_103 = tpu.memref_slice %arg10[%dma_start3A_100, %dma_start3A_101, %dma_start3A_102] : memref<2x320x128xf32, #tpu.memory_space<vmem>> -> memref<1x320x128xf32, #tpu.memory_space<vmem>>
    %dma_start3A_104 = tpu.memref_squeeze %dma_start3A_103 : memref<1x320x128xf32, #tpu.memory_space<vmem>> -> memref<320x128xf32, #tpu.memory_space<vmem>>
    %dma_start3A_105 = arith.constant 256 : i32
    %dma_start3A_106 = arith.constant 0 : i32
    %dma_start3A_107 = tpu.memref_slice %dma_start3A_104[%dma_start3A_105, %dma_start3A_106] : memref<320x128xf32, #tpu.memory_space<vmem>> -> memref<64x128xf32, #tpu.memory_space<vmem>>
    %dma_start3A_108 = arith.constant 2048 : i32
    %dma_start3A_109 = tpu.memref_slice %arg8[%dma_start3A_108] : memref<2560xi32, #tpu.memory_space<vmem>> -> memref<64xi32, #tpu.memory_space<vmem>>
    %dma_start3A_110 = arith.constant 0 : i32
    %dma_start3A_111 = arith.constant 0 : i32
    %dma_start3A_112 = tpu.memref_slice %arg3[%dma_start3A_110, %dma_start3A_111] : memref<100000x128xf32, #tpu.memory_space<hbm>> -> memref<100000x128xf32, #tpu.memory_space<hbm>>
    tpu.enqueue_indirect_dma source(%dma_start3A_112 : memref<100000x128xf32, #tpu.memory_space<hbm>>) target(%dma_start3A_107 : memref<64x128xf32, #tpu.memory_space<vmem>>) offsets(%dma_start3A_109 : memref<64xi32, #tpu.memory_space<vmem>>) semaphore(%arg12 : memref<!tpu.dma_semaphore, #tpu.memory_space<semaphore_mem>>)
    %dma_start3A_113 = arith.constant 1 : i32
    %dma_start3A_114 = arith.constant 0 : i32
    %dma_start3A_115 = arith.constant 0 : i32
    %dma_start3A_116 = tpu.memref_slice %arg9[%dma_start3A_113, %dma_start3A_114, %dma_start3A_115] : memref<2x64x128xf32, #tpu.memory_space<vmem>> -> memref<1x64x128xf32, #tpu.memory_space<vmem>>
    %dma_start3A_117 = tpu.memref_squeeze %dma_start3A_116 : memref<1x64x128xf32, #tpu.memory_space<vmem>> -> memref<64x128xf32, #tpu.memory_space<vmem>>
    %dma_start3A_118 = arith.constant 64 : i32
    %dma_start3A_119 = tpu.memref_slice %arg7[%dma_start3A_118] : memref<512xi32, #tpu.memory_space<vmem>> -> memref<64xi32, #tpu.memory_space<vmem>>
    %dma_start3A_120 = arith.constant 0 : i32
    %dma_start3A_121 = arith.constant 0 : i32
    %dma_start3A_122 = tpu.memref_slice %arg2[%dma_start3A_120, %dma_start3A_121] : memref<100000x128xf32, #tpu.memory_space<hbm>> -> memref<100000x128xf32, #tpu.memory_space<hbm>>
    tpu.enqueue_indirect_dma source(%dma_start3A_122 : memref<100000x128xf32, #tpu.memory_space<hbm>>) target(%dma_start3A_117 : memref<64x128xf32, #tpu.memory_space<vmem>>) offsets(%dma_start3A_119 : memref<64xi32, #tpu.memory_space<vmem>>) semaphore(%arg13 : memref<!tpu.dma_semaphore, #tpu.memory_space<semaphore_mem>>)
    %dma_start3A_123 = arith.constant 1 : i32
    %dma_start3A_124 = arith.constant 0 : i32
    %dma_start3A_125 = arith.constant 0 : i32
    %dma_start3A_126 = tpu.memref_slice %arg10[%dma_start3A_123, %dma_start3A_124, %dma_start3A_125] : memref<2x320x128xf32, #tpu.memory_space<vmem>> -> memref<1x320x128xf32, #tpu.memory_space<vmem>>
    %dma_start3A_127 = tpu.memref_squeeze %dma_start3A_126 : memref<1x320x128xf32, #tpu.memory_space<vmem>> -> memref<320x128xf32, #tpu.memory_space<vmem>>
    %dma_start3A_128 = arith.constant 0 : i32
    %dma_start3A_129 = arith.constant 0 : i32
    %dma_start3A_130 = tpu.memref_slice %dma_start3A_127[%dma_start3A_128, %dma_start3A_129] : memref<320x128xf32, #tpu.memory_space<vmem>> -> memref<64x128xf32, #tpu.memory_space<vmem>>
    %dma_start3A_131 = arith.constant 64 : i32
    %dma_start3A_132 = tpu.memref_slice %arg8[%dma_start3A_131] : memref<2560xi32, #tpu.memory_space<vmem>> -> memref<64xi32, #tpu.memory_space<vmem>>
    %dma_start3A_133 = arith.constant 0 : i32
    %dma_start3A_134 = arith.constant 0 : i32
    %dma_start3A_135 = tpu.memref_slice %arg3[%dma_start3A_133, %dma_start3A_134] : memref<100000x128xf32, #tpu.memory_space<hbm>> -> memref<100000x128xf32, #tpu.memory_space<hbm>>
    tpu.enqueue_indirect_dma source(%dma_start3A_135 : memref<100000x128xf32, #tpu.memory_space<hbm>>) target(%dma_start3A_130 : memref<64x128xf32, #tpu.memory_space<vmem>>) offsets(%dma_start3A_132 : memref<64xi32, #tpu.memory_space<vmem>>) semaphore(%arg13 : memref<!tpu.dma_semaphore, #tpu.memory_space<semaphore_mem>>)
    %dma_start3A_136 = arith.constant 1 : i32
    %dma_start3A_137 = arith.constant 0 : i32
    %dma_start3A_138 = arith.constant 0 : i32
    %dma_start3A_139 = tpu.memref_slice %arg10[%dma_start3A_136, %dma_start3A_137, %dma_start3A_138] : memref<2x320x128xf32, #tpu.memory_space<vmem>> -> memref<1x320x128xf32, #tpu.memory_space<vmem>>
    %dma_start3A_140 = tpu.memref_squeeze %dma_start3A_139 : memref<1x320x128xf32, #tpu.memory_space<vmem>> -> memref<320x128xf32, #tpu.memory_space<vmem>>
    %dma_start3A_141 = arith.constant 64 : i32
    %dma_start3A_142 = arith.constant 0 : i32
    %dma_start3A_143 = tpu.memref_slice %dma_start3A_140[%dma_start3A_141, %dma_start3A_142] : memref<320x128xf32, #tpu.memory_space<vmem>> -> memref<64x128xf32, #tpu.memory_space<vmem>>
    %dma_start3A_144 = arith.constant 576 : i32
    %dma_start3A_145 = tpu.memref_slice %arg8[%dma_start3A_144] : memref<2560xi32, #tpu.memory_space<vmem>> -> memref<64xi32, #tpu.memory_space<vmem>>
    %dma_start3A_146 = arith.constant 0 : i32
    %dma_start3A_147 = arith.constant 0 : i32
    %dma_start3A_148 = tpu.memref_slice %arg3[%dma_start3A_146, %dma_start3A_147] : memref<100000x128xf32, #tpu.memory_space<hbm>> -> memref<100000x128xf32, #tpu.memory_space<hbm>>
    tpu.enqueue_indirect_dma source(%dma_start3A_148 : memref<100000x128xf32, #tpu.memory_space<hbm>>) target(%dma_start3A_143 : memref<64x128xf32, #tpu.memory_space<vmem>>) offsets(%dma_start3A_145 : memref<64xi32, #tpu.memory_space<vmem>>) semaphore(%arg13 : memref<!tpu.dma_semaphore, #tpu.memory_space<semaphore_mem>>)
    %dma_start3A_149 = arith.constant 1 : i32
    %dma_start3A_150 = arith.constant 0 : i32
    %dma_start3A_151 = arith.constant 0 : i32
    %dma_start3A_152 = tpu.memref_slice %arg10[%dma_start3A_149, %dma_start3A_150, %dma_start3A_151] : memref<2x320x128xf32, #tpu.memory_space<vmem>> -> memref<1x320x128xf32, #tpu.memory_space<vmem>>
    %dma_start3A_153 = tpu.memref_squeeze %dma_start3A_152 : memref<1x320x128xf32, #tpu.memory_space<vmem>> -> memref<320x128xf32, #tpu.memory_space<vmem>>
    %dma_start3A_154 = arith.constant 128 : i32
    %dma_start3A_155 = arith.constant 0 : i32
    %dma_start3A_156 = tpu.memref_slice %dma_start3A_153[%dma_start3A_154, %dma_start3A_155] : memref<320x128xf32, #tpu.memory_space<vmem>> -> memref<64x128xf32, #tpu.memory_space<vmem>>
    %dma_start3A_157 = arith.constant 1088 : i32
    %dma_start3A_158 = tpu.memref_slice %arg8[%dma_start3A_157] : memref<2560xi32, #tpu.memory_space<vmem>> -> memref<64xi32, #tpu.memory_space<vmem>>
    %dma_start3A_159 = arith.constant 0 : i32
    %dma_start3A_160 = arith.constant 0 : i32
    %dma_start3A_161 = tpu.memref_slice %arg3[%dma_start3A_159, %dma_start3A_160] : memref<100000x128xf32, #tpu.memory_space<hbm>> -> memref<100000x128xf32, #tpu.memory_space<hbm>>
    tpu.enqueue_indirect_dma source(%dma_start3A_161 : memref<100000x128xf32, #tpu.memory_space<hbm>>) target(%dma_start3A_156 : memref<64x128xf32, #tpu.memory_space<vmem>>) offsets(%dma_start3A_158 : memref<64xi32, #tpu.memory_space<vmem>>) semaphore(%arg13 : memref<!tpu.dma_semaphore, #tpu.memory_space<semaphore_mem>>)
    %dma_start3A_162 = arith.constant 1 : i32
    %dma_start3A_163 = arith.constant 0 : i32
    %dma_start3A_164 = arith.constant 0 : i32
    %dma_start3A_165 = tpu.memref_slice %arg10[%dma_start3A_162, %dma_start3A_163, %dma_start3A_164] : memref<2x320x128xf32, #tpu.memory_space<vmem>> -> memref<1x320x128xf32, #tpu.memory_space<vmem>>
    %dma_start3A_166 = tpu.memref_squeeze %dma_start3A_165 : memref<1x320x128xf32, #tpu.memory_space<vmem>> -> memref<320x128xf32, #tpu.memory_space<vmem>>
    %dma_start3A_167 = arith.constant 192 : i32
    %dma_start3A_168 = arith.constant 0 : i32
    %dma_start3A_169 = tpu.memref_slice %dma_start3A_166[%dma_start3A_167, %dma_start3A_168] : memref<320x128xf32, #tpu.memory_space<vmem>> -> memref<64x128xf32, #tpu.memory_space<vmem>>
    %dma_start3A_170 = arith.constant 1600 : i32
    %dma_start3A_171 = tpu.memref_slice %arg8[%dma_start3A_170] : memref<2560xi32, #tpu.memory_space<vmem>> -> memref<64xi32, #tpu.memory_space<vmem>>
    %dma_start3A_172 = arith.constant 0 : i32
    %dma_start3A_173 = arith.constant 0 : i32
    %dma_start3A_174 = tpu.memref_slice %arg3[%dma_start3A_172, %dma_start3A_173] : memref<100000x128xf32, #tpu.memory_space<hbm>> -> memref<100000x128xf32, #tpu.memory_space<hbm>>
    tpu.enqueue_indirect_dma source(%dma_start3A_174 : memref<100000x128xf32, #tpu.memory_space<hbm>>) target(%dma_start3A_169 : memref<64x128xf32, #tpu.memory_space<vmem>>) offsets(%dma_start3A_171 : memref<64xi32, #tpu.memory_space<vmem>>) semaphore(%arg13 : memref<!tpu.dma_semaphore, #tpu.memory_space<semaphore_mem>>)
    %dma_start3A_175 = arith.constant 1 : i32
    %dma_start3A_176 = arith.constant 0 : i32
    %dma_start3A_177 = arith.constant 0 : i32
    %dma_start3A_178 = tpu.memref_slice %arg10[%dma_start3A_175, %dma_start3A_176, %dma_start3A_177] : memref<2x320x128xf32, #tpu.memory_space<vmem>> -> memref<1x320x128xf32, #tpu.memory_space<vmem>>
    %dma_start3A_179 = tpu.memref_squeeze %dma_start3A_178 : memref<1x320x128xf32, #tpu.memory_space<vmem>> -> memref<320x128xf32, #tpu.memory_space<vmem>>
    %dma_start3A_180 = arith.constant 256 : i32
    %dma_start3A_181 = arith.constant 0 : i32
    %dma_start3A_182 = tpu.memref_slice %dma_start3A_179[%dma_start3A_180, %dma_start3A_181] : memref<320x128xf32, #tpu.memory_space<vmem>> -> memref<64x128xf32, #tpu.memory_space<vmem>>
    %dma_start3A_183 = arith.constant 2112 : i32
    %dma_start3A_184 = tpu.memref_slice %arg8[%dma_start3A_183] : memref<2560xi32, #tpu.memory_space<vmem>> -> memref<64xi32, #tpu.memory_space<vmem>>
    %dma_start3A_185 = arith.constant 0 : i32
    %dma_start3A_186 = arith.constant 0 : i32
    %dma_start3A_187 = tpu.memref_slice %arg3[%dma_start3A_185, %dma_start3A_186] : memref<100000x128xf32, #tpu.memory_space<hbm>> -> memref<100000x128xf32, #tpu.memory_space<hbm>>
    tpu.enqueue_indirect_dma source(%dma_start3A_187 : memref<100000x128xf32, #tpu.memory_space<hbm>>) target(%dma_start3A_182 : memref<64x128xf32, #tpu.memory_space<vmem>>) offsets(%dma_start3A_184 : memref<64xi32, #tpu.memory_space<vmem>>) semaphore(%arg13 : memref<!tpu.dma_semaphore, #tpu.memory_space<semaphore_mem>>)
    %dma_wait3A = arith.constant 0 : i32
    %dma_wait3A_188 = arith.constant 0 : i32
    %dma_wait3A_189 = arith.constant 0 : i32
    %dma_wait3A_190 = tpu.memref_slice %arg9[%dma_wait3A, %dma_wait3A_188, %dma_wait3A_189] : memref<2x64x128xf32, #tpu.memory_space<vmem>> -> memref<1x64x128xf32, #tpu.memory_space<vmem>>
    %dma_wait3A_191 = tpu.memref_squeeze %dma_wait3A_190 : memref<1x64x128xf32, #tpu.memory_space<vmem>> -> memref<64x128xf32, #tpu.memory_space<vmem>>
    %dma_wait3A_192 = arith.constant 0 : i32
    %dma_wait3A_193 = tpu.memref_slice %arg7[%dma_wait3A_192] : memref<512xi32, #tpu.memory_space<vmem>> -> memref<64xi32, #tpu.memory_space<vmem>>
    %dma_wait3A_194 = arith.constant 0 : i32
    %dma_wait3A_195 = arith.constant 0 : i32
    %dma_wait3A_196 = tpu.memref_slice %arg2[%dma_wait3A_194, %dma_wait3A_195] : memref<100000x128xf32, #tpu.memory_space<hbm>> -> memref<100000x128xf32, #tpu.memory_space<hbm>>
    tpu.wait_indirect_dma semaphore(%arg12 : memref<!tpu.dma_semaphore, #tpu.memory_space<semaphore_mem>>) src(%dma_wait3A_196 : memref<100000x128xf32, #tpu.memory_space<hbm>>) dst(%dma_wait3A_191 : memref<64x128xf32, #tpu.memory_space<vmem>>)
    %dma_wait3A_197 = arith.constant 0 : i32
    %dma_wait3A_198 = arith.constant 0 : i32
    %dma_wait3A_199 = arith.constant 0 : i32
    %dma_wait3A_200 = tpu.memref_slice %arg10[%dma_wait3A_197, %dma_wait3A_198, %dma_wait3A_199] : memref<2x320x128xf32, #tpu.memory_space<vmem>> -> memref<1x320x128xf32, #tpu.memory_space<vmem>>
    %dma_wait3A_201 = tpu.memref_squeeze %dma_wait3A_200 : memref<1x320x128xf32, #tpu.memory_space<vmem>> -> memref<320x128xf32, #tpu.memory_space<vmem>>
    %dma_wait3A_202 = arith.constant 0 : i32
    %dma_wait3A_203 = arith.constant 0 : i32
    %dma_wait3A_204 = tpu.memref_slice %dma_wait3A_201[%dma_wait3A_202, %dma_wait3A_203] : memref<320x128xf32, #tpu.memory_space<vmem>> -> memref<64x128xf32, #tpu.memory_space<vmem>>
    %dma_wait3A_205 = arith.constant 0 : i32
    %dma_wait3A_206 = tpu.memref_slice %arg8[%dma_wait3A_205] : memref<2560xi32, #tpu.memory_space<vmem>> -> memref<64xi32, #tpu.memory_space<vmem>>
    %dma_wait3A_207 = arith.constant 0 : i32
    %dma_wait3A_208 = arith.constant 0 : i32
    %dma_wait3A_209 = tpu.memref_slice %arg3[%dma_wait3A_207, %dma_wait3A_208] : memref<100000x128xf32, #tpu.memory_space<hbm>> -> memref<100000x128xf32, #tpu.memory_space<hbm>>
    tpu.wait_indirect_dma semaphore(%arg12 : memref<!tpu.dma_semaphore, #tpu.memory_space<semaphore_mem>>) src(%dma_wait3A_209 : memref<100000x128xf32, #tpu.memory_space<hbm>>) dst(%dma_wait3A_204 : memref<64x128xf32, #tpu.memory_space<vmem>>)
    %dma_wait3A_210 = arith.constant 0 : i32
    %dma_wait3A_211 = arith.constant 0 : i32
    %dma_wait3A_212 = arith.constant 0 : i32
    %dma_wait3A_213 = tpu.memref_slice %arg10[%dma_wait3A_210, %dma_wait3A_211, %dma_wait3A_212] : memref<2x320x128xf32, #tpu.memory_space<vmem>> -> memref<1x320x128xf32, #tpu.memory_space<vmem>>
    %dma_wait3A_214 = tpu.memref_squeeze %dma_wait3A_213 : memref<1x320x128xf32, #tpu.memory_space<vmem>> -> memref<320x128xf32, #tpu.memory_space<vmem>>
    %dma_wait3A_215 = arith.constant 64 : i32
    %dma_wait3A_216 = arith.constant 0 : i32
    %dma_wait3A_217 = tpu.memref_slice %dma_wait3A_214[%dma_wait3A_215, %dma_wait3A_216] : memref<320x128xf32, #tpu.memory_space<vmem>> -> memref<64x128xf32, #tpu.memory_space<vmem>>
    %dma_wait3A_218 = arith.constant 512 : i32
    %dma_wait3A_219 = tpu.memref_slice %arg8[%dma_wait3A_218] : memref<2560xi32, #tpu.memory_space<vmem>> -> memref<64xi32, #tpu.memory_space<vmem>>
    %dma_wait3A_220 = arith.constant 0 : i32
    %dma_wait3A_221 = arith.constant 0 : i32
    %dma_wait3A_222 = tpu.memref_slice %arg3[%dma_wait3A_220, %dma_wait3A_221] : memref<100000x128xf32, #tpu.memory_space<hbm>> -> memref<100000x128xf32, #tpu.memory_space<hbm>>
    tpu.wait_indirect_dma semaphore(%arg12 : memref<!tpu.dma_semaphore, #tpu.memory_space<semaphore_mem>>) src(%dma_wait3A_222 : memref<100000x128xf32, #tpu.memory_space<hbm>>) dst(%dma_wait3A_217 : memref<64x128xf32, #tpu.memory_space<vmem>>)
    %dma_wait3A_223 = arith.constant 0 : i32
    %dma_wait3A_224 = arith.constant 0 : i32
    %dma_wait3A_225 = arith.constant 0 : i32
    %dma_wait3A_226 = tpu.memref_slice %arg10[%dma_wait3A_223, %dma_wait3A_224, %dma_wait3A_225] : memref<2x320x128xf32, #tpu.memory_space<vmem>> -> memref<1x320x128xf32, #tpu.memory_space<vmem>>
    %dma_wait3A_227 = tpu.memref_squeeze %dma_wait3A_226 : memref<1x320x128xf32, #tpu.memory_space<vmem>> -> memref<320x128xf32, #tpu.memory_space<vmem>>
    %dma_wait3A_228 = arith.constant 128 : i32
    %dma_wait3A_229 = arith.constant 0 : i32
    %dma_wait3A_230 = tpu.memref_slice %dma_wait3A_227[%dma_wait3A_228, %dma_wait3A_229] : memref<320x128xf32, #tpu.memory_space<vmem>> -> memref<64x128xf32, #tpu.memory_space<vmem>>
    %dma_wait3A_231 = arith.constant 1024 : i32
    %dma_wait3A_232 = tpu.memref_slice %arg8[%dma_wait3A_231] : memref<2560xi32, #tpu.memory_space<vmem>> -> memref<64xi32, #tpu.memory_space<vmem>>
    %dma_wait3A_233 = arith.constant 0 : i32
    %dma_wait3A_234 = arith.constant 0 : i32
    %dma_wait3A_235 = tpu.memref_slice %arg3[%dma_wait3A_233, %dma_wait3A_234] : memref<100000x128xf32, #tpu.memory_space<hbm>> -> memref<100000x128xf32, #tpu.memory_space<hbm>>
    tpu.wait_indirect_dma semaphore(%arg12 : memref<!tpu.dma_semaphore, #tpu.memory_space<semaphore_mem>>) src(%dma_wait3A_235 : memref<100000x128xf32, #tpu.memory_space<hbm>>) dst(%dma_wait3A_230 : memref<64x128xf32, #tpu.memory_space<vmem>>)
    %dma_wait3A_236 = arith.constant 0 : i32
    %dma_wait3A_237 = arith.constant 0 : i32
    %dma_wait3A_238 = arith.constant 0 : i32
    %dma_wait3A_239 = tpu.memref_slice %arg10[%dma_wait3A_236, %dma_wait3A_237, %dma_wait3A_238] : memref<2x320x128xf32, #tpu.memory_space<vmem>> -> memref<1x320x128xf32, #tpu.memory_space<vmem>>
    %dma_wait3A_240 = tpu.memref_squeeze %dma_wait3A_239 : memref<1x320x128xf32, #tpu.memory_space<vmem>> -> memref<320x128xf32, #tpu.memory_space<vmem>>
    %dma_wait3A_241 = arith.constant 192 : i32
    %dma_wait3A_242 = arith.constant 0 : i32
    %dma_wait3A_243 = tpu.memref_slice %dma_wait3A_240[%dma_wait3A_241, %dma_wait3A_242] : memref<320x128xf32, #tpu.memory_space<vmem>> -> memref<64x128xf32, #tpu.memory_space<vmem>>
    %dma_wait3A_244 = arith.constant 1536 : i32
    %dma_wait3A_245 = tpu.memref_slice %arg8[%dma_wait3A_244] : memref<2560xi32, #tpu.memory_space<vmem>> -> memref<64xi32, #tpu.memory_space<vmem>>
    %dma_wait3A_246 = arith.constant 0 : i32
    %dma_wait3A_247 = arith.constant 0 : i32
    %dma_wait3A_248 = tpu.memref_slice %arg3[%dma_wait3A_246, %dma_wait3A_247] : memref<100000x128xf32, #tpu.memory_space<hbm>> -> memref<100000x128xf32, #tpu.memory_space<hbm>>
    tpu.wait_indirect_dma semaphore(%arg12 : memref<!tpu.dma_semaphore, #tpu.memory_space<semaphore_mem>>) src(%dma_wait3A_248 : memref<100000x128xf32, #tpu.memory_space<hbm>>) dst(%dma_wait3A_243 : memref<64x128xf32, #tpu.memory_space<vmem>>)
    %dma_wait3A_249 = arith.constant 0 : i32
    %dma_wait3A_250 = arith.constant 0 : i32
    %dma_wait3A_251 = arith.constant 0 : i32
    %dma_wait3A_252 = tpu.memref_slice %arg10[%dma_wait3A_249, %dma_wait3A_250, %dma_wait3A_251] : memref<2x320x128xf32, #tpu.memory_space<vmem>> -> memref<1x320x128xf32, #tpu.memory_space<vmem>>
    %dma_wait3A_253 = tpu.memref_squeeze %dma_wait3A_252 : memref<1x320x128xf32, #tpu.memory_space<vmem>> -> memref<320x128xf32, #tpu.memory_space<vmem>>
    %dma_wait3A_254 = arith.constant 256 : i32
    %dma_wait3A_255 = arith.constant 0 : i32
    %dma_wait3A_256 = tpu.memref_slice %dma_wait3A_253[%dma_wait3A_254, %dma_wait3A_255] : memref<320x128xf32, #tpu.memory_space<vmem>> -> memref<64x128xf32, #tpu.memory_space<vmem>>
    %dma_wait3A_257 = arith.constant 2048 : i32
    %dma_wait3A_258 = tpu.memref_slice %arg8[%dma_wait3A_257] : memref<2560xi32, #tpu.memory_space<vmem>> -> memref<64xi32, #tpu.memory_space<vmem>>
    %dma_wait3A_259 = arith.constant 0 : i32
    %dma_wait3A_260 = arith.constant 0 : i32
    %dma_wait3A_261 = tpu.memref_slice %arg3[%dma_wait3A_259, %dma_wait3A_260] : memref<100000x128xf32, #tpu.memory_space<hbm>> -> memref<100000x128xf32, #tpu.memory_space<hbm>>
    tpu.wait_indirect_dma semaphore(%arg12 : memref<!tpu.dma_semaphore, #tpu.memory_space<semaphore_mem>>) src(%dma_wait3A_261 : memref<100000x128xf32, #tpu.memory_space<hbm>>) dst(%dma_wait3A_256 : memref<64x128xf32, #tpu.memory_space<vmem>>)
    %scan3A = arith.constant 0 : i32
    %scan3A_262 = arith.constant 64 : i32
    %scan3A_263 = arith.addi %scan3A, %scan3A_262 : i32
    %scan3A_264 = arith.constant 1 : i32
    scf.for %scan3A_1296 = %scan3A to %scan3A_263 step %scan3A_264  : i32 {
      %mul3A_1297 = arith.constant 1 : i32
      %mul3A_1298 = arith.muli %scan3A_1296, %mul3A_1297 : i32
      %add3A_1299 = arith.constant 0 : i32
      %add3A_1300 = arith.addi %add3A_1299, %mul3A_1298 : i32
      %get3A = arith.constant 0 : i32
      %get3A_1301 = arith.index_cast %get3A : i32 to index
      %get3A_1302 = arith.index_cast %add3A_1300 : i32 to index
      %get3A_1303 = arith.constant 0 : index
      %get3A_1304 = tpu.vector_load %arg9[%get3A_1301, %get3A_1302, %get3A_1303] {strides = array<i32>} : memref<2x64x128xf32, #tpu.memory_space<vmem>>, vector<16xf32>,
      %get3A_1305 = arith.constant 0 : i32
      %get3A_1306 = arith.index_cast %get3A_1305 : i32 to index
      %get3A_1307 = arith.index_cast %add3A_1300 : i32 to index
      %get3A_1308 = arith.constant 16 : index
      %get3A_1309 = tpu.vector_load %arg9[%get3A_1306, %get3A_1307, %get3A_1308] {strides = array<i32>} : memref<2x64x128xf32, #tpu.memory_space<vmem>>, vector<16xf32>,
      %get3A_1310 = arith.constant 0 : i32
      %get3A_1311 = arith.index_cast %get3A_1310 : i32 to index
      %get3A_1312 = arith.index_cast %add3A_1300 : i32 to index
      %get3A_1313 = arith.constant 32 : index
      %get3A_1314 = tpu.vector_load %arg9[%get3A_1311, %get3A_1312, %get3A_1313] {strides = array<i32>} : memref<2x64x128xf32, #tpu.memory_space<vmem>>, vector<16xf32>,
      %get3A_1315 = arith.constant 0 : i32
      %get3A_1316 = arith.index_cast %get3A_1315 : i32 to index
      %get3A_1317 = arith.index_cast %add3A_1300 : i32 to index
      %get3A_1318 = arith.constant 48 : index
      %get3A_1319 = tpu.vector_load %arg9[%get3A_1316, %get3A_1317, %get3A_1318] {strides = array<i32>} : memref<2x64x128xf32, #tpu.memory_space<vmem>>, vector<16xf32>,
      %broadcast_in_dim3A = arith.constant 0.000000e+00 : f32
      %broadcast_in_dim3A_1320 = vector.broadcast %broadcast_in_dim3A : f32 to vector<16xf32>
      %add3A_1321 = arith.constant 0 : i32
      %add3A_1322 = arith.addi %add3A_1321, %add3A_1300 : i32
      %get3A_1323 = arith.constant 0 : i32
      %get3A_1324 = arith.index_cast %get3A_1323 : i32 to index
      %get3A_1325 = arith.index_cast %add3A_1322 : i32 to index
      %get3A_1326 = arith.constant 0 : index
      %get3A_1327 = tpu.vector_load %arg10[%get3A_1324, %get3A_1325, %get3A_1326] {strides = array<i32>} : memref<2x320x128xf32, #tpu.memory_space<vmem>>, vector<16xf32>,
      %mul3A_1328 = arith.mulf %get3A_1304, %get3A_1327 : vector<16xf32>
      %get3A_1329 = arith.constant 0 : i32
      %get3A_1330 = arith.index_cast %get3A_1329 : i32 to index
      %get3A_1331 = arith.index_cast %add3A_1322 : i32 to index
      %get3A_1332 = arith.constant 16 : index
      %get3A_1333 = tpu.vector_load %arg10[%get3A_1330, %get3A_1331, %get3A_1332] {strides = array<i32>} : memref<2x320x128xf32, #tpu.memory_space<vmem>>, vector<16xf32>,
      %mul3A_1334 = arith.mulf %get3A_1309, %get3A_1333 : vector<16xf32>
      %add3A_1335 = arith.addf %mul3A_1328, %mul3A_1334 : vector<16xf32>
      %get3A_1336 = arith.constant 0 : i32
      %get3A_1337 = arith.index_cast %get3A_1336 : i32 to index
      %get3A_1338 = arith.index_cast %add3A_1322 : i32 to index
      %get3A_1339 = arith.constant 32 : index
      %get3A_1340 = tpu.vector_load %arg10[%get3A_1337, %get3A_1338, %get3A_1339] {strides = array<i32>} : memref<2x320x128xf32, #tpu.memory_space<vmem>>, vector<16xf32>,
      %mul3A_1341 = arith.mulf %get3A_1314, %get3A_1340 : vector<16xf32>
      %add3A_1342 = arith.addf %add3A_1335, %mul3A_1341 : vector<16xf32>
      %get3A_1343 = arith.constant 0 : i32
      %get3A_1344 = arith.index_cast %get3A_1343 : i32 to index
      %get3A_1345 = arith.index_cast %add3A_1322 : i32 to index
      %get3A_1346 = arith.constant 48 : index
      %get3A_1347 = tpu.vector_load %arg10[%get3A_1344, %get3A_1345, %get3A_1346] {strides = array<i32>} : memref<2x320x128xf32, #tpu.memory_space<vmem>>, vector<16xf32>,
      %mul3A_1348 = arith.mulf %get3A_1319, %get3A_1347 : vector<16xf32>
      %add3A_1349 = arith.addf %add3A_1342, %mul3A_1348 : vector<16xf32>
      %reduce_sum3A = arith.constant true
      %reduce_sum3A_1350 = vector.broadcast %reduce_sum3A : i1 to vector<16xi1>
      %reduce_sum3A_1351 = tpu.scan <sum>, %add3A_1349 masked %reduce_sum3A_1350 : vector<16xf32>, vector<16xi1> -> vector<16xf32>
      %reduce_sum3A_1352 = vector.extract %reduce_sum3A_1351[15] : f32 from vector<16xf32>
      %broadcast_in_dim3A_1353 = vector.broadcast %reduce_sum3A_1352 : f32 to vector<16xf32>
      %select_n3A = arith.select %eq3A_24, %broadcast_in_dim3A_1353, %broadcast_in_dim3A_1320 : vector<16xi1>, vector<16xf32>
      %add3A_1354 = arith.constant 64 : i32
      %add3A_1355 = arith.addi %add3A_1354, %add3A_1300 : i32
      %get3A_1356 = arith.constant 0 : i32
      %get3A_1357 = arith.index_cast %get3A_1356 : i32 to index
      %get3A_1358 = arith.index_cast %add3A_1355 : i32 to index
      %get3A_1359 = arith.constant 0 : index
      %get3A_1360 = tpu.vector_load %arg10[%get3A_1357, %get3A_1358, %get3A_1359] {strides = array<i32>} : memref<2x320x128xf32, #tpu.memory_space<vmem>>, vector<16xf32>,
      %mul3A_1361 = arith.mulf %get3A_1304, %get3A_1360 : vector<16xf32>
      %get3A_1362 = arith.constant 0 : i32
      %get3A_1363 = arith.index_cast %get3A_1362 : i32 to index
      %get3A_1364 = arith.index_cast %add3A_1355 : i32 to index
      %get3A_1365 = arith.constant 16 : index
      %get3A_1366 = tpu.vector_load %arg10[%get3A_1363, %get3A_1364, %get3A_1365] {strides = array<i32>} : memref<2x320x128xf32, #tpu.memory_space<vmem>>, vector<16xf32>,
      %mul3A_1367 = arith.mulf %get3A_1309, %get3A_1366 : vector<16xf32>
      %add3A_1368 = arith.addf %mul3A_1361, %mul3A_1367 : vector<16xf32>
      %get3A_1369 = arith.constant 0 : i32
      %get3A_1370 = arith.index_cast %get3A_1369 : i32 to index
      %get3A_1371 = arith.index_cast %add3A_1355 : i32 to index
      %get3A_1372 = arith.constant 32 : index
      %get3A_1373 = tpu.vector_load %arg10[%get3A_1370, %get3A_1371, %get3A_1372] {strides = array<i32>} : memref<2x320x128xf32, #tpu.memory_space<vmem>>, vector<16xf32>,
      %mul3A_1374 = arith.mulf %get3A_1314, %get3A_1373 : vector<16xf32>
      %add3A_1375 = arith.addf %add3A_1368, %mul3A_1374 : vector<16xf32>
      %get3A_1376 = arith.constant 0 : i32
      %get3A_1377 = arith.index_cast %get3A_1376 : i32 to index
      %get3A_1378 = arith.index_cast %add3A_1355 : i32 to index
      %get3A_1379 = arith.constant 48 : index
      %get3A_1380 = tpu.vector_load %arg10[%get3A_1377, %get3A_1378, %get3A_1379] {strides = array<i32>} : memref<2x320x128xf32, #tpu.memory_space<vmem>>, vector<16xf32>,
      %mul3A_1381 = arith.mulf %get3A_1319, %get3A_1380 : vector<16xf32>
      %add3A_1382 = arith.addf %add3A_1375, %mul3A_1381 : vector<16xf32>
      %reduce_sum3A_1383 = arith.constant true
      %reduce_sum3A_1384 = vector.broadcast %reduce_sum3A_1383 : i1 to vector<16xi1>
      %reduce_sum3A_1385 = tpu.scan <sum>, %add3A_1382 masked %reduce_sum3A_1384 : vector<16xf32>, vector<16xi1> -> vector<16xf32>
      %reduce_sum3A_1386 = vector.extract %reduce_sum3A_1385[15] : f32 from vector<16xf32>
      %broadcast_in_dim3A_1387 = vector.broadcast %reduce_sum3A_1386 : f32 to vector<16xf32>
      %select_n3A_1388 = arith.select %eq3A_27, %broadcast_in_dim3A_1387, %select_n3A : vector<16xi1>, vector<16xf32>
      %add3A_1389 = arith.constant 128 : i32
      %add3A_1390 = arith.addi %add3A_1389, %add3A_1300 : i32
      %get3A_1391 = arith.constant 0 : i32
      %get3A_1392 = arith.index_cast %get3A_1391 : i32 to index
      %get3A_1393 = arith.index_cast %add3A_1390 : i32 to index
      %get3A_1394 = arith.constant 0 : index
      %get3A_1395 = tpu.vector_load %arg10[%get3A_1392, %get3A_1393, %get3A_1394] {strides = array<i32>} : memref<2x320x128xf32, #tpu.memory_space<vmem>>, vector<16xf32>,
      %mul3A_1396 = arith.mulf %get3A_1304, %get3A_1395 : vector<16xf32>
      %get3A_1397 = arith.constant 0 : i32
      %get3A_1398 = arith.index_cast %get3A_1397 : i32 to index
      %get3A_1399 = arith.index_cast %add3A_1390 : i32 to index
      %get3A_1400 = arith.constant 16 : index
      %get3A_1401 = tpu.vector_load %arg10[%get3A_1398, %get3A_1399, %get3A_1400] {strides = array<i32>} : memref<2x320x128xf32, #tpu.memory_space<vmem>>, vector<16xf32>,
      %mul3A_1402 = arith.mulf %get3A_1309, %get3A_1401 : vector<16xf32>
      %add3A_1403 = arith.addf %mul3A_1396, %mul3A_1402 : vector<16xf32>
      %get3A_1404 = arith.constant 0 : i32
      %get3A_1405 = arith.index_cast %get3A_1404 : i32 to index
      %get3A_1406 = arith.index_cast %add3A_1390 : i32 to index
      %get3A_1407 = arith.constant 32 : index
      %get3A_1408 = tpu.vector_load %arg10[%get3A_1405, %get3A_1406, %get3A_1407] {strides = array<i32>} : memref<2x320x128xf32, #tpu.memory_space<vmem>>, vector<16xf32>,
      %mul3A_1409 = arith.mulf %get3A_1314, %get3A_1408 : vector<16xf32>
      %add3A_1410 = arith.addf %add3A_1403, %mul3A_1409 : vector<16xf32>
      %get3A_1411 = arith.constant 0 : i32
      %get3A_1412 = arith.index_cast %get3A_1411 : i32 to index
      %get3A_1413 = arith.index_cast %add3A_1390 : i32 to index
      %get3A_1414 = arith.constant 48 : index
      %get3A_1415 = tpu.vector_load %arg10[%get3A_1412, %get3A_1413, %get3A_1414] {strides = array<i32>} : memref<2x320x128xf32, #tpu.memory_space<vmem>>, vector<16xf32>,
      %mul3A_1416 = arith.mulf %get3A_1319, %get3A_1415 : vector<16xf32>
      %add3A_1417 = arith.addf %add3A_1410, %mul3A_1416 : vector<16xf32>
      %reduce_sum3A_1418 = arith.constant true
      %reduce_sum3A_1419 = vector.broadcast %reduce_sum3A_1418 : i1 to vector<16xi1>
      %reduce_sum3A_1420 = tpu.scan <sum>, %add3A_1417 masked %reduce_sum3A_1419 : vector<16xf32>, vector<16xi1> -> vector<16xf32>
      %reduce_sum3A_1421 = vector.extract %reduce_sum3A_1420[15] : f32 from vector<16xf32>
      %broadcast_in_dim3A_1422 = vector.broadcast %reduce_sum3A_1421 : f32 to vector<16xf32>
      %select_n3A_1423 = arith.select %eq3A_30, %broadcast_in_dim3A_1422, %select_n3A_1388 : vector<16xi1>, vector<16xf32>
      %add3A_1424 = arith.constant 192 : i32
      %add3A_1425 = arith.addi %add3A_1424, %add3A_1300 : i32
      %get3A_1426 = arith.constant 0 : i32
      %get3A_1427 = arith.index_cast %get3A_1426 : i32 to index
      %get3A_1428 = arith.index_cast %add3A_1425 : i32 to index
      %get3A_1429 = arith.constant 0 : index
      %get3A_1430 = tpu.vector_load %arg10[%get3A_1427, %get3A_1428, %get3A_1429] {strides = array<i32>} : memref<2x320x128xf32, #tpu.memory_space<vmem>>, vector<16xf32>,
      %mul3A_1431 = arith.mulf %get3A_1304, %get3A_1430 : vector<16xf32>
      %get3A_1432 = arith.constant 0 : i32
      %get3A_1433 = arith.index_cast %get3A_1432 : i32 to index
      %get3A_1434 = arith.index_cast %add3A_1425 : i32 to index
      %get3A_1435 = arith.constant 16 : index
      %get3A_1436 = tpu.vector_load %arg10[%get3A_1433, %get3A_1434, %get3A_1435] {strides = array<i32>} : memref<2x320x128xf32, #tpu.memory_space<vmem>>, vector<16xf32>,
      %mul3A_1437 = arith.mulf %get3A_1309, %get3A_1436 : vector<16xf32>
      %add3A_1438 = arith.addf %mul3A_1431, %mul3A_1437 : vector<16xf32>
      %get3A_1439 = arith.constant 0 : i32
      %get3A_1440 = arith.index_cast %get3A_1439 : i32 to index
      %get3A_1441 = arith.index_cast %add3A_1425 : i32 to index
      %get3A_1442 = arith.constant 32 : index
      %get3A_1443 = tpu.vector_load %arg10[%get3A_1440, %get3A_1441, %get3A_1442] {strides = array<i32>} : memref<2x320x128xf32, #tpu.memory_space<vmem>>, vector<16xf32>,
      %mul3A_1444 = arith.mulf %get3A_1314, %get3A_1443 : vector<16xf32>
      %add3A_1445 = arith.addf %add3A_1438, %mul3A_1444 : vector<16xf32>
      %get3A_1446 = arith.constant 0 : i32
      %get3A_1447 = arith.index_cast %get3A_1446 : i32 to index
      %get3A_1448 = arith.index_cast %add3A_1425 : i32 to index
      %get3A_1449 = arith.constant 48 : index
      %get3A_1450 = tpu.vector_load %arg10[%get3A_1447, %get3A_1448, %get3A_1449] {strides = array<i32>} : memref<2x320x128xf32, #tpu.memory_space<vmem>>, vector<16xf32>,
      %mul3A_1451 = arith.mulf %get3A_1319, %get3A_1450 : vector<16xf32>
      %add3A_1452 = arith.addf %add3A_1445, %mul3A_1451 : vector<16xf32>
      %reduce_sum3A_1453 = arith.constant true
      %reduce_sum3A_1454 = vector.broadcast %reduce_sum3A_1453 : i1 to vector<16xi1>
      %reduce_sum3A_1455 = tpu.scan <sum>, %add3A_1452 masked %reduce_sum3A_1454 : vector<16xf32>, vector<16xi1> -> vector<16xf32>
      %reduce_sum3A_1456 = vector.extract %reduce_sum3A_1455[15] : f32 from vector<16xf32>
      %broadcast_in_dim3A_1457 = vector.broadcast %reduce_sum3A_1456 : f32 to vector<16xf32>
      %select_n3A_1458 = arith.select %eq3A_33, %broadcast_in_dim3A_1457, %select_n3A_1423 : vector<16xi1>, vector<16xf32>
      %add3A_1459 = arith.constant 256 : i32
      %add3A_1460 = arith.addi %add3A_1459, %add3A_1300 : i32
      %get3A_1461 = arith.constant 0 : i32
      %get3A_1462 = arith.index_cast %get3A_1461 : i32 to index
      %get3A_1463 = arith.index_cast %add3A_1460 : i32 to index
      %get3A_1464 = arith.constant 0 : index
      %get3A_1465 = tpu.vector_load %arg10[%get3A_1462, %get3A_1463, %get3A_1464] {strides = array<i32>} : memref<2x320x128xf32, #tpu.memory_space<vmem>>, vector<16xf32>,
      %mul3A_1466 = arith.mulf %get3A_1304, %get3A_1465 : vector<16xf32>
      %get3A_1467 = arith.constant 0 : i32
      %get3A_1468 = arith.index_cast %get3A_1467 : i32 to index
      %get3A_1469 = arith.index_cast %add3A_1460 : i32 to index
      %get3A_1470 = arith.constant 16 : index
      %get3A_1471 = tpu.vector_load %arg10[%get3A_1468, %get3A_1469, %get3A_1470] {strides = array<i32>} : memref<2x320x128xf32, #tpu.memory_space<vmem>>, vector<16xf32>,
      %mul3A_1472 = arith.mulf %get3A_1309, %get3A_1471 : vector<16xf32>
      %add3A_1473 = arith.addf %mul3A_1466, %mul3A_1472 : vector<16xf32>
      %get3A_1474 = arith.constant 0 : i32
      %get3A_1475 = arith.index_cast %get3A_1474 : i32 to index
      %get3A_1476 = arith.index_cast %add3A_1460 : i32 to index
      %get3A_1477 = arith.constant 32 : index
      %get3A_1478 = tpu.vector_load %arg10[%get3A_1475, %get3A_1476, %get3A_1477] {strides = array<i32>} : memref<2x320x128xf32, #tpu.memory_space<vmem>>, vector<16xf32>,
      %mul3A_1479 = arith.mulf %get3A_1314, %get3A_1478 : vector<16xf32>
      %add3A_1480 = arith.addf %add3A_1473, %mul3A_1479 : vector<16xf32>
      %get3A_1481 = arith.constant 0 : i32
      %get3A_1482 = arith.index_cast %get3A_1481 : i32 to index
      %get3A_1483 = arith.index_cast %add3A_1460 : i32 to index
      %get3A_1484 = arith.constant 48 : index
      %get3A_1485 = tpu.vector_load %arg10[%get3A_1482, %get3A_1483, %get3A_1484] {strides = array<i32>} : memref<2x320x128xf32, #tpu.memory_space<vmem>>, vector<16xf32>,
      %mul3A_1486 = arith.mulf %get3A_1319, %get3A_1485 : vector<16xf32>
      %add3A_1487 = arith.addf %add3A_1480, %mul3A_1486 : vector<16xf32>
      %reduce_sum3A_1488 = arith.constant true
      %reduce_sum3A_1489 = vector.broadcast %reduce_sum3A_1488 : i1 to vector<16xi1>
      %reduce_sum3A_1490 = tpu.scan <sum>, %add3A_1487 masked %reduce_sum3A_1489 : vector<16xf32>, vector<16xi1> -> vector<16xf32>
      %reduce_sum3A_1491 = vector.extract %reduce_sum3A_1490[15] : f32 from vector<16xf32>
      %broadcast_in_dim3A_1492 = vector.broadcast %reduce_sum3A_1491 : f32 to vector<16xf32>
      %select_n3A_1493 = arith.select %eq3A_36, %broadcast_in_dim3A_1492, %select_n3A_1458 : vector<16xi1>, vector<16xf32>
      %mul3A_1494 = arith.constant 512 : i32
      %mul3A_1495 = vector.broadcast %mul3A_1494 : i32 to vector<16xi32>
      %mul3A_1496 = arith.muli %iota3A, %mul3A_1495 : vector<16xi32>
      %add3A_1497 = arith.constant 0 : i32
      %add3A_1498 = arith.addi %add3A_1497, %add3A_1300 : i32
      %add3A_1499 = vector.broadcast %add3A_1498 : i32 to vector<16xi32>
      %add3A_1500 = arith.addi %mul3A_1496, %add3A_1499 : vector<16xi32>
      tpu.vector_store_idx %arg11[%add3A_1500], %select_n3A_1493 masked %lt3A_38 : memref<2560xf32, #tpu.memory_space<vmem>>[vector<16xi32>], vector<16xf32>, vector<16xi1>
    }
    %scan3A_265 = arith.constant 64 : i32
    %dma_start3A_266 = arith.constant 0 : i32
    %dma_start3A_267 = arith.constant 0 : i32
    %dma_start3A_268 = arith.constant 0 : i32
    %dma_start3A_269 = tpu.memref_slice %arg9[%dma_start3A_266, %dma_start3A_267, %dma_start3A_268] : memref<2x64x128xf32, #tpu.memory_space<vmem>> -> memref<1x64x128xf32, #tpu.memory_space<vmem>>
    %dma_start3A_270 = tpu.memref_squeeze %dma_start3A_269 : memref<1x64x128xf32, #tpu.memory_space<vmem>> -> memref<64x128xf32, #tpu.memory_space<vmem>>
    %dma_start3A_271 = arith.constant 128 : i32
    %dma_start3A_272 = tpu.memref_slice %arg7[%dma_start3A_271] : memref<512xi32, #tpu.memory_space<vmem>> -> memref<64xi32, #tpu.memory_space<vmem>>
    %dma_start3A_273 = arith.constant 0 : i32
    %dma_start3A_274 = arith.constant 0 : i32
    %dma_start3A_275 = tpu.memref_slice %arg2[%dma_start3A_273, %dma_start3A_274] : memref<100000x128xf32, #tpu.memory_space<hbm>> -> memref<100000x128xf32, #tpu.memory_space<hbm>>
    tpu.enqueue_indirect_dma source(%dma_start3A_275 : memref<100000x128xf32, #tpu.memory_space<hbm>>) target(%dma_start3A_270 : memref<64x128xf32, #tpu.memory_space<vmem>>) offsets(%dma_start3A_272 : memref<64xi32, #tpu.memory_space<vmem>>) semaphore(%arg12 : memref<!tpu.dma_semaphore, #tpu.memory_space<semaphore_mem>>)
    %dma_start3A_276 = arith.constant 0 : i32
    %dma_start3A_277 = arith.constant 0 : i32
    %dma_start3A_278 = arith.constant 0 : i32
    %dma_start3A_279 = tpu.memref_slice %arg10[%dma_start3A_276, %dma_start3A_277, %dma_start3A_278] : memref<2x320x128xf32, #tpu.memory_space<vmem>> -> memref<1x320x128xf32, #tpu.memory_space<vmem>>
    %dma_start3A_280 = tpu.memref_squeeze %dma_start3A_279 : memref<1x320x128xf32, #tpu.memory_space<vmem>> -> memref<320x128xf32, #tpu.memory_space<vmem>>
    %dma_start3A_281 = arith.constant 0 : i32
    %dma_start3A_282 = arith.constant 0 : i32
    %dma_start3A_283 = tpu.memref_slice %dma_start3A_280[%dma_start3A_281, %dma_start3A_282] : memref<320x128xf32, #tpu.memory_space<vmem>> -> memref<64x128xf32, #tpu.memory_space<vmem>>
    %dma_start3A_284 = arith.constant 128 : i32
    %dma_start3A_285 = tpu.memref_slice %arg8[%dma_start3A_284] : memref<2560xi32, #tpu.memory_space<vmem>> -> memref<64xi32, #tpu.memory_space<vmem>>
    %dma_start3A_286 = arith.constant 0 : i32
    %dma_start3A_287 = arith.constant 0 : i32
    %dma_start3A_288 = tpu.memref_slice %arg3[%dma_start3A_286, %dma_start3A_287] : memref<100000x128xf32, #tpu.memory_space<hbm>> -> memref<100000x128xf32, #tpu.memory_space<hbm>>
    tpu.enqueue_indirect_dma source(%dma_start3A_288 : memref<100000x128xf32, #tpu.memory_space<hbm>>) target(%dma_start3A_283 : memref<64x128xf32, #tpu.memory_space<vmem>>) offsets(%dma_start3A_285 : memref<64xi32, #tpu.memory_space<vmem>>) semaphore(%arg12 : memref<!tpu.dma_semaphore, #tpu.memory_space<semaphore_mem>>)
    %dma_start3A_289 = arith.constant 0 : i32
    %dma_start3A_290 = arith.constant 0 : i32
    %dma_start3A_291 = arith.constant 0 : i32
    %dma_start3A_292 = tpu.memref_slice %arg10[%dma_start3A_289, %dma_start3A_290, %dma_start3A_291] : memref<2x320x128xf32, #tpu.memory_space<vmem>> -> memref<1x320x128xf32, #tpu.memory_space<vmem>>
    %dma_start3A_293 = tpu.memref_squeeze %dma_start3A_292 : memref<1x320x128xf32, #tpu.memory_space<vmem>> -> memref<320x128xf32, #tpu.memory_space<vmem>>
    %dma_start3A_294 = arith.constant 64 : i32
    %dma_start3A_295 = arith.constant 0 : i32
    %dma_start3A_296 = tpu.memref_slice %dma_start3A_293[%dma_start3A_294, %dma_start3A_295] : memref<320x128xf32, #tpu.memory_space<vmem>> -> memref<64x128xf32, #tpu.memory_space<vmem>>
    %dma_start3A_297 = arith.constant 640 : i32
    %dma_start3A_298 = tpu.memref_slice %arg8[%dma_start3A_297] : memref<2560xi32, #tpu.memory_space<vmem>> -> memref<64xi32, #tpu.memory_space<vmem>>
    %dma_start3A_299 = arith.constant 0 : i32
    %dma_start3A_300 = arith.constant 0 : i32
    %dma_start3A_301 = tpu.memref_slice %arg3[%dma_start3A_299, %dma_start3A_300] : memref<100000x128xf32, #tpu.memory_space<hbm>> -> memref<100000x128xf32, #tpu.memory_space<hbm>>
    tpu.enqueue_indirect_dma source(%dma_start3A_301 : memref<100000x128xf32, #tpu.memory_space<hbm>>) target(%dma_start3A_296 : memref<64x128xf32, #tpu.memory_space<vmem>>) offsets(%dma_start3A_298 : memref<64xi32, #tpu.memory_space<vmem>>) semaphore(%arg12 : memref<!tpu.dma_semaphore, #tpu.memory_space<semaphore_mem>>)
    %dma_start3A_302 = arith.constant 0 : i32
    %dma_start3A_303 = arith.constant 0 : i32
    %dma_start3A_304 = arith.constant 0 : i32
    %dma_start3A_305 = tpu.memref_slice %arg10[%dma_start3A_302, %dma_start3A_303, %dma_start3A_304] : memref<2x320x128xf32, #tpu.memory_space<vmem>> -> memref<1x320x128xf32, #tpu.memory_space<vmem>>
    %dma_start3A_306 = tpu.memref_squeeze %dma_start3A_305 : memref<1x320x128xf32, #tpu.memory_space<vmem>> -> memref<320x128xf32, #tpu.memory_space<vmem>>
    %dma_start3A_307 = arith.constant 128 : i32
    %dma_start3A_308 = arith.constant 0 : i32
    %dma_start3A_309 = tpu.memref_slice %dma_start3A_306[%dma_start3A_307, %dma_start3A_308] : memref<320x128xf32, #tpu.memory_space<vmem>> -> memref<64x128xf32, #tpu.memory_space<vmem>>
    %dma_start3A_310 = arith.constant 1152 : i32
    %dma_start3A_311 = tpu.memref_slice %arg8[%dma_start3A_310] : memref<2560xi32, #tpu.memory_space<vmem>> -> memref<64xi32, #tpu.memory_space<vmem>>
    %dma_start3A_312 = arith.constant 0 : i32
    %dma_start3A_313 = arith.constant 0 : i32
    %dma_start3A_314 = tpu.memref_slice %arg3[%dma_start3A_312, %dma_start3A_313] : memref<100000x128xf32, #tpu.memory_space<hbm>> -> memref<100000x128xf32, #tpu.memory_space<hbm>>
    tpu.enqueue_indirect_dma source(%dma_start3A_314 : memref<100000x128xf32, #tpu.memory_space<hbm>>) target(%dma_start3A_309 : memref<64x128xf32, #tpu.memory_space<vmem>>) offsets(%dma_start3A_311 : memref<64xi32, #tpu.memory_space<vmem>>) semaphore(%arg12 : memref<!tpu.dma_semaphore, #tpu.memory_space<semaphore_mem>>)
    %dma_start3A_315 = arith.constant 0 : i32
    %dma_start3A_316 = arith.constant 0 : i32
    %dma_start3A_317 = arith.constant 0 : i32
    %dma_start3A_318 = tpu.memref_slice %arg10[%dma_start3A_315, %dma_start3A_316, %dma_start3A_317] : memref<2x320x128xf32, #tpu.memory_space<vmem>> -> memref<1x320x128xf32, #tpu.memory_space<vmem>>
    %dma_start3A_319 = tpu.memref_squeeze %dma_start3A_318 : memref<1x320x128xf32, #tpu.memory_space<vmem>> -> memref<320x128xf32, #tpu.memory_space<vmem>>
    %dma_start3A_320 = arith.constant 192 : i32
    %dma_start3A_321 = arith.constant 0 : i32
    %dma_start3A_322 = tpu.memref_slice %dma_start3A_319[%dma_start3A_320, %dma_start3A_321] : memref<320x128xf32, #tpu.memory_space<vmem>> -> memref<64x128xf32, #tpu.memory_space<vmem>>
    %dma_start3A_323 = arith.constant 1664 : i32
    %dma_start3A_324 = tpu.memref_slice %arg8[%dma_start3A_323] : memref<2560xi32, #tpu.memory_space<vmem>> -> memref<64xi32, #tpu.memory_space<vmem>>
    %dma_start3A_325 = arith.constant 0 : i32
    %dma_start3A_326 = arith.constant 0 : i32
    %dma_start3A_327 = tpu.memref_slice %arg3[%dma_start3A_325, %dma_start3A_326] : memref<100000x128xf32, #tpu.memory_space<hbm>> -> memref<100000x128xf32, #tpu.memory_space<hbm>>
    tpu.enqueue_indirect_dma source(%dma_start3A_327 : memref<100000x128xf32, #tpu.memory_space<hbm>>) target(%dma_start3A_322 : memref<64x128xf32, #tpu.memory_space<vmem>>) offsets(%dma_start3A_324 : memref<64xi32, #tpu.memory_space<vmem>>) semaphore(%arg12 : memref<!tpu.dma_semaphore, #tpu.memory_space<semaphore_mem>>)
    %dma_start3A_328 = arith.constant 0 : i32
    %dma_start3A_329 = arith.constant 0 : i32
    %dma_start3A_330 = arith.constant 0 : i32
    %dma_start3A_331 = tpu.memref_slice %arg10[%dma_start3A_328, %dma_start3A_329, %dma_start3A_330] : memref<2x320x128xf32, #tpu.memory_space<vmem>> -> memref<1x320x128xf32, #tpu.memory_space<vmem>>
    %dma_start3A_332 = tpu.memref_squeeze %dma_start3A_331 : memref<1x320x128xf32, #tpu.memory_space<vmem>> -> memref<320x128xf32, #tpu.memory_space<vmem>>
    %dma_start3A_333 = arith.constant 256 : i32
    %dma_start3A_334 = arith.constant 0 : i32
    %dma_start3A_335 = tpu.memref_slice %dma_start3A_332[%dma_start3A_333, %dma_start3A_334] : memref<320x128xf32, #tpu.memory_space<vmem>> -> memref<64x128xf32, #tpu.memory_space<vmem>>
    %dma_start3A_336 = arith.constant 2176 : i32
    %dma_start3A_337 = tpu.memref_slice %arg8[%dma_start3A_336] : memref<2560xi32, #tpu.memory_space<vmem>> -> memref<64xi32, #tpu.memory_space<vmem>>
    %dma_start3A_338 = arith.constant 0 : i32
    %dma_start3A_339 = arith.constant 0 : i32
    %dma_start3A_340 = tpu.memref_slice %arg3[%dma_start3A_338, %dma_start3A_339] : memref<100000x128xf32, #tpu.memory_space<hbm>> -> memref<100000x128xf32, #tpu.memory_space<hbm>>
    tpu.enqueue_indirect_dma source(%dma_start3A_340 : memref<100000x128xf32, #tpu.memory_space<hbm>>) target(%dma_start3A_335 : memref<64x128xf32, #tpu.memory_space<vmem>>) offsets(%dma_start3A_337 : memref<64xi32, #tpu.memory_space<vmem>>) semaphore(%arg12 : memref<!tpu.dma_semaphore, #tpu.memory_space<semaphore_mem>>)
    %dma_wait3A_341 = arith.constant 1 : i32
    %dma_wait3A_342 = arith.constant 0 : i32
    %dma_wait3A_343 = arith.constant 0 : i32
    %dma_wait3A_344 = tpu.memref_slice %arg9[%dma_wait3A_341, %dma_wait3A_342, %dma_wait3A_343] : memref<2x64x128xf32, #tpu.memory_space<vmem>> -> memref<1x64x128xf32, #tpu.memory_space<vmem>>
    %dma_wait3A_345 = tpu.memref_squeeze %dma_wait3A_344 : memref<1x64x128xf32, #tpu.memory_space<vmem>> -> memref<64x128xf32, #tpu.memory_space<vmem>>
    %dma_wait3A_346 = arith.constant 64 : i32
    %dma_wait3A_347 = tpu.memref_slice %arg7[%dma_wait3A_346] : memref<512xi32, #tpu.memory_space<vmem>> -> memref<64xi32, #tpu.memory_space<vmem>>
    %dma_wait3A_348 = arith.constant 0 : i32
    %dma_wait3A_349 = arith.constant 0 : i32
    %dma_wait3A_350 = tpu.memref_slice %arg2[%dma_wait3A_348, %dma_wait3A_349] : memref<100000x128xf32, #tpu.memory_space<hbm>> -> memref<100000x128xf32, #tpu.memory_space<hbm>>
    tpu.wait_indirect_dma semaphore(%arg13 : memref<!tpu.dma_semaphore, #tpu.memory_space<semaphore_mem>>) src(%dma_wait3A_350 : memref<100000x128xf32, #tpu.memory_space<hbm>>) dst(%dma_wait3A_345 : memref<64x128xf32, #tpu.memory_space<vmem>>)
    %dma_wait3A_351 = arith.constant 1 : i32
    %dma_wait3A_352 = arith.constant 0 : i32
    %dma_wait3A_353 = arith.constant 0 : i32
    %dma_wait3A_354 = tpu.memref_slice %arg10[%dma_wait3A_351, %dma_wait3A_352, %dma_wait3A_353] : memref<2x320x128xf32, #tpu.memory_space<vmem>> -> memref<1x320x128xf32, #tpu.memory_space<vmem>>
    %dma_wait3A_355 = tpu.memref_squeeze %dma_wait3A_354 : memref<1x320x128xf32, #tpu.memory_space<vmem>> -> memref<320x128xf32, #tpu.memory_space<vmem>>
    %dma_wait3A_356 = arith.constant 0 : i32
    %dma_wait3A_357 = arith.constant 0 : i32
    %dma_wait3A_358 = tpu.memref_slice %dma_wait3A_355[%dma_wait3A_356, %dma_wait3A_357] : memref<320x128xf32, #tpu.memory_space<vmem>> -> memref<64x128xf32, #tpu.memory_space<vmem>>
    %dma_wait3A_359 = arith.constant 64 : i32
    %dma_wait3A_360 = tpu.memref_slice %arg8[%dma_wait3A_359] : memref<2560xi32, #tpu.memory_space<vmem>> -> memref<64xi32, #tpu.memory_space<vmem>>
    %dma_wait3A_361 = arith.constant 0 : i32
    %dma_wait3A_362 = arith.constant 0 : i32
    %dma_wait3A_363 = tpu.memref_slice %arg3[%dma_wait3A_361, %dma_wait3A_362] : memref<100000x128xf32, #tpu.memory_space<hbm>> -> memref<100000x128xf32, #tpu.memory_space<hbm>>
    tpu.wait_indirect_dma semaphore(%arg13 : memref<!tpu.dma_semaphore, #tpu.memory_space<semaphore_mem>>) src(%dma_wait3A_363 : memref<100000x128xf32, #tpu.memory_space<hbm>>) dst(%dma_wait3A_358 : memref<64x128xf32, #tpu.memory_space<vmem>>)
    %dma_wait3A_364 = arith.constant 1 : i32
    %dma_wait3A_365 = arith.constant 0 : i32
    %dma_wait3A_366 = arith.constant 0 : i32
    %dma_wait3A_367 = tpu.memref_slice %arg10[%dma_wait3A_364, %dma_wait3A_365, %dma_wait3A_366] : memref<2x320x128xf32, #tpu.memory_space<vmem>> -> memref<1x320x128xf32, #tpu.memory_space<vmem>>
    %dma_wait3A_368 = tpu.memref_squeeze %dma_wait3A_367 : memref<1x320x128xf32, #tpu.memory_space<vmem>> -> memref<320x128xf32, #tpu.memory_space<vmem>>
    %dma_wait3A_369 = arith.constant 64 : i32
    %dma_wait3A_370 = arith.constant 0 : i32
    %dma_wait3A_371 = tpu.memref_slice %dma_wait3A_368[%dma_wait3A_369, %dma_wait3A_370] : memref<320x128xf32, #tpu.memory_space<vmem>> -> memref<64x128xf32, #tpu.memory_space<vmem>>
    %dma_wait3A_372 = arith.constant 576 : i32
    %dma_wait3A_373 = tpu.memref_slice %arg8[%dma_wait3A_372] : memref<2560xi32, #tpu.memory_space<vmem>> -> memref<64xi32, #tpu.memory_space<vmem>>
    %dma_wait3A_374 = arith.constant 0 : i32
    %dma_wait3A_375 = arith.constant 0 : i32
    %dma_wait3A_376 = tpu.memref_slice %arg3[%dma_wait3A_374, %dma_wait3A_375] : memref<100000x128xf32, #tpu.memory_space<hbm>> -> memref<100000x128xf32, #tpu.memory_space<hbm>>
    tpu.wait_indirect_dma semaphore(%arg13 : memref<!tpu.dma_semaphore, #tpu.memory_space<semaphore_mem>>) src(%dma_wait3A_376 : memref<100000x128xf32, #tpu.memory_space<hbm>>) dst(%dma_wait3A_371 : memref<64x128xf32, #tpu.memory_space<vmem>>)
    %dma_wait3A_377 = arith.constant 1 : i32
    %dma_wait3A_378 = arith.constant 0 : i32
    %dma_wait3A_379 = arith.constant 0 : i32
    %dma_wait3A_380 = tpu.memref_slice %arg10[%dma_wait3A_377, %dma_wait3A_378, %dma_wait3A_379] : memref<2x320x128xf32, #tpu.memory_space<vmem>> -> memref<1x320x128xf32, #tpu.memory_space<vmem>>
    %dma_wait3A_381 = tpu.memref_squeeze %dma_wait3A_380 : memref<1x320x128xf32, #tpu.memory_space<vmem>> -> memref<320x128xf32, #tpu.memory_space<vmem>>
    %dma_wait3A_382 = arith.constant 128 : i32
    %dma_wait3A_383 = arith.constant 0 : i32
    %dma_wait3A_384 = tpu.memref_slice %dma_wait3A_381[%dma_wait3A_382, %dma_wait3A_383] : memref<320x128xf32, #tpu.memory_space<vmem>> -> memref<64x128xf32, #tpu.memory_space<vmem>>
    %dma_wait3A_385 = arith.constant 1088 : i32
    %dma_wait3A_386 = tpu.memref_slice %arg8[%dma_wait3A_385] : memref<2560xi32, #tpu.memory_space<vmem>> -> memref<64xi32, #tpu.memory_space<vmem>>
    %dma_wait3A_387 = arith.constant 0 : i32
    %dma_wait3A_388 = arith.constant 0 : i32
    %dma_wait3A_389 = tpu.memref_slice %arg3[%dma_wait3A_387, %dma_wait3A_388] : memref<100000x128xf32, #tpu.memory_space<hbm>> -> memref<100000x128xf32, #tpu.memory_space<hbm>>
    tpu.wait_indirect_dma semaphore(%arg13 : memref<!tpu.dma_semaphore, #tpu.memory_space<semaphore_mem>>) src(%dma_wait3A_389 : memref<100000x128xf32, #tpu.memory_space<hbm>>) dst(%dma_wait3A_384 : memref<64x128xf32, #tpu.memory_space<vmem>>)
    %dma_wait3A_390 = arith.constant 1 : i32
    %dma_wait3A_391 = arith.constant 0 : i32
    %dma_wait3A_392 = arith.constant 0 : i32
    %dma_wait3A_393 = tpu.memref_slice %arg10[%dma_wait3A_390, %dma_wait3A_391, %dma_wait3A_392] : memref<2x320x128xf32, #tpu.memory_space<vmem>> -> memref<1x320x128xf32, #tpu.memory_space<vmem>>
    %dma_wait3A_394 = tpu.memref_squeeze %dma_wait3A_393 : memref<1x320x128xf32, #tpu.memory_space<vmem>> -> memref<320x128xf32, #tpu.memory_space<vmem>>
    %dma_wait3A_395 = arith.constant 192 : i32
    %dma_wait3A_396 = arith.constant 0 : i32
    %dma_wait3A_397 = tpu.memref_slice %dma_wait3A_394[%dma_wait3A_395, %dma_wait3A_396] : memref<320x128xf32, #tpu.memory_space<vmem>> -> memref<64x128xf32, #tpu.memory_space<vmem>>
    %dma_wait3A_398 = arith.constant 1600 : i32
    %dma_wait3A_399 = tpu.memref_slice %arg8[%dma_wait3A_398] : memref<2560xi32, #tpu.memory_space<vmem>> -> memref<64xi32, #tpu.memory_space<vmem>>
    %dma_wait3A_400 = arith.constant 0 : i32
    %dma_wait3A_401 = arith.constant 0 : i32
    %dma_wait3A_402 = tpu.memref_slice %arg3[%dma_wait3A_400, %dma_wait3A_401] : memref<100000x128xf32, #tpu.memory_space<hbm>> -> memref<100000x128xf32, #tpu.memory_space<hbm>>
    tpu.wait_indirect_dma semaphore(%arg13 : memref<!tpu.dma_semaphore, #tpu.memory_space<semaphore_mem>>) src(%dma_wait3A_402 : memref<100000x128xf32, #tpu.memory_space<hbm>>) dst(%dma_wait3A_397 : memref<64x128xf32, #tpu.memory_space<vmem>>)
    %dma_wait3A_403 = arith.constant 1 : i32
    %dma_wait3A_404 = arith.constant 0 : i32
    %dma_wait3A_405 = arith.constant 0 : i32
    %dma_wait3A_406 = tpu.memref_slice %arg10[%dma_wait3A_403, %dma_wait3A_404, %dma_wait3A_405] : memref<2x320x128xf32, #tpu.memory_space<vmem>> -> memref<1x320x128xf32, #tpu.memory_space<vmem>>
    %dma_wait3A_407 = tpu.memref_squeeze %dma_wait3A_406 : memref<1x320x128xf32, #tpu.memory_space<vmem>> -> memref<320x128xf32, #tpu.memory_space<vmem>>
    %dma_wait3A_408 = arith.constant 256 : i32
    %dma_wait3A_409 = arith.constant 0 : i32
    %dma_wait3A_410 = tpu.memref_slice %dma_wait3A_407[%dma_wait3A_408, %dma_wait3A_409] : memref<320x128xf32, #tpu.memory_space<vmem>> -> memref<64x128xf32, #tpu.memory_space<vmem>>
    %dma_wait3A_411 = arith.constant 2112 : i32
    %dma_wait3A_412 = tpu.memref_slice %arg8[%dma_wait3A_411] : memref<2560xi32, #tpu.memory_space<vmem>> -> memref<64xi32, #tpu.memory_space<vmem>>
    %dma_wait3A_413 = arith.constant 0 : i32
    %dma_wait3A_414 = arith.constant 0 : i32
    %dma_wait3A_415 = tpu.memref_slice %arg3[%dma_wait3A_413, %dma_wait3A_414] : memref<100000x128xf32, #tpu.memory_space<hbm>> -> memref<100000x128xf32, #tpu.memory_space<hbm>>
    tpu.wait_indirect_dma semaphore(%arg13 : memref<!tpu.dma_semaphore, #tpu.memory_space<semaphore_mem>>) src(%dma_wait3A_415 : memref<100000x128xf32, #tpu.memory_space<hbm>>) dst(%dma_wait3A_410 : memref<64x128xf32, #tpu.memory_space<vmem>>)
    %scan3A_416 = arith.constant 0 : i32
    %scan3A_417 = arith.constant 64 : i32
    %scan3A_418 = arith.addi %scan3A_416, %scan3A_417 : i32
    %scan3A_419 = arith.constant 1 : i32
    scf.for %scan3A_1296 = %scan3A_416 to %scan3A_418 step %scan3A_419  : i32 {
      %mul3A_1297 = arith.constant 1 : i32
      %mul3A_1298 = arith.muli %scan3A_1296, %mul3A_1297 : i32
      %add3A_1299 = arith.constant 0 : i32
      %add3A_1300 = arith.addi %add3A_1299, %mul3A_1298 : i32
      %get3A = arith.constant 1 : i32
      %get3A_1301 = arith.index_cast %get3A : i32 to index
      %get3A_1302 = arith.index_cast %add3A_1300 : i32 to index
      %get3A_1303 = arith.constant 0 : index
      %get3A_1304 = tpu.vector_load %arg9[%get3A_1301, %get3A_1302, %get3A_1303] {strides = array<i32>} : memref<2x64x128xf32, #tpu.memory_space<vmem>>, vector<16xf32>,
      %get3A_1305 = arith.constant 1 : i32
      %get3A_1306 = arith.index_cast %get3A_1305 : i32 to index
      %get3A_1307 = arith.index_cast %add3A_1300 : i32 to index
      %get3A_1308 = arith.constant 16 : index
      %get3A_1309 = tpu.vector_load %arg9[%get3A_1306, %get3A_1307, %get3A_1308] {strides = array<i32>} : memref<2x64x128xf32, #tpu.memory_space<vmem>>, vector<16xf32>,
      %get3A_1310 = arith.constant 1 : i32
      %get3A_1311 = arith.index_cast %get3A_1310 : i32 to index
      %get3A_1312 = arith.index_cast %add3A_1300 : i32 to index
      %get3A_1313 = arith.constant 32 : index
      %get3A_1314 = tpu.vector_load %arg9[%get3A_1311, %get3A_1312, %get3A_1313] {strides = array<i32>} : memref<2x64x128xf32, #tpu.memory_space<vmem>>, vector<16xf32>,
      %get3A_1315 = arith.constant 1 : i32
      %get3A_1316 = arith.index_cast %get3A_1315 : i32 to index
      %get3A_1317 = arith.index_cast %add3A_1300 : i32 to index
      %get3A_1318 = arith.constant 48 : index
      %get3A_1319 = tpu.vector_load %arg9[%get3A_1316, %get3A_1317, %get3A_1318] {strides = array<i32>} : memref<2x64x128xf32, #tpu.memory_space<vmem>>, vector<16xf32>,
      %broadcast_in_dim3A = arith.constant 0.000000e+00 : f32
      %broadcast_in_dim3A_1320 = vector.broadcast %broadcast_in_dim3A : f32 to vector<16xf32>
      %add3A_1321 = arith.constant 0 : i32
      %add3A_1322 = arith.addi %add3A_1321, %add3A_1300 : i32
      %get3A_1323 = arith.constant 1 : i32
      %get3A_1324 = arith.index_cast %get3A_1323 : i32 to index
      %get3A_1325 = arith.index_cast %add3A_1322 : i32 to index
      %get3A_1326 = arith.constant 0 : index
      %get3A_1327 = tpu.vector_load %arg10[%get3A_1324, %get3A_1325, %get3A_1326] {strides = array<i32>} : memref<2x320x128xf32, #tpu.memory_space<vmem>>, vector<16xf32>,
      %mul3A_1328 = arith.mulf %get3A_1304, %get3A_1327 : vector<16xf32>
      %get3A_1329 = arith.constant 1 : i32
      %get3A_1330 = arith.index_cast %get3A_1329 : i32 to index
      %get3A_1331 = arith.index_cast %add3A_1322 : i32 to index
      %get3A_1332 = arith.constant 16 : index
      %get3A_1333 = tpu.vector_load %arg10[%get3A_1330, %get3A_1331, %get3A_1332] {strides = array<i32>} : memref<2x320x128xf32, #tpu.memory_space<vmem>>, vector<16xf32>,
      %mul3A_1334 = arith.mulf %get3A_1309, %get3A_1333 : vector<16xf32>
      %add3A_1335 = arith.addf %mul3A_1328, %mul3A_1334 : vector<16xf32>
      %get3A_1336 = arith.constant 1 : i32
      %get3A_1337 = arith.index_cast %get3A_1336 : i32 to index
      %get3A_1338 = arith.index_cast %add3A_1322 : i32 to index
      %get3A_1339 = arith.constant 32 : index
      %get3A_1340 = tpu.vector_load %arg10[%get3A_1337, %get3A_1338, %get3A_1339] {strides = array<i32>} : memref<2x320x128xf32, #tpu.memory_space<vmem>>, vector<16xf32>,
      %mul3A_1341 = arith.mulf %get3A_1314, %get3A_1340 : vector<16xf32>
      %add3A_1342 = arith.addf %add3A_1335, %mul3A_1341 : vector<16xf32>
      %get3A_1343 = arith.constant 1 : i32
      %get3A_1344 = arith.index_cast %get3A_1343 : i32 to index
      %get3A_1345 = arith.index_cast %add3A_1322 : i32 to index
      %get3A_1346 = arith.constant 48 : index
      %get3A_1347 = tpu.vector_load %arg10[%get3A_1344, %get3A_1345, %get3A_1346] {strides = array<i32>} : memref<2x320x128xf32, #tpu.memory_space<vmem>>, vector<16xf32>,
      %mul3A_1348 = arith.mulf %get3A_1319, %get3A_1347 : vector<16xf32>
      %add3A_1349 = arith.addf %add3A_1342, %mul3A_1348 : vector<16xf32>
      %reduce_sum3A = arith.constant true
      %reduce_sum3A_1350 = vector.broadcast %reduce_sum3A : i1 to vector<16xi1>
      %reduce_sum3A_1351 = tpu.scan <sum>, %add3A_1349 masked %reduce_sum3A_1350 : vector<16xf32>, vector<16xi1> -> vector<16xf32>
      %reduce_sum3A_1352 = vector.extract %reduce_sum3A_1351[15] : f32 from vector<16xf32>
      %broadcast_in_dim3A_1353 = vector.broadcast %reduce_sum3A_1352 : f32 to vector<16xf32>
      %select_n3A = arith.select %eq3A_24, %broadcast_in_dim3A_1353, %broadcast_in_dim3A_1320 : vector<16xi1>, vector<16xf32>
      %add3A_1354 = arith.constant 64 : i32
      %add3A_1355 = arith.addi %add3A_1354, %add3A_1300 : i32
      %get3A_1356 = arith.constant 1 : i32
      %get3A_1357 = arith.index_cast %get3A_1356 : i32 to index
      %get3A_1358 = arith.index_cast %add3A_1355 : i32 to index
      %get3A_1359 = arith.constant 0 : index
      %get3A_1360 = tpu.vector_load %arg10[%get3A_1357, %get3A_1358, %get3A_1359] {strides = array<i32>} : memref<2x320x128xf32, #tpu.memory_space<vmem>>, vector<16xf32>,
      %mul3A_1361 = arith.mulf %get3A_1304, %get3A_1360 : vector<16xf32>
      %get3A_1362 = arith.constant 1 : i32
      %get3A_1363 = arith.index_cast %get3A_1362 : i32 to index
      %get3A_1364 = arith.index_cast %add3A_1355 : i32 to index
      %get3A_1365 = arith.constant 16 : index
      %get3A_1366 = tpu.vector_load %arg10[%get3A_1363, %get3A_1364, %get3A_1365] {strides = array<i32>} : memref<2x320x128xf32, #tpu.memory_space<vmem>>, vector<16xf32>,
      %mul3A_1367 = arith.mulf %get3A_1309, %get3A_1366 : vector<16xf32>
      %add3A_1368 = arith.addf %mul3A_1361, %mul3A_1367 : vector<16xf32>
      %get3A_1369 = arith.constant 1 : i32
      %get3A_1370 = arith.index_cast %get3A_1369 : i32 to index
      %get3A_1371 = arith.index_cast %add3A_1355 : i32 to index
      %get3A_1372 = arith.constant 32 : index
      %get3A_1373 = tpu.vector_load %arg10[%get3A_1370, %get3A_1371, %get3A_1372] {strides = array<i32>} : memref<2x320x128xf32, #tpu.memory_space<vmem>>, vector<16xf32>,
      %mul3A_1374 = arith.mulf %get3A_1314, %get3A_1373 : vector<16xf32>
      %add3A_1375 = arith.addf %add3A_1368, %mul3A_1374 : vector<16xf32>
      %get3A_1376 = arith.constant 1 : i32
      %get3A_1377 = arith.index_cast %get3A_1376 : i32 to index
      %get3A_1378 = arith.index_cast %add3A_1355 : i32 to index
      %get3A_1379 = arith.constant 48 : index
      %get3A_1380 = tpu.vector_load %arg10[%get3A_1377, %get3A_1378, %get3A_1379] {strides = array<i32>} : memref<2x320x128xf32, #tpu.memory_space<vmem>>, vector<16xf32>,
      %mul3A_1381 = arith.mulf %get3A_1319, %get3A_1380 : vector<16xf32>
      %add3A_1382 = arith.addf %add3A_1375, %mul3A_1381 : vector<16xf32>
      %reduce_sum3A_1383 = arith.constant true
      %reduce_sum3A_1384 = vector.broadcast %reduce_sum3A_1383 : i1 to vector<16xi1>
      %reduce_sum3A_1385 = tpu.scan <sum>, %add3A_1382 masked %reduce_sum3A_1384 : vector<16xf32>, vector<16xi1> -> vector<16xf32>
      %reduce_sum3A_1386 = vector.extract %reduce_sum3A_1385[15] : f32 from vector<16xf32>
      %broadcast_in_dim3A_1387 = vector.broadcast %reduce_sum3A_1386 : f32 to vector<16xf32>
      %select_n3A_1388 = arith.select %eq3A_27, %broadcast_in_dim3A_1387, %select_n3A : vector<16xi1>, vector<16xf32>
      %add3A_1389 = arith.constant 128 : i32
      %add3A_1390 = arith.addi %add3A_1389, %add3A_1300 : i32
      %get3A_1391 = arith.constant 1 : i32
      %get3A_1392 = arith.index_cast %get3A_1391 : i32 to index
      %get3A_1393 = arith.index_cast %add3A_1390 : i32 to index
      %get3A_1394 = arith.constant 0 : index
      %get3A_1395 = tpu.vector_load %arg10[%get3A_1392, %get3A_1393, %get3A_1394] {strides = array<i32>} : memref<2x320x128xf32, #tpu.memory_space<vmem>>, vector<16xf32>,
      %mul3A_1396 = arith.mulf %get3A_1304, %get3A_1395 : vector<16xf32>
      %get3A_1397 = arith.constant 1 : i32
      %get3A_1398 = arith.index_cast %get3A_1397 : i32 to index
      %get3A_1399 = arith.index_cast %add3A_1390 : i32 to index
      %get3A_1400 = arith.constant 16 : index
      %get3A_1401 = tpu.vector_load %arg10[%get3A_1398, %get3A_1399, %get3A_1400] {strides = array<i32>} : memref<2x320x128xf32, #tpu.memory_space<vmem>>, vector<16xf32>,
      %mul3A_1402 = arith.mulf %get3A_1309, %get3A_1401 : vector<16xf32>
      %add3A_1403 = arith.addf %mul3A_1396, %mul3A_1402 : vector<16xf32>
      %get3A_1404 = arith.constant 1 : i32
      %get3A_1405 = arith.index_cast %get3A_1404 : i32 to index
      %get3A_1406 = arith.index_cast %add3A_1390 : i32 to index
      %get3A_1407 = arith.constant 32 : index
      %get3A_1408 = tpu.vector_load %arg10[%get3A_1405, %get3A_1406, %get3A_1407] {strides = array<i32>} : memref<2x320x128xf32, #tpu.memory_space<vmem>>, vector<16xf32>,
      %mul3A_1409 = arith.mulf %get3A_1314, %get3A_1408 : vector<16xf32>
      %add3A_1410 = arith.addf %add3A_1403, %mul3A_1409 : vector<16xf32>
      %get3A_1411 = arith.constant 1 : i32
      %get3A_1412 = arith.index_cast %get3A_1411 : i32 to index
      %get3A_1413 = arith.index_cast %add3A_1390 : i32 to index
      %get3A_1414 = arith.constant 48 : index
      %get3A_1415 = tpu.vector_load %arg10[%get3A_1412, %get3A_1413, %get3A_1414] {strides = array<i32>} : memref<2x320x128xf32, #tpu.memory_space<vmem>>, vector<16xf32>,
      %mul3A_1416 = arith.mulf %get3A_1319, %get3A_1415 : vector<16xf32>
      %add3A_1417 = arith.addf %add3A_1410, %mul3A_1416 : vector<16xf32>
      %reduce_sum3A_1418 = arith.constant true
      %reduce_sum3A_1419 = vector.broadcast %reduce_sum3A_1418 : i1 to vector<16xi1>
      %reduce_sum3A_1420 = tpu.scan <sum>, %add3A_1417 masked %reduce_sum3A_1419 : vector<16xf32>, vector<16xi1> -> vector<16xf32>
      %reduce_sum3A_1421 = vector.extract %reduce_sum3A_1420[15] : f32 from vector<16xf32>
      %broadcast_in_dim3A_1422 = vector.broadcast %reduce_sum3A_1421 : f32 to vector<16xf32>
      %select_n3A_1423 = arith.select %eq3A_30, %broadcast_in_dim3A_1422, %select_n3A_1388 : vector<16xi1>, vector<16xf32>
      %add3A_1424 = arith.constant 192 : i32
      %add3A_1425 = arith.addi %add3A_1424, %add3A_1300 : i32
      %get3A_1426 = arith.constant 1 : i32
      %get3A_1427 = arith.index_cast %get3A_1426 : i32 to index
      %get3A_1428 = arith.index_cast %add3A_1425 : i32 to index
      %get3A_1429 = arith.constant 0 : index
      %get3A_1430 = tpu.vector_load %arg10[%get3A_1427, %get3A_1428, %get3A_1429] {strides = array<i32>} : memref<2x320x128xf32, #tpu.memory_space<vmem>>, vector<16xf32>,
      %mul3A_1431 = arith.mulf %get3A_1304, %get3A_1430 : vector<16xf32>
      %get3A_1432 = arith.constant 1 : i32
      %get3A_1433 = arith.index_cast %get3A_1432 : i32 to index
      %get3A_1434 = arith.index_cast %add3A_1425 : i32 to index
      %get3A_1435 = arith.constant 16 : index
      %get3A_1436 = tpu.vector_load %arg10[%get3A_1433, %get3A_1434, %get3A_1435] {strides = array<i32>} : memref<2x320x128xf32, #tpu.memory_space<vmem>>, vector<16xf32>,
      %mul3A_1437 = arith.mulf %get3A_1309, %get3A_1436 : vector<16xf32>
      %add3A_1438 = arith.addf %mul3A_1431, %mul3A_1437 : vector<16xf32>
      %get3A_1439 = arith.constant 1 : i32
      %get3A_1440 = arith.index_cast %get3A_1439 : i32 to index
      %get3A_1441 = arith.index_cast %add3A_1425 : i32 to index
      %get3A_1442 = arith.constant 32 : index
      %get3A_1443 = tpu.vector_load %arg10[%get3A_1440, %get3A_1441, %get3A_1442] {strides = array<i32>} : memref<2x320x128xf32, #tpu.memory_space<vmem>>, vector<16xf32>,
      %mul3A_1444 = arith.mulf %get3A_1314, %get3A_1443 : vector<16xf32>
      %add3A_1445 = arith.addf %add3A_1438, %mul3A_1444 : vector<16xf32>
      %get3A_1446 = arith.constant 1 : i32
      %get3A_1447 = arith.index_cast %get3A_1446 : i32 to index
      %get3A_1448 = arith.index_cast %add3A_1425 : i32 to index
      %get3A_1449 = arith.constant 48 : index
      %get3A_1450 = tpu.vector_load %arg10[%get3A_1447, %get3A_1448, %get3A_1449] {strides = array<i32>} : memref<2x320x128xf32, #tpu.memory_space<vmem>>, vector<16xf32>,
      %mul3A_1451 = arith.mulf %get3A_1319, %get3A_1450 : vector<16xf32>
      %add3A_1452 = arith.addf %add3A_1445, %mul3A_1451 : vector<16xf32>
      %reduce_sum3A_1453 = arith.constant true
      %reduce_sum3A_1454 = vector.broadcast %reduce_sum3A_1453 : i1 to vector<16xi1>
      %reduce_sum3A_1455 = tpu.scan <sum>, %add3A_1452 masked %reduce_sum3A_1454 : vector<16xf32>, vector<16xi1> -> vector<16xf32>
      %reduce_sum3A_1456 = vector.extract %reduce_sum3A_1455[15] : f32 from vector<16xf32>
      %broadcast_in_dim3A_1457 = vector.broadcast %reduce_sum3A_1456 : f32 to vector<16xf32>
      %select_n3A_1458 = arith.select %eq3A_33, %broadcast_in_dim3A_1457, %select_n3A_1423 : vector<16xi1>, vector<16xf32>
      %add3A_1459 = arith.constant 256 : i32
      %add3A_1460 = arith.addi %add3A_1459, %add3A_1300 : i32
      %get3A_1461 = arith.constant 1 : i32
      %get3A_1462 = arith.index_cast %get3A_1461 : i32 to index
      %get3A_1463 = arith.index_cast %add3A_1460 : i32 to index
      %get3A_1464 = arith.constant 0 : index
      %get3A_1465 = tpu.vector_load %arg10[%get3A_1462, %get3A_1463, %get3A_1464] {strides = array<i32>} : memref<2x320x128xf32, #tpu.memory_space<vmem>>, vector<16xf32>,
      %mul3A_1466 = arith.mulf %get3A_1304, %get3A_1465 : vector<16xf32>
      %get3A_1467 = arith.constant 1 : i32
      %get3A_1468 = arith.index_cast %get3A_1467 : i32 to index
      %get3A_1469 = arith.index_cast %add3A_1460 : i32 to index
      %get3A_1470 = arith.constant 16 : index
      %get3A_1471 = tpu.vector_load %arg10[%get3A_1468, %get3A_1469, %get3A_1470] {strides = array<i32>} : memref<2x320x128xf32, #tpu.memory_space<vmem>>, vector<16xf32>,
      %mul3A_1472 = arith.mulf %get3A_1309, %get3A_1471 : vector<16xf32>
      %add3A_1473 = arith.addf %mul3A_1466, %mul3A_1472 : vector<16xf32>
      %get3A_1474 = arith.constant 1 : i32
      %get3A_1475 = arith.index_cast %get3A_1474 : i32 to index
      %get3A_1476 = arith.index_cast %add3A_1460 : i32 to index
      %get3A_1477 = arith.constant 32 : index
      %get3A_1478 = tpu.vector_load %arg10[%get3A_1475, %get3A_1476, %get3A_1477] {strides = array<i32>} : memref<2x320x128xf32, #tpu.memory_space<vmem>>, vector<16xf32>,
      %mul3A_1479 = arith.mulf %get3A_1314, %get3A_1478 : vector<16xf32>
      %add3A_1480 = arith.addf %add3A_1473, %mul3A_1479 : vector<16xf32>
      %get3A_1481 = arith.constant 1 : i32
      %get3A_1482 = arith.index_cast %get3A_1481 : i32 to index
      %get3A_1483 = arith.index_cast %add3A_1460 : i32 to index
      %get3A_1484 = arith.constant 48 : index
      %get3A_1485 = tpu.vector_load %arg10[%get3A_1482, %get3A_1483, %get3A_1484] {strides = array<i32>} : memref<2x320x128xf32, #tpu.memory_space<vmem>>, vector<16xf32>,
      %mul3A_1486 = arith.mulf %get3A_1319, %get3A_1485 : vector<16xf32>
      %add3A_1487 = arith.addf %add3A_1480, %mul3A_1486 : vector<16xf32>
      %reduce_sum3A_1488 = arith.constant true
      %reduce_sum3A_1489 = vector.broadcast %reduce_sum3A_1488 : i1 to vector<16xi1>
      %reduce_sum3A_1490 = tpu.scan <sum>, %add3A_1487 masked %reduce_sum3A_1489 : vector<16xf32>, vector<16xi1> -> vector<16xf32>
      %reduce_sum3A_1491 = vector.extract %reduce_sum3A_1490[15] : f32 from vector<16xf32>
      %broadcast_in_dim3A_1492 = vector.broadcast %reduce_sum3A_1491 : f32 to vector<16xf32>
      %select_n3A_1493 = arith.select %eq3A_36, %broadcast_in_dim3A_1492, %select_n3A_1458 : vector<16xi1>, vector<16xf32>
      %mul3A_1494 = arith.constant 512 : i32
      %mul3A_1495 = vector.broadcast %mul3A_1494 : i32 to vector<16xi32>
      %mul3A_1496 = arith.muli %iota3A, %mul3A_1495 : vector<16xi32>
      %add3A_1497 = arith.constant 64 : i32
      %add3A_1498 = arith.addi %add3A_1497, %add3A_1300 : i32
      %add3A_1499 = vector.broadcast %add3A_1498 : i32 to vector<16xi32>
      %add3A_1500 = arith.addi %mul3A_1496, %add3A_1499 : vector<16xi32>
      tpu.vector_store_idx %arg11[%add3A_1500], %select_n3A_1493 masked %lt3A_38 : memref<2560xf32, #tpu.memory_space<vmem>>[vector<16xi32>], vector<16xf32>, vector<16xi1>
    }
    %scan3A_420 = arith.constant 64 : i32
    %dma_start3A_421 = arith.constant 1 : i32
    %dma_start3A_422 = arith.constant 0 : i32
    %dma_start3A_423 = arith.constant 0 : i32
    %dma_start3A_424 = tpu.memref_slice %arg9[%dma_start3A_421, %dma_start3A_422, %dma_start3A_423] : memref<2x64x128xf32, #tpu.memory_space<vmem>> -> memref<1x64x128xf32, #tpu.memory_space<vmem>>
    %dma_start3A_425 = tpu.memref_squeeze %dma_start3A_424 : memref<1x64x128xf32, #tpu.memory_space<vmem>> -> memref<64x128xf32, #tpu.memory_space<vmem>>
    %dma_start3A_426 = arith.constant 192 : i32
    %dma_start3A_427 = tpu.memref_slice %arg7[%dma_start3A_426] : memref<512xi32, #tpu.memory_space<vmem>> -> memref<64xi32, #tpu.memory_space<vmem>>
    %dma_start3A_428 = arith.constant 0 : i32
    %dma_start3A_429 = arith.constant 0 : i32
    %dma_start3A_430 = tpu.memref_slice %arg2[%dma_start3A_428, %dma_start3A_429] : memref<100000x128xf32, #tpu.memory_space<hbm>> -> memref<100000x128xf32, #tpu.memory_space<hbm>>
    tpu.enqueue_indirect_dma source(%dma_start3A_430 : memref<100000x128xf32, #tpu.memory_space<hbm>>) target(%dma_start3A_425 : memref<64x128xf32, #tpu.memory_space<vmem>>) offsets(%dma_start3A_427 : memref<64xi32, #tpu.memory_space<vmem>>) semaphore(%arg13 : memref<!tpu.dma_semaphore, #tpu.memory_space<semaphore_mem>>)
    %dma_start3A_431 = arith.constant 1 : i32
    %dma_start3A_432 = arith.constant 0 : i32
    %dma_start3A_433 = arith.constant 0 : i32
    %dma_start3A_434 = tpu.memref_slice %arg10[%dma_start3A_431, %dma_start3A_432, %dma_start3A_433] : memref<2x320x128xf32, #tpu.memory_space<vmem>> -> memref<1x320x128xf32, #tpu.memory_space<vmem>>
    %dma_start3A_435 = tpu.memref_squeeze %dma_start3A_434 : memref<1x320x128xf32, #tpu.memory_space<vmem>> -> memref<320x128xf32, #tpu.memory_space<vmem>>
    %dma_start3A_436 = arith.constant 0 : i32
    %dma_start3A_437 = arith.constant 0 : i32
    %dma_start3A_438 = tpu.memref_slice %dma_start3A_435[%dma_start3A_436, %dma_start3A_437] : memref<320x128xf32, #tpu.memory_space<vmem>> -> memref<64x128xf32, #tpu.memory_space<vmem>>
    %dma_start3A_439 = arith.constant 192 : i32
    %dma_start3A_440 = tpu.memref_slice %arg8[%dma_start3A_439] : memref<2560xi32, #tpu.memory_space<vmem>> -> memref<64xi32, #tpu.memory_space<vmem>>
    %dma_start3A_441 = arith.constant 0 : i32
    %dma_start3A_442 = arith.constant 0 : i32
    %dma_start3A_443 = tpu.memref_slice %arg3[%dma_start3A_441, %dma_start3A_442] : memref<100000x128xf32, #tpu.memory_space<hbm>> -> memref<100000x128xf32, #tpu.memory_space<hbm>>
    tpu.enqueue_indirect_dma source(%dma_start3A_443 : memref<100000x128xf32, #tpu.memory_space<hbm>>) target(%dma_start3A_438 : memref<64x128xf32, #tpu.memory_space<vmem>>) offsets(%dma_start3A_440 : memref<64xi32, #tpu.memory_space<vmem>>) semaphore(%arg13 : memref<!tpu.dma_semaphore, #tpu.memory_space<semaphore_mem>>)
    %dma_start3A_444 = arith.constant 1 : i32
    %dma_start3A_445 = arith.constant 0 : i32
    %dma_start3A_446 = arith.constant 0 : i32
    %dma_start3A_447 = tpu.memref_slice %arg10[%dma_start3A_444, %dma_start3A_445, %dma_start3A_446] : memref<2x320x128xf32, #tpu.memory_space<vmem>> -> memref<1x320x128xf32, #tpu.memory_space<vmem>>
    %dma_start3A_448 = tpu.memref_squeeze %dma_start3A_447 : memref<1x320x128xf32, #tpu.memory_space<vmem>> -> memref<320x128xf32, #tpu.memory_space<vmem>>
    %dma_start3A_449 = arith.constant 64 : i32
    %dma_start3A_450 = arith.constant 0 : i32
    %dma_start3A_451 = tpu.memref_slice %dma_start3A_448[%dma_start3A_449, %dma_start3A_450] : memref<320x128xf32, #tpu.memory_space<vmem>> -> memref<64x128xf32, #tpu.memory_space<vmem>>
    %dma_start3A_452 = arith.constant 704 : i32
    %dma_start3A_453 = tpu.memref_slice %arg8[%dma_start3A_452] : memref<2560xi32, #tpu.memory_space<vmem>> -> memref<64xi32, #tpu.memory_space<vmem>>
    %dma_start3A_454 = arith.constant 0 : i32
    %dma_start3A_455 = arith.constant 0 : i32
    %dma_start3A_456 = tpu.memref_slice %arg3[%dma_start3A_454, %dma_start3A_455] : memref<100000x128xf32, #tpu.memory_space<hbm>> -> memref<100000x128xf32, #tpu.memory_space<hbm>>
    tpu.enqueue_indirect_dma source(%dma_start3A_456 : memref<100000x128xf32, #tpu.memory_space<hbm>>) target(%dma_start3A_451 : memref<64x128xf32, #tpu.memory_space<vmem>>) offsets(%dma_start3A_453 : memref<64xi32, #tpu.memory_space<vmem>>) semaphore(%arg13 : memref<!tpu.dma_semaphore, #tpu.memory_space<semaphore_mem>>)
    %dma_start3A_457 = arith.constant 1 : i32
    %dma_start3A_458 = arith.constant 0 : i32
    %dma_start3A_459 = arith.constant 0 : i32
    %dma_start3A_460 = tpu.memref_slice %arg10[%dma_start3A_457, %dma_start3A_458, %dma_start3A_459] : memref<2x320x128xf32, #tpu.memory_space<vmem>> -> memref<1x320x128xf32, #tpu.memory_space<vmem>>
    %dma_start3A_461 = tpu.memref_squeeze %dma_start3A_460 : memref<1x320x128xf32, #tpu.memory_space<vmem>> -> memref<320x128xf32, #tpu.memory_space<vmem>>
    %dma_start3A_462 = arith.constant 128 : i32
    %dma_start3A_463 = arith.constant 0 : i32
    %dma_start3A_464 = tpu.memref_slice %dma_start3A_461[%dma_start3A_462, %dma_start3A_463] : memref<320x128xf32, #tpu.memory_space<vmem>> -> memref<64x128xf32, #tpu.memory_space<vmem>>
    %dma_start3A_465 = arith.constant 1216 : i32
    %dma_start3A_466 = tpu.memref_slice %arg8[%dma_start3A_465] : memref<2560xi32, #tpu.memory_space<vmem>> -> memref<64xi32, #tpu.memory_space<vmem>>
    %dma_start3A_467 = arith.constant 0 : i32
    %dma_start3A_468 = arith.constant 0 : i32
    %dma_start3A_469 = tpu.memref_slice %arg3[%dma_start3A_467, %dma_start3A_468] : memref<100000x128xf32, #tpu.memory_space<hbm>> -> memref<100000x128xf32, #tpu.memory_space<hbm>>
    tpu.enqueue_indirect_dma source(%dma_start3A_469 : memref<100000x128xf32, #tpu.memory_space<hbm>>) target(%dma_start3A_464 : memref<64x128xf32, #tpu.memory_space<vmem>>) offsets(%dma_start3A_466 : memref<64xi32, #tpu.memory_space<vmem>>) semaphore(%arg13 : memref<!tpu.dma_semaphore, #tpu.memory_space<semaphore_mem>>)
    %dma_start3A_470 = arith.constant 1 : i32
    %dma_start3A_471 = arith.constant 0 : i32
    %dma_start3A_472 = arith.constant 0 : i32
    %dma_start3A_473 = tpu.memref_slice %arg10[%dma_start3A_470, %dma_start3A_471, %dma_start3A_472] : memref<2x320x128xf32, #tpu.memory_space<vmem>> -> memref<1x320x128xf32, #tpu.memory_space<vmem>>
    %dma_start3A_474 = tpu.memref_squeeze %dma_start3A_473 : memref<1x320x128xf32, #tpu.memory_space<vmem>> -> memref<320x128xf32, #tpu.memory_space<vmem>>
    %dma_start3A_475 = arith.constant 192 : i32
    %dma_start3A_476 = arith.constant 0 : i32
    %dma_start3A_477 = tpu.memref_slice %dma_start3A_474[%dma_start3A_475, %dma_start3A_476] : memref<320x128xf32, #tpu.memory_space<vmem>> -> memref<64x128xf32, #tpu.memory_space<vmem>>
    %dma_start3A_478 = arith.constant 1728 : i32
    %dma_start3A_479 = tpu.memref_slice %arg8[%dma_start3A_478] : memref<2560xi32, #tpu.memory_space<vmem>> -> memref<64xi32, #tpu.memory_space<vmem>>
    %dma_start3A_480 = arith.constant 0 : i32
    %dma_start3A_481 = arith.constant 0 : i32
    %dma_start3A_482 = tpu.memref_slice %arg3[%dma_start3A_480, %dma_start3A_481] : memref<100000x128xf32, #tpu.memory_space<hbm>> -> memref<100000x128xf32, #tpu.memory_space<hbm>>
    tpu.enqueue_indirect_dma source(%dma_start3A_482 : memref<100000x128xf32, #tpu.memory_space<hbm>>) target(%dma_start3A_477 : memref<64x128xf32, #tpu.memory_space<vmem>>) offsets(%dma_start3A_479 : memref<64xi32, #tpu.memory_space<vmem>>) semaphore(%arg13 : memref<!tpu.dma_semaphore, #tpu.memory_space<semaphore_mem>>)
    %dma_start3A_483 = arith.constant 1 : i32
    %dma_start3A_484 = arith.constant 0 : i32
    %dma_start3A_485 = arith.constant 0 : i32
    %dma_start3A_486 = tpu.memref_slice %arg10[%dma_start3A_483, %dma_start3A_484, %dma_start3A_485] : memref<2x320x128xf32, #tpu.memory_space<vmem>> -> memref<1x320x128xf32, #tpu.memory_space<vmem>>
    %dma_start3A_487 = tpu.memref_squeeze %dma_start3A_486 : memref<1x320x128xf32, #tpu.memory_space<vmem>> -> memref<320x128xf32, #tpu.memory_space<vmem>>
    %dma_start3A_488 = arith.constant 256 : i32
    %dma_start3A_489 = arith.constant 0 : i32
    %dma_start3A_490 = tpu.memref_slice %dma_start3A_487[%dma_start3A_488, %dma_start3A_489] : memref<320x128xf32, #tpu.memory_space<vmem>> -> memref<64x128xf32, #tpu.memory_space<vmem>>
    %dma_start3A_491 = arith.constant 2240 : i32
    %dma_start3A_492 = tpu.memref_slice %arg8[%dma_start3A_491] : memref<2560xi32, #tpu.memory_space<vmem>> -> memref<64xi32, #tpu.memory_space<vmem>>
    %dma_start3A_493 = arith.constant 0 : i32
    %dma_start3A_494 = arith.constant 0 : i32
    %dma_start3A_495 = tpu.memref_slice %arg3[%dma_start3A_493, %dma_start3A_494] : memref<100000x128xf32, #tpu.memory_space<hbm>> -> memref<100000x128xf32, #tpu.memory_space<hbm>>
    tpu.enqueue_indirect_dma source(%dma_start3A_495 : memref<100000x128xf32, #tpu.memory_space<hbm>>) target(%dma_start3A_490 : memref<64x128xf32, #tpu.memory_space<vmem>>) offsets(%dma_start3A_492 : memref<64xi32, #tpu.memory_space<vmem>>) semaphore(%arg13 : memref<!tpu.dma_semaphore, #tpu.memory_space<semaphore_mem>>)
    %dma_wait3A_496 = arith.constant 0 : i32
    %dma_wait3A_497 = arith.constant 0 : i32
    %dma_wait3A_498 = arith.constant 0 : i32
    %dma_wait3A_499 = tpu.memref_slice %arg9[%dma_wait3A_496, %dma_wait3A_497, %dma_wait3A_498] : memref<2x64x128xf32, #tpu.memory_space<vmem>> -> memref<1x64x128xf32, #tpu.memory_space<vmem>>
    %dma_wait3A_500 = tpu.memref_squeeze %dma_wait3A_499 : memref<1x64x128xf32, #tpu.memory_space<vmem>> -> memref<64x128xf32, #tpu.memory_space<vmem>>
    %dma_wait3A_501 = arith.constant 128 : i32
    %dma_wait3A_502 = tpu.memref_slice %arg7[%dma_wait3A_501] : memref<512xi32, #tpu.memory_space<vmem>> -> memref<64xi32, #tpu.memory_space<vmem>>
    %dma_wait3A_503 = arith.constant 0 : i32
    %dma_wait3A_504 = arith.constant 0 : i32
    %dma_wait3A_505 = tpu.memref_slice %arg2[%dma_wait3A_503, %dma_wait3A_504] : memref<100000x128xf32, #tpu.memory_space<hbm>> -> memref<100000x128xf32, #tpu.memory_space<hbm>>
    tpu.wait_indirect_dma semaphore(%arg12 : memref<!tpu.dma_semaphore, #tpu.memory_space<semaphore_mem>>) src(%dma_wait3A_505 : memref<100000x128xf32, #tpu.memory_space<hbm>>) dst(%dma_wait3A_500 : memref<64x128xf32, #tpu.memory_space<vmem>>)
    %dma_wait3A_506 = arith.constant 0 : i32
    %dma_wait3A_507 = arith.constant 0 : i32
    %dma_wait3A_508 = arith.constant 0 : i32
    %dma_wait3A_509 = tpu.memref_slice %arg10[%dma_wait3A_506, %dma_wait3A_507, %dma_wait3A_508] : memref<2x320x128xf32, #tpu.memory_space<vmem>> -> memref<1x320x128xf32, #tpu.memory_space<vmem>>
    %dma_wait3A_510 = tpu.memref_squeeze %dma_wait3A_509 : memref<1x320x128xf32, #tpu.memory_space<vmem>> -> memref<320x128xf32, #tpu.memory_space<vmem>>
    %dma_wait3A_511 = arith.constant 0 : i32
    %dma_wait3A_512 = arith.constant 0 : i32
    %dma_wait3A_513 = tpu.memref_slice %dma_wait3A_510[%dma_wait3A_511, %dma_wait3A_512] : memref<320x128xf32, #tpu.memory_space<vmem>> -> memref<64x128xf32, #tpu.memory_space<vmem>>
    %dma_wait3A_514 = arith.constant 128 : i32
    %dma_wait3A_515 = tpu.memref_slice %arg8[%dma_wait3A_514] : memref<2560xi32, #tpu.memory_space<vmem>> -> memref<64xi32, #tpu.memory_space<vmem>>
    %dma_wait3A_516 = arith.constant 0 : i32
    %dma_wait3A_517 = arith.constant 0 : i32
    %dma_wait3A_518 = tpu.memref_slice %arg3[%dma_wait3A_516, %dma_wait3A_517] : memref<100000x128xf32, #tpu.memory_space<hbm>> -> memref<100000x128xf32, #tpu.memory_space<hbm>>
    tpu.wait_indirect_dma semaphore(%arg12 : memref<!tpu.dma_semaphore, #tpu.memory_space<semaphore_mem>>) src(%dma_wait3A_518 : memref<100000x128xf32, #tpu.memory_space<hbm>>) dst(%dma_wait3A_513 : memref<64x128xf32, #tpu.memory_space<vmem>>)
    %dma_wait3A_519 = arith.constant 0 : i32
    %dma_wait3A_520 = arith.constant 0 : i32
    %dma_wait3A_521 = arith.constant 0 : i32
    %dma_wait3A_522 = tpu.memref_slice %arg10[%dma_wait3A_519, %dma_wait3A_520, %dma_wait3A_521] : memref<2x320x128xf32, #tpu.memory_space<vmem>> -> memref<1x320x128xf32, #tpu.memory_space<vmem>>
    %dma_wait3A_523 = tpu.memref_squeeze %dma_wait3A_522 : memref<1x320x128xf32, #tpu.memory_space<vmem>> -> memref<320x128xf32, #tpu.memory_space<vmem>>
    %dma_wait3A_524 = arith.constant 64 : i32
    %dma_wait3A_525 = arith.constant 0 : i32
    %dma_wait3A_526 = tpu.memref_slice %dma_wait3A_523[%dma_wait3A_524, %dma_wait3A_525] : memref<320x128xf32, #tpu.memory_space<vmem>> -> memref<64x128xf32, #tpu.memory_space<vmem>>
    %dma_wait3A_527 = arith.constant 640 : i32
    %dma_wait3A_528 = tpu.memref_slice %arg8[%dma_wait3A_527] : memref<2560xi32, #tpu.memory_space<vmem>> -> memref<64xi32, #tpu.memory_space<vmem>>
    %dma_wait3A_529 = arith.constant 0 : i32
    %dma_wait3A_530 = arith.constant 0 : i32
    %dma_wait3A_531 = tpu.memref_slice %arg3[%dma_wait3A_529, %dma_wait3A_530] : memref<100000x128xf32, #tpu.memory_space<hbm>> -> memref<100000x128xf32, #tpu.memory_space<hbm>>
    tpu.wait_indirect_dma semaphore(%arg12 : memref<!tpu.dma_semaphore, #tpu.memory_space<semaphore_mem>>) src(%dma_wait3A_531 : memref<100000x128xf32, #tpu.memory_space<hbm>>) dst(%dma_wait3A_526 : memref<64x128xf32, #tpu.memory_space<vmem>>)
    %dma_wait3A_532 = arith.constant 0 : i32
    %dma_wait3A_533 = arith.constant 0 : i32
    %dma_wait3A_534 = arith.constant 0 : i32
    %dma_wait3A_535 = tpu.memref_slice %arg10[%dma_wait3A_532, %dma_wait3A_533, %dma_wait3A_534] : memref<2x320x128xf32, #tpu.memory_space<vmem>> -> memref<1x320x128xf32, #tpu.memory_space<vmem>>
    %dma_wait3A_536 = tpu.memref_squeeze %dma_wait3A_535 : memref<1x320x128xf32, #tpu.memory_space<vmem>> -> memref<320x128xf32, #tpu.memory_space<vmem>>
    %dma_wait3A_537 = arith.constant 128 : i32
    %dma_wait3A_538 = arith.constant 0 : i32
    %dma_wait3A_539 = tpu.memref_slice %dma_wait3A_536[%dma_wait3A_537, %dma_wait3A_538] : memref<320x128xf32, #tpu.memory_space<vmem>> -> memref<64x128xf32, #tpu.memory_space<vmem>>
    %dma_wait3A_540 = arith.constant 1152 : i32
    %dma_wait3A_541 = tpu.memref_slice %arg8[%dma_wait3A_540] : memref<2560xi32, #tpu.memory_space<vmem>> -> memref<64xi32, #tpu.memory_space<vmem>>
    %dma_wait3A_542 = arith.constant 0 : i32
    %dma_wait3A_543 = arith.constant 0 : i32
    %dma_wait3A_544 = tpu.memref_slice %arg3[%dma_wait3A_542, %dma_wait3A_543] : memref<100000x128xf32, #tpu.memory_space<hbm>> -> memref<100000x128xf32, #tpu.memory_space<hbm>>
    tpu.wait_indirect_dma semaphore(%arg12 : memref<!tpu.dma_semaphore, #tpu.memory_space<semaphore_mem>>) src(%dma_wait3A_544 : memref<100000x128xf32, #tpu.memory_space<hbm>>) dst(%dma_wait3A_539 : memref<64x128xf32, #tpu.memory_space<vmem>>)
    %dma_wait3A_545 = arith.constant 0 : i32
    %dma_wait3A_546 = arith.constant 0 : i32
    %dma_wait3A_547 = arith.constant 0 : i32
    %dma_wait3A_548 = tpu.memref_slice %arg10[%dma_wait3A_545, %dma_wait3A_546, %dma_wait3A_547] : memref<2x320x128xf32, #tpu.memory_space<vmem>> -> memref<1x320x128xf32, #tpu.memory_space<vmem>>
    %dma_wait3A_549 = tpu.memref_squeeze %dma_wait3A_548 : memref<1x320x128xf32, #tpu.memory_space<vmem>> -> memref<320x128xf32, #tpu.memory_space<vmem>>
    %dma_wait3A_550 = arith.constant 192 : i32
    %dma_wait3A_551 = arith.constant 0 : i32
    %dma_wait3A_552 = tpu.memref_slice %dma_wait3A_549[%dma_wait3A_550, %dma_wait3A_551] : memref<320x128xf32, #tpu.memory_space<vmem>> -> memref<64x128xf32, #tpu.memory_space<vmem>>
    %dma_wait3A_553 = arith.constant 1664 : i32
    %dma_wait3A_554 = tpu.memref_slice %arg8[%dma_wait3A_553] : memref<2560xi32, #tpu.memory_space<vmem>> -> memref<64xi32, #tpu.memory_space<vmem>>
    %dma_wait3A_555 = arith.constant 0 : i32
    %dma_wait3A_556 = arith.constant 0 : i32
    %dma_wait3A_557 = tpu.memref_slice %arg3[%dma_wait3A_555, %dma_wait3A_556] : memref<100000x128xf32, #tpu.memory_space<hbm>> -> memref<100000x128xf32, #tpu.memory_space<hbm>>
    tpu.wait_indirect_dma semaphore(%arg12 : memref<!tpu.dma_semaphore, #tpu.memory_space<semaphore_mem>>) src(%dma_wait3A_557 : memref<100000x128xf32, #tpu.memory_space<hbm>>) dst(%dma_wait3A_552 : memref<64x128xf32, #tpu.memory_space<vmem>>)
    %dma_wait3A_558 = arith.constant 0 : i32
    %dma_wait3A_559 = arith.constant 0 : i32
    %dma_wait3A_560 = arith.constant 0 : i32
    %dma_wait3A_561 = tpu.memref_slice %arg10[%dma_wait3A_558, %dma_wait3A_559, %dma_wait3A_560] : memref<2x320x128xf32, #tpu.memory_space<vmem>> -> memref<1x320x128xf32, #tpu.memory_space<vmem>>
    %dma_wait3A_562 = tpu.memref_squeeze %dma_wait3A_561 : memref<1x320x128xf32, #tpu.memory_space<vmem>> -> memref<320x128xf32, #tpu.memory_space<vmem>>
    %dma_wait3A_563 = arith.constant 256 : i32
    %dma_wait3A_564 = arith.constant 0 : i32
    %dma_wait3A_565 = tpu.memref_slice %dma_wait3A_562[%dma_wait3A_563, %dma_wait3A_564] : memref<320x128xf32, #tpu.memory_space<vmem>> -> memref<64x128xf32, #tpu.memory_space<vmem>>
    %dma_wait3A_566 = arith.constant 2176 : i32
    %dma_wait3A_567 = tpu.memref_slice %arg8[%dma_wait3A_566] : memref<2560xi32, #tpu.memory_space<vmem>> -> memref<64xi32, #tpu.memory_space<vmem>>
    %dma_wait3A_568 = arith.constant 0 : i32
    %dma_wait3A_569 = arith.constant 0 : i32
    %dma_wait3A_570 = tpu.memref_slice %arg3[%dma_wait3A_568, %dma_wait3A_569] : memref<100000x128xf32, #tpu.memory_space<hbm>> -> memref<100000x128xf32, #tpu.memory_space<hbm>>
    tpu.wait_indirect_dma semaphore(%arg12 : memref<!tpu.dma_semaphore, #tpu.memory_space<semaphore_mem>>) src(%dma_wait3A_570 : memref<100000x128xf32, #tpu.memory_space<hbm>>) dst(%dma_wait3A_565 : memref<64x128xf32, #tpu.memory_space<vmem>>)
    %scan3A_571 = arith.constant 0 : i32
    %scan3A_572 = arith.constant 64 : i32
    %scan3A_573 = arith.addi %scan3A_571, %scan3A_572 : i32
    %scan3A_574 = arith.constant 1 : i32
    scf.for %scan3A_1296 = %scan3A_571 to %scan3A_573 step %scan3A_574  : i32 {
      %mul3A_1297 = arith.constant 1 : i32
      %mul3A_1298 = arith.muli %scan3A_1296, %mul3A_1297 : i32
      %add3A_1299 = arith.constant 0 : i32
      %add3A_1300 = arith.addi %add3A_1299, %mul3A_1298 : i32
      %get3A = arith.constant 0 : i32
      %get3A_1301 = arith.index_cast %get3A : i32 to index
      %get3A_1302 = arith.index_cast %add3A_1300 : i32 to index
      %get3A_1303 = arith.constant 0 : index
      %get3A_1304 = tpu.vector_load %arg9[%get3A_1301, %get3A_1302, %get3A_1303] {strides = array<i32>} : memref<2x64x128xf32, #tpu.memory_space<vmem>>, vector<16xf32>,
      %get3A_1305 = arith.constant 0 : i32
      %get3A_1306 = arith.index_cast %get3A_1305 : i32 to index
      %get3A_1307 = arith.index_cast %add3A_1300 : i32 to index
      %get3A_1308 = arith.constant 16 : index
      %get3A_1309 = tpu.vector_load %arg9[%get3A_1306, %get3A_1307, %get3A_1308] {strides = array<i32>} : memref<2x64x128xf32, #tpu.memory_space<vmem>>, vector<16xf32>,
      %get3A_1310 = arith.constant 0 : i32
      %get3A_1311 = arith.index_cast %get3A_1310 : i32 to index
      %get3A_1312 = arith.index_cast %add3A_1300 : i32 to index
      %get3A_1313 = arith.constant 32 : index
      %get3A_1314 = tpu.vector_load %arg9[%get3A_1311, %get3A_1312, %get3A_1313] {strides = array<i32>} : memref<2x64x128xf32, #tpu.memory_space<vmem>>, vector<16xf32>,
      %get3A_1315 = arith.constant 0 : i32
      %get3A_1316 = arith.index_cast %get3A_1315 : i32 to index
      %get3A_1317 = arith.index_cast %add3A_1300 : i32 to index
      %get3A_1318 = arith.constant 48 : index
      %get3A_1319 = tpu.vector_load %arg9[%get3A_1316, %get3A_1317, %get3A_1318] {strides = array<i32>} : memref<2x64x128xf32, #tpu.memory_space<vmem>>, vector<16xf32>,
      %broadcast_in_dim3A = arith.constant 0.000000e+00 : f32
      %broadcast_in_dim3A_1320 = vector.broadcast %broadcast_in_dim3A : f32 to vector<16xf32>
      %add3A_1321 = arith.constant 0 : i32
      %add3A_1322 = arith.addi %add3A_1321, %add3A_1300 : i32
      %get3A_1323 = arith.constant 0 : i32
      %get3A_1324 = arith.index_cast %get3A_1323 : i32 to index
      %get3A_1325 = arith.index_cast %add3A_1322 : i32 to index
      %get3A_1326 = arith.constant 0 : index
      %get3A_1327 = tpu.vector_load %arg10[%get3A_1324, %get3A_1325, %get3A_1326] {strides = array<i32>} : memref<2x320x128xf32, #tpu.memory_space<vmem>>, vector<16xf32>,
      %mul3A_1328 = arith.mulf %get3A_1304, %get3A_1327 : vector<16xf32>
      %get3A_1329 = arith.constant 0 : i32
      %get3A_1330 = arith.index_cast %get3A_1329 : i32 to index
      %get3A_1331 = arith.index_cast %add3A_1322 : i32 to index
      %get3A_1332 = arith.constant 16 : index
      %get3A_1333 = tpu.vector_load %arg10[%get3A_1330, %get3A_1331, %get3A_1332] {strides = array<i32>} : memref<2x320x128xf32, #tpu.memory_space<vmem>>, vector<16xf32>,
      %mul3A_1334 = arith.mulf %get3A_1309, %get3A_1333 : vector<16xf32>
      %add3A_1335 = arith.addf %mul3A_1328, %mul3A_1334 : vector<16xf32>
      %get3A_1336 = arith.constant 0 : i32
      %get3A_1337 = arith.index_cast %get3A_1336 : i32 to index
      %get3A_1338 = arith.index_cast %add3A_1322 : i32 to index
      %get3A_1339 = arith.constant 32 : index
      %get3A_1340 = tpu.vector_load %arg10[%get3A_1337, %get3A_1338, %get3A_1339] {strides = array<i32>} : memref<2x320x128xf32, #tpu.memory_space<vmem>>, vector<16xf32>,
      %mul3A_1341 = arith.mulf %get3A_1314, %get3A_1340 : vector<16xf32>
      %add3A_1342 = arith.addf %add3A_1335, %mul3A_1341 : vector<16xf32>
      %get3A_1343 = arith.constant 0 : i32
      %get3A_1344 = arith.index_cast %get3A_1343 : i32 to index
      %get3A_1345 = arith.index_cast %add3A_1322 : i32 to index
      %get3A_1346 = arith.constant 48 : index
      %get3A_1347 = tpu.vector_load %arg10[%get3A_1344, %get3A_1345, %get3A_1346] {strides = array<i32>} : memref<2x320x128xf32, #tpu.memory_space<vmem>>, vector<16xf32>,
      %mul3A_1348 = arith.mulf %get3A_1319, %get3A_1347 : vector<16xf32>
      %add3A_1349 = arith.addf %add3A_1342, %mul3A_1348 : vector<16xf32>
      %reduce_sum3A = arith.constant true
      %reduce_sum3A_1350 = vector.broadcast %reduce_sum3A : i1 to vector<16xi1>
      %reduce_sum3A_1351 = tpu.scan <sum>, %add3A_1349 masked %reduce_sum3A_1350 : vector<16xf32>, vector<16xi1> -> vector<16xf32>
      %reduce_sum3A_1352 = vector.extract %reduce_sum3A_1351[15] : f32 from vector<16xf32>
      %broadcast_in_dim3A_1353 = vector.broadcast %reduce_sum3A_1352 : f32 to vector<16xf32>
      %select_n3A = arith.select %eq3A_24, %broadcast_in_dim3A_1353, %broadcast_in_dim3A_1320 : vector<16xi1>, vector<16xf32>
      %add3A_1354 = arith.constant 64 : i32
      %add3A_1355 = arith.addi %add3A_1354, %add3A_1300 : i32
      %get3A_1356 = arith.constant 0 : i32
      %get3A_1357 = arith.index_cast %get3A_1356 : i32 to index
      %get3A_1358 = arith.index_cast %add3A_1355 : i32 to index
      %get3A_1359 = arith.constant 0 : index
      %get3A_1360 = tpu.vector_load %arg10[%get3A_1357, %get3A_1358, %get3A_1359] {strides = array<i32>} : memref<2x320x128xf32, #tpu.memory_space<vmem>>, vector<16xf32>,
      %mul3A_1361 = arith.mulf %get3A_1304, %get3A_1360 : vector<16xf32>
      %get3A_1362 = arith.constant 0 : i32
      %get3A_1363 = arith.index_cast %get3A_1362 : i32 to index
      %get3A_1364 = arith.index_cast %add3A_1355 : i32 to index
      %get3A_1365 = arith.constant 16 : index
      %get3A_1366 = tpu.vector_load %arg10[%get3A_1363, %get3A_1364, %get3A_1365] {strides = array<i32>} : memref<2x320x128xf32, #tpu.memory_space<vmem>>, vector<16xf32>,
      %mul3A_1367 = arith.mulf %get3A_1309, %get3A_1366 : vector<16xf32>
      %add3A_1368 = arith.addf %mul3A_1361, %mul3A_1367 : vector<16xf32>
      %get3A_1369 = arith.constant 0 : i32
      %get3A_1370 = arith.index_cast %get3A_1369 : i32 to index
      %get3A_1371 = arith.index_cast %add3A_1355 : i32 to index
      %get3A_1372 = arith.constant 32 : index
      %get3A_1373 = tpu.vector_load %arg10[%get3A_1370, %get3A_1371, %get3A_1372] {strides = array<i32>} : memref<2x320x128xf32, #tpu.memory_space<vmem>>, vector<16xf32>,
      %mul3A_1374 = arith.mulf %get3A_1314, %get3A_1373 : vector<16xf32>
      %add3A_1375 = arith.addf %add3A_1368, %mul3A_1374 : vector<16xf32>
      %get3A_1376 = arith.constant 0 : i32
      %get3A_1377 = arith.index_cast %get3A_1376 : i32 to index
      %get3A_1378 = arith.index_cast %add3A_1355 : i32 to index
      %get3A_1379 = arith.constant 48 : index
      %get3A_1380 = tpu.vector_load %arg10[%get3A_1377, %get3A_1378, %get3A_1379] {strides = array<i32>} : memref<2x320x128xf32, #tpu.memory_space<vmem>>, vector<16xf32>,
      %mul3A_1381 = arith.mulf %get3A_1319, %get3A_1380 : vector<16xf32>
      %add3A_1382 = arith.addf %add3A_1375, %mul3A_1381 : vector<16xf32>
      %reduce_sum3A_1383 = arith.constant true
      %reduce_sum3A_1384 = vector.broadcast %reduce_sum3A_1383 : i1 to vector<16xi1>
      %reduce_sum3A_1385 = tpu.scan <sum>, %add3A_1382 masked %reduce_sum3A_1384 : vector<16xf32>, vector<16xi1> -> vector<16xf32>
      %reduce_sum3A_1386 = vector.extract %reduce_sum3A_1385[15] : f32 from vector<16xf32>
      %broadcast_in_dim3A_1387 = vector.broadcast %reduce_sum3A_1386 : f32 to vector<16xf32>
      %select_n3A_1388 = arith.select %eq3A_27, %broadcast_in_dim3A_1387, %select_n3A : vector<16xi1>, vector<16xf32>
      %add3A_1389 = arith.constant 128 : i32
      %add3A_1390 = arith.addi %add3A_1389, %add3A_1300 : i32
      %get3A_1391 = arith.constant 0 : i32
      %get3A_1392 = arith.index_cast %get3A_1391 : i32 to index
      %get3A_1393 = arith.index_cast %add3A_1390 : i32 to index
      %get3A_1394 = arith.constant 0 : index
      %get3A_1395 = tpu.vector_load %arg10[%get3A_1392, %get3A_1393, %get3A_1394] {strides = array<i32>} : memref<2x320x128xf32, #tpu.memory_space<vmem>>, vector<16xf32>,
      %mul3A_1396 = arith.mulf %get3A_1304, %get3A_1395 : vector<16xf32>
      %get3A_1397 = arith.constant 0 : i32
      %get3A_1398 = arith.index_cast %get3A_1397 : i32 to index
      %get3A_1399 = arith.index_cast %add3A_1390 : i32 to index
      %get3A_1400 = arith.constant 16 : index
      %get3A_1401 = tpu.vector_load %arg10[%get3A_1398, %get3A_1399, %get3A_1400] {strides = array<i32>} : memref<2x320x128xf32, #tpu.memory_space<vmem>>, vector<16xf32>,
      %mul3A_1402 = arith.mulf %get3A_1309, %get3A_1401 : vector<16xf32>
      %add3A_1403 = arith.addf %mul3A_1396, %mul3A_1402 : vector<16xf32>
      %get3A_1404 = arith.constant 0 : i32
      %get3A_1405 = arith.index_cast %get3A_1404 : i32 to index
      %get3A_1406 = arith.index_cast %add3A_1390 : i32 to index
      %get3A_1407 = arith.constant 32 : index
      %get3A_1408 = tpu.vector_load %arg10[%get3A_1405, %get3A_1406, %get3A_1407] {strides = array<i32>} : memref<2x320x128xf32, #tpu.memory_space<vmem>>, vector<16xf32>,
      %mul3A_1409 = arith.mulf %get3A_1314, %get3A_1408 : vector<16xf32>
      %add3A_1410 = arith.addf %add3A_1403, %mul3A_1409 : vector<16xf32>
      %get3A_1411 = arith.constant 0 : i32
      %get3A_1412 = arith.index_cast %get3A_1411 : i32 to index
      %get3A_1413 = arith.index_cast %add3A_1390 : i32 to index
      %get3A_1414 = arith.constant 48 : index
      %get3A_1415 = tpu.vector_load %arg10[%get3A_1412, %get3A_1413, %get3A_1414] {strides = array<i32>} : memref<2x320x128xf32, #tpu.memory_space<vmem>>, vector<16xf32>,
      %mul3A_1416 = arith.mulf %get3A_1319, %get3A_1415 : vector<16xf32>
      %add3A_1417 = arith.addf %add3A_1410, %mul3A_1416 : vector<16xf32>
      %reduce_sum3A_1418 = arith.constant true
      %reduce_sum3A_1419 = vector.broadcast %reduce_sum3A_1418 : i1 to vector<16xi1>
      %reduce_sum3A_1420 = tpu.scan <sum>, %add3A_1417 masked %reduce_sum3A_1419 : vector<16xf32>, vector<16xi1> -> vector<16xf32>
      %reduce_sum3A_1421 = vector.extract %reduce_sum3A_1420[15] : f32 from vector<16xf32>
      %broadcast_in_dim3A_1422 = vector.broadcast %reduce_sum3A_1421 : f32 to vector<16xf32>
      %select_n3A_1423 = arith.select %eq3A_30, %broadcast_in_dim3A_1422, %select_n3A_1388 : vector<16xi1>, vector<16xf32>
      %add3A_1424 = arith.constant 192 : i32
      %add3A_1425 = arith.addi %add3A_1424, %add3A_1300 : i32
      %get3A_1426 = arith.constant 0 : i32
      %get3A_1427 = arith.index_cast %get3A_1426 : i32 to index
      %get3A_1428 = arith.index_cast %add3A_1425 : i32 to index
      %get3A_1429 = arith.constant 0 : index
      %get3A_1430 = tpu.vector_load %arg10[%get3A_1427, %get3A_1428, %get3A_1429] {strides = array<i32>} : memref<2x320x128xf32, #tpu.memory_space<vmem>>, vector<16xf32>,
      %mul3A_1431 = arith.mulf %get3A_1304, %get3A_1430 : vector<16xf32>
      %get3A_1432 = arith.constant 0 : i32
      %get3A_1433 = arith.index_cast %get3A_1432 : i32 to index
      %get3A_1434 = arith.index_cast %add3A_1425 : i32 to index
      %get3A_1435 = arith.constant 16 : index
      %get3A_1436 = tpu.vector_load %arg10[%get3A_1433, %get3A_1434, %get3A_1435] {strides = array<i32>} : memref<2x320x128xf32, #tpu.memory_space<vmem>>, vector<16xf32>,
      %mul3A_1437 = arith.mulf %get3A_1309, %get3A_1436 : vector<16xf32>
      %add3A_1438 = arith.addf %mul3A_1431, %mul3A_1437 : vector<16xf32>
      %get3A_1439 = arith.constant 0 : i32
      %get3A_1440 = arith.index_cast %get3A_1439 : i32 to index
      %get3A_1441 = arith.index_cast %add3A_1425 : i32 to index
      %get3A_1442 = arith.constant 32 : index
      %get3A_1443 = tpu.vector_load %arg10[%get3A_1440, %get3A_1441, %get3A_1442] {strides = array<i32>} : memref<2x320x128xf32, #tpu.memory_space<vmem>>, vector<16xf32>,
      %mul3A_1444 = arith.mulf %get3A_1314, %get3A_1443 : vector<16xf32>
      %add3A_1445 = arith.addf %add3A_1438, %mul3A_1444 : vector<16xf32>
      %get3A_1446 = arith.constant 0 : i32
      %get3A_1447 = arith.index_cast %get3A_1446 : i32 to index
      %get3A_1448 = arith.index_cast %add3A_1425 : i32 to index
      %get3A_1449 = arith.constant 48 : index
      %get3A_1450 = tpu.vector_load %arg10[%get3A_1447, %get3A_1448, %get3A_1449] {strides = array<i32>} : memref<2x320x128xf32, #tpu.memory_space<vmem>>, vector<16xf32>,
      %mul3A_1451 = arith.mulf %get3A_1319, %get3A_1450 : vector<16xf32>
      %add3A_1452 = arith.addf %add3A_1445, %mul3A_1451 : vector<16xf32>
      %reduce_sum3A_1453 = arith.constant true
      %reduce_sum3A_1454 = vector.broadcast %reduce_sum3A_1453 : i1 to vector<16xi1>
      %reduce_sum3A_1455 = tpu.scan <sum>, %add3A_1452 masked %reduce_sum3A_1454 : vector<16xf32>, vector<16xi1> -> vector<16xf32>
      %reduce_sum3A_1456 = vector.extract %reduce_sum3A_1455[15] : f32 from vector<16xf32>
      %broadcast_in_dim3A_1457 = vector.broadcast %reduce_sum3A_1456 : f32 to vector<16xf32>
      %select_n3A_1458 = arith.select %eq3A_33, %broadcast_in_dim3A_1457, %select_n3A_1423 : vector<16xi1>, vector<16xf32>
      %add3A_1459 = arith.constant 256 : i32
      %add3A_1460 = arith.addi %add3A_1459, %add3A_1300 : i32
      %get3A_1461 = arith.constant 0 : i32
      %get3A_1462 = arith.index_cast %get3A_1461 : i32 to index
      %get3A_1463 = arith.index_cast %add3A_1460 : i32 to index
      %get3A_1464 = arith.constant 0 : index
      %get3A_1465 = tpu.vector_load %arg10[%get3A_1462, %get3A_1463, %get3A_1464] {strides = array<i32>} : memref<2x320x128xf32, #tpu.memory_space<vmem>>, vector<16xf32>,
      %mul3A_1466 = arith.mulf %get3A_1304, %get3A_1465 : vector<16xf32>
      %get3A_1467 = arith.constant 0 : i32
      %get3A_1468 = arith.index_cast %get3A_1467 : i32 to index
      %get3A_1469 = arith.index_cast %add3A_1460 : i32 to index
      %get3A_1470 = arith.constant 16 : index
      %get3A_1471 = tpu.vector_load %arg10[%get3A_1468, %get3A_1469, %get3A_1470] {strides = array<i32>} : memref<2x320x128xf32, #tpu.memory_space<vmem>>, vector<16xf32>,
      %mul3A_1472 = arith.mulf %get3A_1309, %get3A_1471 : vector<16xf32>
      %add3A_1473 = arith.addf %mul3A_1466, %mul3A_1472 : vector<16xf32>
      %get3A_1474 = arith.constant 0 : i32
      %get3A_1475 = arith.index_cast %get3A_1474 : i32 to index
      %get3A_1476 = arith.index_cast %add3A_1460 : i32 to index
      %get3A_1477 = arith.constant 32 : index
      %get3A_1478 = tpu.vector_load %arg10[%get3A_1475, %get3A_1476, %get3A_1477] {strides = array<i32>} : memref<2x320x128xf32, #tpu.memory_space<vmem>>, vector<16xf32>,
      %mul3A_1479 = arith.mulf %get3A_1314, %get3A_1478 : vector<16xf32>
      %add3A_1480 = arith.addf %add3A_1473, %mul3A_1479 : vector<16xf32>
      %get3A_1481 = arith.constant 0 : i32
      %get3A_1482 = arith.index_cast %get3A_1481 : i32 to index
      %get3A_1483 = arith.index_cast %add3A_1460 : i32 to index
      %get3A_1484 = arith.constant 48 : index
      %get3A_1485 = tpu.vector_load %arg10[%get3A_1482, %get3A_1483, %get3A_1484] {strides = array<i32>} : memref<2x320x128xf32, #tpu.memory_space<vmem>>, vector<16xf32>,
      %mul3A_1486 = arith.mulf %get3A_1319, %get3A_1485 : vector<16xf32>
      %add3A_1487 = arith.addf %add3A_1480, %mul3A_1486 : vector<16xf32>
      %reduce_sum3A_1488 = arith.constant true
      %reduce_sum3A_1489 = vector.broadcast %reduce_sum3A_1488 : i1 to vector<16xi1>
      %reduce_sum3A_1490 = tpu.scan <sum>, %add3A_1487 masked %reduce_sum3A_1489 : vector<16xf32>, vector<16xi1> -> vector<16xf32>
      %reduce_sum3A_1491 = vector.extract %reduce_sum3A_1490[15] : f32 from vector<16xf32>
      %broadcast_in_dim3A_1492 = vector.broadcast %reduce_sum3A_1491 : f32 to vector<16xf32>
      %select_n3A_1493 = arith.select %eq3A_36, %broadcast_in_dim3A_1492, %select_n3A_1458 : vector<16xi1>, vector<16xf32>
      %mul3A_1494 = arith.constant 512 : i32
      %mul3A_1495 = vector.broadcast %mul3A_1494 : i32 to vector<16xi32>
      %mul3A_1496 = arith.muli %iota3A, %mul3A_1495 : vector<16xi32>
      %add3A_1497 = arith.constant 128 : i32
      %add3A_1498 = arith.addi %add3A_1497, %add3A_1300 : i32
      %add3A_1499 = vector.broadcast %add3A_1498 : i32 to vector<16xi32>
      %add3A_1500 = arith.addi %mul3A_1496, %add3A_1499 : vector<16xi32>
      tpu.vector_store_idx %arg11[%add3A_1500], %select_n3A_1493 masked %lt3A_38 : memref<2560xf32, #tpu.memory_space<vmem>>[vector<16xi32>], vector<16xf32>, vector<16xi1>
    }
    %scan3A_575 = arith.constant 64 : i32
    %dma_start3A_576 = arith.constant 0 : i32
    %dma_start3A_577 = arith.constant 0 : i32
    %dma_start3A_578 = arith.constant 0 : i32
    %dma_start3A_579 = tpu.memref_slice %arg9[%dma_start3A_576, %dma_start3A_577, %dma_start3A_578] : memref<2x64x128xf32, #tpu.memory_space<vmem>> -> memref<1x64x128xf32, #tpu.memory_space<vmem>>
    %dma_start3A_580 = tpu.memref_squeeze %dma_start3A_579 : memref<1x64x128xf32, #tpu.memory_space<vmem>> -> memref<64x128xf32, #tpu.memory_space<vmem>>
    %dma_start3A_581 = arith.constant 256 : i32
    %dma_start3A_582 = tpu.memref_slice %arg7[%dma_start3A_581] : memref<512xi32, #tpu.memory_space<vmem>> -> memref<64xi32, #tpu.memory_space<vmem>>
    %dma_start3A_583 = arith.constant 0 : i32
    %dma_start3A_584 = arith.constant 0 : i32
    %dma_start3A_585 = tpu.memref_slice %arg2[%dma_start3A_583, %dma_start3A_584] : memref<100000x128xf32, #tpu.memory_space<hbm>> -> memref<100000x128xf32, #tpu.memory_space<hbm>>
    tpu.enqueue_indirect_dma source(%dma_start3A_585 : memref<100000x128xf32, #tpu.memory_space<hbm>>) target(%dma_start3A_580 : memref<64x128xf32, #tpu.memory_space<vmem>>) offsets(%dma_start3A_582 : memref<64xi32, #tpu.memory_space<vmem>>) semaphore(%arg12 : memref<!tpu.dma_semaphore, #tpu.memory_space<semaphore_mem>>)
    %dma_start3A_586 = arith.constant 0 : i32
    %dma_start3A_587 = arith.constant 0 : i32
    %dma_start3A_588 = arith.constant 0 : i32
    %dma_start3A_589 = tpu.memref_slice %arg10[%dma_start3A_586, %dma_start3A_587, %dma_start3A_588] : memref<2x320x128xf32, #tpu.memory_space<vmem>> -> memref<1x320x128xf32, #tpu.memory_space<vmem>>
    %dma_start3A_590 = tpu.memref_squeeze %dma_start3A_589 : memref<1x320x128xf32, #tpu.memory_space<vmem>> -> memref<320x128xf32, #tpu.memory_space<vmem>>
    %dma_start3A_591 = arith.constant 0 : i32
    %dma_start3A_592 = arith.constant 0 : i32
    %dma_start3A_593 = tpu.memref_slice %dma_start3A_590[%dma_start3A_591, %dma_start3A_592] : memref<320x128xf32, #tpu.memory_space<vmem>> -> memref<64x128xf32, #tpu.memory_space<vmem>>
    %dma_start3A_594 = arith.constant 256 : i32
    %dma_start3A_595 = tpu.memref_slice %arg8[%dma_start3A_594] : memref<2560xi32, #tpu.memory_space<vmem>> -> memref<64xi32, #tpu.memory_space<vmem>>
    %dma_start3A_596 = arith.constant 0 : i32
    %dma_start3A_597 = arith.constant 0 : i32
    %dma_start3A_598 = tpu.memref_slice %arg3[%dma_start3A_596, %dma_start3A_597] : memref<100000x128xf32, #tpu.memory_space<hbm>> -> memref<100000x128xf32, #tpu.memory_space<hbm>>
    tpu.enqueue_indirect_dma source(%dma_start3A_598 : memref<100000x128xf32, #tpu.memory_space<hbm>>) target(%dma_start3A_593 : memref<64x128xf32, #tpu.memory_space<vmem>>) offsets(%dma_start3A_595 : memref<64xi32, #tpu.memory_space<vmem>>) semaphore(%arg12 : memref<!tpu.dma_semaphore, #tpu.memory_space<semaphore_mem>>)
    %dma_start3A_599 = arith.constant 0 : i32
    %dma_start3A_600 = arith.constant 0 : i32
    %dma_start3A_601 = arith.constant 0 : i32
    %dma_start3A_602 = tpu.memref_slice %arg10[%dma_start3A_599, %dma_start3A_600, %dma_start3A_601] : memref<2x320x128xf32, #tpu.memory_space<vmem>> -> memref<1x320x128xf32, #tpu.memory_space<vmem>>
    %dma_start3A_603 = tpu.memref_squeeze %dma_start3A_602 : memref<1x320x128xf32, #tpu.memory_space<vmem>> -> memref<320x128xf32, #tpu.memory_space<vmem>>
    %dma_start3A_604 = arith.constant 64 : i32
    %dma_start3A_605 = arith.constant 0 : i32
    %dma_start3A_606 = tpu.memref_slice %dma_start3A_603[%dma_start3A_604, %dma_start3A_605] : memref<320x128xf32, #tpu.memory_space<vmem>> -> memref<64x128xf32, #tpu.memory_space<vmem>>
    %dma_start3A_607 = arith.constant 768 : i32
    %dma_start3A_608 = tpu.memref_slice %arg8[%dma_start3A_607] : memref<2560xi32, #tpu.memory_space<vmem>> -> memref<64xi32, #tpu.memory_space<vmem>>
    %dma_start3A_609 = arith.constant 0 : i32
    %dma_start3A_610 = arith.constant 0 : i32
    %dma_start3A_611 = tpu.memref_slice %arg3[%dma_start3A_609, %dma_start3A_610] : memref<100000x128xf32, #tpu.memory_space<hbm>> -> memref<100000x128xf32, #tpu.memory_space<hbm>>
    tpu.enqueue_indirect_dma source(%dma_start3A_611 : memref<100000x128xf32, #tpu.memory_space<hbm>>) target(%dma_start3A_606 : memref<64x128xf32, #tpu.memory_space<vmem>>) offsets(%dma_start3A_608 : memref<64xi32, #tpu.memory_space<vmem>>) semaphore(%arg12 : memref<!tpu.dma_semaphore, #tpu.memory_space<semaphore_mem>>)
    %dma_start3A_612 = arith.constant 0 : i32
    %dma_start3A_613 = arith.constant 0 : i32
    %dma_start3A_614 = arith.constant 0 : i32
    %dma_start3A_615 = tpu.memref_slice %arg10[%dma_start3A_612, %dma_start3A_613, %dma_start3A_614] : memref<2x320x128xf32, #tpu.memory_space<vmem>> -> memref<1x320x128xf32, #tpu.memory_space<vmem>>
    %dma_start3A_616 = tpu.memref_squeeze %dma_start3A_615 : memref<1x320x128xf32, #tpu.memory_space<vmem>> -> memref<320x128xf32, #tpu.memory_space<vmem>>
    %dma_start3A_617 = arith.constant 128 : i32
    %dma_start3A_618 = arith.constant 0 : i32
    %dma_start3A_619 = tpu.memref_slice %dma_start3A_616[%dma_start3A_617, %dma_start3A_618] : memref<320x128xf32, #tpu.memory_space<vmem>> -> memref<64x128xf32, #tpu.memory_space<vmem>>
    %dma_start3A_620 = arith.constant 1280 : i32
    %dma_start3A_621 = tpu.memref_slice %arg8[%dma_start3A_620] : memref<2560xi32, #tpu.memory_space<vmem>> -> memref<64xi32, #tpu.memory_space<vmem>>
    %dma_start3A_622 = arith.constant 0 : i32
    %dma_start3A_623 = arith.constant 0 : i32
    %dma_start3A_624 = tpu.memref_slice %arg3[%dma_start3A_622, %dma_start3A_623] : memref<100000x128xf32, #tpu.memory_space<hbm>> -> memref<100000x128xf32, #tpu.memory_space<hbm>>
    tpu.enqueue_indirect_dma source(%dma_start3A_624 : memref<100000x128xf32, #tpu.memory_space<hbm>>) target(%dma_start3A_619 : memref<64x128xf32, #tpu.memory_space<vmem>>) offsets(%dma_start3A_621 : memref<64xi32, #tpu.memory_space<vmem>>) semaphore(%arg12 : memref<!tpu.dma_semaphore, #tpu.memory_space<semaphore_mem>>)
    %dma_start3A_625 = arith.constant 0 : i32
    %dma_start3A_626 = arith.constant 0 : i32
    %dma_start3A_627 = arith.constant 0 : i32
    %dma_start3A_628 = tpu.memref_slice %arg10[%dma_start3A_625, %dma_start3A_626, %dma_start3A_627] : memref<2x320x128xf32, #tpu.memory_space<vmem>> -> memref<1x320x128xf32, #tpu.memory_space<vmem>>
    %dma_start3A_629 = tpu.memref_squeeze %dma_start3A_628 : memref<1x320x128xf32, #tpu.memory_space<vmem>> -> memref<320x128xf32, #tpu.memory_space<vmem>>
    %dma_start3A_630 = arith.constant 192 : i32
    %dma_start3A_631 = arith.constant 0 : i32
    %dma_start3A_632 = tpu.memref_slice %dma_start3A_629[%dma_start3A_630, %dma_start3A_631] : memref<320x128xf32, #tpu.memory_space<vmem>> -> memref<64x128xf32, #tpu.memory_space<vmem>>
    %dma_start3A_633 = arith.constant 1792 : i32
    %dma_start3A_634 = tpu.memref_slice %arg8[%dma_start3A_633] : memref<2560xi32, #tpu.memory_space<vmem>> -> memref<64xi32, #tpu.memory_space<vmem>>
    %dma_start3A_635 = arith.constant 0 : i32
    %dma_start3A_636 = arith.constant 0 : i32
    %dma_start3A_637 = tpu.memref_slice %arg3[%dma_start3A_635, %dma_start3A_636] : memref<100000x128xf32, #tpu.memory_space<hbm>> -> memref<100000x128xf32, #tpu.memory_space<hbm>>
    tpu.enqueue_indirect_dma source(%dma_start3A_637 : memref<100000x128xf32, #tpu.memory_space<hbm>>) target(%dma_start3A_632 : memref<64x128xf32, #tpu.memory_space<vmem>>) offsets(%dma_start3A_634 : memref<64xi32, #tpu.memory_space<vmem>>) semaphore(%arg12 : memref<!tpu.dma_semaphore, #tpu.memory_space<semaphore_mem>>)
    %dma_start3A_638 = arith.constant 0 : i32
    %dma_start3A_639 = arith.constant 0 : i32
    %dma_start3A_640 = arith.constant 0 : i32
    %dma_start3A_641 = tpu.memref_slice %arg10[%dma_start3A_638, %dma_start3A_639, %dma_start3A_640] : memref<2x320x128xf32, #tpu.memory_space<vmem>> -> memref<1x320x128xf32, #tpu.memory_space<vmem>>
    %dma_start3A_642 = tpu.memref_squeeze %dma_start3A_641 : memref<1x320x128xf32, #tpu.memory_space<vmem>> -> memref<320x128xf32, #tpu.memory_space<vmem>>
    %dma_start3A_643 = arith.constant 256 : i32
    %dma_start3A_644 = arith.constant 0 : i32
    %dma_start3A_645 = tpu.memref_slice %dma_start3A_642[%dma_start3A_643, %dma_start3A_644] : memref<320x128xf32, #tpu.memory_space<vmem>> -> memref<64x128xf32, #tpu.memory_space<vmem>>
    %dma_start3A_646 = arith.constant 2304 : i32
    %dma_start3A_647 = tpu.memref_slice %arg8[%dma_start3A_646] : memref<2560xi32, #tpu.memory_space<vmem>> -> memref<64xi32, #tpu.memory_space<vmem>>
    %dma_start3A_648 = arith.constant 0 : i32
    %dma_start3A_649 = arith.constant 0 : i32
    %dma_start3A_650 = tpu.memref_slice %arg3[%dma_start3A_648, %dma_start3A_649] : memref<100000x128xf32, #tpu.memory_space<hbm>> -> memref<100000x128xf32, #tpu.memory_space<hbm>>
    tpu.enqueue_indirect_dma source(%dma_start3A_650 : memref<100000x128xf32, #tpu.memory_space<hbm>>) target(%dma_start3A_645 : memref<64x128xf32, #tpu.memory_space<vmem>>) offsets(%dma_start3A_647 : memref<64xi32, #tpu.memory_space<vmem>>) semaphore(%arg12 : memref<!tpu.dma_semaphore, #tpu.memory_space<semaphore_mem>>)
    %dma_wait3A_651 = arith.constant 1 : i32
    %dma_wait3A_652 = arith.constant 0 : i32
    %dma_wait3A_653 = arith.constant 0 : i32
    %dma_wait3A_654 = tpu.memref_slice %arg9[%dma_wait3A_651, %dma_wait3A_652, %dma_wait3A_653] : memref<2x64x128xf32, #tpu.memory_space<vmem>> -> memref<1x64x128xf32, #tpu.memory_space<vmem>>
    %dma_wait3A_655 = tpu.memref_squeeze %dma_wait3A_654 : memref<1x64x128xf32, #tpu.memory_space<vmem>> -> memref<64x128xf32, #tpu.memory_space<vmem>>
    %dma_wait3A_656 = arith.constant 192 : i32
    %dma_wait3A_657 = tpu.memref_slice %arg7[%dma_wait3A_656] : memref<512xi32, #tpu.memory_space<vmem>> -> memref<64xi32, #tpu.memory_space<vmem>>
    %dma_wait3A_658 = arith.constant 0 : i32
    %dma_wait3A_659 = arith.constant 0 : i32
    %dma_wait3A_660 = tpu.memref_slice %arg2[%dma_wait3A_658, %dma_wait3A_659] : memref<100000x128xf32, #tpu.memory_space<hbm>> -> memref<100000x128xf32, #tpu.memory_space<hbm>>
    tpu.wait_indirect_dma semaphore(%arg13 : memref<!tpu.dma_semaphore, #tpu.memory_space<semaphore_mem>>) src(%dma_wait3A_660 : memref<100000x128xf32, #tpu.memory_space<hbm>>) dst(%dma_wait3A_655 : memref<64x128xf32, #tpu.memory_space<vmem>>)
    %dma_wait3A_661 = arith.constant 1 : i32
    %dma_wait3A_662 = arith.constant 0 : i32
    %dma_wait3A_663 = arith.constant 0 : i32
    %dma_wait3A_664 = tpu.memref_slice %arg10[%dma_wait3A_661, %dma_wait3A_662, %dma_wait3A_663] : memref<2x320x128xf32, #tpu.memory_space<vmem>> -> memref<1x320x128xf32, #tpu.memory_space<vmem>>
    %dma_wait3A_665 = tpu.memref_squeeze %dma_wait3A_664 : memref<1x320x128xf32, #tpu.memory_space<vmem>> -> memref<320x128xf32, #tpu.memory_space<vmem>>
    %dma_wait3A_666 = arith.constant 0 : i32
    %dma_wait3A_667 = arith.constant 0 : i32
    %dma_wait3A_668 = tpu.memref_slice %dma_wait3A_665[%dma_wait3A_666, %dma_wait3A_667] : memref<320x128xf32, #tpu.memory_space<vmem>> -> memref<64x128xf32, #tpu.memory_space<vmem>>
    %dma_wait3A_669 = arith.constant 192 : i32
    %dma_wait3A_670 = tpu.memref_slice %arg8[%dma_wait3A_669] : memref<2560xi32, #tpu.memory_space<vmem>> -> memref<64xi32, #tpu.memory_space<vmem>>
    %dma_wait3A_671 = arith.constant 0 : i32
    %dma_wait3A_672 = arith.constant 0 : i32
    %dma_wait3A_673 = tpu.memref_slice %arg3[%dma_wait3A_671, %dma_wait3A_672] : memref<100000x128xf32, #tpu.memory_space<hbm>> -> memref<100000x128xf32, #tpu.memory_space<hbm>>
    tpu.wait_indirect_dma semaphore(%arg13 : memref<!tpu.dma_semaphore, #tpu.memory_space<semaphore_mem>>) src(%dma_wait3A_673 : memref<100000x128xf32, #tpu.memory_space<hbm>>) dst(%dma_wait3A_668 : memref<64x128xf32, #tpu.memory_space<vmem>>)
    %dma_wait3A_674 = arith.constant 1 : i32
    %dma_wait3A_675 = arith.constant 0 : i32
    %dma_wait3A_676 = arith.constant 0 : i32
    %dma_wait3A_677 = tpu.memref_slice %arg10[%dma_wait3A_674, %dma_wait3A_675, %dma_wait3A_676] : memref<2x320x128xf32, #tpu.memory_space<vmem>> -> memref<1x320x128xf32, #tpu.memory_space<vmem>>
    %dma_wait3A_678 = tpu.memref_squeeze %dma_wait3A_677 : memref<1x320x128xf32, #tpu.memory_space<vmem>> -> memref<320x128xf32, #tpu.memory_space<vmem>>
    %dma_wait3A_679 = arith.constant 64 : i32
    %dma_wait3A_680 = arith.constant 0 : i32
    %dma_wait3A_681 = tpu.memref_slice %dma_wait3A_678[%dma_wait3A_679, %dma_wait3A_680] : memref<320x128xf32, #tpu.memory_space<vmem>> -> memref<64x128xf32, #tpu.memory_space<vmem>>
    %dma_wait3A_682 = arith.constant 704 : i32
    %dma_wait3A_683 = tpu.memref_slice %arg8[%dma_wait3A_682] : memref<2560xi32, #tpu.memory_space<vmem>> -> memref<64xi32, #tpu.memory_space<vmem>>
    %dma_wait3A_684 = arith.constant 0 : i32
    %dma_wait3A_685 = arith.constant 0 : i32
    %dma_wait3A_686 = tpu.memref_slice %arg3[%dma_wait3A_684, %dma_wait3A_685] : memref<100000x128xf32, #tpu.memory_space<hbm>> -> memref<100000x128xf32, #tpu.memory_space<hbm>>
    tpu.wait_indirect_dma semaphore(%arg13 : memref<!tpu.dma_semaphore, #tpu.memory_space<semaphore_mem>>) src(%dma_wait3A_686 : memref<100000x128xf32, #tpu.memory_space<hbm>>) dst(%dma_wait3A_681 : memref<64x128xf32, #tpu.memory_space<vmem>>)
    %dma_wait3A_687 = arith.constant 1 : i32
    %dma_wait3A_688 = arith.constant 0 : i32
    %dma_wait3A_689 = arith.constant 0 : i32
    %dma_wait3A_690 = tpu.memref_slice %arg10[%dma_wait3A_687, %dma_wait3A_688, %dma_wait3A_689] : memref<2x320x128xf32, #tpu.memory_space<vmem>> -> memref<1x320x128xf32, #tpu.memory_space<vmem>>
    %dma_wait3A_691 = tpu.memref_squeeze %dma_wait3A_690 : memref<1x320x128xf32, #tpu.memory_space<vmem>> -> memref<320x128xf32, #tpu.memory_space<vmem>>
    %dma_wait3A_692 = arith.constant 128 : i32
    %dma_wait3A_693 = arith.constant 0 : i32
    %dma_wait3A_694 = tpu.memref_slice %dma_wait3A_691[%dma_wait3A_692, %dma_wait3A_693] : memref<320x128xf32, #tpu.memory_space<vmem>> -> memref<64x128xf32, #tpu.memory_space<vmem>>
    %dma_wait3A_695 = arith.constant 1216 : i32
    %dma_wait3A_696 = tpu.memref_slice %arg8[%dma_wait3A_695] : memref<2560xi32, #tpu.memory_space<vmem>> -> memref<64xi32, #tpu.memory_space<vmem>>
    %dma_wait3A_697 = arith.constant 0 : i32
    %dma_wait3A_698 = arith.constant 0 : i32
    %dma_wait3A_699 = tpu.memref_slice %arg3[%dma_wait3A_697, %dma_wait3A_698] : memref<100000x128xf32, #tpu.memory_space<hbm>> -> memref<100000x128xf32, #tpu.memory_space<hbm>>
    tpu.wait_indirect_dma semaphore(%arg13 : memref<!tpu.dma_semaphore, #tpu.memory_space<semaphore_mem>>) src(%dma_wait3A_699 : memref<100000x128xf32, #tpu.memory_space<hbm>>) dst(%dma_wait3A_694 : memref<64x128xf32, #tpu.memory_space<vmem>>)
    %dma_wait3A_700 = arith.constant 1 : i32
    %dma_wait3A_701 = arith.constant 0 : i32
    %dma_wait3A_702 = arith.constant 0 : i32
    %dma_wait3A_703 = tpu.memref_slice %arg10[%dma_wait3A_700, %dma_wait3A_701, %dma_wait3A_702] : memref<2x320x128xf32, #tpu.memory_space<vmem>> -> memref<1x320x128xf32, #tpu.memory_space<vmem>>
    %dma_wait3A_704 = tpu.memref_squeeze %dma_wait3A_703 : memref<1x320x128xf32, #tpu.memory_space<vmem>> -> memref<320x128xf32, #tpu.memory_space<vmem>>
    %dma_wait3A_705 = arith.constant 192 : i32
    %dma_wait3A_706 = arith.constant 0 : i32
    %dma_wait3A_707 = tpu.memref_slice %dma_wait3A_704[%dma_wait3A_705, %dma_wait3A_706] : memref<320x128xf32, #tpu.memory_space<vmem>> -> memref<64x128xf32, #tpu.memory_space<vmem>>
    %dma_wait3A_708 = arith.constant 1728 : i32
    %dma_wait3A_709 = tpu.memref_slice %arg8[%dma_wait3A_708] : memref<2560xi32, #tpu.memory_space<vmem>> -> memref<64xi32, #tpu.memory_space<vmem>>
    %dma_wait3A_710 = arith.constant 0 : i32
    %dma_wait3A_711 = arith.constant 0 : i32
    %dma_wait3A_712 = tpu.memref_slice %arg3[%dma_wait3A_710, %dma_wait3A_711] : memref<100000x128xf32, #tpu.memory_space<hbm>> -> memref<100000x128xf32, #tpu.memory_space<hbm>>
    tpu.wait_indirect_dma semaphore(%arg13 : memref<!tpu.dma_semaphore, #tpu.memory_space<semaphore_mem>>) src(%dma_wait3A_712 : memref<100000x128xf32, #tpu.memory_space<hbm>>) dst(%dma_wait3A_707 : memref<64x128xf32, #tpu.memory_space<vmem>>)
    %dma_wait3A_713 = arith.constant 1 : i32
    %dma_wait3A_714 = arith.constant 0 : i32
    %dma_wait3A_715 = arith.constant 0 : i32
    %dma_wait3A_716 = tpu.memref_slice %arg10[%dma_wait3A_713, %dma_wait3A_714, %dma_wait3A_715] : memref<2x320x128xf32, #tpu.memory_space<vmem>> -> memref<1x320x128xf32, #tpu.memory_space<vmem>>
    %dma_wait3A_717 = tpu.memref_squeeze %dma_wait3A_716 : memref<1x320x128xf32, #tpu.memory_space<vmem>> -> memref<320x128xf32, #tpu.memory_space<vmem>>
    %dma_wait3A_718 = arith.constant 256 : i32
    %dma_wait3A_719 = arith.constant 0 : i32
    %dma_wait3A_720 = tpu.memref_slice %dma_wait3A_717[%dma_wait3A_718, %dma_wait3A_719] : memref<320x128xf32, #tpu.memory_space<vmem>> -> memref<64x128xf32, #tpu.memory_space<vmem>>
    %dma_wait3A_721 = arith.constant 2240 : i32
    %dma_wait3A_722 = tpu.memref_slice %arg8[%dma_wait3A_721] : memref<2560xi32, #tpu.memory_space<vmem>> -> memref<64xi32, #tpu.memory_space<vmem>>
    %dma_wait3A_723 = arith.constant 0 : i32
    %dma_wait3A_724 = arith.constant 0 : i32
    %dma_wait3A_725 = tpu.memref_slice %arg3[%dma_wait3A_723, %dma_wait3A_724] : memref<100000x128xf32, #tpu.memory_space<hbm>> -> memref<100000x128xf32, #tpu.memory_space<hbm>>
    tpu.wait_indirect_dma semaphore(%arg13 : memref<!tpu.dma_semaphore, #tpu.memory_space<semaphore_mem>>) src(%dma_wait3A_725 : memref<100000x128xf32, #tpu.memory_space<hbm>>) dst(%dma_wait3A_720 : memref<64x128xf32, #tpu.memory_space<vmem>>)
    %scan3A_726 = arith.constant 0 : i32
    %scan3A_727 = arith.constant 64 : i32
    %scan3A_728 = arith.addi %scan3A_726, %scan3A_727 : i32
    %scan3A_729 = arith.constant 1 : i32
    scf.for %scan3A_1296 = %scan3A_726 to %scan3A_728 step %scan3A_729  : i32 {
      %mul3A_1297 = arith.constant 1 : i32
      %mul3A_1298 = arith.muli %scan3A_1296, %mul3A_1297 : i32
      %add3A_1299 = arith.constant 0 : i32
      %add3A_1300 = arith.addi %add3A_1299, %mul3A_1298 : i32
      %get3A = arith.constant 1 : i32
      %get3A_1301 = arith.index_cast %get3A : i32 to index
      %get3A_1302 = arith.index_cast %add3A_1300 : i32 to index
      %get3A_1303 = arith.constant 0 : index
      %get3A_1304 = tpu.vector_load %arg9[%get3A_1301, %get3A_1302, %get3A_1303] {strides = array<i32>} : memref<2x64x128xf32, #tpu.memory_space<vmem>>, vector<16xf32>,
      %get3A_1305 = arith.constant 1 : i32
      %get3A_1306 = arith.index_cast %get3A_1305 : i32 to index
      %get3A_1307 = arith.index_cast %add3A_1300 : i32 to index
      %get3A_1308 = arith.constant 16 : index
      %get3A_1309 = tpu.vector_load %arg9[%get3A_1306, %get3A_1307, %get3A_1308] {strides = array<i32>} : memref<2x64x128xf32, #tpu.memory_space<vmem>>, vector<16xf32>,
      %get3A_1310 = arith.constant 1 : i32
      %get3A_1311 = arith.index_cast %get3A_1310 : i32 to index
      %get3A_1312 = arith.index_cast %add3A_1300 : i32 to index
      %get3A_1313 = arith.constant 32 : index
      %get3A_1314 = tpu.vector_load %arg9[%get3A_1311, %get3A_1312, %get3A_1313] {strides = array<i32>} : memref<2x64x128xf32, #tpu.memory_space<vmem>>, vector<16xf32>,
      %get3A_1315 = arith.constant 1 : i32
      %get3A_1316 = arith.index_cast %get3A_1315 : i32 to index
      %get3A_1317 = arith.index_cast %add3A_1300 : i32 to index
      %get3A_1318 = arith.constant 48 : index
      %get3A_1319 = tpu.vector_load %arg9[%get3A_1316, %get3A_1317, %get3A_1318] {strides = array<i32>} : memref<2x64x128xf32, #tpu.memory_space<vmem>>, vector<16xf32>,
      %broadcast_in_dim3A = arith.constant 0.000000e+00 : f32
      %broadcast_in_dim3A_1320 = vector.broadcast %broadcast_in_dim3A : f32 to vector<16xf32>
      %add3A_1321 = arith.constant 0 : i32
      %add3A_1322 = arith.addi %add3A_1321, %add3A_1300 : i32
      %get3A_1323 = arith.constant 1 : i32
      %get3A_1324 = arith.index_cast %get3A_1323 : i32 to index
      %get3A_1325 = arith.index_cast %add3A_1322 : i32 to index
      %get3A_1326 = arith.constant 0 : index
      %get3A_1327 = tpu.vector_load %arg10[%get3A_1324, %get3A_1325, %get3A_1326] {strides = array<i32>} : memref<2x320x128xf32, #tpu.memory_space<vmem>>, vector<16xf32>,
      %mul3A_1328 = arith.mulf %get3A_1304, %get3A_1327 : vector<16xf32>
      %get3A_1329 = arith.constant 1 : i32
      %get3A_1330 = arith.index_cast %get3A_1329 : i32 to index
      %get3A_1331 = arith.index_cast %add3A_1322 : i32 to index
      %get3A_1332 = arith.constant 16 : index
      %get3A_1333 = tpu.vector_load %arg10[%get3A_1330, %get3A_1331, %get3A_1332] {strides = array<i32>} : memref<2x320x128xf32, #tpu.memory_space<vmem>>, vector<16xf32>,
      %mul3A_1334 = arith.mulf %get3A_1309, %get3A_1333 : vector<16xf32>
      %add3A_1335 = arith.addf %mul3A_1328, %mul3A_1334 : vector<16xf32>
      %get3A_1336 = arith.constant 1 : i32
      %get3A_1337 = arith.index_cast %get3A_1336 : i32 to index
      %get3A_1338 = arith.index_cast %add3A_1322 : i32 to index
      %get3A_1339 = arith.constant 32 : index
      %get3A_1340 = tpu.vector_load %arg10[%get3A_1337, %get3A_1338, %get3A_1339] {strides = array<i32>} : memref<2x320x128xf32, #tpu.memory_space<vmem>>, vector<16xf32>,
      %mul3A_1341 = arith.mulf %get3A_1314, %get3A_1340 : vector<16xf32>
      %add3A_1342 = arith.addf %add3A_1335, %mul3A_1341 : vector<16xf32>
      %get3A_1343 = arith.constant 1 : i32
      %get3A_1344 = arith.index_cast %get3A_1343 : i32 to index
      %get3A_1345 = arith.index_cast %add3A_1322 : i32 to index
      %get3A_1346 = arith.constant 48 : index
      %get3A_1347 = tpu.vector_load %arg10[%get3A_1344, %get3A_1345, %get3A_1346] {strides = array<i32>} : memref<2x320x128xf32, #tpu.memory_space<vmem>>, vector<16xf32>,
      %mul3A_1348 = arith.mulf %get3A_1319, %get3A_1347 : vector<16xf32>
      %add3A_1349 = arith.addf %add3A_1342, %mul3A_1348 : vector<16xf32>
      %reduce_sum3A = arith.constant true
      %reduce_sum3A_1350 = vector.broadcast %reduce_sum3A : i1 to vector<16xi1>
      %reduce_sum3A_1351 = tpu.scan <sum>, %add3A_1349 masked %reduce_sum3A_1350 : vector<16xf32>, vector<16xi1> -> vector<16xf32>
      %reduce_sum3A_1352 = vector.extract %reduce_sum3A_1351[15] : f32 from vector<16xf32>
      %broadcast_in_dim3A_1353 = vector.broadcast %reduce_sum3A_1352 : f32 to vector<16xf32>
      %select_n3A = arith.select %eq3A_24, %broadcast_in_dim3A_1353, %broadcast_in_dim3A_1320 : vector<16xi1>, vector<16xf32>
      %add3A_1354 = arith.constant 64 : i32
      %add3A_1355 = arith.addi %add3A_1354, %add3A_1300 : i32
      %get3A_1356 = arith.constant 1 : i32
      %get3A_1357 = arith.index_cast %get3A_1356 : i32 to index
      %get3A_1358 = arith.index_cast %add3A_1355 : i32 to index
      %get3A_1359 = arith.constant 0 : index
      %get3A_1360 = tpu.vector_load %arg10[%get3A_1357, %get3A_1358, %get3A_1359] {strides = array<i32>} : memref<2x320x128xf32, #tpu.memory_space<vmem>>, vector<16xf32>,
      %mul3A_1361 = arith.mulf %get3A_1304, %get3A_1360 : vector<16xf32>
      %get3A_1362 = arith.constant 1 : i32
      %get3A_1363 = arith.index_cast %get3A_1362 : i32 to index
      %get3A_1364 = arith.index_cast %add3A_1355 : i32 to index
      %get3A_1365 = arith.constant 16 : index
      %get3A_1366 = tpu.vector_load %arg10[%get3A_1363, %get3A_1364, %get3A_1365] {strides = array<i32>} : memref<2x320x128xf32, #tpu.memory_space<vmem>>, vector<16xf32>,
      %mul3A_1367 = arith.mulf %get3A_1309, %get3A_1366 : vector<16xf32>
      %add3A_1368 = arith.addf %mul3A_1361, %mul3A_1367 : vector<16xf32>
      %get3A_1369 = arith.constant 1 : i32
      %get3A_1370 = arith.index_cast %get3A_1369 : i32 to index
      %get3A_1371 = arith.index_cast %add3A_1355 : i32 to index
      %get3A_1372 = arith.constant 32 : index
      %get3A_1373 = tpu.vector_load %arg10[%get3A_1370, %get3A_1371, %get3A_1372] {strides = array<i32>} : memref<2x320x128xf32, #tpu.memory_space<vmem>>, vector<16xf32>,
      %mul3A_1374 = arith.mulf %get3A_1314, %get3A_1373 : vector<16xf32>
      %add3A_1375 = arith.addf %add3A_1368, %mul3A_1374 : vector<16xf32>
      %get3A_1376 = arith.constant 1 : i32
      %get3A_1377 = arith.index_cast %get3A_1376 : i32 to index
      %get3A_1378 = arith.index_cast %add3A_1355 : i32 to index
      %get3A_1379 = arith.constant 48 : index
      %get3A_1380 = tpu.vector_load %arg10[%get3A_1377, %get3A_1378, %get3A_1379] {strides = array<i32>} : memref<2x320x128xf32, #tpu.memory_space<vmem>>, vector<16xf32>,
      %mul3A_1381 = arith.mulf %get3A_1319, %get3A_1380 : vector<16xf32>
      %add3A_1382 = arith.addf %add3A_1375, %mul3A_1381 : vector<16xf32>
      %reduce_sum3A_1383 = arith.constant true
      %reduce_sum3A_1384 = vector.broadcast %reduce_sum3A_1383 : i1 to vector<16xi1>
      %reduce_sum3A_1385 = tpu.scan <sum>, %add3A_1382 masked %reduce_sum3A_1384 : vector<16xf32>, vector<16xi1> -> vector<16xf32>
      %reduce_sum3A_1386 = vector.extract %reduce_sum3A_1385[15] : f32 from vector<16xf32>
      %broadcast_in_dim3A_1387 = vector.broadcast %reduce_sum3A_1386 : f32 to vector<16xf32>
      %select_n3A_1388 = arith.select %eq3A_27, %broadcast_in_dim3A_1387, %select_n3A : vector<16xi1>, vector<16xf32>
      %add3A_1389 = arith.constant 128 : i32
      %add3A_1390 = arith.addi %add3A_1389, %add3A_1300 : i32
      %get3A_1391 = arith.constant 1 : i32
      %get3A_1392 = arith.index_cast %get3A_1391 : i32 to index
      %get3A_1393 = arith.index_cast %add3A_1390 : i32 to index
      %get3A_1394 = arith.constant 0 : index
      %get3A_1395 = tpu.vector_load %arg10[%get3A_1392, %get3A_1393, %get3A_1394] {strides = array<i32>} : memref<2x320x128xf32, #tpu.memory_space<vmem>>, vector<16xf32>,
      %mul3A_1396 = arith.mulf %get3A_1304, %get3A_1395 : vector<16xf32>
      %get3A_1397 = arith.constant 1 : i32
      %get3A_1398 = arith.index_cast %get3A_1397 : i32 to index
      %get3A_1399 = arith.index_cast %add3A_1390 : i32 to index
      %get3A_1400 = arith.constant 16 : index
      %get3A_1401 = tpu.vector_load %arg10[%get3A_1398, %get3A_1399, %get3A_1400] {strides = array<i32>} : memref<2x320x128xf32, #tpu.memory_space<vmem>>, vector<16xf32>,
      %mul3A_1402 = arith.mulf %get3A_1309, %get3A_1401 : vector<16xf32>
      %add3A_1403 = arith.addf %mul3A_1396, %mul3A_1402 : vector<16xf32>
      %get3A_1404 = arith.constant 1 : i32
      %get3A_1405 = arith.index_cast %get3A_1404 : i32 to index
      %get3A_1406 = arith.index_cast %add3A_1390 : i32 to index
      %get3A_1407 = arith.constant 32 : index
      %get3A_1408 = tpu.vector_load %arg10[%get3A_1405, %get3A_1406, %get3A_1407] {strides = array<i32>} : memref<2x320x128xf32, #tpu.memory_space<vmem>>, vector<16xf32>,
      %mul3A_1409 = arith.mulf %get3A_1314, %get3A_1408 : vector<16xf32>
      %add3A_1410 = arith.addf %add3A_1403, %mul3A_1409 : vector<16xf32>
      %get3A_1411 = arith.constant 1 : i32
      %get3A_1412 = arith.index_cast %get3A_1411 : i32 to index
      %get3A_1413 = arith.index_cast %add3A_1390 : i32 to index
      %get3A_1414 = arith.constant 48 : index
      %get3A_1415 = tpu.vector_load %arg10[%get3A_1412, %get3A_1413, %get3A_1414] {strides = array<i32>} : memref<2x320x128xf32, #tpu.memory_space<vmem>>, vector<16xf32>,
      %mul3A_1416 = arith.mulf %get3A_1319, %get3A_1415 : vector<16xf32>
      %add3A_1417 = arith.addf %add3A_1410, %mul3A_1416 : vector<16xf32>
      %reduce_sum3A_1418 = arith.constant true
      %reduce_sum3A_1419 = vector.broadcast %reduce_sum3A_1418 : i1 to vector<16xi1>
      %reduce_sum3A_1420 = tpu.scan <sum>, %add3A_1417 masked %reduce_sum3A_1419 : vector<16xf32>, vector<16xi1> -> vector<16xf32>
      %reduce_sum3A_1421 = vector.extract %reduce_sum3A_1420[15] : f32 from vector<16xf32>
      %broadcast_in_dim3A_1422 = vector.broadcast %reduce_sum3A_1421 : f32 to vector<16xf32>
      %select_n3A_1423 = arith.select %eq3A_30, %broadcast_in_dim3A_1422, %select_n3A_1388 : vector<16xi1>, vector<16xf32>
      %add3A_1424 = arith.constant 192 : i32
      %add3A_1425 = arith.addi %add3A_1424, %add3A_1300 : i32
      %get3A_1426 = arith.constant 1 : i32
      %get3A_1427 = arith.index_cast %get3A_1426 : i32 to index
      %get3A_1428 = arith.index_cast %add3A_1425 : i32 to index
      %get3A_1429 = arith.constant 0 : index
      %get3A_1430 = tpu.vector_load %arg10[%get3A_1427, %get3A_1428, %get3A_1429] {strides = array<i32>} : memref<2x320x128xf32, #tpu.memory_space<vmem>>, vector<16xf32>,
      %mul3A_1431 = arith.mulf %get3A_1304, %get3A_1430 : vector<16xf32>
      %get3A_1432 = arith.constant 1 : i32
      %get3A_1433 = arith.index_cast %get3A_1432 : i32 to index
      %get3A_1434 = arith.index_cast %add3A_1425 : i32 to index
      %get3A_1435 = arith.constant 16 : index
      %get3A_1436 = tpu.vector_load %arg10[%get3A_1433, %get3A_1434, %get3A_1435] {strides = array<i32>} : memref<2x320x128xf32, #tpu.memory_space<vmem>>, vector<16xf32>,
      %mul3A_1437 = arith.mulf %get3A_1309, %get3A_1436 : vector<16xf32>
      %add3A_1438 = arith.addf %mul3A_1431, %mul3A_1437 : vector<16xf32>
      %get3A_1439 = arith.constant 1 : i32
      %get3A_1440 = arith.index_cast %get3A_1439 : i32 to index
      %get3A_1441 = arith.index_cast %add3A_1425 : i32 to index
      %get3A_1442 = arith.constant 32 : index
      %get3A_1443 = tpu.vector_load %arg10[%get3A_1440, %get3A_1441, %get3A_1442] {strides = array<i32>} : memref<2x320x128xf32, #tpu.memory_space<vmem>>, vector<16xf32>,
      %mul3A_1444 = arith.mulf %get3A_1314, %get3A_1443 : vector<16xf32>
      %add3A_1445 = arith.addf %add3A_1438, %mul3A_1444 : vector<16xf32>
      %get3A_1446 = arith.constant 1 : i32
      %get3A_1447 = arith.index_cast %get3A_1446 : i32 to index
      %get3A_1448 = arith.index_cast %add3A_1425 : i32 to index
      %get3A_1449 = arith.constant 48 : index
      %get3A_1450 = tpu.vector_load %arg10[%get3A_1447, %get3A_1448, %get3A_1449] {strides = array<i32>} : memref<2x320x128xf32, #tpu.memory_space<vmem>>, vector<16xf32>,
      %mul3A_1451 = arith.mulf %get3A_1319, %get3A_1450 : vector<16xf32>
      %add3A_1452 = arith.addf %add3A_1445, %mul3A_1451 : vector<16xf32>
      %reduce_sum3A_1453 = arith.constant true
      %reduce_sum3A_1454 = vector.broadcast %reduce_sum3A_1453 : i1 to vector<16xi1>
      %reduce_sum3A_1455 = tpu.scan <sum>, %add3A_1452 masked %reduce_sum3A_1454 : vector<16xf32>, vector<16xi1> -> vector<16xf32>
      %reduce_sum3A_1456 = vector.extract %reduce_sum3A_1455[15] : f32 from vector<16xf32>
      %broadcast_in_dim3A_1457 = vector.broadcast %reduce_sum3A_1456 : f32 to vector<16xf32>
      %select_n3A_1458 = arith.select %eq3A_33, %broadcast_in_dim3A_1457, %select_n3A_1423 : vector<16xi1>, vector<16xf32>
      %add3A_1459 = arith.constant 256 : i32
      %add3A_1460 = arith.addi %add3A_1459, %add3A_1300 : i32
      %get3A_1461 = arith.constant 1 : i32
      %get3A_1462 = arith.index_cast %get3A_1461 : i32 to index
      %get3A_1463 = arith.index_cast %add3A_1460 : i32 to index
      %get3A_1464 = arith.constant 0 : index
      %get3A_1465 = tpu.vector_load %arg10[%get3A_1462, %get3A_1463, %get3A_1464] {strides = array<i32>} : memref<2x320x128xf32, #tpu.memory_space<vmem>>, vector<16xf32>,
      %mul3A_1466 = arith.mulf %get3A_1304, %get3A_1465 : vector<16xf32>
      %get3A_1467 = arith.constant 1 : i32
      %get3A_1468 = arith.index_cast %get3A_1467 : i32 to index
      %get3A_1469 = arith.index_cast %add3A_1460 : i32 to index
      %get3A_1470 = arith.constant 16 : index
      %get3A_1471 = tpu.vector_load %arg10[%get3A_1468, %get3A_1469, %get3A_1470] {strides = array<i32>} : memref<2x320x128xf32, #tpu.memory_space<vmem>>, vector<16xf32>,
      %mul3A_1472 = arith.mulf %get3A_1309, %get3A_1471 : vector<16xf32>
      %add3A_1473 = arith.addf %mul3A_1466, %mul3A_1472 : vector<16xf32>
      %get3A_1474 = arith.constant 1 : i32
      %get3A_1475 = arith.index_cast %get3A_1474 : i32 to index
      %get3A_1476 = arith.index_cast %add3A_1460 : i32 to index
      %get3A_1477 = arith.constant 32 : index
      %get3A_1478 = tpu.vector_load %arg10[%get3A_1475, %get3A_1476, %get3A_1477] {strides = array<i32>} : memref<2x320x128xf32, #tpu.memory_space<vmem>>, vector<16xf32>,
      %mul3A_1479 = arith.mulf %get3A_1314, %get3A_1478 : vector<16xf32>
      %add3A_1480 = arith.addf %add3A_1473, %mul3A_1479 : vector<16xf32>
      %get3A_1481 = arith.constant 1 : i32
      %get3A_1482 = arith.index_cast %get3A_1481 : i32 to index
      %get3A_1483 = arith.index_cast %add3A_1460 : i32 to index
      %get3A_1484 = arith.constant 48 : index
      %get3A_1485 = tpu.vector_load %arg10[%get3A_1482, %get3A_1483, %get3A_1484] {strides = array<i32>} : memref<2x320x128xf32, #tpu.memory_space<vmem>>, vector<16xf32>,
      %mul3A_1486 = arith.mulf %get3A_1319, %get3A_1485 : vector<16xf32>
      %add3A_1487 = arith.addf %add3A_1480, %mul3A_1486 : vector<16xf32>
      %reduce_sum3A_1488 = arith.constant true
      %reduce_sum3A_1489 = vector.broadcast %reduce_sum3A_1488 : i1 to vector<16xi1>
      %reduce_sum3A_1490 = tpu.scan <sum>, %add3A_1487 masked %reduce_sum3A_1489 : vector<16xf32>, vector<16xi1> -> vector<16xf32>
      %reduce_sum3A_1491 = vector.extract %reduce_sum3A_1490[15] : f32 from vector<16xf32>
      %broadcast_in_dim3A_1492 = vector.broadcast %reduce_sum3A_1491 : f32 to vector<16xf32>
      %select_n3A_1493 = arith.select %eq3A_36, %broadcast_in_dim3A_1492, %select_n3A_1458 : vector<16xi1>, vector<16xf32>
      %mul3A_1494 = arith.constant 512 : i32
      %mul3A_1495 = vector.broadcast %mul3A_1494 : i32 to vector<16xi32>
      %mul3A_1496 = arith.muli %iota3A, %mul3A_1495 : vector<16xi32>
      %add3A_1497 = arith.constant 192 : i32
      %add3A_1498 = arith.addi %add3A_1497, %add3A_1300 : i32
      %add3A_1499 = vector.broadcast %add3A_1498 : i32 to vector<16xi32>
      %add3A_1500 = arith.addi %mul3A_1496, %add3A_1499 : vector<16xi32>
      tpu.vector_store_idx %arg11[%add3A_1500], %select_n3A_1493 masked %lt3A_38 : memref<2560xf32, #tpu.memory_space<vmem>>[vector<16xi32>], vector<16xf32>, vector<16xi1>
    }
    %scan3A_730 = arith.constant 64 : i32
    %dma_start3A_731 = arith.constant 1 : i32
    %dma_start3A_732 = arith.constant 0 : i32
    %dma_start3A_733 = arith.constant 0 : i32
    %dma_start3A_734 = tpu.memref_slice %arg9[%dma_start3A_731, %dma_start3A_732, %dma_start3A_733] : memref<2x64x128xf32, #tpu.memory_space<vmem>> -> memref<1x64x128xf32, #tpu.memory_space<vmem>>
    %dma_start3A_735 = tpu.memref_squeeze %dma_start3A_734 : memref<1x64x128xf32, #tpu.memory_space<vmem>> -> memref<64x128xf32, #tpu.memory_space<vmem>>
    %dma_start3A_736 = arith.constant 320 : i32
    %dma_start3A_737 = tpu.memref_slice %arg7[%dma_start3A_736] : memref<512xi32, #tpu.memory_space<vmem>> -> memref<64xi32, #tpu.memory_space<vmem>>
    %dma_start3A_738 = arith.constant 0 : i32
    %dma_start3A_739 = arith.constant 0 : i32
    %dma_start3A_740 = tpu.memref_slice %arg2[%dma_start3A_738, %dma_start3A_739] : memref<100000x128xf32, #tpu.memory_space<hbm>> -> memref<100000x128xf32, #tpu.memory_space<hbm>>
    tpu.enqueue_indirect_dma source(%dma_start3A_740 : memref<100000x128xf32, #tpu.memory_space<hbm>>) target(%dma_start3A_735 : memref<64x128xf32, #tpu.memory_space<vmem>>) offsets(%dma_start3A_737 : memref<64xi32, #tpu.memory_space<vmem>>) semaphore(%arg13 : memref<!tpu.dma_semaphore, #tpu.memory_space<semaphore_mem>>)
    %dma_start3A_741 = arith.constant 1 : i32
    %dma_start3A_742 = arith.constant 0 : i32
    %dma_start3A_743 = arith.constant 0 : i32
    %dma_start3A_744 = tpu.memref_slice %arg10[%dma_start3A_741, %dma_start3A_742, %dma_start3A_743] : memref<2x320x128xf32, #tpu.memory_space<vmem>> -> memref<1x320x128xf32, #tpu.memory_space<vmem>>
    %dma_start3A_745 = tpu.memref_squeeze %dma_start3A_744 : memref<1x320x128xf32, #tpu.memory_space<vmem>> -> memref<320x128xf32, #tpu.memory_space<vmem>>
    %dma_start3A_746 = arith.constant 0 : i32
    %dma_start3A_747 = arith.constant 0 : i32
    %dma_start3A_748 = tpu.memref_slice %dma_start3A_745[%dma_start3A_746, %dma_start3A_747] : memref<320x128xf32, #tpu.memory_space<vmem>> -> memref<64x128xf32, #tpu.memory_space<vmem>>
    %dma_start3A_749 = arith.constant 320 : i32
    %dma_start3A_750 = tpu.memref_slice %arg8[%dma_start3A_749] : memref<2560xi32, #tpu.memory_space<vmem>> -> memref<64xi32, #tpu.memory_space<vmem>>
    %dma_start3A_751 = arith.constant 0 : i32
    %dma_start3A_752 = arith.constant 0 : i32
    %dma_start3A_753 = tpu.memref_slice %arg3[%dma_start3A_751, %dma_start3A_752] : memref<100000x128xf32, #tpu.memory_space<hbm>> -> memref<100000x128xf32, #tpu.memory_space<hbm>>
    tpu.enqueue_indirect_dma source(%dma_start3A_753 : memref<100000x128xf32, #tpu.memory_space<hbm>>) target(%dma_start3A_748 : memref<64x128xf32, #tpu.memory_space<vmem>>) offsets(%dma_start3A_750 : memref<64xi32, #tpu.memory_space<vmem>>) semaphore(%arg13 : memref<!tpu.dma_semaphore, #tpu.memory_space<semaphore_mem>>)
    %dma_start3A_754 = arith.constant 1 : i32
    %dma_start3A_755 = arith.constant 0 : i32
    %dma_start3A_756 = arith.constant 0 : i32
    %dma_start3A_757 = tpu.memref_slice %arg10[%dma_start3A_754, %dma_start3A_755, %dma_start3A_756] : memref<2x320x128xf32, #tpu.memory_space<vmem>> -> memref<1x320x128xf32, #tpu.memory_space<vmem>>
    %dma_start3A_758 = tpu.memref_squeeze %dma_start3A_757 : memref<1x320x128xf32, #tpu.memory_space<vmem>> -> memref<320x128xf32, #tpu.memory_space<vmem>>
    %dma_start3A_759 = arith.constant 64 : i32
    %dma_start3A_760 = arith.constant 0 : i32
    %dma_start3A_761 = tpu.memref_slice %dma_start3A_758[%dma_start3A_759, %dma_start3A_760] : memref<320x128xf32, #tpu.memory_space<vmem>> -> memref<64x128xf32, #tpu.memory_space<vmem>>
    %dma_start3A_762 = arith.constant 832 : i32
    %dma_start3A_763 = tpu.memref_slice %arg8[%dma_start3A_762] : memref<2560xi32, #tpu.memory_space<vmem>> -> memref<64xi32, #tpu.memory_space<vmem>>
    %dma_start3A_764 = arith.constant 0 : i32
    %dma_start3A_765 = arith.constant 0 : i32
    %dma_start3A_766 = tpu.memref_slice %arg3[%dma_start3A_764, %dma_start3A_765] : memref<100000x128xf32, #tpu.memory_space<hbm>> -> memref<100000x128xf32, #tpu.memory_space<hbm>>
    tpu.enqueue_indirect_dma source(%dma_start3A_766 : memref<100000x128xf32, #tpu.memory_space<hbm>>) target(%dma_start3A_761 : memref<64x128xf32, #tpu.memory_space<vmem>>) offsets(%dma_start3A_763 : memref<64xi32, #tpu.memory_space<vmem>>) semaphore(%arg13 : memref<!tpu.dma_semaphore, #tpu.memory_space<semaphore_mem>>)
    %dma_start3A_767 = arith.constant 1 : i32
    %dma_start3A_768 = arith.constant 0 : i32
    %dma_start3A_769 = arith.constant 0 : i32
    %dma_start3A_770 = tpu.memref_slice %arg10[%dma_start3A_767, %dma_start3A_768, %dma_start3A_769] : memref<2x320x128xf32, #tpu.memory_space<vmem>> -> memref<1x320x128xf32, #tpu.memory_space<vmem>>
    %dma_start3A_771 = tpu.memref_squeeze %dma_start3A_770 : memref<1x320x128xf32, #tpu.memory_space<vmem>> -> memref<320x128xf32, #tpu.memory_space<vmem>>
    %dma_start3A_772 = arith.constant 128 : i32
    %dma_start3A_773 = arith.constant 0 : i32
    %dma_start3A_774 = tpu.memref_slice %dma_start3A_771[%dma_start3A_772, %dma_start3A_773] : memref<320x128xf32, #tpu.memory_space<vmem>> -> memref<64x128xf32, #tpu.memory_space<vmem>>
    %dma_start3A_775 = arith.constant 1344 : i32
    %dma_start3A_776 = tpu.memref_slice %arg8[%dma_start3A_775] : memref<2560xi32, #tpu.memory_space<vmem>> -> memref<64xi32, #tpu.memory_space<vmem>>
    %dma_start3A_777 = arith.constant 0 : i32
    %dma_start3A_778 = arith.constant 0 : i32
    %dma_start3A_779 = tpu.memref_slice %arg3[%dma_start3A_777, %dma_start3A_778] : memref<100000x128xf32, #tpu.memory_space<hbm>> -> memref<100000x128xf32, #tpu.memory_space<hbm>>
    tpu.enqueue_indirect_dma source(%dma_start3A_779 : memref<100000x128xf32, #tpu.memory_space<hbm>>) target(%dma_start3A_774 : memref<64x128xf32, #tpu.memory_space<vmem>>) offsets(%dma_start3A_776 : memref<64xi32, #tpu.memory_space<vmem>>) semaphore(%arg13 : memref<!tpu.dma_semaphore, #tpu.memory_space<semaphore_mem>>)
    %dma_start3A_780 = arith.constant 1 : i32
    %dma_start3A_781 = arith.constant 0 : i32
    %dma_start3A_782 = arith.constant 0 : i32
    %dma_start3A_783 = tpu.memref_slice %arg10[%dma_start3A_780, %dma_start3A_781, %dma_start3A_782] : memref<2x320x128xf32, #tpu.memory_space<vmem>> -> memref<1x320x128xf32, #tpu.memory_space<vmem>>
    %dma_start3A_784 = tpu.memref_squeeze %dma_start3A_783 : memref<1x320x128xf32, #tpu.memory_space<vmem>> -> memref<320x128xf32, #tpu.memory_space<vmem>>
    %dma_start3A_785 = arith.constant 192 : i32
    %dma_start3A_786 = arith.constant 0 : i32
    %dma_start3A_787 = tpu.memref_slice %dma_start3A_784[%dma_start3A_785, %dma_start3A_786] : memref<320x128xf32, #tpu.memory_space<vmem>> -> memref<64x128xf32, #tpu.memory_space<vmem>>
    %dma_start3A_788 = arith.constant 1856 : i32
    %dma_start3A_789 = tpu.memref_slice %arg8[%dma_start3A_788] : memref<2560xi32, #tpu.memory_space<vmem>> -> memref<64xi32, #tpu.memory_space<vmem>>
    %dma_start3A_790 = arith.constant 0 : i32
    %dma_start3A_791 = arith.constant 0 : i32
    %dma_start3A_792 = tpu.memref_slice %arg3[%dma_start3A_790, %dma_start3A_791] : memref<100000x128xf32, #tpu.memory_space<hbm>> -> memref<100000x128xf32, #tpu.memory_space<hbm>>
    tpu.enqueue_indirect_dma source(%dma_start3A_792 : memref<100000x128xf32, #tpu.memory_space<hbm>>) target(%dma_start3A_787 : memref<64x128xf32, #tpu.memory_space<vmem>>) offsets(%dma_start3A_789 : memref<64xi32, #tpu.memory_space<vmem>>) semaphore(%arg13 : memref<!tpu.dma_semaphore, #tpu.memory_space<semaphore_mem>>)
    %dma_start3A_793 = arith.constant 1 : i32
    %dma_start3A_794 = arith.constant 0 : i32
    %dma_start3A_795 = arith.constant 0 : i32
    %dma_start3A_796 = tpu.memref_slice %arg10[%dma_start3A_793, %dma_start3A_794, %dma_start3A_795] : memref<2x320x128xf32, #tpu.memory_space<vmem>> -> memref<1x320x128xf32, #tpu.memory_space<vmem>>
    %dma_start3A_797 = tpu.memref_squeeze %dma_start3A_796 : memref<1x320x128xf32, #tpu.memory_space<vmem>> -> memref<320x128xf32, #tpu.memory_space<vmem>>
    %dma_start3A_798 = arith.constant 256 : i32
    %dma_start3A_799 = arith.constant 0 : i32
    %dma_start3A_800 = tpu.memref_slice %dma_start3A_797[%dma_start3A_798, %dma_start3A_799] : memref<320x128xf32, #tpu.memory_space<vmem>> -> memref<64x128xf32, #tpu.memory_space<vmem>>
    %dma_start3A_801 = arith.constant 2368 : i32
    %dma_start3A_802 = tpu.memref_slice %arg8[%dma_start3A_801] : memref<2560xi32, #tpu.memory_space<vmem>> -> memref<64xi32, #tpu.memory_space<vmem>>
    %dma_start3A_803 = arith.constant 0 : i32
    %dma_start3A_804 = arith.constant 0 : i32
    %dma_start3A_805 = tpu.memref_slice %arg3[%dma_start3A_803, %dma_start3A_804] : memref<100000x128xf32, #tpu.memory_space<hbm>> -> memref<100000x128xf32, #tpu.memory_space<hbm>>
    tpu.enqueue_indirect_dma source(%dma_start3A_805 : memref<100000x128xf32, #tpu.memory_space<hbm>>) target(%dma_start3A_800 : memref<64x128xf32, #tpu.memory_space<vmem>>) offsets(%dma_start3A_802 : memref<64xi32, #tpu.memory_space<vmem>>) semaphore(%arg13 : memref<!tpu.dma_semaphore, #tpu.memory_space<semaphore_mem>>)
    %dma_wait3A_806 = arith.constant 0 : i32
    %dma_wait3A_807 = arith.constant 0 : i32
    %dma_wait3A_808 = arith.constant 0 : i32
    %dma_wait3A_809 = tpu.memref_slice %arg9[%dma_wait3A_806, %dma_wait3A_807, %dma_wait3A_808] : memref<2x64x128xf32, #tpu.memory_space<vmem>> -> memref<1x64x128xf32, #tpu.memory_space<vmem>>
    %dma_wait3A_810 = tpu.memref_squeeze %dma_wait3A_809 : memref<1x64x128xf32, #tpu.memory_space<vmem>> -> memref<64x128xf32, #tpu.memory_space<vmem>>
    %dma_wait3A_811 = arith.constant 256 : i32
    %dma_wait3A_812 = tpu.memref_slice %arg7[%dma_wait3A_811] : memref<512xi32, #tpu.memory_space<vmem>> -> memref<64xi32, #tpu.memory_space<vmem>>
    %dma_wait3A_813 = arith.constant 0 : i32
    %dma_wait3A_814 = arith.constant 0 : i32
    %dma_wait3A_815 = tpu.memref_slice %arg2[%dma_wait3A_813, %dma_wait3A_814] : memref<100000x128xf32, #tpu.memory_space<hbm>> -> memref<100000x128xf32, #tpu.memory_space<hbm>>
    tpu.wait_indirect_dma semaphore(%arg12 : memref<!tpu.dma_semaphore, #tpu.memory_space<semaphore_mem>>) src(%dma_wait3A_815 : memref<100000x128xf32, #tpu.memory_space<hbm>>) dst(%dma_wait3A_810 : memref<64x128xf32, #tpu.memory_space<vmem>>)
    %dma_wait3A_816 = arith.constant 0 : i32
    %dma_wait3A_817 = arith.constant 0 : i32
    %dma_wait3A_818 = arith.constant 0 : i32
    %dma_wait3A_819 = tpu.memref_slice %arg10[%dma_wait3A_816, %dma_wait3A_817, %dma_wait3A_818] : memref<2x320x128xf32, #tpu.memory_space<vmem>> -> memref<1x320x128xf32, #tpu.memory_space<vmem>>
    %dma_wait3A_820 = tpu.memref_squeeze %dma_wait3A_819 : memref<1x320x128xf32, #tpu.memory_space<vmem>> -> memref<320x128xf32, #tpu.memory_space<vmem>>
    %dma_wait3A_821 = arith.constant 0 : i32
    %dma_wait3A_822 = arith.constant 0 : i32
    %dma_wait3A_823 = tpu.memref_slice %dma_wait3A_820[%dma_wait3A_821, %dma_wait3A_822] : memref<320x128xf32, #tpu.memory_space<vmem>> -> memref<64x128xf32, #tpu.memory_space<vmem>>
    %dma_wait3A_824 = arith.constant 256 : i32
    %dma_wait3A_825 = tpu.memref_slice %arg8[%dma_wait3A_824] : memref<2560xi32, #tpu.memory_space<vmem>> -> memref<64xi32, #tpu.memory_space<vmem>>
    %dma_wait3A_826 = arith.constant 0 : i32
    %dma_wait3A_827 = arith.constant 0 : i32
    %dma_wait3A_828 = tpu.memref_slice %arg3[%dma_wait3A_826, %dma_wait3A_827] : memref<100000x128xf32, #tpu.memory_space<hbm>> -> memref<100000x128xf32, #tpu.memory_space<hbm>>
    tpu.wait_indirect_dma semaphore(%arg12 : memref<!tpu.dma_semaphore, #tpu.memory_space<semaphore_mem>>) src(%dma_wait3A_828 : memref<100000x128xf32, #tpu.memory_space<hbm>>) dst(%dma_wait3A_823 : memref<64x128xf32, #tpu.memory_space<vmem>>)
    %dma_wait3A_829 = arith.constant 0 : i32
    %dma_wait3A_830 = arith.constant 0 : i32
    %dma_wait3A_831 = arith.constant 0 : i32
    %dma_wait3A_832 = tpu.memref_slice %arg10[%dma_wait3A_829, %dma_wait3A_830, %dma_wait3A_831] : memref<2x320x128xf32, #tpu.memory_space<vmem>> -> memref<1x320x128xf32, #tpu.memory_space<vmem>>
    %dma_wait3A_833 = tpu.memref_squeeze %dma_wait3A_832 : memref<1x320x128xf32, #tpu.memory_space<vmem>> -> memref<320x128xf32, #tpu.memory_space<vmem>>
    %dma_wait3A_834 = arith.constant 64 : i32
    %dma_wait3A_835 = arith.constant 0 : i32
    %dma_wait3A_836 = tpu.memref_slice %dma_wait3A_833[%dma_wait3A_834, %dma_wait3A_835] : memref<320x128xf32, #tpu.memory_space<vmem>> -> memref<64x128xf32, #tpu.memory_space<vmem>>
    %dma_wait3A_837 = arith.constant 768 : i32
    %dma_wait3A_838 = tpu.memref_slice %arg8[%dma_wait3A_837] : memref<2560xi32, #tpu.memory_space<vmem>> -> memref<64xi32, #tpu.memory_space<vmem>>
    %dma_wait3A_839 = arith.constant 0 : i32
    %dma_wait3A_840 = arith.constant 0 : i32
    %dma_wait3A_841 = tpu.memref_slice %arg3[%dma_wait3A_839, %dma_wait3A_840] : memref<100000x128xf32, #tpu.memory_space<hbm>> -> memref<100000x128xf32, #tpu.memory_space<hbm>>
    tpu.wait_indirect_dma semaphore(%arg12 : memref<!tpu.dma_semaphore, #tpu.memory_space<semaphore_mem>>) src(%dma_wait3A_841 : memref<100000x128xf32, #tpu.memory_space<hbm>>) dst(%dma_wait3A_836 : memref<64x128xf32, #tpu.memory_space<vmem>>)
    %dma_wait3A_842 = arith.constant 0 : i32
    %dma_wait3A_843 = arith.constant 0 : i32
    %dma_wait3A_844 = arith.constant 0 : i32
    %dma_wait3A_845 = tpu.memref_slice %arg10[%dma_wait3A_842, %dma_wait3A_843, %dma_wait3A_844] : memref<2x320x128xf32, #tpu.memory_space<vmem>> -> memref<1x320x128xf32, #tpu.memory_space<vmem>>
    %dma_wait3A_846 = tpu.memref_squeeze %dma_wait3A_845 : memref<1x320x128xf32, #tpu.memory_space<vmem>> -> memref<320x128xf32, #tpu.memory_space<vmem>>
    %dma_wait3A_847 = arith.constant 128 : i32
    %dma_wait3A_848 = arith.constant 0 : i32
    %dma_wait3A_849 = tpu.memref_slice %dma_wait3A_846[%dma_wait3A_847, %dma_wait3A_848] : memref<320x128xf32, #tpu.memory_space<vmem>> -> memref<64x128xf32, #tpu.memory_space<vmem>>
    %dma_wait3A_850 = arith.constant 1280 : i32
    %dma_wait3A_851 = tpu.memref_slice %arg8[%dma_wait3A_850] : memref<2560xi32, #tpu.memory_space<vmem>> -> memref<64xi32, #tpu.memory_space<vmem>>
    %dma_wait3A_852 = arith.constant 0 : i32
    %dma_wait3A_853 = arith.constant 0 : i32
    %dma_wait3A_854 = tpu.memref_slice %arg3[%dma_wait3A_852, %dma_wait3A_853] : memref<100000x128xf32, #tpu.memory_space<hbm>> -> memref<100000x128xf32, #tpu.memory_space<hbm>>
    tpu.wait_indirect_dma semaphore(%arg12 : memref<!tpu.dma_semaphore, #tpu.memory_space<semaphore_mem>>) src(%dma_wait3A_854 : memref<100000x128xf32, #tpu.memory_space<hbm>>) dst(%dma_wait3A_849 : memref<64x128xf32, #tpu.memory_space<vmem>>)
    %dma_wait3A_855 = arith.constant 0 : i32
    %dma_wait3A_856 = arith.constant 0 : i32
    %dma_wait3A_857 = arith.constant 0 : i32
    %dma_wait3A_858 = tpu.memref_slice %arg10[%dma_wait3A_855, %dma_wait3A_856, %dma_wait3A_857] : memref<2x320x128xf32, #tpu.memory_space<vmem>> -> memref<1x320x128xf32, #tpu.memory_space<vmem>>
    %dma_wait3A_859 = tpu.memref_squeeze %dma_wait3A_858 : memref<1x320x128xf32, #tpu.memory_space<vmem>> -> memref<320x128xf32, #tpu.memory_space<vmem>>
    %dma_wait3A_860 = arith.constant 192 : i32
    %dma_wait3A_861 = arith.constant 0 : i32
    %dma_wait3A_862 = tpu.memref_slice %dma_wait3A_859[%dma_wait3A_860, %dma_wait3A_861] : memref<320x128xf32, #tpu.memory_space<vmem>> -> memref<64x128xf32, #tpu.memory_space<vmem>>
    %dma_wait3A_863 = arith.constant 1792 : i32
    %dma_wait3A_864 = tpu.memref_slice %arg8[%dma_wait3A_863] : memref<2560xi32, #tpu.memory_space<vmem>> -> memref<64xi32, #tpu.memory_space<vmem>>
    %dma_wait3A_865 = arith.constant 0 : i32
    %dma_wait3A_866 = arith.constant 0 : i32
    %dma_wait3A_867 = tpu.memref_slice %arg3[%dma_wait3A_865, %dma_wait3A_866] : memref<100000x128xf32, #tpu.memory_space<hbm>> -> memref<100000x128xf32, #tpu.memory_space<hbm>>
    tpu.wait_indirect_dma semaphore(%arg12 : memref<!tpu.dma_semaphore, #tpu.memory_space<semaphore_mem>>) src(%dma_wait3A_867 : memref<100000x128xf32, #tpu.memory_space<hbm>>) dst(%dma_wait3A_862 : memref<64x128xf32, #tpu.memory_space<vmem>>)
    %dma_wait3A_868 = arith.constant 0 : i32
    %dma_wait3A_869 = arith.constant 0 : i32
    %dma_wait3A_870 = arith.constant 0 : i32
    %dma_wait3A_871 = tpu.memref_slice %arg10[%dma_wait3A_868, %dma_wait3A_869, %dma_wait3A_870] : memref<2x320x128xf32, #tpu.memory_space<vmem>> -> memref<1x320x128xf32, #tpu.memory_space<vmem>>
    %dma_wait3A_872 = tpu.memref_squeeze %dma_wait3A_871 : memref<1x320x128xf32, #tpu.memory_space<vmem>> -> memref<320x128xf32, #tpu.memory_space<vmem>>
    %dma_wait3A_873 = arith.constant 256 : i32
    %dma_wait3A_874 = arith.constant 0 : i32
    %dma_wait3A_875 = tpu.memref_slice %dma_wait3A_872[%dma_wait3A_873, %dma_wait3A_874] : memref<320x128xf32, #tpu.memory_space<vmem>> -> memref<64x128xf32, #tpu.memory_space<vmem>>
    %dma_wait3A_876 = arith.constant 2304 : i32
    %dma_wait3A_877 = tpu.memref_slice %arg8[%dma_wait3A_876] : memref<2560xi32, #tpu.memory_space<vmem>> -> memref<64xi32, #tpu.memory_space<vmem>>
    %dma_wait3A_878 = arith.constant 0 : i32
    %dma_wait3A_879 = arith.constant 0 : i32
    %dma_wait3A_880 = tpu.memref_slice %arg3[%dma_wait3A_878, %dma_wait3A_879] : memref<100000x128xf32, #tpu.memory_space<hbm>> -> memref<100000x128xf32, #tpu.memory_space<hbm>>
    tpu.wait_indirect_dma semaphore(%arg12 : memref<!tpu.dma_semaphore, #tpu.memory_space<semaphore_mem>>) src(%dma_wait3A_880 : memref<100000x128xf32, #tpu.memory_space<hbm>>) dst(%dma_wait3A_875 : memref<64x128xf32, #tpu.memory_space<vmem>>)
    %scan3A_881 = arith.constant 0 : i32
    %scan3A_882 = arith.constant 64 : i32
    %scan3A_883 = arith.addi %scan3A_881, %scan3A_882 : i32
    %scan3A_884 = arith.constant 1 : i32
    scf.for %scan3A_1296 = %scan3A_881 to %scan3A_883 step %scan3A_884  : i32 {
      %mul3A_1297 = arith.constant 1 : i32
      %mul3A_1298 = arith.muli %scan3A_1296, %mul3A_1297 : i32
      %add3A_1299 = arith.constant 0 : i32
      %add3A_1300 = arith.addi %add3A_1299, %mul3A_1298 : i32
      %get3A = arith.constant 0 : i32
      %get3A_1301 = arith.index_cast %get3A : i32 to index
      %get3A_1302 = arith.index_cast %add3A_1300 : i32 to index
      %get3A_1303 = arith.constant 0 : index
      %get3A_1304 = tpu.vector_load %arg9[%get3A_1301, %get3A_1302, %get3A_1303] {strides = array<i32>} : memref<2x64x128xf32, #tpu.memory_space<vmem>>, vector<16xf32>,
      %get3A_1305 = arith.constant 0 : i32
      %get3A_1306 = arith.index_cast %get3A_1305 : i32 to index
      %get3A_1307 = arith.index_cast %add3A_1300 : i32 to index
      %get3A_1308 = arith.constant 16 : index
      %get3A_1309 = tpu.vector_load %arg9[%get3A_1306, %get3A_1307, %get3A_1308] {strides = array<i32>} : memref<2x64x128xf32, #tpu.memory_space<vmem>>, vector<16xf32>,
      %get3A_1310 = arith.constant 0 : i32
      %get3A_1311 = arith.index_cast %get3A_1310 : i32 to index
      %get3A_1312 = arith.index_cast %add3A_1300 : i32 to index
      %get3A_1313 = arith.constant 32 : index
      %get3A_1314 = tpu.vector_load %arg9[%get3A_1311, %get3A_1312, %get3A_1313] {strides = array<i32>} : memref<2x64x128xf32, #tpu.memory_space<vmem>>, vector<16xf32>,
      %get3A_1315 = arith.constant 0 : i32
      %get3A_1316 = arith.index_cast %get3A_1315 : i32 to index
      %get3A_1317 = arith.index_cast %add3A_1300 : i32 to index
      %get3A_1318 = arith.constant 48 : index
      %get3A_1319 = tpu.vector_load %arg9[%get3A_1316, %get3A_1317, %get3A_1318] {strides = array<i32>} : memref<2x64x128xf32, #tpu.memory_space<vmem>>, vector<16xf32>,
      %broadcast_in_dim3A = arith.constant 0.000000e+00 : f32
      %broadcast_in_dim3A_1320 = vector.broadcast %broadcast_in_dim3A : f32 to vector<16xf32>
      %add3A_1321 = arith.constant 0 : i32
      %add3A_1322 = arith.addi %add3A_1321, %add3A_1300 : i32
      %get3A_1323 = arith.constant 0 : i32
      %get3A_1324 = arith.index_cast %get3A_1323 : i32 to index
      %get3A_1325 = arith.index_cast %add3A_1322 : i32 to index
      %get3A_1326 = arith.constant 0 : index
      %get3A_1327 = tpu.vector_load %arg10[%get3A_1324, %get3A_1325, %get3A_1326] {strides = array<i32>} : memref<2x320x128xf32, #tpu.memory_space<vmem>>, vector<16xf32>,
      %mul3A_1328 = arith.mulf %get3A_1304, %get3A_1327 : vector<16xf32>
      %get3A_1329 = arith.constant 0 : i32
      %get3A_1330 = arith.index_cast %get3A_1329 : i32 to index
      %get3A_1331 = arith.index_cast %add3A_1322 : i32 to index
      %get3A_1332 = arith.constant 16 : index
      %get3A_1333 = tpu.vector_load %arg10[%get3A_1330, %get3A_1331, %get3A_1332] {strides = array<i32>} : memref<2x320x128xf32, #tpu.memory_space<vmem>>, vector<16xf32>,
      %mul3A_1334 = arith.mulf %get3A_1309, %get3A_1333 : vector<16xf32>
      %add3A_1335 = arith.addf %mul3A_1328, %mul3A_1334 : vector<16xf32>
      %get3A_1336 = arith.constant 0 : i32
      %get3A_1337 = arith.index_cast %get3A_1336 : i32 to index
      %get3A_1338 = arith.index_cast %add3A_1322 : i32 to index
      %get3A_1339 = arith.constant 32 : index
      %get3A_1340 = tpu.vector_load %arg10[%get3A_1337, %get3A_1338, %get3A_1339] {strides = array<i32>} : memref<2x320x128xf32, #tpu.memory_space<vmem>>, vector<16xf32>,
      %mul3A_1341 = arith.mulf %get3A_1314, %get3A_1340 : vector<16xf32>
      %add3A_1342 = arith.addf %add3A_1335, %mul3A_1341 : vector<16xf32>
      %get3A_1343 = arith.constant 0 : i32
      %get3A_1344 = arith.index_cast %get3A_1343 : i32 to index
      %get3A_1345 = arith.index_cast %add3A_1322 : i32 to index
      %get3A_1346 = arith.constant 48 : index
      %get3A_1347 = tpu.vector_load %arg10[%get3A_1344, %get3A_1345, %get3A_1346] {strides = array<i32>} : memref<2x320x128xf32, #tpu.memory_space<vmem>>, vector<16xf32>,
      %mul3A_1348 = arith.mulf %get3A_1319, %get3A_1347 : vector<16xf32>
      %add3A_1349 = arith.addf %add3A_1342, %mul3A_1348 : vector<16xf32>
      %reduce_sum3A = arith.constant true
      %reduce_sum3A_1350 = vector.broadcast %reduce_sum3A : i1 to vector<16xi1>
      %reduce_sum3A_1351 = tpu.scan <sum>, %add3A_1349 masked %reduce_sum3A_1350 : vector<16xf32>, vector<16xi1> -> vector<16xf32>
      %reduce_sum3A_1352 = vector.extract %reduce_sum3A_1351[15] : f32 from vector<16xf32>
      %broadcast_in_dim3A_1353 = vector.broadcast %reduce_sum3A_1352 : f32 to vector<16xf32>
      %select_n3A = arith.select %eq3A_24, %broadcast_in_dim3A_1353, %broadcast_in_dim3A_1320 : vector<16xi1>, vector<16xf32>
      %add3A_1354 = arith.constant 64 : i32
      %add3A_1355 = arith.addi %add3A_1354, %add3A_1300 : i32
      %get3A_1356 = arith.constant 0 : i32
      %get3A_1357 = arith.index_cast %get3A_1356 : i32 to index
      %get3A_1358 = arith.index_cast %add3A_1355 : i32 to index
      %get3A_1359 = arith.constant 0 : index
      %get3A_1360 = tpu.vector_load %arg10[%get3A_1357, %get3A_1358, %get3A_1359] {strides = array<i32>} : memref<2x320x128xf32, #tpu.memory_space<vmem>>, vector<16xf32>,
      %mul3A_1361 = arith.mulf %get3A_1304, %get3A_1360 : vector<16xf32>
      %get3A_1362 = arith.constant 0 : i32
      %get3A_1363 = arith.index_cast %get3A_1362 : i32 to index
      %get3A_1364 = arith.index_cast %add3A_1355 : i32 to index
      %get3A_1365 = arith.constant 16 : index
      %get3A_1366 = tpu.vector_load %arg10[%get3A_1363, %get3A_1364, %get3A_1365] {strides = array<i32>} : memref<2x320x128xf32, #tpu.memory_space<vmem>>, vector<16xf32>,
      %mul3A_1367 = arith.mulf %get3A_1309, %get3A_1366 : vector<16xf32>
      %add3A_1368 = arith.addf %mul3A_1361, %mul3A_1367 : vector<16xf32>
      %get3A_1369 = arith.constant 0 : i32
      %get3A_1370 = arith.index_cast %get3A_1369 : i32 to index
      %get3A_1371 = arith.index_cast %add3A_1355 : i32 to index
      %get3A_1372 = arith.constant 32 : index
      %get3A_1373 = tpu.vector_load %arg10[%get3A_1370, %get3A_1371, %get3A_1372] {strides = array<i32>} : memref<2x320x128xf32, #tpu.memory_space<vmem>>, vector<16xf32>,
      %mul3A_1374 = arith.mulf %get3A_1314, %get3A_1373 : vector<16xf32>
      %add3A_1375 = arith.addf %add3A_1368, %mul3A_1374 : vector<16xf32>
      %get3A_1376 = arith.constant 0 : i32
      %get3A_1377 = arith.index_cast %get3A_1376 : i32 to index
      %get3A_1378 = arith.index_cast %add3A_1355 : i32 to index
      %get3A_1379 = arith.constant 48 : index
      %get3A_1380 = tpu.vector_load %arg10[%get3A_1377, %get3A_1378, %get3A_1379] {strides = array<i32>} : memref<2x320x128xf32, #tpu.memory_space<vmem>>, vector<16xf32>,
      %mul3A_1381 = arith.mulf %get3A_1319, %get3A_1380 : vector<16xf32>
      %add3A_1382 = arith.addf %add3A_1375, %mul3A_1381 : vector<16xf32>
      %reduce_sum3A_1383 = arith.constant true
      %reduce_sum3A_1384 = vector.broadcast %reduce_sum3A_1383 : i1 to vector<16xi1>
      %reduce_sum3A_1385 = tpu.scan <sum>, %add3A_1382 masked %reduce_sum3A_1384 : vector<16xf32>, vector<16xi1> -> vector<16xf32>
      %reduce_sum3A_1386 = vector.extract %reduce_sum3A_1385[15] : f32 from vector<16xf32>
      %broadcast_in_dim3A_1387 = vector.broadcast %reduce_sum3A_1386 : f32 to vector<16xf32>
      %select_n3A_1388 = arith.select %eq3A_27, %broadcast_in_dim3A_1387, %select_n3A : vector<16xi1>, vector<16xf32>
      %add3A_1389 = arith.constant 128 : i32
      %add3A_1390 = arith.addi %add3A_1389, %add3A_1300 : i32
      %get3A_1391 = arith.constant 0 : i32
      %get3A_1392 = arith.index_cast %get3A_1391 : i32 to index
      %get3A_1393 = arith.index_cast %add3A_1390 : i32 to index
      %get3A_1394 = arith.constant 0 : index
      %get3A_1395 = tpu.vector_load %arg10[%get3A_1392, %get3A_1393, %get3A_1394] {strides = array<i32>} : memref<2x320x128xf32, #tpu.memory_space<vmem>>, vector<16xf32>,
      %mul3A_1396 = arith.mulf %get3A_1304, %get3A_1395 : vector<16xf32>
      %get3A_1397 = arith.constant 0 : i32
      %get3A_1398 = arith.index_cast %get3A_1397 : i32 to index
      %get3A_1399 = arith.index_cast %add3A_1390 : i32 to index
      %get3A_1400 = arith.constant 16 : index
      %get3A_1401 = tpu.vector_load %arg10[%get3A_1398, %get3A_1399, %get3A_1400] {strides = array<i32>} : memref<2x320x128xf32, #tpu.memory_space<vmem>>, vector<16xf32>,
      %mul3A_1402 = arith.mulf %get3A_1309, %get3A_1401 : vector<16xf32>
      %add3A_1403 = arith.addf %mul3A_1396, %mul3A_1402 : vector<16xf32>
      %get3A_1404 = arith.constant 0 : i32
      %get3A_1405 = arith.index_cast %get3A_1404 : i32 to index
      %get3A_1406 = arith.index_cast %add3A_1390 : i32 to index
      %get3A_1407 = arith.constant 32 : index
      %get3A_1408 = tpu.vector_load %arg10[%get3A_1405, %get3A_1406, %get3A_1407] {strides = array<i32>} : memref<2x320x128xf32, #tpu.memory_space<vmem>>, vector<16xf32>,
      %mul3A_1409 = arith.mulf %get3A_1314, %get3A_1408 : vector<16xf32>
      %add3A_1410 = arith.addf %add3A_1403, %mul3A_1409 : vector<16xf32>
      %get3A_1411 = arith.constant 0 : i32
      %get3A_1412 = arith.index_cast %get3A_1411 : i32 to index
      %get3A_1413 = arith.index_cast %add3A_1390 : i32 to index
      %get3A_1414 = arith.constant 48 : index
      %get3A_1415 = tpu.vector_load %arg10[%get3A_1412, %get3A_1413, %get3A_1414] {strides = array<i32>} : memref<2x320x128xf32, #tpu.memory_space<vmem>>, vector<16xf32>,
      %mul3A_1416 = arith.mulf %get3A_1319, %get3A_1415 : vector<16xf32>
      %add3A_1417 = arith.addf %add3A_1410, %mul3A_1416 : vector<16xf32>
      %reduce_sum3A_1418 = arith.constant true
      %reduce_sum3A_1419 = vector.broadcast %reduce_sum3A_1418 : i1 to vector<16xi1>
      %reduce_sum3A_1420 = tpu.scan <sum>, %add3A_1417 masked %reduce_sum3A_1419 : vector<16xf32>, vector<16xi1> -> vector<16xf32>
      %reduce_sum3A_1421 = vector.extract %reduce_sum3A_1420[15] : f32 from vector<16xf32>
      %broadcast_in_dim3A_1422 = vector.broadcast %reduce_sum3A_1421 : f32 to vector<16xf32>
      %select_n3A_1423 = arith.select %eq3A_30, %broadcast_in_dim3A_1422, %select_n3A_1388 : vector<16xi1>, vector<16xf32>
      %add3A_1424 = arith.constant 192 : i32
      %add3A_1425 = arith.addi %add3A_1424, %add3A_1300 : i32
      %get3A_1426 = arith.constant 0 : i32
      %get3A_1427 = arith.index_cast %get3A_1426 : i32 to index
      %get3A_1428 = arith.index_cast %add3A_1425 : i32 to index
      %get3A_1429 = arith.constant 0 : index
      %get3A_1430 = tpu.vector_load %arg10[%get3A_1427, %get3A_1428, %get3A_1429] {strides = array<i32>} : memref<2x320x128xf32, #tpu.memory_space<vmem>>, vector<16xf32>,
      %mul3A_1431 = arith.mulf %get3A_1304, %get3A_1430 : vector<16xf32>
      %get3A_1432 = arith.constant 0 : i32
      %get3A_1433 = arith.index_cast %get3A_1432 : i32 to index
      %get3A_1434 = arith.index_cast %add3A_1425 : i32 to index
      %get3A_1435 = arith.constant 16 : index
      %get3A_1436 = tpu.vector_load %arg10[%get3A_1433, %get3A_1434, %get3A_1435] {strides = array<i32>} : memref<2x320x128xf32, #tpu.memory_space<vmem>>, vector<16xf32>,
      %mul3A_1437 = arith.mulf %get3A_1309, %get3A_1436 : vector<16xf32>
      %add3A_1438 = arith.addf %mul3A_1431, %mul3A_1437 : vector<16xf32>
      %get3A_1439 = arith.constant 0 : i32
      %get3A_1440 = arith.index_cast %get3A_1439 : i32 to index
      %get3A_1441 = arith.index_cast %add3A_1425 : i32 to index
      %get3A_1442 = arith.constant 32 : index
      %get3A_1443 = tpu.vector_load %arg10[%get3A_1440, %get3A_1441, %get3A_1442] {strides = array<i32>} : memref<2x320x128xf32, #tpu.memory_space<vmem>>, vector<16xf32>,
      %mul3A_1444 = arith.mulf %get3A_1314, %get3A_1443 : vector<16xf32>
      %add3A_1445 = arith.addf %add3A_1438, %mul3A_1444 : vector<16xf32>
      %get3A_1446 = arith.constant 0 : i32
      %get3A_1447 = arith.index_cast %get3A_1446 : i32 to index
      %get3A_1448 = arith.index_cast %add3A_1425 : i32 to index
      %get3A_1449 = arith.constant 48 : index
      %get3A_1450 = tpu.vector_load %arg10[%get3A_1447, %get3A_1448, %get3A_1449] {strides = array<i32>} : memref<2x320x128xf32, #tpu.memory_space<vmem>>, vector<16xf32>,
      %mul3A_1451 = arith.mulf %get3A_1319, %get3A_1450 : vector<16xf32>
      %add3A_1452 = arith.addf %add3A_1445, %mul3A_1451 : vector<16xf32>
      %reduce_sum3A_1453 = arith.constant true
      %reduce_sum3A_1454 = vector.broadcast %reduce_sum3A_1453 : i1 to vector<16xi1>
      %reduce_sum3A_1455 = tpu.scan <sum>, %add3A_1452 masked %reduce_sum3A_1454 : vector<16xf32>, vector<16xi1> -> vector<16xf32>
      %reduce_sum3A_1456 = vector.extract %reduce_sum3A_1455[15] : f32 from vector<16xf32>
      %broadcast_in_dim3A_1457 = vector.broadcast %reduce_sum3A_1456 : f32 to vector<16xf32>
      %select_n3A_1458 = arith.select %eq3A_33, %broadcast_in_dim3A_1457, %select_n3A_1423 : vector<16xi1>, vector<16xf32>
      %add3A_1459 = arith.constant 256 : i32
      %add3A_1460 = arith.addi %add3A_1459, %add3A_1300 : i32
      %get3A_1461 = arith.constant 0 : i32
      %get3A_1462 = arith.index_cast %get3A_1461 : i32 to index
      %get3A_1463 = arith.index_cast %add3A_1460 : i32 to index
      %get3A_1464 = arith.constant 0 : index
      %get3A_1465 = tpu.vector_load %arg10[%get3A_1462, %get3A_1463, %get3A_1464] {strides = array<i32>} : memref<2x320x128xf32, #tpu.memory_space<vmem>>, vector<16xf32>,
      %mul3A_1466 = arith.mulf %get3A_1304, %get3A_1465 : vector<16xf32>
      %get3A_1467 = arith.constant 0 : i32
      %get3A_1468 = arith.index_cast %get3A_1467 : i32 to index
      %get3A_1469 = arith.index_cast %add3A_1460 : i32 to index
      %get3A_1470 = arith.constant 16 : index
      %get3A_1471 = tpu.vector_load %arg10[%get3A_1468, %get3A_1469, %get3A_1470] {strides = array<i32>} : memref<2x320x128xf32, #tpu.memory_space<vmem>>, vector<16xf32>,
      %mul3A_1472 = arith.mulf %get3A_1309, %get3A_1471 : vector<16xf32>
      %add3A_1473 = arith.addf %mul3A_1466, %mul3A_1472 : vector<16xf32>
      %get3A_1474 = arith.constant 0 : i32
      %get3A_1475 = arith.index_cast %get3A_1474 : i32 to index
      %get3A_1476 = arith.index_cast %add3A_1460 : i32 to index
      %get3A_1477 = arith.constant 32 : index
      %get3A_1478 = tpu.vector_load %arg10[%get3A_1475, %get3A_1476, %get3A_1477] {strides = array<i32>} : memref<2x320x128xf32, #tpu.memory_space<vmem>>, vector<16xf32>,
      %mul3A_1479 = arith.mulf %get3A_1314, %get3A_1478 : vector<16xf32>
      %add3A_1480 = arith.addf %add3A_1473, %mul3A_1479 : vector<16xf32>
      %get3A_1481 = arith.constant 0 : i32
      %get3A_1482 = arith.index_cast %get3A_1481 : i32 to index
      %get3A_1483 = arith.index_cast %add3A_1460 : i32 to index
      %get3A_1484 = arith.constant 48 : index
      %get3A_1485 = tpu.vector_load %arg10[%get3A_1482, %get3A_1483, %get3A_1484] {strides = array<i32>} : memref<2x320x128xf32, #tpu.memory_space<vmem>>, vector<16xf32>,
      %mul3A_1486 = arith.mulf %get3A_1319, %get3A_1485 : vector<16xf32>
      %add3A_1487 = arith.addf %add3A_1480, %mul3A_1486 : vector<16xf32>
      %reduce_sum3A_1488 = arith.constant true
      %reduce_sum3A_1489 = vector.broadcast %reduce_sum3A_1488 : i1 to vector<16xi1>
      %reduce_sum3A_1490 = tpu.scan <sum>, %add3A_1487 masked %reduce_sum3A_1489 : vector<16xf32>, vector<16xi1> -> vector<16xf32>
      %reduce_sum3A_1491 = vector.extract %reduce_sum3A_1490[15] : f32 from vector<16xf32>
      %broadcast_in_dim3A_1492 = vector.broadcast %reduce_sum3A_1491 : f32 to vector<16xf32>
      %select_n3A_1493 = arith.select %eq3A_36, %broadcast_in_dim3A_1492, %select_n3A_1458 : vector<16xi1>, vector<16xf32>
      %mul3A_1494 = arith.constant 512 : i32
      %mul3A_1495 = vector.broadcast %mul3A_1494 : i32 to vector<16xi32>
      %mul3A_1496 = arith.muli %iota3A, %mul3A_1495 : vector<16xi32>
      %add3A_1497 = arith.constant 256 : i32
      %add3A_1498 = arith.addi %add3A_1497, %add3A_1300 : i32
      %add3A_1499 = vector.broadcast %add3A_1498 : i32 to vector<16xi32>
      %add3A_1500 = arith.addi %mul3A_1496, %add3A_1499 : vector<16xi32>
      tpu.vector_store_idx %arg11[%add3A_1500], %select_n3A_1493 masked %lt3A_38 : memref<2560xf32, #tpu.memory_space<vmem>>[vector<16xi32>], vector<16xf32>, vector<16xi1>
    }
    %scan3A_885 = arith.constant 64 : i32
    %dma_start3A_886 = arith.constant 0 : i32
    %dma_start3A_887 = arith.constant 0 : i32
    %dma_start3A_888 = arith.constant 0 : i32
    %dma_start3A_889 = tpu.memref_slice %arg9[%dma_start3A_886, %dma_start3A_887, %dma_start3A_888] : memref<2x64x128xf32, #tpu.memory_space<vmem>> -> memref<1x64x128xf32, #tpu.memory_space<vmem>>
    %dma_start3A_890 = tpu.memref_squeeze %dma_start3A_889 : memref<1x64x128xf32, #tpu.memory_space<vmem>> -> memref<64x128xf32, #tpu.memory_space<vmem>>
    %dma_start3A_891 = arith.constant 384 : i32
    %dma_start3A_892 = tpu.memref_slice %arg7[%dma_start3A_891] : memref<512xi32, #tpu.memory_space<vmem>> -> memref<64xi32, #tpu.memory_space<vmem>>
    %dma_start3A_893 = arith.constant 0 : i32
    %dma_start3A_894 = arith.constant 0 : i32
    %dma_start3A_895 = tpu.memref_slice %arg2[%dma_start3A_893, %dma_start3A_894] : memref<100000x128xf32, #tpu.memory_space<hbm>> -> memref<100000x128xf32, #tpu.memory_space<hbm>>
    tpu.enqueue_indirect_dma source(%dma_start3A_895 : memref<100000x128xf32, #tpu.memory_space<hbm>>) target(%dma_start3A_890 : memref<64x128xf32, #tpu.memory_space<vmem>>) offsets(%dma_start3A_892 : memref<64xi32, #tpu.memory_space<vmem>>) semaphore(%arg12 : memref<!tpu.dma_semaphore, #tpu.memory_space<semaphore_mem>>)
    %dma_start3A_896 = arith.constant 0 : i32
    %dma_start3A_897 = arith.constant 0 : i32
    %dma_start3A_898 = arith.constant 0 : i32
    %dma_start3A_899 = tpu.memref_slice %arg10[%dma_start3A_896, %dma_start3A_897, %dma_start3A_898] : memref<2x320x128xf32, #tpu.memory_space<vmem>> -> memref<1x320x128xf32, #tpu.memory_space<vmem>>
    %dma_start3A_900 = tpu.memref_squeeze %dma_start3A_899 : memref<1x320x128xf32, #tpu.memory_space<vmem>> -> memref<320x128xf32, #tpu.memory_space<vmem>>
    %dma_start3A_901 = arith.constant 0 : i32
    %dma_start3A_902 = arith.constant 0 : i32
    %dma_start3A_903 = tpu.memref_slice %dma_start3A_900[%dma_start3A_901, %dma_start3A_902] : memref<320x128xf32, #tpu.memory_space<vmem>> -> memref<64x128xf32, #tpu.memory_space<vmem>>
    %dma_start3A_904 = arith.constant 384 : i32
    %dma_start3A_905 = tpu.memref_slice %arg8[%dma_start3A_904] : memref<2560xi32, #tpu.memory_space<vmem>> -> memref<64xi32, #tpu.memory_space<vmem>>
    %dma_start3A_906 = arith.constant 0 : i32
    %dma_start3A_907 = arith.constant 0 : i32
    %dma_start3A_908 = tpu.memref_slice %arg3[%dma_start3A_906, %dma_start3A_907] : memref<100000x128xf32, #tpu.memory_space<hbm>> -> memref<100000x128xf32, #tpu.memory_space<hbm>>
    tpu.enqueue_indirect_dma source(%dma_start3A_908 : memref<100000x128xf32, #tpu.memory_space<hbm>>) target(%dma_start3A_903 : memref<64x128xf32, #tpu.memory_space<vmem>>) offsets(%dma_start3A_905 : memref<64xi32, #tpu.memory_space<vmem>>) semaphore(%arg12 : memref<!tpu.dma_semaphore, #tpu.memory_space<semaphore_mem>>)
    %dma_start3A_909 = arith.constant 0 : i32
    %dma_start3A_910 = arith.constant 0 : i32
    %dma_start3A_911 = arith.constant 0 : i32
    %dma_start3A_912 = tpu.memref_slice %arg10[%dma_start3A_909, %dma_start3A_910, %dma_start3A_911] : memref<2x320x128xf32, #tpu.memory_space<vmem>> -> memref<1x320x128xf32, #tpu.memory_space<vmem>>
    %dma_start3A_913 = tpu.memref_squeeze %dma_start3A_912 : memref<1x320x128xf32, #tpu.memory_space<vmem>> -> memref<320x128xf32, #tpu.memory_space<vmem>>
    %dma_start3A_914 = arith.constant 64 : i32
    %dma_start3A_915 = arith.constant 0 : i32
    %dma_start3A_916 = tpu.memref_slice %dma_start3A_913[%dma_start3A_914, %dma_start3A_915] : memref<320x128xf32, #tpu.memory_space<vmem>> -> memref<64x128xf32, #tpu.memory_space<vmem>>
    %dma_start3A_917 = arith.constant 896 : i32
    %dma_start3A_918 = tpu.memref_slice %arg8[%dma_start3A_917] : memref<2560xi32, #tpu.memory_space<vmem>> -> memref<64xi32, #tpu.memory_space<vmem>>
    %dma_start3A_919 = arith.constant 0 : i32
    %dma_start3A_920 = arith.constant 0 : i32
    %dma_start3A_921 = tpu.memref_slice %arg3[%dma_start3A_919, %dma_start3A_920] : memref<100000x128xf32, #tpu.memory_space<hbm>> -> memref<100000x128xf32, #tpu.memory_space<hbm>>
    tpu.enqueue_indirect_dma source(%dma_start3A_921 : memref<100000x128xf32, #tpu.memory_space<hbm>>) target(%dma_start3A_916 : memref<64x128xf32, #tpu.memory_space<vmem>>) offsets(%dma_start3A_918 : memref<64xi32, #tpu.memory_space<vmem>>) semaphore(%arg12 : memref<!tpu.dma_semaphore, #tpu.memory_space<semaphore_mem>>)
    %dma_start3A_922 = arith.constant 0 : i32
    %dma_start3A_923 = arith.constant 0 : i32
    %dma_start3A_924 = arith.constant 0 : i32
    %dma_start3A_925 = tpu.memref_slice %arg10[%dma_start3A_922, %dma_start3A_923, %dma_start3A_924] : memref<2x320x128xf32, #tpu.memory_space<vmem>> -> memref<1x320x128xf32, #tpu.memory_space<vmem>>
    %dma_start3A_926 = tpu.memref_squeeze %dma_start3A_925 : memref<1x320x128xf32, #tpu.memory_space<vmem>> -> memref<320x128xf32, #tpu.memory_space<vmem>>
    %dma_start3A_927 = arith.constant 128 : i32
    %dma_start3A_928 = arith.constant 0 : i32
    %dma_start3A_929 = tpu.memref_slice %dma_start3A_926[%dma_start3A_927, %dma_start3A_928] : memref<320x128xf32, #tpu.memory_space<vmem>> -> memref<64x128xf32, #tpu.memory_space<vmem>>
    %dma_start3A_930 = arith.constant 1408 : i32
    %dma_start3A_931 = tpu.memref_slice %arg8[%dma_start3A_930] : memref<2560xi32, #tpu.memory_space<vmem>> -> memref<64xi32, #tpu.memory_space<vmem>>
    %dma_start3A_932 = arith.constant 0 : i32
    %dma_start3A_933 = arith.constant 0 : i32
    %dma_start3A_934 = tpu.memref_slice %arg3[%dma_start3A_932, %dma_start3A_933] : memref<100000x128xf32, #tpu.memory_space<hbm>> -> memref<100000x128xf32, #tpu.memory_space<hbm>>
    tpu.enqueue_indirect_dma source(%dma_start3A_934 : memref<100000x128xf32, #tpu.memory_space<hbm>>) target(%dma_start3A_929 : memref<64x128xf32, #tpu.memory_space<vmem>>) offsets(%dma_start3A_931 : memref<64xi32, #tpu.memory_space<vmem>>) semaphore(%arg12 : memref<!tpu.dma_semaphore, #tpu.memory_space<semaphore_mem>>)
    %dma_start3A_935 = arith.constant 0 : i32
    %dma_start3A_936 = arith.constant 0 : i32
    %dma_start3A_937 = arith.constant 0 : i32
    %dma_start3A_938 = tpu.memref_slice %arg10[%dma_start3A_935, %dma_start3A_936, %dma_start3A_937] : memref<2x320x128xf32, #tpu.memory_space<vmem>> -> memref<1x320x128xf32, #tpu.memory_space<vmem>>
    %dma_start3A_939 = tpu.memref_squeeze %dma_start3A_938 : memref<1x320x128xf32, #tpu.memory_space<vmem>> -> memref<320x128xf32, #tpu.memory_space<vmem>>
    %dma_start3A_940 = arith.constant 192 : i32
    %dma_start3A_941 = arith.constant 0 : i32
    %dma_start3A_942 = tpu.memref_slice %dma_start3A_939[%dma_start3A_940, %dma_start3A_941] : memref<320x128xf32, #tpu.memory_space<vmem>> -> memref<64x128xf32, #tpu.memory_space<vmem>>
    %dma_start3A_943 = arith.constant 1920 : i32
    %dma_start3A_944 = tpu.memref_slice %arg8[%dma_start3A_943] : memref<2560xi32, #tpu.memory_space<vmem>> -> memref<64xi32, #tpu.memory_space<vmem>>
    %dma_start3A_945 = arith.constant 0 : i32
    %dma_start3A_946 = arith.constant 0 : i32
    %dma_start3A_947 = tpu.memref_slice %arg3[%dma_start3A_945, %dma_start3A_946] : memref<100000x128xf32, #tpu.memory_space<hbm>> -> memref<100000x128xf32, #tpu.memory_space<hbm>>
    tpu.enqueue_indirect_dma source(%dma_start3A_947 : memref<100000x128xf32, #tpu.memory_space<hbm>>) target(%dma_start3A_942 : memref<64x128xf32, #tpu.memory_space<vmem>>) offsets(%dma_start3A_944 : memref<64xi32, #tpu.memory_space<vmem>>) semaphore(%arg12 : memref<!tpu.dma_semaphore, #tpu.memory_space<semaphore_mem>>)
    %dma_start3A_948 = arith.constant 0 : i32
    %dma_start3A_949 = arith.constant 0 : i32
    %dma_start3A_950 = arith.constant 0 : i32
    %dma_start3A_951 = tpu.memref_slice %arg10[%dma_start3A_948, %dma_start3A_949, %dma_start3A_950] : memref<2x320x128xf32, #tpu.memory_space<vmem>> -> memref<1x320x128xf32, #tpu.memory_space<vmem>>
    %dma_start3A_952 = tpu.memref_squeeze %dma_start3A_951 : memref<1x320x128xf32, #tpu.memory_space<vmem>> -> memref<320x128xf32, #tpu.memory_space<vmem>>
    %dma_start3A_953 = arith.constant 256 : i32
    %dma_start3A_954 = arith.constant 0 : i32
    %dma_start3A_955 = tpu.memref_slice %dma_start3A_952[%dma_start3A_953, %dma_start3A_954] : memref<320x128xf32, #tpu.memory_space<vmem>> -> memref<64x128xf32, #tpu.memory_space<vmem>>
    %dma_start3A_956 = arith.constant 2432 : i32
    %dma_start3A_957 = tpu.memref_slice %arg8[%dma_start3A_956] : memref<2560xi32, #tpu.memory_space<vmem>> -> memref<64xi32, #tpu.memory_space<vmem>>
    %dma_start3A_958 = arith.constant 0 : i32
    %dma_start3A_959 = arith.constant 0 : i32
    %dma_start3A_960 = tpu.memref_slice %arg3[%dma_start3A_958, %dma_start3A_959] : memref<100000x128xf32, #tpu.memory_space<hbm>> -> memref<100000x128xf32, #tpu.memory_space<hbm>>
    tpu.enqueue_indirect_dma source(%dma_start3A_960 : memref<100000x128xf32, #tpu.memory_space<hbm>>) target(%dma_start3A_955 : memref<64x128xf32, #tpu.memory_space<vmem>>) offsets(%dma_start3A_957 : memref<64xi32, #tpu.memory_space<vmem>>) semaphore(%arg12 : memref<!tpu.dma_semaphore, #tpu.memory_space<semaphore_mem>>)
    %dma_wait3A_961 = arith.constant 1 : i32
    %dma_wait3A_962 = arith.constant 0 : i32
    %dma_wait3A_963 = arith.constant 0 : i32
    %dma_wait3A_964 = tpu.memref_slice %arg9[%dma_wait3A_961, %dma_wait3A_962, %dma_wait3A_963] : memref<2x64x128xf32, #tpu.memory_space<vmem>> -> memref<1x64x128xf32, #tpu.memory_space<vmem>>
    %dma_wait3A_965 = tpu.memref_squeeze %dma_wait3A_964 : memref<1x64x128xf32, #tpu.memory_space<vmem>> -> memref<64x128xf32, #tpu.memory_space<vmem>>
    %dma_wait3A_966 = arith.constant 320 : i32
    %dma_wait3A_967 = tpu.memref_slice %arg7[%dma_wait3A_966] : memref<512xi32, #tpu.memory_space<vmem>> -> memref<64xi32, #tpu.memory_space<vmem>>
    %dma_wait3A_968 = arith.constant 0 : i32
    %dma_wait3A_969 = arith.constant 0 : i32
    %dma_wait3A_970 = tpu.memref_slice %arg2[%dma_wait3A_968, %dma_wait3A_969] : memref<100000x128xf32, #tpu.memory_space<hbm>> -> memref<100000x128xf32, #tpu.memory_space<hbm>>
    tpu.wait_indirect_dma semaphore(%arg13 : memref<!tpu.dma_semaphore, #tpu.memory_space<semaphore_mem>>) src(%dma_wait3A_970 : memref<100000x128xf32, #tpu.memory_space<hbm>>) dst(%dma_wait3A_965 : memref<64x128xf32, #tpu.memory_space<vmem>>)
    %dma_wait3A_971 = arith.constant 1 : i32
    %dma_wait3A_972 = arith.constant 0 : i32
    %dma_wait3A_973 = arith.constant 0 : i32
    %dma_wait3A_974 = tpu.memref_slice %arg10[%dma_wait3A_971, %dma_wait3A_972, %dma_wait3A_973] : memref<2x320x128xf32, #tpu.memory_space<vmem>> -> memref<1x320x128xf32, #tpu.memory_space<vmem>>
    %dma_wait3A_975 = tpu.memref_squeeze %dma_wait3A_974 : memref<1x320x128xf32, #tpu.memory_space<vmem>> -> memref<320x128xf32, #tpu.memory_space<vmem>>
    %dma_wait3A_976 = arith.constant 0 : i32
    %dma_wait3A_977 = arith.constant 0 : i32
    %dma_wait3A_978 = tpu.memref_slice %dma_wait3A_975[%dma_wait3A_976, %dma_wait3A_977] : memref<320x128xf32, #tpu.memory_space<vmem>> -> memref<64x128xf32, #tpu.memory_space<vmem>>
    %dma_wait3A_979 = arith.constant 320 : i32
    %dma_wait3A_980 = tpu.memref_slice %arg8[%dma_wait3A_979] : memref<2560xi32, #tpu.memory_space<vmem>> -> memref<64xi32, #tpu.memory_space<vmem>>
    %dma_wait3A_981 = arith.constant 0 : i32
    %dma_wait3A_982 = arith.constant 0 : i32
    %dma_wait3A_983 = tpu.memref_slice %arg3[%dma_wait3A_981, %dma_wait3A_982] : memref<100000x128xf32, #tpu.memory_space<hbm>> -> memref<100000x128xf32, #tpu.memory_space<hbm>>
    tpu.wait_indirect_dma semaphore(%arg13 : memref<!tpu.dma_semaphore, #tpu.memory_space<semaphore_mem>>) src(%dma_wait3A_983 : memref<100000x128xf32, #tpu.memory_space<hbm>>) dst(%dma_wait3A_978 : memref<64x128xf32, #tpu.memory_space<vmem>>)
    %dma_wait3A_984 = arith.constant 1 : i32
    %dma_wait3A_985 = arith.constant 0 : i32
    %dma_wait3A_986 = arith.constant 0 : i32
    %dma_wait3A_987 = tpu.memref_slice %arg10[%dma_wait3A_984, %dma_wait3A_985, %dma_wait3A_986] : memref<2x320x128xf32, #tpu.memory_space<vmem>> -> memref<1x320x128xf32, #tpu.memory_space<vmem>>
    %dma_wait3A_988 = tpu.memref_squeeze %dma_wait3A_987 : memref<1x320x128xf32, #tpu.memory_space<vmem>> -> memref<320x128xf32, #tpu.memory_space<vmem>>
    %dma_wait3A_989 = arith.constant 64 : i32
    %dma_wait3A_990 = arith.constant 0 : i32
    %dma_wait3A_991 = tpu.memref_slice %dma_wait3A_988[%dma_wait3A_989, %dma_wait3A_990] : memref<320x128xf32, #tpu.memory_space<vmem>> -> memref<64x128xf32, #tpu.memory_space<vmem>>
    %dma_wait3A_992 = arith.constant 832 : i32
    %dma_wait3A_993 = tpu.memref_slice %arg8[%dma_wait3A_992] : memref<2560xi32, #tpu.memory_space<vmem>> -> memref<64xi32, #tpu.memory_space<vmem>>
    %dma_wait3A_994 = arith.constant 0 : i32
    %dma_wait3A_995 = arith.constant 0 : i32
    %dma_wait3A_996 = tpu.memref_slice %arg3[%dma_wait3A_994, %dma_wait3A_995] : memref<100000x128xf32, #tpu.memory_space<hbm>> -> memref<100000x128xf32, #tpu.memory_space<hbm>>
    tpu.wait_indirect_dma semaphore(%arg13 : memref<!tpu.dma_semaphore, #tpu.memory_space<semaphore_mem>>) src(%dma_wait3A_996 : memref<100000x128xf32, #tpu.memory_space<hbm>>) dst(%dma_wait3A_991 : memref<64x128xf32, #tpu.memory_space<vmem>>)
    %dma_wait3A_997 = arith.constant 1 : i32
    %dma_wait3A_998 = arith.constant 0 : i32
    %dma_wait3A_999 = arith.constant 0 : i32
    %dma_wait3A_1000 = tpu.memref_slice %arg10[%dma_wait3A_997, %dma_wait3A_998, %dma_wait3A_999] : memref<2x320x128xf32, #tpu.memory_space<vmem>> -> memref<1x320x128xf32, #tpu.memory_space<vmem>>
    %dma_wait3A_1001 = tpu.memref_squeeze %dma_wait3A_1000 : memref<1x320x128xf32, #tpu.memory_space<vmem>> -> memref<320x128xf32, #tpu.memory_space<vmem>>
    %dma_wait3A_1002 = arith.constant 128 : i32
    %dma_wait3A_1003 = arith.constant 0 : i32
    %dma_wait3A_1004 = tpu.memref_slice %dma_wait3A_1001[%dma_wait3A_1002, %dma_wait3A_1003] : memref<320x128xf32, #tpu.memory_space<vmem>> -> memref<64x128xf32, #tpu.memory_space<vmem>>
    %dma_wait3A_1005 = arith.constant 1344 : i32
    %dma_wait3A_1006 = tpu.memref_slice %arg8[%dma_wait3A_1005] : memref<2560xi32, #tpu.memory_space<vmem>> -> memref<64xi32, #tpu.memory_space<vmem>>
    %dma_wait3A_1007 = arith.constant 0 : i32
    %dma_wait3A_1008 = arith.constant 0 : i32
    %dma_wait3A_1009 = tpu.memref_slice %arg3[%dma_wait3A_1007, %dma_wait3A_1008] : memref<100000x128xf32, #tpu.memory_space<hbm>> -> memref<100000x128xf32, #tpu.memory_space<hbm>>
    tpu.wait_indirect_dma semaphore(%arg13 : memref<!tpu.dma_semaphore, #tpu.memory_space<semaphore_mem>>) src(%dma_wait3A_1009 : memref<100000x128xf32, #tpu.memory_space<hbm>>) dst(%dma_wait3A_1004 : memref<64x128xf32, #tpu.memory_space<vmem>>)
    %dma_wait3A_1010 = arith.constant 1 : i32
    %dma_wait3A_1011 = arith.constant 0 : i32
    %dma_wait3A_1012 = arith.constant 0 : i32
    %dma_wait3A_1013 = tpu.memref_slice %arg10[%dma_wait3A_1010, %dma_wait3A_1011, %dma_wait3A_1012] : memref<2x320x128xf32, #tpu.memory_space<vmem>> -> memref<1x320x128xf32, #tpu.memory_space<vmem>>
    %dma_wait3A_1014 = tpu.memref_squeeze %dma_wait3A_1013 : memref<1x320x128xf32, #tpu.memory_space<vmem>> -> memref<320x128xf32, #tpu.memory_space<vmem>>
    %dma_wait3A_1015 = arith.constant 192 : i32
    %dma_wait3A_1016 = arith.constant 0 : i32
    %dma_wait3A_1017 = tpu.memref_slice %dma_wait3A_1014[%dma_wait3A_1015, %dma_wait3A_1016] : memref<320x128xf32, #tpu.memory_space<vmem>> -> memref<64x128xf32, #tpu.memory_space<vmem>>
    %dma_wait3A_1018 = arith.constant 1856 : i32
    %dma_wait3A_1019 = tpu.memref_slice %arg8[%dma_wait3A_1018] : memref<2560xi32, #tpu.memory_space<vmem>> -> memref<64xi32, #tpu.memory_space<vmem>>
    %dma_wait3A_1020 = arith.constant 0 : i32
    %dma_wait3A_1021 = arith.constant 0 : i32
    %dma_wait3A_1022 = tpu.memref_slice %arg3[%dma_wait3A_1020, %dma_wait3A_1021] : memref<100000x128xf32, #tpu.memory_space<hbm>> -> memref<100000x128xf32, #tpu.memory_space<hbm>>
    tpu.wait_indirect_dma semaphore(%arg13 : memref<!tpu.dma_semaphore, #tpu.memory_space<semaphore_mem>>) src(%dma_wait3A_1022 : memref<100000x128xf32, #tpu.memory_space<hbm>>) dst(%dma_wait3A_1017 : memref<64x128xf32, #tpu.memory_space<vmem>>)
    %dma_wait3A_1023 = arith.constant 1 : i32
    %dma_wait3A_1024 = arith.constant 0 : i32
    %dma_wait3A_1025 = arith.constant 0 : i32
    %dma_wait3A_1026 = tpu.memref_slice %arg10[%dma_wait3A_1023, %dma_wait3A_1024, %dma_wait3A_1025] : memref<2x320x128xf32, #tpu.memory_space<vmem>> -> memref<1x320x128xf32, #tpu.memory_space<vmem>>
    %dma_wait3A_1027 = tpu.memref_squeeze %dma_wait3A_1026 : memref<1x320x128xf32, #tpu.memory_space<vmem>> -> memref<320x128xf32, #tpu.memory_space<vmem>>
    %dma_wait3A_1028 = arith.constant 256 : i32
    %dma_wait3A_1029 = arith.constant 0 : i32
    %dma_wait3A_1030 = tpu.memref_slice %dma_wait3A_1027[%dma_wait3A_1028, %dma_wait3A_1029] : memref<320x128xf32, #tpu.memory_space<vmem>> -> memref<64x128xf32, #tpu.memory_space<vmem>>
    %dma_wait3A_1031 = arith.constant 2368 : i32
    %dma_wait3A_1032 = tpu.memref_slice %arg8[%dma_wait3A_1031] : memref<2560xi32, #tpu.memory_space<vmem>> -> memref<64xi32, #tpu.memory_space<vmem>>
    %dma_wait3A_1033 = arith.constant 0 : i32
    %dma_wait3A_1034 = arith.constant 0 : i32
    %dma_wait3A_1035 = tpu.memref_slice %arg3[%dma_wait3A_1033, %dma_wait3A_1034] : memref<100000x128xf32, #tpu.memory_space<hbm>> -> memref<100000x128xf32, #tpu.memory_space<hbm>>
    tpu.wait_indirect_dma semaphore(%arg13 : memref<!tpu.dma_semaphore, #tpu.memory_space<semaphore_mem>>) src(%dma_wait3A_1035 : memref<100000x128xf32, #tpu.memory_space<hbm>>) dst(%dma_wait3A_1030 : memref<64x128xf32, #tpu.memory_space<vmem>>)
    %scan3A_1036 = arith.constant 0 : i32
    %scan3A_1037 = arith.constant 64 : i32
    %scan3A_1038 = arith.addi %scan3A_1036, %scan3A_1037 : i32
    %scan3A_1039 = arith.constant 1 : i32
    scf.for %scan3A_1296 = %scan3A_1036 to %scan3A_1038 step %scan3A_1039  : i32 {
      %mul3A_1297 = arith.constant 1 : i32
      %mul3A_1298 = arith.muli %scan3A_1296, %mul3A_1297 : i32
      %add3A_1299 = arith.constant 0 : i32
      %add3A_1300 = arith.addi %add3A_1299, %mul3A_1298 : i32
      %get3A = arith.constant 1 : i32
      %get3A_1301 = arith.index_cast %get3A : i32 to index
      %get3A_1302 = arith.index_cast %add3A_1300 : i32 to index
      %get3A_1303 = arith.constant 0 : index
      %get3A_1304 = tpu.vector_load %arg9[%get3A_1301, %get3A_1302, %get3A_1303] {strides = array<i32>} : memref<2x64x128xf32, #tpu.memory_space<vmem>>, vector<16xf32>,
      %get3A_1305 = arith.constant 1 : i32
      %get3A_1306 = arith.index_cast %get3A_1305 : i32 to index
      %get3A_1307 = arith.index_cast %add3A_1300 : i32 to index
      %get3A_1308 = arith.constant 16 : index
      %get3A_1309 = tpu.vector_load %arg9[%get3A_1306, %get3A_1307, %get3A_1308] {strides = array<i32>} : memref<2x64x128xf32, #tpu.memory_space<vmem>>, vector<16xf32>,
      %get3A_1310 = arith.constant 1 : i32
      %get3A_1311 = arith.index_cast %get3A_1310 : i32 to index
      %get3A_1312 = arith.index_cast %add3A_1300 : i32 to index
      %get3A_1313 = arith.constant 32 : index
      %get3A_1314 = tpu.vector_load %arg9[%get3A_1311, %get3A_1312, %get3A_1313] {strides = array<i32>} : memref<2x64x128xf32, #tpu.memory_space<vmem>>, vector<16xf32>,
      %get3A_1315 = arith.constant 1 : i32
      %get3A_1316 = arith.index_cast %get3A_1315 : i32 to index
      %get3A_1317 = arith.index_cast %add3A_1300 : i32 to index
      %get3A_1318 = arith.constant 48 : index
      %get3A_1319 = tpu.vector_load %arg9[%get3A_1316, %get3A_1317, %get3A_1318] {strides = array<i32>} : memref<2x64x128xf32, #tpu.memory_space<vmem>>, vector<16xf32>,
      %broadcast_in_dim3A = arith.constant 0.000000e+00 : f32
      %broadcast_in_dim3A_1320 = vector.broadcast %broadcast_in_dim3A : f32 to vector<16xf32>
      %add3A_1321 = arith.constant 0 : i32
      %add3A_1322 = arith.addi %add3A_1321, %add3A_1300 : i32
      %get3A_1323 = arith.constant 1 : i32
      %get3A_1324 = arith.index_cast %get3A_1323 : i32 to index
      %get3A_1325 = arith.index_cast %add3A_1322 : i32 to index
      %get3A_1326 = arith.constant 0 : index
      %get3A_1327 = tpu.vector_load %arg10[%get3A_1324, %get3A_1325, %get3A_1326] {strides = array<i32>} : memref<2x320x128xf32, #tpu.memory_space<vmem>>, vector<16xf32>,
      %mul3A_1328 = arith.mulf %get3A_1304, %get3A_1327 : vector<16xf32>
      %get3A_1329 = arith.constant 1 : i32
      %get3A_1330 = arith.index_cast %get3A_1329 : i32 to index
      %get3A_1331 = arith.index_cast %add3A_1322 : i32 to index
      %get3A_1332 = arith.constant 16 : index
      %get3A_1333 = tpu.vector_load %arg10[%get3A_1330, %get3A_1331, %get3A_1332] {strides = array<i32>} : memref<2x320x128xf32, #tpu.memory_space<vmem>>, vector<16xf32>,
      %mul3A_1334 = arith.mulf %get3A_1309, %get3A_1333 : vector<16xf32>
      %add3A_1335 = arith.addf %mul3A_1328, %mul3A_1334 : vector<16xf32>
      %get3A_1336 = arith.constant 1 : i32
      %get3A_1337 = arith.index_cast %get3A_1336 : i32 to index
      %get3A_1338 = arith.index_cast %add3A_1322 : i32 to index
      %get3A_1339 = arith.constant 32 : index
      %get3A_1340 = tpu.vector_load %arg10[%get3A_1337, %get3A_1338, %get3A_1339] {strides = array<i32>} : memref<2x320x128xf32, #tpu.memory_space<vmem>>, vector<16xf32>,
      %mul3A_1341 = arith.mulf %get3A_1314, %get3A_1340 : vector<16xf32>
      %add3A_1342 = arith.addf %add3A_1335, %mul3A_1341 : vector<16xf32>
      %get3A_1343 = arith.constant 1 : i32
      %get3A_1344 = arith.index_cast %get3A_1343 : i32 to index
      %get3A_1345 = arith.index_cast %add3A_1322 : i32 to index
      %get3A_1346 = arith.constant 48 : index
      %get3A_1347 = tpu.vector_load %arg10[%get3A_1344, %get3A_1345, %get3A_1346] {strides = array<i32>} : memref<2x320x128xf32, #tpu.memory_space<vmem>>, vector<16xf32>,
      %mul3A_1348 = arith.mulf %get3A_1319, %get3A_1347 : vector<16xf32>
      %add3A_1349 = arith.addf %add3A_1342, %mul3A_1348 : vector<16xf32>
      %reduce_sum3A = arith.constant true
      %reduce_sum3A_1350 = vector.broadcast %reduce_sum3A : i1 to vector<16xi1>
      %reduce_sum3A_1351 = tpu.scan <sum>, %add3A_1349 masked %reduce_sum3A_1350 : vector<16xf32>, vector<16xi1> -> vector<16xf32>
      %reduce_sum3A_1352 = vector.extract %reduce_sum3A_1351[15] : f32 from vector<16xf32>
      %broadcast_in_dim3A_1353 = vector.broadcast %reduce_sum3A_1352 : f32 to vector<16xf32>
      %select_n3A = arith.select %eq3A_24, %broadcast_in_dim3A_1353, %broadcast_in_dim3A_1320 : vector<16xi1>, vector<16xf32>
      %add3A_1354 = arith.constant 64 : i32
      %add3A_1355 = arith.addi %add3A_1354, %add3A_1300 : i32
      %get3A_1356 = arith.constant 1 : i32
      %get3A_1357 = arith.index_cast %get3A_1356 : i32 to index
      %get3A_1358 = arith.index_cast %add3A_1355 : i32 to index
      %get3A_1359 = arith.constant 0 : index
      %get3A_1360 = tpu.vector_load %arg10[%get3A_1357, %get3A_1358, %get3A_1359] {strides = array<i32>} : memref<2x320x128xf32, #tpu.memory_space<vmem>>, vector<16xf32>,
      %mul3A_1361 = arith.mulf %get3A_1304, %get3A_1360 : vector<16xf32>
      %get3A_1362 = arith.constant 1 : i32
      %get3A_1363 = arith.index_cast %get3A_1362 : i32 to index
      %get3A_1364 = arith.index_cast %add3A_1355 : i32 to index
      %get3A_1365 = arith.constant 16 : index
      %get3A_1366 = tpu.vector_load %arg10[%get3A_1363, %get3A_1364, %get3A_1365] {strides = array<i32>} : memref<2x320x128xf32, #tpu.memory_space<vmem>>, vector<16xf32>,
      %mul3A_1367 = arith.mulf %get3A_1309, %get3A_1366 : vector<16xf32>
      %add3A_1368 = arith.addf %mul3A_1361, %mul3A_1367 : vector<16xf32>
      %get3A_1369 = arith.constant 1 : i32
      %get3A_1370 = arith.index_cast %get3A_1369 : i32 to index
      %get3A_1371 = arith.index_cast %add3A_1355 : i32 to index
      %get3A_1372 = arith.constant 32 : index
      %get3A_1373 = tpu.vector_load %arg10[%get3A_1370, %get3A_1371, %get3A_1372] {strides = array<i32>} : memref<2x320x128xf32, #tpu.memory_space<vmem>>, vector<16xf32>,
      %mul3A_1374 = arith.mulf %get3A_1314, %get3A_1373 : vector<16xf32>
      %add3A_1375 = arith.addf %add3A_1368, %mul3A_1374 : vector<16xf32>
      %get3A_1376 = arith.constant 1 : i32
      %get3A_1377 = arith.index_cast %get3A_1376 : i32 to index
      %get3A_1378 = arith.index_cast %add3A_1355 : i32 to index
      %get3A_1379 = arith.constant 48 : index
      %get3A_1380 = tpu.vector_load %arg10[%get3A_1377, %get3A_1378, %get3A_1379] {strides = array<i32>} : memref<2x320x128xf32, #tpu.memory_space<vmem>>, vector<16xf32>,
      %mul3A_1381 = arith.mulf %get3A_1319, %get3A_1380 : vector<16xf32>
      %add3A_1382 = arith.addf %add3A_1375, %mul3A_1381 : vector<16xf32>
      %reduce_sum3A_1383 = arith.constant true
      %reduce_sum3A_1384 = vector.broadcast %reduce_sum3A_1383 : i1 to vector<16xi1>
      %reduce_sum3A_1385 = tpu.scan <sum>, %add3A_1382 masked %reduce_sum3A_1384 : vector<16xf32>, vector<16xi1> -> vector<16xf32>
      %reduce_sum3A_1386 = vector.extract %reduce_sum3A_1385[15] : f32 from vector<16xf32>
      %broadcast_in_dim3A_1387 = vector.broadcast %reduce_sum3A_1386 : f32 to vector<16xf32>
      %select_n3A_1388 = arith.select %eq3A_27, %broadcast_in_dim3A_1387, %select_n3A : vector<16xi1>, vector<16xf32>
      %add3A_1389 = arith.constant 128 : i32
      %add3A_1390 = arith.addi %add3A_1389, %add3A_1300 : i32
      %get3A_1391 = arith.constant 1 : i32
      %get3A_1392 = arith.index_cast %get3A_1391 : i32 to index
      %get3A_1393 = arith.index_cast %add3A_1390 : i32 to index
      %get3A_1394 = arith.constant 0 : index
      %get3A_1395 = tpu.vector_load %arg10[%get3A_1392, %get3A_1393, %get3A_1394] {strides = array<i32>} : memref<2x320x128xf32, #tpu.memory_space<vmem>>, vector<16xf32>,
      %mul3A_1396 = arith.mulf %get3A_1304, %get3A_1395 : vector<16xf32>
      %get3A_1397 = arith.constant 1 : i32
      %get3A_1398 = arith.index_cast %get3A_1397 : i32 to index
      %get3A_1399 = arith.index_cast %add3A_1390 : i32 to index
      %get3A_1400 = arith.constant 16 : index
      %get3A_1401 = tpu.vector_load %arg10[%get3A_1398, %get3A_1399, %get3A_1400] {strides = array<i32>} : memref<2x320x128xf32, #tpu.memory_space<vmem>>, vector<16xf32>,
      %mul3A_1402 = arith.mulf %get3A_1309, %get3A_1401 : vector<16xf32>
      %add3A_1403 = arith.addf %mul3A_1396, %mul3A_1402 : vector<16xf32>
      %get3A_1404 = arith.constant 1 : i32
      %get3A_1405 = arith.index_cast %get3A_1404 : i32 to index
      %get3A_1406 = arith.index_cast %add3A_1390 : i32 to index
      %get3A_1407 = arith.constant 32 : index
      %get3A_1408 = tpu.vector_load %arg10[%get3A_1405, %get3A_1406, %get3A_1407] {strides = array<i32>} : memref<2x320x128xf32, #tpu.memory_space<vmem>>, vector<16xf32>,
      %mul3A_1409 = arith.mulf %get3A_1314, %get3A_1408 : vector<16xf32>
      %add3A_1410 = arith.addf %add3A_1403, %mul3A_1409 : vector<16xf32>
      %get3A_1411 = arith.constant 1 : i32
      %get3A_1412 = arith.index_cast %get3A_1411 : i32 to index
      %get3A_1413 = arith.index_cast %add3A_1390 : i32 to index
      %get3A_1414 = arith.constant 48 : index
      %get3A_1415 = tpu.vector_load %arg10[%get3A_1412, %get3A_1413, %get3A_1414] {strides = array<i32>} : memref<2x320x128xf32, #tpu.memory_space<vmem>>, vector<16xf32>,
      %mul3A_1416 = arith.mulf %get3A_1319, %get3A_1415 : vector<16xf32>
      %add3A_1417 = arith.addf %add3A_1410, %mul3A_1416 : vector<16xf32>
      %reduce_sum3A_1418 = arith.constant true
      %reduce_sum3A_1419 = vector.broadcast %reduce_sum3A_1418 : i1 to vector<16xi1>
      %reduce_sum3A_1420 = tpu.scan <sum>, %add3A_1417 masked %reduce_sum3A_1419 : vector<16xf32>, vector<16xi1> -> vector<16xf32>
      %reduce_sum3A_1421 = vector.extract %reduce_sum3A_1420[15] : f32 from vector<16xf32>
      %broadcast_in_dim3A_1422 = vector.broadcast %reduce_sum3A_1421 : f32 to vector<16xf32>
      %select_n3A_1423 = arith.select %eq3A_30, %broadcast_in_dim3A_1422, %select_n3A_1388 : vector<16xi1>, vector<16xf32>
      %add3A_1424 = arith.constant 192 : i32
      %add3A_1425 = arith.addi %add3A_1424, %add3A_1300 : i32
      %get3A_1426 = arith.constant 1 : i32
      %get3A_1427 = arith.index_cast %get3A_1426 : i32 to index
      %get3A_1428 = arith.index_cast %add3A_1425 : i32 to index
      %get3A_1429 = arith.constant 0 : index
      %get3A_1430 = tpu.vector_load %arg10[%get3A_1427, %get3A_1428, %get3A_1429] {strides = array<i32>} : memref<2x320x128xf32, #tpu.memory_space<vmem>>, vector<16xf32>,
      %mul3A_1431 = arith.mulf %get3A_1304, %get3A_1430 : vector<16xf32>
      %get3A_1432 = arith.constant 1 : i32
      %get3A_1433 = arith.index_cast %get3A_1432 : i32 to index
      %get3A_1434 = arith.index_cast %add3A_1425 : i32 to index
      %get3A_1435 = arith.constant 16 : index
      %get3A_1436 = tpu.vector_load %arg10[%get3A_1433, %get3A_1434, %get3A_1435] {strides = array<i32>} : memref<2x320x128xf32, #tpu.memory_space<vmem>>, vector<16xf32>,
      %mul3A_1437 = arith.mulf %get3A_1309, %get3A_1436 : vector<16xf32>
      %add3A_1438 = arith.addf %mul3A_1431, %mul3A_1437 : vector<16xf32>
      %get3A_1439 = arith.constant 1 : i32
      %get3A_1440 = arith.index_cast %get3A_1439 : i32 to index
      %get3A_1441 = arith.index_cast %add3A_1425 : i32 to index
      %get3A_1442 = arith.constant 32 : index
      %get3A_1443 = tpu.vector_load %arg10[%get3A_1440, %get3A_1441, %get3A_1442] {strides = array<i32>} : memref<2x320x128xf32, #tpu.memory_space<vmem>>, vector<16xf32>,
      %mul3A_1444 = arith.mulf %get3A_1314, %get3A_1443 : vector<16xf32>
      %add3A_1445 = arith.addf %add3A_1438, %mul3A_1444 : vector<16xf32>
      %get3A_1446 = arith.constant 1 : i32
      %get3A_1447 = arith.index_cast %get3A_1446 : i32 to index
      %get3A_1448 = arith.index_cast %add3A_1425 : i32 to index
      %get3A_1449 = arith.constant 48 : index
      %get3A_1450 = tpu.vector_load %arg10[%get3A_1447, %get3A_1448, %get3A_1449] {strides = array<i32>} : memref<2x320x128xf32, #tpu.memory_space<vmem>>, vector<16xf32>,
      %mul3A_1451 = arith.mulf %get3A_1319, %get3A_1450 : vector<16xf32>
      %add3A_1452 = arith.addf %add3A_1445, %mul3A_1451 : vector<16xf32>
      %reduce_sum3A_1453 = arith.constant true
      %reduce_sum3A_1454 = vector.broadcast %reduce_sum3A_1453 : i1 to vector<16xi1>
      %reduce_sum3A_1455 = tpu.scan <sum>, %add3A_1452 masked %reduce_sum3A_1454 : vector<16xf32>, vector<16xi1> -> vector<16xf32>
      %reduce_sum3A_1456 = vector.extract %reduce_sum3A_1455[15] : f32 from vector<16xf32>
      %broadcast_in_dim3A_1457 = vector.broadcast %reduce_sum3A_1456 : f32 to vector<16xf32>
      %select_n3A_1458 = arith.select %eq3A_33, %broadcast_in_dim3A_1457, %select_n3A_1423 : vector<16xi1>, vector<16xf32>
      %add3A_1459 = arith.constant 256 : i32
      %add3A_1460 = arith.addi %add3A_1459, %add3A_1300 : i32
      %get3A_1461 = arith.constant 1 : i32
      %get3A_1462 = arith.index_cast %get3A_1461 : i32 to index
      %get3A_1463 = arith.index_cast %add3A_1460 : i32 to index
      %get3A_1464 = arith.constant 0 : index
      %get3A_1465 = tpu.vector_load %arg10[%get3A_1462, %get3A_1463, %get3A_1464] {strides = array<i32>} : memref<2x320x128xf32, #tpu.memory_space<vmem>>, vector<16xf32>,
      %mul3A_1466 = arith.mulf %get3A_1304, %get3A_1465 : vector<16xf32>
      %get3A_1467 = arith.constant 1 : i32
      %get3A_1468 = arith.index_cast %get3A_1467 : i32 to index
      %get3A_1469 = arith.index_cast %add3A_1460 : i32 to index
      %get3A_1470 = arith.constant 16 : index
      %get3A_1471 = tpu.vector_load %arg10[%get3A_1468, %get3A_1469, %get3A_1470] {strides = array<i32>} : memref<2x320x128xf32, #tpu.memory_space<vmem>>, vector<16xf32>,
      %mul3A_1472 = arith.mulf %get3A_1309, %get3A_1471 : vector<16xf32>
      %add3A_1473 = arith.addf %mul3A_1466, %mul3A_1472 : vector<16xf32>
      %get3A_1474 = arith.constant 1 : i32
      %get3A_1475 = arith.index_cast %get3A_1474 : i32 to index
      %get3A_1476 = arith.index_cast %add3A_1460 : i32 to index
      %get3A_1477 = arith.constant 32 : index
      %get3A_1478 = tpu.vector_load %arg10[%get3A_1475, %get3A_1476, %get3A_1477] {strides = array<i32>} : memref<2x320x128xf32, #tpu.memory_space<vmem>>, vector<16xf32>,
      %mul3A_1479 = arith.mulf %get3A_1314, %get3A_1478 : vector<16xf32>
      %add3A_1480 = arith.addf %add3A_1473, %mul3A_1479 : vector<16xf32>
      %get3A_1481 = arith.constant 1 : i32
      %get3A_1482 = arith.index_cast %get3A_1481 : i32 to index
      %get3A_1483 = arith.index_cast %add3A_1460 : i32 to index
      %get3A_1484 = arith.constant 48 : index
      %get3A_1485 = tpu.vector_load %arg10[%get3A_1482, %get3A_1483, %get3A_1484] {strides = array<i32>} : memref<2x320x128xf32, #tpu.memory_space<vmem>>, vector<16xf32>,
      %mul3A_1486 = arith.mulf %get3A_1319, %get3A_1485 : vector<16xf32>
      %add3A_1487 = arith.addf %add3A_1480, %mul3A_1486 : vector<16xf32>
      %reduce_sum3A_1488 = arith.constant true
      %reduce_sum3A_1489 = vector.broadcast %reduce_sum3A_1488 : i1 to vector<16xi1>
      %reduce_sum3A_1490 = tpu.scan <sum>, %add3A_1487 masked %reduce_sum3A_1489 : vector<16xf32>, vector<16xi1> -> vector<16xf32>
      %reduce_sum3A_1491 = vector.extract %reduce_sum3A_1490[15] : f32 from vector<16xf32>
      %broadcast_in_dim3A_1492 = vector.broadcast %reduce_sum3A_1491 : f32 to vector<16xf32>
      %select_n3A_1493 = arith.select %eq3A_36, %broadcast_in_dim3A_1492, %select_n3A_1458 : vector<16xi1>, vector<16xf32>
      %mul3A_1494 = arith.constant 512 : i32
      %mul3A_1495 = vector.broadcast %mul3A_1494 : i32 to vector<16xi32>
      %mul3A_1496 = arith.muli %iota3A, %mul3A_1495 : vector<16xi32>
      %add3A_1497 = arith.constant 320 : i32
      %add3A_1498 = arith.addi %add3A_1497, %add3A_1300 : i32
      %add3A_1499 = vector.broadcast %add3A_1498 : i32 to vector<16xi32>
      %add3A_1500 = arith.addi %mul3A_1496, %add3A_1499 : vector<16xi32>
      tpu.vector_store_idx %arg11[%add3A_1500], %select_n3A_1493 masked %lt3A_38 : memref<2560xf32, #tpu.memory_space<vmem>>[vector<16xi32>], vector<16xf32>, vector<16xi1>
    }
    %scan3A_1040 = arith.constant 64 : i32
    %dma_start3A_1041 = arith.constant 1 : i32
    %dma_start3A_1042 = arith.constant 0 : i32
    %dma_start3A_1043 = arith.constant 0 : i32
    %dma_start3A_1044 = tpu.memref_slice %arg9[%dma_start3A_1041, %dma_start3A_1042, %dma_start3A_1043] : memref<2x64x128xf32, #tpu.memory_space<vmem>> -> memref<1x64x128xf32, #tpu.memory_space<vmem>>
    %dma_start3A_1045 = tpu.memref_squeeze %dma_start3A_1044 : memref<1x64x128xf32, #tpu.memory_space<vmem>> -> memref<64x128xf32, #tpu.memory_space<vmem>>
    %dma_start3A_1046 = arith.constant 448 : i32
    %dma_start3A_1047 = tpu.memref_slice %arg7[%dma_start3A_1046] : memref<512xi32, #tpu.memory_space<vmem>> -> memref<64xi32, #tpu.memory_space<vmem>>
    %dma_start3A_1048 = arith.constant 0 : i32
    %dma_start3A_1049 = arith.constant 0 : i32
    %dma_start3A_1050 = tpu.memref_slice %arg2[%dma_start3A_1048, %dma_start3A_1049] : memref<100000x128xf32, #tpu.memory_space<hbm>> -> memref<100000x128xf32, #tpu.memory_space<hbm>>
    tpu.enqueue_indirect_dma source(%dma_start3A_1050 : memref<100000x128xf32, #tpu.memory_space<hbm>>) target(%dma_start3A_1045 : memref<64x128xf32, #tpu.memory_space<vmem>>) offsets(%dma_start3A_1047 : memref<64xi32, #tpu.memory_space<vmem>>) semaphore(%arg13 : memref<!tpu.dma_semaphore, #tpu.memory_space<semaphore_mem>>)
    %dma_start3A_1051 = arith.constant 1 : i32
    %dma_start3A_1052 = arith.constant 0 : i32
    %dma_start3A_1053 = arith.constant 0 : i32
    %dma_start3A_1054 = tpu.memref_slice %arg10[%dma_start3A_1051, %dma_start3A_1052, %dma_start3A_1053] : memref<2x320x128xf32, #tpu.memory_space<vmem>> -> memref<1x320x128xf32, #tpu.memory_space<vmem>>
    %dma_start3A_1055 = tpu.memref_squeeze %dma_start3A_1054 : memref<1x320x128xf32, #tpu.memory_space<vmem>> -> memref<320x128xf32, #tpu.memory_space<vmem>>
    %dma_start3A_1056 = arith.constant 0 : i32
    %dma_start3A_1057 = arith.constant 0 : i32
    %dma_start3A_1058 = tpu.memref_slice %dma_start3A_1055[%dma_start3A_1056, %dma_start3A_1057] : memref<320x128xf32, #tpu.memory_space<vmem>> -> memref<64x128xf32, #tpu.memory_space<vmem>>
    %dma_start3A_1059 = arith.constant 448 : i32
    %dma_start3A_1060 = tpu.memref_slice %arg8[%dma_start3A_1059] : memref<2560xi32, #tpu.memory_space<vmem>> -> memref<64xi32, #tpu.memory_space<vmem>>
    %dma_start3A_1061 = arith.constant 0 : i32
    %dma_start3A_1062 = arith.constant 0 : i32
    %dma_start3A_1063 = tpu.memref_slice %arg3[%dma_start3A_1061, %dma_start3A_1062] : memref<100000x128xf32, #tpu.memory_space<hbm>> -> memref<100000x128xf32, #tpu.memory_space<hbm>>
    tpu.enqueue_indirect_dma source(%dma_start3A_1063 : memref<100000x128xf32, #tpu.memory_space<hbm>>) target(%dma_start3A_1058 : memref<64x128xf32, #tpu.memory_space<vmem>>) offsets(%dma_start3A_1060 : memref<64xi32, #tpu.memory_space<vmem>>) semaphore(%arg13 : memref<!tpu.dma_semaphore, #tpu.memory_space<semaphore_mem>>)
    %dma_start3A_1064 = arith.constant 1 : i32
    %dma_start3A_1065 = arith.constant 0 : i32
    %dma_start3A_1066 = arith.constant 0 : i32
    %dma_start3A_1067 = tpu.memref_slice %arg10[%dma_start3A_1064, %dma_start3A_1065, %dma_start3A_1066] : memref<2x320x128xf32, #tpu.memory_space<vmem>> -> memref<1x320x128xf32, #tpu.memory_space<vmem>>
    %dma_start3A_1068 = tpu.memref_squeeze %dma_start3A_1067 : memref<1x320x128xf32, #tpu.memory_space<vmem>> -> memref<320x128xf32, #tpu.memory_space<vmem>>
    %dma_start3A_1069 = arith.constant 64 : i32
    %dma_start3A_1070 = arith.constant 0 : i32
    %dma_start3A_1071 = tpu.memref_slice %dma_start3A_1068[%dma_start3A_1069, %dma_start3A_1070] : memref<320x128xf32, #tpu.memory_space<vmem>> -> memref<64x128xf32, #tpu.memory_space<vmem>>
    %dma_start3A_1072 = arith.constant 960 : i32
    %dma_start3A_1073 = tpu.memref_slice %arg8[%dma_start3A_1072] : memref<2560xi32, #tpu.memory_space<vmem>> -> memref<64xi32, #tpu.memory_space<vmem>>
    %dma_start3A_1074 = arith.constant 0 : i32
    %dma_start3A_1075 = arith.constant 0 : i32
    %dma_start3A_1076 = tpu.memref_slice %arg3[%dma_start3A_1074, %dma_start3A_1075] : memref<100000x128xf32, #tpu.memory_space<hbm>> -> memref<100000x128xf32, #tpu.memory_space<hbm>>
    tpu.enqueue_indirect_dma source(%dma_start3A_1076 : memref<100000x128xf32, #tpu.memory_space<hbm>>) target(%dma_start3A_1071 : memref<64x128xf32, #tpu.memory_space<vmem>>) offsets(%dma_start3A_1073 : memref<64xi32, #tpu.memory_space<vmem>>) semaphore(%arg13 : memref<!tpu.dma_semaphore, #tpu.memory_space<semaphore_mem>>)
    %dma_start3A_1077 = arith.constant 1 : i32
    %dma_start3A_1078 = arith.constant 0 : i32
    %dma_start3A_1079 = arith.constant 0 : i32
    %dma_start3A_1080 = tpu.memref_slice %arg10[%dma_start3A_1077, %dma_start3A_1078, %dma_start3A_1079] : memref<2x320x128xf32, #tpu.memory_space<vmem>> -> memref<1x320x128xf32, #tpu.memory_space<vmem>>
    %dma_start3A_1081 = tpu.memref_squeeze %dma_start3A_1080 : memref<1x320x128xf32, #tpu.memory_space<vmem>> -> memref<320x128xf32, #tpu.memory_space<vmem>>
    %dma_start3A_1082 = arith.constant 128 : i32
    %dma_start3A_1083 = arith.constant 0 : i32
    %dma_start3A_1084 = tpu.memref_slice %dma_start3A_1081[%dma_start3A_1082, %dma_start3A_1083] : memref<320x128xf32, #tpu.memory_space<vmem>> -> memref<64x128xf32, #tpu.memory_space<vmem>>
    %dma_start3A_1085 = arith.constant 1472 : i32
    %dma_start3A_1086 = tpu.memref_slice %arg8[%dma_start3A_1085] : memref<2560xi32, #tpu.memory_space<vmem>> -> memref<64xi32, #tpu.memory_space<vmem>>
    %dma_start3A_1087 = arith.constant 0 : i32
    %dma_start3A_1088 = arith.constant 0 : i32
    %dma_start3A_1089 = tpu.memref_slice %arg3[%dma_start3A_1087, %dma_start3A_1088] : memref<100000x128xf32, #tpu.memory_space<hbm>> -> memref<100000x128xf32, #tpu.memory_space<hbm>>
    tpu.enqueue_indirect_dma source(%dma_start3A_1089 : memref<100000x128xf32, #tpu.memory_space<hbm>>) target(%dma_start3A_1084 : memref<64x128xf32, #tpu.memory_space<vmem>>) offsets(%dma_start3A_1086 : memref<64xi32, #tpu.memory_space<vmem>>) semaphore(%arg13 : memref<!tpu.dma_semaphore, #tpu.memory_space<semaphore_mem>>)
    %dma_start3A_1090 = arith.constant 1 : i32
    %dma_start3A_1091 = arith.constant 0 : i32
    %dma_start3A_1092 = arith.constant 0 : i32
    %dma_start3A_1093 = tpu.memref_slice %arg10[%dma_start3A_1090, %dma_start3A_1091, %dma_start3A_1092] : memref<2x320x128xf32, #tpu.memory_space<vmem>> -> memref<1x320x128xf32, #tpu.memory_space<vmem>>
    %dma_start3A_1094 = tpu.memref_squeeze %dma_start3A_1093 : memref<1x320x128xf32, #tpu.memory_space<vmem>> -> memref<320x128xf32, #tpu.memory_space<vmem>>
    %dma_start3A_1095 = arith.constant 192 : i32
    %dma_start3A_1096 = arith.constant 0 : i32
    %dma_start3A_1097 = tpu.memref_slice %dma_start3A_1094[%dma_start3A_1095, %dma_start3A_1096] : memref<320x128xf32, #tpu.memory_space<vmem>> -> memref<64x128xf32, #tpu.memory_space<vmem>>
    %dma_start3A_1098 = arith.constant 1984 : i32
    %dma_start3A_1099 = tpu.memref_slice %arg8[%dma_start3A_1098] : memref<2560xi32, #tpu.memory_space<vmem>> -> memref<64xi32, #tpu.memory_space<vmem>>
    %dma_start3A_1100 = arith.constant 0 : i32
    %dma_start3A_1101 = arith.constant 0 : i32
    %dma_start3A_1102 = tpu.memref_slice %arg3[%dma_start3A_1100, %dma_start3A_1101] : memref<100000x128xf32, #tpu.memory_space<hbm>> -> memref<100000x128xf32, #tpu.memory_space<hbm>>
    tpu.enqueue_indirect_dma source(%dma_start3A_1102 : memref<100000x128xf32, #tpu.memory_space<hbm>>) target(%dma_start3A_1097 : memref<64x128xf32, #tpu.memory_space<vmem>>) offsets(%dma_start3A_1099 : memref<64xi32, #tpu.memory_space<vmem>>) semaphore(%arg13 : memref<!tpu.dma_semaphore, #tpu.memory_space<semaphore_mem>>)
    %dma_start3A_1103 = arith.constant 1 : i32
    %dma_start3A_1104 = arith.constant 0 : i32
    %dma_start3A_1105 = arith.constant 0 : i32
    %dma_start3A_1106 = tpu.memref_slice %arg10[%dma_start3A_1103, %dma_start3A_1104, %dma_start3A_1105] : memref<2x320x128xf32, #tpu.memory_space<vmem>> -> memref<1x320x128xf32, #tpu.memory_space<vmem>>
    %dma_start3A_1107 = tpu.memref_squeeze %dma_start3A_1106 : memref<1x320x128xf32, #tpu.memory_space<vmem>> -> memref<320x128xf32, #tpu.memory_space<vmem>>
    %dma_start3A_1108 = arith.constant 256 : i32
    %dma_start3A_1109 = arith.constant 0 : i32
    %dma_start3A_1110 = tpu.memref_slice %dma_start3A_1107[%dma_start3A_1108, %dma_start3A_1109] : memref<320x128xf32, #tpu.memory_space<vmem>> -> memref<64x128xf32, #tpu.memory_space<vmem>>
    %dma_start3A_1111 = arith.constant 2496 : i32
    %dma_start3A_1112 = tpu.memref_slice %arg8[%dma_start3A_1111] : memref<2560xi32, #tpu.memory_space<vmem>> -> memref<64xi32, #tpu.memory_space<vmem>>
    %dma_start3A_1113 = arith.constant 0 : i32
    %dma_start3A_1114 = arith.constant 0 : i32
    %dma_start3A_1115 = tpu.memref_slice %arg3[%dma_start3A_1113, %dma_start3A_1114] : memref<100000x128xf32, #tpu.memory_space<hbm>> -> memref<100000x128xf32, #tpu.memory_space<hbm>>
    tpu.enqueue_indirect_dma source(%dma_start3A_1115 : memref<100000x128xf32, #tpu.memory_space<hbm>>) target(%dma_start3A_1110 : memref<64x128xf32, #tpu.memory_space<vmem>>) offsets(%dma_start3A_1112 : memref<64xi32, #tpu.memory_space<vmem>>) semaphore(%arg13 : memref<!tpu.dma_semaphore, #tpu.memory_space<semaphore_mem>>)
    %dma_wait3A_1116 = arith.constant 0 : i32
    %dma_wait3A_1117 = arith.constant 0 : i32
    %dma_wait3A_1118 = arith.constant 0 : i32
    %dma_wait3A_1119 = tpu.memref_slice %arg9[%dma_wait3A_1116, %dma_wait3A_1117, %dma_wait3A_1118] : memref<2x64x128xf32, #tpu.memory_space<vmem>> -> memref<1x64x128xf32, #tpu.memory_space<vmem>>
    %dma_wait3A_1120 = tpu.memref_squeeze %dma_wait3A_1119 : memref<1x64x128xf32, #tpu.memory_space<vmem>> -> memref<64x128xf32, #tpu.memory_space<vmem>>
    %dma_wait3A_1121 = arith.constant 384 : i32
    %dma_wait3A_1122 = tpu.memref_slice %arg7[%dma_wait3A_1121] : memref<512xi32, #tpu.memory_space<vmem>> -> memref<64xi32, #tpu.memory_space<vmem>>
    %dma_wait3A_1123 = arith.constant 0 : i32
    %dma_wait3A_1124 = arith.constant 0 : i32
    %dma_wait3A_1125 = tpu.memref_slice %arg2[%dma_wait3A_1123, %dma_wait3A_1124] : memref<100000x128xf32, #tpu.memory_space<hbm>> -> memref<100000x128xf32, #tpu.memory_space<hbm>>
    tpu.wait_indirect_dma semaphore(%arg12 : memref<!tpu.dma_semaphore, #tpu.memory_space<semaphore_mem>>) src(%dma_wait3A_1125 : memref<100000x128xf32, #tpu.memory_space<hbm>>) dst(%dma_wait3A_1120 : memref<64x128xf32, #tpu.memory_space<vmem>>)
    %dma_wait3A_1126 = arith.constant 0 : i32
    %dma_wait3A_1127 = arith.constant 0 : i32
    %dma_wait3A_1128 = arith.constant 0 : i32
    %dma_wait3A_1129 = tpu.memref_slice %arg10[%dma_wait3A_1126, %dma_wait3A_1127, %dma_wait3A_1128] : memref<2x320x128xf32, #tpu.memory_space<vmem>> -> memref<1x320x128xf32, #tpu.memory_space<vmem>>
    %dma_wait3A_1130 = tpu.memref_squeeze %dma_wait3A_1129 : memref<1x320x128xf32, #tpu.memory_space<vmem>> -> memref<320x128xf32, #tpu.memory_space<vmem>>
    %dma_wait3A_1131 = arith.constant 0 : i32
    %dma_wait3A_1132 = arith.constant 0 : i32
    %dma_wait3A_1133 = tpu.memref_slice %dma_wait3A_1130[%dma_wait3A_1131, %dma_wait3A_1132] : memref<320x128xf32, #tpu.memory_space<vmem>> -> memref<64x128xf32, #tpu.memory_space<vmem>>
    %dma_wait3A_1134 = arith.constant 384 : i32
    %dma_wait3A_1135 = tpu.memref_slice %arg8[%dma_wait3A_1134] : memref<2560xi32, #tpu.memory_space<vmem>> -> memref<64xi32, #tpu.memory_space<vmem>>
    %dma_wait3A_1136 = arith.constant 0 : i32
    %dma_wait3A_1137 = arith.constant 0 : i32
    %dma_wait3A_1138 = tpu.memref_slice %arg3[%dma_wait3A_1136, %dma_wait3A_1137] : memref<100000x128xf32, #tpu.memory_space<hbm>> -> memref<100000x128xf32, #tpu.memory_space<hbm>>
    tpu.wait_indirect_dma semaphore(%arg12 : memref<!tpu.dma_semaphore, #tpu.memory_space<semaphore_mem>>) src(%dma_wait3A_1138 : memref<100000x128xf32, #tpu.memory_space<hbm>>) dst(%dma_wait3A_1133 : memref<64x128xf32, #tpu.memory_space<vmem>>)
    %dma_wait3A_1139 = arith.constant 0 : i32
    %dma_wait3A_1140 = arith.constant 0 : i32
    %dma_wait3A_1141 = arith.constant 0 : i32
    %dma_wait3A_1142 = tpu.memref_slice %arg10[%dma_wait3A_1139, %dma_wait3A_1140, %dma_wait3A_1141] : memref<2x320x128xf32, #tpu.memory_space<vmem>> -> memref<1x320x128xf32, #tpu.memory_space<vmem>>
    %dma_wait3A_1143 = tpu.memref_squeeze %dma_wait3A_1142 : memref<1x320x128xf32, #tpu.memory_space<vmem>> -> memref<320x128xf32, #tpu.memory_space<vmem>>
    %dma_wait3A_1144 = arith.constant 64 : i32
    %dma_wait3A_1145 = arith.constant 0 : i32
    %dma_wait3A_1146 = tpu.memref_slice %dma_wait3A_1143[%dma_wait3A_1144, %dma_wait3A_1145] : memref<320x128xf32, #tpu.memory_space<vmem>> -> memref<64x128xf32, #tpu.memory_space<vmem>>
    %dma_wait3A_1147 = arith.constant 896 : i32
    %dma_wait3A_1148 = tpu.memref_slice %arg8[%dma_wait3A_1147] : memref<2560xi32, #tpu.memory_space<vmem>> -> memref<64xi32, #tpu.memory_space<vmem>>
    %dma_wait3A_1149 = arith.constant 0 : i32
    %dma_wait3A_1150 = arith.constant 0 : i32
    %dma_wait3A_1151 = tpu.memref_slice %arg3[%dma_wait3A_1149, %dma_wait3A_1150] : memref<100000x128xf32, #tpu.memory_space<hbm>> -> memref<100000x128xf32, #tpu.memory_space<hbm>>
    tpu.wait_indirect_dma semaphore(%arg12 : memref<!tpu.dma_semaphore, #tpu.memory_space<semaphore_mem>>) src(%dma_wait3A_1151 : memref<100000x128xf32, #tpu.memory_space<hbm>>) dst(%dma_wait3A_1146 : memref<64x128xf32, #tpu.memory_space<vmem>>)
    %dma_wait3A_1152 = arith.constant 0 : i32
    %dma_wait3A_1153 = arith.constant 0 : i32
    %dma_wait3A_1154 = arith.constant 0 : i32
    %dma_wait3A_1155 = tpu.memref_slice %arg10[%dma_wait3A_1152, %dma_wait3A_1153, %dma_wait3A_1154] : memref<2x320x128xf32, #tpu.memory_space<vmem>> -> memref<1x320x128xf32, #tpu.memory_space<vmem>>
    %dma_wait3A_1156 = tpu.memref_squeeze %dma_wait3A_1155 : memref<1x320x128xf32, #tpu.memory_space<vmem>> -> memref<320x128xf32, #tpu.memory_space<vmem>>
    %dma_wait3A_1157 = arith.constant 128 : i32
    %dma_wait3A_1158 = arith.constant 0 : i32
    %dma_wait3A_1159 = tpu.memref_slice %dma_wait3A_1156[%dma_wait3A_1157, %dma_wait3A_1158] : memref<320x128xf32, #tpu.memory_space<vmem>> -> memref<64x128xf32, #tpu.memory_space<vmem>>
    %dma_wait3A_1160 = arith.constant 1408 : i32
    %dma_wait3A_1161 = tpu.memref_slice %arg8[%dma_wait3A_1160] : memref<2560xi32, #tpu.memory_space<vmem>> -> memref<64xi32, #tpu.memory_space<vmem>>
    %dma_wait3A_1162 = arith.constant 0 : i32
    %dma_wait3A_1163 = arith.constant 0 : i32
    %dma_wait3A_1164 = tpu.memref_slice %arg3[%dma_wait3A_1162, %dma_wait3A_1163] : memref<100000x128xf32, #tpu.memory_space<hbm>> -> memref<100000x128xf32, #tpu.memory_space<hbm>>
    tpu.wait_indirect_dma semaphore(%arg12 : memref<!tpu.dma_semaphore, #tpu.memory_space<semaphore_mem>>) src(%dma_wait3A_1164 : memref<100000x128xf32, #tpu.memory_space<hbm>>) dst(%dma_wait3A_1159 : memref<64x128xf32, #tpu.memory_space<vmem>>)
    %dma_wait3A_1165 = arith.constant 0 : i32
    %dma_wait3A_1166 = arith.constant 0 : i32
    %dma_wait3A_1167 = arith.constant 0 : i32
    %dma_wait3A_1168 = tpu.memref_slice %arg10[%dma_wait3A_1165, %dma_wait3A_1166, %dma_wait3A_1167] : memref<2x320x128xf32, #tpu.memory_space<vmem>> -> memref<1x320x128xf32, #tpu.memory_space<vmem>>
    %dma_wait3A_1169 = tpu.memref_squeeze %dma_wait3A_1168 : memref<1x320x128xf32, #tpu.memory_space<vmem>> -> memref<320x128xf32, #tpu.memory_space<vmem>>
    %dma_wait3A_1170 = arith.constant 192 : i32
    %dma_wait3A_1171 = arith.constant 0 : i32
    %dma_wait3A_1172 = tpu.memref_slice %dma_wait3A_1169[%dma_wait3A_1170, %dma_wait3A_1171] : memref<320x128xf32, #tpu.memory_space<vmem>> -> memref<64x128xf32, #tpu.memory_space<vmem>>
    %dma_wait3A_1173 = arith.constant 1920 : i32
    %dma_wait3A_1174 = tpu.memref_slice %arg8[%dma_wait3A_1173] : memref<2560xi32, #tpu.memory_space<vmem>> -> memref<64xi32, #tpu.memory_space<vmem>>
    %dma_wait3A_1175 = arith.constant 0 : i32
    %dma_wait3A_1176 = arith.constant 0 : i32
    %dma_wait3A_1177 = tpu.memref_slice %arg3[%dma_wait3A_1175, %dma_wait3A_1176] : memref<100000x128xf32, #tpu.memory_space<hbm>> -> memref<100000x128xf32, #tpu.memory_space<hbm>>
    tpu.wait_indirect_dma semaphore(%arg12 : memref<!tpu.dma_semaphore, #tpu.memory_space<semaphore_mem>>) src(%dma_wait3A_1177 : memref<100000x128xf32, #tpu.memory_space<hbm>>) dst(%dma_wait3A_1172 : memref<64x128xf32, #tpu.memory_space<vmem>>)
    %dma_wait3A_1178 = arith.constant 0 : i32
    %dma_wait3A_1179 = arith.constant 0 : i32
    %dma_wait3A_1180 = arith.constant 0 : i32
    %dma_wait3A_1181 = tpu.memref_slice %arg10[%dma_wait3A_1178, %dma_wait3A_1179, %dma_wait3A_1180] : memref<2x320x128xf32, #tpu.memory_space<vmem>> -> memref<1x320x128xf32, #tpu.memory_space<vmem>>
    %dma_wait3A_1182 = tpu.memref_squeeze %dma_wait3A_1181 : memref<1x320x128xf32, #tpu.memory_space<vmem>> -> memref<320x128xf32, #tpu.memory_space<vmem>>
    %dma_wait3A_1183 = arith.constant 256 : i32
    %dma_wait3A_1184 = arith.constant 0 : i32
    %dma_wait3A_1185 = tpu.memref_slice %dma_wait3A_1182[%dma_wait3A_1183, %dma_wait3A_1184] : memref<320x128xf32, #tpu.memory_space<vmem>> -> memref<64x128xf32, #tpu.memory_space<vmem>>
    %dma_wait3A_1186 = arith.constant 2432 : i32
    %dma_wait3A_1187 = tpu.memref_slice %arg8[%dma_wait3A_1186] : memref<2560xi32, #tpu.memory_space<vmem>> -> memref<64xi32, #tpu.memory_space<vmem>>
    %dma_wait3A_1188 = arith.constant 0 : i32
    %dma_wait3A_1189 = arith.constant 0 : i32
    %dma_wait3A_1190 = tpu.memref_slice %arg3[%dma_wait3A_1188, %dma_wait3A_1189] : memref<100000x128xf32, #tpu.memory_space<hbm>> -> memref<100000x128xf32, #tpu.memory_space<hbm>>
    tpu.wait_indirect_dma semaphore(%arg12 : memref<!tpu.dma_semaphore, #tpu.memory_space<semaphore_mem>>) src(%dma_wait3A_1190 : memref<100000x128xf32, #tpu.memory_space<hbm>>) dst(%dma_wait3A_1185 : memref<64x128xf32, #tpu.memory_space<vmem>>)
    %scan3A_1191 = arith.constant 0 : i32
    %scan3A_1192 = arith.constant 64 : i32
    %scan3A_1193 = arith.addi %scan3A_1191, %scan3A_1192 : i32
    %scan3A_1194 = arith.constant 1 : i32
    scf.for %scan3A_1296 = %scan3A_1191 to %scan3A_1193 step %scan3A_1194  : i32 {
      %mul3A_1297 = arith.constant 1 : i32
      %mul3A_1298 = arith.muli %scan3A_1296, %mul3A_1297 : i32
      %add3A_1299 = arith.constant 0 : i32
      %add3A_1300 = arith.addi %add3A_1299, %mul3A_1298 : i32
      %get3A = arith.constant 0 : i32
      %get3A_1301 = arith.index_cast %get3A : i32 to index
      %get3A_1302 = arith.index_cast %add3A_1300 : i32 to index
      %get3A_1303 = arith.constant 0 : index
      %get3A_1304 = tpu.vector_load %arg9[%get3A_1301, %get3A_1302, %get3A_1303] {strides = array<i32>} : memref<2x64x128xf32, #tpu.memory_space<vmem>>, vector<16xf32>,
      %get3A_1305 = arith.constant 0 : i32
      %get3A_1306 = arith.index_cast %get3A_1305 : i32 to index
      %get3A_1307 = arith.index_cast %add3A_1300 : i32 to index
      %get3A_1308 = arith.constant 16 : index
      %get3A_1309 = tpu.vector_load %arg9[%get3A_1306, %get3A_1307, %get3A_1308] {strides = array<i32>} : memref<2x64x128xf32, #tpu.memory_space<vmem>>, vector<16xf32>,
      %get3A_1310 = arith.constant 0 : i32
      %get3A_1311 = arith.index_cast %get3A_1310 : i32 to index
      %get3A_1312 = arith.index_cast %add3A_1300 : i32 to index
      %get3A_1313 = arith.constant 32 : index
      %get3A_1314 = tpu.vector_load %arg9[%get3A_1311, %get3A_1312, %get3A_1313] {strides = array<i32>} : memref<2x64x128xf32, #tpu.memory_space<vmem>>, vector<16xf32>,
      %get3A_1315 = arith.constant 0 : i32
      %get3A_1316 = arith.index_cast %get3A_1315 : i32 to index
      %get3A_1317 = arith.index_cast %add3A_1300 : i32 to index
      %get3A_1318 = arith.constant 48 : index
      %get3A_1319 = tpu.vector_load %arg9[%get3A_1316, %get3A_1317, %get3A_1318] {strides = array<i32>} : memref<2x64x128xf32, #tpu.memory_space<vmem>>, vector<16xf32>,
      %broadcast_in_dim3A = arith.constant 0.000000e+00 : f32
      %broadcast_in_dim3A_1320 = vector.broadcast %broadcast_in_dim3A : f32 to vector<16xf32>
      %add3A_1321 = arith.constant 0 : i32
      %add3A_1322 = arith.addi %add3A_1321, %add3A_1300 : i32
      %get3A_1323 = arith.constant 0 : i32
      %get3A_1324 = arith.index_cast %get3A_1323 : i32 to index
      %get3A_1325 = arith.index_cast %add3A_1322 : i32 to index
      %get3A_1326 = arith.constant 0 : index
      %get3A_1327 = tpu.vector_load %arg10[%get3A_1324, %get3A_1325, %get3A_1326] {strides = array<i32>} : memref<2x320x128xf32, #tpu.memory_space<vmem>>, vector<16xf32>,
      %mul3A_1328 = arith.mulf %get3A_1304, %get3A_1327 : vector<16xf32>
      %get3A_1329 = arith.constant 0 : i32
      %get3A_1330 = arith.index_cast %get3A_1329 : i32 to index
      %get3A_1331 = arith.index_cast %add3A_1322 : i32 to index
      %get3A_1332 = arith.constant 16 : index
      %get3A_1333 = tpu.vector_load %arg10[%get3A_1330, %get3A_1331, %get3A_1332] {strides = array<i32>} : memref<2x320x128xf32, #tpu.memory_space<vmem>>, vector<16xf32>,
      %mul3A_1334 = arith.mulf %get3A_1309, %get3A_1333 : vector<16xf32>
      %add3A_1335 = arith.addf %mul3A_1328, %mul3A_1334 : vector<16xf32>
      %get3A_1336 = arith.constant 0 : i32
      %get3A_1337 = arith.index_cast %get3A_1336 : i32 to index
      %get3A_1338 = arith.index_cast %add3A_1322 : i32 to index
      %get3A_1339 = arith.constant 32 : index
      %get3A_1340 = tpu.vector_load %arg10[%get3A_1337, %get3A_1338, %get3A_1339] {strides = array<i32>} : memref<2x320x128xf32, #tpu.memory_space<vmem>>, vector<16xf32>,
      %mul3A_1341 = arith.mulf %get3A_1314, %get3A_1340 : vector<16xf32>
      %add3A_1342 = arith.addf %add3A_1335, %mul3A_1341 : vector<16xf32>
      %get3A_1343 = arith.constant 0 : i32
      %get3A_1344 = arith.index_cast %get3A_1343 : i32 to index
      %get3A_1345 = arith.index_cast %add3A_1322 : i32 to index
      %get3A_1346 = arith.constant 48 : index
      %get3A_1347 = tpu.vector_load %arg10[%get3A_1344, %get3A_1345, %get3A_1346] {strides = array<i32>} : memref<2x320x128xf32, #tpu.memory_space<vmem>>, vector<16xf32>,
      %mul3A_1348 = arith.mulf %get3A_1319, %get3A_1347 : vector<16xf32>
      %add3A_1349 = arith.addf %add3A_1342, %mul3A_1348 : vector<16xf32>
      %reduce_sum3A = arith.constant true
      %reduce_sum3A_1350 = vector.broadcast %reduce_sum3A : i1 to vector<16xi1>
      %reduce_sum3A_1351 = tpu.scan <sum>, %add3A_1349 masked %reduce_sum3A_1350 : vector<16xf32>, vector<16xi1> -> vector<16xf32>
      %reduce_sum3A_1352 = vector.extract %reduce_sum3A_1351[15] : f32 from vector<16xf32>
      %broadcast_in_dim3A_1353 = vector.broadcast %reduce_sum3A_1352 : f32 to vector<16xf32>
      %select_n3A = arith.select %eq3A_24, %broadcast_in_dim3A_1353, %broadcast_in_dim3A_1320 : vector<16xi1>, vector<16xf32>
      %add3A_1354 = arith.constant 64 : i32
      %add3A_1355 = arith.addi %add3A_1354, %add3A_1300 : i32
      %get3A_1356 = arith.constant 0 : i32
      %get3A_1357 = arith.index_cast %get3A_1356 : i32 to index
      %get3A_1358 = arith.index_cast %add3A_1355 : i32 to index
      %get3A_1359 = arith.constant 0 : index
      %get3A_1360 = tpu.vector_load %arg10[%get3A_1357, %get3A_1358, %get3A_1359] {strides = array<i32>} : memref<2x320x128xf32, #tpu.memory_space<vmem>>, vector<16xf32>,
      %mul3A_1361 = arith.mulf %get3A_1304, %get3A_1360 : vector<16xf32>
      %get3A_1362 = arith.constant 0 : i32
      %get3A_1363 = arith.index_cast %get3A_1362 : i32 to index
      %get3A_1364 = arith.index_cast %add3A_1355 : i32 to index
      %get3A_1365 = arith.constant 16 : index
      %get3A_1366 = tpu.vector_load %arg10[%get3A_1363, %get3A_1364, %get3A_1365] {strides = array<i32>} : memref<2x320x128xf32, #tpu.memory_space<vmem>>, vector<16xf32>,
      %mul3A_1367 = arith.mulf %get3A_1309, %get3A_1366 : vector<16xf32>
      %add3A_1368 = arith.addf %mul3A_1361, %mul3A_1367 : vector<16xf32>
      %get3A_1369 = arith.constant 0 : i32
      %get3A_1370 = arith.index_cast %get3A_1369 : i32 to index
      %get3A_1371 = arith.index_cast %add3A_1355 : i32 to index
      %get3A_1372 = arith.constant 32 : index
      %get3A_1373 = tpu.vector_load %arg10[%get3A_1370, %get3A_1371, %get3A_1372] {strides = array<i32>} : memref<2x320x128xf32, #tpu.memory_space<vmem>>, vector<16xf32>,
      %mul3A_1374 = arith.mulf %get3A_1314, %get3A_1373 : vector<16xf32>
      %add3A_1375 = arith.addf %add3A_1368, %mul3A_1374 : vector<16xf32>
      %get3A_1376 = arith.constant 0 : i32
      %get3A_1377 = arith.index_cast %get3A_1376 : i32 to index
      %get3A_1378 = arith.index_cast %add3A_1355 : i32 to index
      %get3A_1379 = arith.constant 48 : index
      %get3A_1380 = tpu.vector_load %arg10[%get3A_1377, %get3A_1378, %get3A_1379] {strides = array<i32>} : memref<2x320x128xf32, #tpu.memory_space<vmem>>, vector<16xf32>,
      %mul3A_1381 = arith.mulf %get3A_1319, %get3A_1380 : vector<16xf32>
      %add3A_1382 = arith.addf %add3A_1375, %mul3A_1381 : vector<16xf32>
      %reduce_sum3A_1383 = arith.constant true
      %reduce_sum3A_1384 = vector.broadcast %reduce_sum3A_1383 : i1 to vector<16xi1>
      %reduce_sum3A_1385 = tpu.scan <sum>, %add3A_1382 masked %reduce_sum3A_1384 : vector<16xf32>, vector<16xi1> -> vector<16xf32>
      %reduce_sum3A_1386 = vector.extract %reduce_sum3A_1385[15] : f32 from vector<16xf32>
      %broadcast_in_dim3A_1387 = vector.broadcast %reduce_sum3A_1386 : f32 to vector<16xf32>
      %select_n3A_1388 = arith.select %eq3A_27, %broadcast_in_dim3A_1387, %select_n3A : vector<16xi1>, vector<16xf32>
      %add3A_1389 = arith.constant 128 : i32
      %add3A_1390 = arith.addi %add3A_1389, %add3A_1300 : i32
      %get3A_1391 = arith.constant 0 : i32
      %get3A_1392 = arith.index_cast %get3A_1391 : i32 to index
      %get3A_1393 = arith.index_cast %add3A_1390 : i32 to index
      %get3A_1394 = arith.constant 0 : index
      %get3A_1395 = tpu.vector_load %arg10[%get3A_1392, %get3A_1393, %get3A_1394] {strides = array<i32>} : memref<2x320x128xf32, #tpu.memory_space<vmem>>, vector<16xf32>,
      %mul3A_1396 = arith.mulf %get3A_1304, %get3A_1395 : vector<16xf32>
      %get3A_1397 = arith.constant 0 : i32
      %get3A_1398 = arith.index_cast %get3A_1397 : i32 to index
      %get3A_1399 = arith.index_cast %add3A_1390 : i32 to index
      %get3A_1400 = arith.constant 16 : index
      %get3A_1401 = tpu.vector_load %arg10[%get3A_1398, %get3A_1399, %get3A_1400] {strides = array<i32>} : memref<2x320x128xf32, #tpu.memory_space<vmem>>, vector<16xf32>,
      %mul3A_1402 = arith.mulf %get3A_1309, %get3A_1401 : vector<16xf32>
      %add3A_1403 = arith.addf %mul3A_1396, %mul3A_1402 : vector<16xf32>
      %get3A_1404 = arith.constant 0 : i32
      %get3A_1405 = arith.index_cast %get3A_1404 : i32 to index
      %get3A_1406 = arith.index_cast %add3A_1390 : i32 to index
      %get3A_1407 = arith.constant 32 : index
      %get3A_1408 = tpu.vector_load %arg10[%get3A_1405, %get3A_1406, %get3A_1407] {strides = array<i32>} : memref<2x320x128xf32, #tpu.memory_space<vmem>>, vector<16xf32>,
      %mul3A_1409 = arith.mulf %get3A_1314, %get3A_1408 : vector<16xf32>
      %add3A_1410 = arith.addf %add3A_1403, %mul3A_1409 : vector<16xf32>
      %get3A_1411 = arith.constant 0 : i32
      %get3A_1412 = arith.index_cast %get3A_1411 : i32 to index
      %get3A_1413 = arith.index_cast %add3A_1390 : i32 to index
      %get3A_1414 = arith.constant 48 : index
      %get3A_1415 = tpu.vector_load %arg10[%get3A_1412, %get3A_1413, %get3A_1414] {strides = array<i32>} : memref<2x320x128xf32, #tpu.memory_space<vmem>>, vector<16xf32>,
      %mul3A_1416 = arith.mulf %get3A_1319, %get3A_1415 : vector<16xf32>
      %add3A_1417 = arith.addf %add3A_1410, %mul3A_1416 : vector<16xf32>
      %reduce_sum3A_1418 = arith.constant true
      %reduce_sum3A_1419 = vector.broadcast %reduce_sum3A_1418 : i1 to vector<16xi1>
      %reduce_sum3A_1420 = tpu.scan <sum>, %add3A_1417 masked %reduce_sum3A_1419 : vector<16xf32>, vector<16xi1> -> vector<16xf32>
      %reduce_sum3A_1421 = vector.extract %reduce_sum3A_1420[15] : f32 from vector<16xf32>
      %broadcast_in_dim3A_1422 = vector.broadcast %reduce_sum3A_1421 : f32 to vector<16xf32>
      %select_n3A_1423 = arith.select %eq3A_30, %broadcast_in_dim3A_1422, %select_n3A_1388 : vector<16xi1>, vector<16xf32>
      %add3A_1424 = arith.constant 192 : i32
      %add3A_1425 = arith.addi %add3A_1424, %add3A_1300 : i32
      %get3A_1426 = arith.constant 0 : i32
      %get3A_1427 = arith.index_cast %get3A_1426 : i32 to index
      %get3A_1428 = arith.index_cast %add3A_1425 : i32 to index
      %get3A_1429 = arith.constant 0 : index
      %get3A_1430 = tpu.vector_load %arg10[%get3A_1427, %get3A_1428, %get3A_1429] {strides = array<i32>} : memref<2x320x128xf32, #tpu.memory_space<vmem>>, vector<16xf32>,
      %mul3A_1431 = arith.mulf %get3A_1304, %get3A_1430 : vector<16xf32>
      %get3A_1432 = arith.constant 0 : i32
      %get3A_1433 = arith.index_cast %get3A_1432 : i32 to index
      %get3A_1434 = arith.index_cast %add3A_1425 : i32 to index
      %get3A_1435 = arith.constant 16 : index
      %get3A_1436 = tpu.vector_load %arg10[%get3A_1433, %get3A_1434, %get3A_1435] {strides = array<i32>} : memref<2x320x128xf32, #tpu.memory_space<vmem>>, vector<16xf32>,
      %mul3A_1437 = arith.mulf %get3A_1309, %get3A_1436 : vector<16xf32>
      %add3A_1438 = arith.addf %mul3A_1431, %mul3A_1437 : vector<16xf32>
      %get3A_1439 = arith.constant 0 : i32
      %get3A_1440 = arith.index_cast %get3A_1439 : i32 to index
      %get3A_1441 = arith.index_cast %add3A_1425 : i32 to index
      %get3A_1442 = arith.constant 32 : index
      %get3A_1443 = tpu.vector_load %arg10[%get3A_1440, %get3A_1441, %get3A_1442] {strides = array<i32>} : memref<2x320x128xf32, #tpu.memory_space<vmem>>, vector<16xf32>,
      %mul3A_1444 = arith.mulf %get3A_1314, %get3A_1443 : vector<16xf32>
      %add3A_1445 = arith.addf %add3A_1438, %mul3A_1444 : vector<16xf32>
      %get3A_1446 = arith.constant 0 : i32
      %get3A_1447 = arith.index_cast %get3A_1446 : i32 to index
      %get3A_1448 = arith.index_cast %add3A_1425 : i32 to index
      %get3A_1449 = arith.constant 48 : index
      %get3A_1450 = tpu.vector_load %arg10[%get3A_1447, %get3A_1448, %get3A_1449] {strides = array<i32>} : memref<2x320x128xf32, #tpu.memory_space<vmem>>, vector<16xf32>,
      %mul3A_1451 = arith.mulf %get3A_1319, %get3A_1450 : vector<16xf32>
      %add3A_1452 = arith.addf %add3A_1445, %mul3A_1451 : vector<16xf32>
      %reduce_sum3A_1453 = arith.constant true
      %reduce_sum3A_1454 = vector.broadcast %reduce_sum3A_1453 : i1 to vector<16xi1>
      %reduce_sum3A_1455 = tpu.scan <sum>, %add3A_1452 masked %reduce_sum3A_1454 : vector<16xf32>, vector<16xi1> -> vector<16xf32>
      %reduce_sum3A_1456 = vector.extract %reduce_sum3A_1455[15] : f32 from vector<16xf32>
      %broadcast_in_dim3A_1457 = vector.broadcast %reduce_sum3A_1456 : f32 to vector<16xf32>
      %select_n3A_1458 = arith.select %eq3A_33, %broadcast_in_dim3A_1457, %select_n3A_1423 : vector<16xi1>, vector<16xf32>
      %add3A_1459 = arith.constant 256 : i32
      %add3A_1460 = arith.addi %add3A_1459, %add3A_1300 : i32
      %get3A_1461 = arith.constant 0 : i32
      %get3A_1462 = arith.index_cast %get3A_1461 : i32 to index
      %get3A_1463 = arith.index_cast %add3A_1460 : i32 to index
      %get3A_1464 = arith.constant 0 : index
      %get3A_1465 = tpu.vector_load %arg10[%get3A_1462, %get3A_1463, %get3A_1464] {strides = array<i32>} : memref<2x320x128xf32, #tpu.memory_space<vmem>>, vector<16xf32>,
      %mul3A_1466 = arith.mulf %get3A_1304, %get3A_1465 : vector<16xf32>
      %get3A_1467 = arith.constant 0 : i32
      %get3A_1468 = arith.index_cast %get3A_1467 : i32 to index
      %get3A_1469 = arith.index_cast %add3A_1460 : i32 to index
      %get3A_1470 = arith.constant 16 : index
      %get3A_1471 = tpu.vector_load %arg10[%get3A_1468, %get3A_1469, %get3A_1470] {strides = array<i32>} : memref<2x320x128xf32, #tpu.memory_space<vmem>>, vector<16xf32>,
      %mul3A_1472 = arith.mulf %get3A_1309, %get3A_1471 : vector<16xf32>
      %add3A_1473 = arith.addf %mul3A_1466, %mul3A_1472 : vector<16xf32>
      %get3A_1474 = arith.constant 0 : i32
      %get3A_1475 = arith.index_cast %get3A_1474 : i32 to index
      %get3A_1476 = arith.index_cast %add3A_1460 : i32 to index
      %get3A_1477 = arith.constant 32 : index
      %get3A_1478 = tpu.vector_load %arg10[%get3A_1475, %get3A_1476, %get3A_1477] {strides = array<i32>} : memref<2x320x128xf32, #tpu.memory_space<vmem>>, vector<16xf32>,
      %mul3A_1479 = arith.mulf %get3A_1314, %get3A_1478 : vector<16xf32>
      %add3A_1480 = arith.addf %add3A_1473, %mul3A_1479 : vector<16xf32>
      %get3A_1481 = arith.constant 0 : i32
      %get3A_1482 = arith.index_cast %get3A_1481 : i32 to index
      %get3A_1483 = arith.index_cast %add3A_1460 : i32 to index
      %get3A_1484 = arith.constant 48 : index
      %get3A_1485 = tpu.vector_load %arg10[%get3A_1482, %get3A_1483, %get3A_1484] {strides = array<i32>} : memref<2x320x128xf32, #tpu.memory_space<vmem>>, vector<16xf32>,
      %mul3A_1486 = arith.mulf %get3A_1319, %get3A_1485 : vector<16xf32>
      %add3A_1487 = arith.addf %add3A_1480, %mul3A_1486 : vector<16xf32>
      %reduce_sum3A_1488 = arith.constant true
      %reduce_sum3A_1489 = vector.broadcast %reduce_sum3A_1488 : i1 to vector<16xi1>
      %reduce_sum3A_1490 = tpu.scan <sum>, %add3A_1487 masked %reduce_sum3A_1489 : vector<16xf32>, vector<16xi1> -> vector<16xf32>
      %reduce_sum3A_1491 = vector.extract %reduce_sum3A_1490[15] : f32 from vector<16xf32>
      %broadcast_in_dim3A_1492 = vector.broadcast %reduce_sum3A_1491 : f32 to vector<16xf32>
      %select_n3A_1493 = arith.select %eq3A_36, %broadcast_in_dim3A_1492, %select_n3A_1458 : vector<16xi1>, vector<16xf32>
      %mul3A_1494 = arith.constant 512 : i32
      %mul3A_1495 = vector.broadcast %mul3A_1494 : i32 to vector<16xi32>
      %mul3A_1496 = arith.muli %iota3A, %mul3A_1495 : vector<16xi32>
      %add3A_1497 = arith.constant 384 : i32
      %add3A_1498 = arith.addi %add3A_1497, %add3A_1300 : i32
      %add3A_1499 = vector.broadcast %add3A_1498 : i32 to vector<16xi32>
      %add3A_1500 = arith.addi %mul3A_1496, %add3A_1499 : vector<16xi32>
      tpu.vector_store_idx %arg11[%add3A_1500], %select_n3A_1493 masked %lt3A_38 : memref<2560xf32, #tpu.memory_space<vmem>>[vector<16xi32>], vector<16xf32>, vector<16xi1>
    }
    %scan3A_1195 = arith.constant 64 : i32
    %dma_wait3A_1196 = arith.constant 1 : i32
    %dma_wait3A_1197 = arith.constant 0 : i32
    %dma_wait3A_1198 = arith.constant 0 : i32
    %dma_wait3A_1199 = tpu.memref_slice %arg9[%dma_wait3A_1196, %dma_wait3A_1197, %dma_wait3A_1198] : memref<2x64x128xf32, #tpu.memory_space<vmem>> -> memref<1x64x128xf32, #tpu.memory_space<vmem>>
    %dma_wait3A_1200 = tpu.memref_squeeze %dma_wait3A_1199 : memref<1x64x128xf32, #tpu.memory_space<vmem>> -> memref<64x128xf32, #tpu.memory_space<vmem>>
    %dma_wait3A_1201 = arith.constant 448 : i32
    %dma_wait3A_1202 = tpu.memref_slice %arg7[%dma_wait3A_1201] : memref<512xi32, #tpu.memory_space<vmem>> -> memref<64xi32, #tpu.memory_space<vmem>>
    %dma_wait3A_1203 = arith.constant 0 : i32
    %dma_wait3A_1204 = arith.constant 0 : i32
    %dma_wait3A_1205 = tpu.memref_slice %arg2[%dma_wait3A_1203, %dma_wait3A_1204] : memref<100000x128xf32, #tpu.memory_space<hbm>> -> memref<100000x128xf32, #tpu.memory_space<hbm>>
    tpu.wait_indirect_dma semaphore(%arg13 : memref<!tpu.dma_semaphore, #tpu.memory_space<semaphore_mem>>) src(%dma_wait3A_1205 : memref<100000x128xf32, #tpu.memory_space<hbm>>) dst(%dma_wait3A_1200 : memref<64x128xf32, #tpu.memory_space<vmem>>)
    %dma_wait3A_1206 = arith.constant 1 : i32
    %dma_wait3A_1207 = arith.constant 0 : i32
    %dma_wait3A_1208 = arith.constant 0 : i32
    %dma_wait3A_1209 = tpu.memref_slice %arg10[%dma_wait3A_1206, %dma_wait3A_1207, %dma_wait3A_1208] : memref<2x320x128xf32, #tpu.memory_space<vmem>> -> memref<1x320x128xf32, #tpu.memory_space<vmem>>
    %dma_wait3A_1210 = tpu.memref_squeeze %dma_wait3A_1209 : memref<1x320x128xf32, #tpu.memory_space<vmem>> -> memref<320x128xf32, #tpu.memory_space<vmem>>
    %dma_wait3A_1211 = arith.constant 0 : i32
    %dma_wait3A_1212 = arith.constant 0 : i32
    %dma_wait3A_1213 = tpu.memref_slice %dma_wait3A_1210[%dma_wait3A_1211, %dma_wait3A_1212] : memref<320x128xf32, #tpu.memory_space<vmem>> -> memref<64x128xf32, #tpu.memory_space<vmem>>
    %dma_wait3A_1214 = arith.constant 448 : i32
    %dma_wait3A_1215 = tpu.memref_slice %arg8[%dma_wait3A_1214] : memref<2560xi32, #tpu.memory_space<vmem>> -> memref<64xi32, #tpu.memory_space<vmem>>
    %dma_wait3A_1216 = arith.constant 0 : i32
    %dma_wait3A_1217 = arith.constant 0 : i32
    %dma_wait3A_1218 = tpu.memref_slice %arg3[%dma_wait3A_1216, %dma_wait3A_1217] : memref<100000x128xf32, #tpu.memory_space<hbm>> -> memref<100000x128xf32, #tpu.memory_space<hbm>>
    tpu.wait_indirect_dma semaphore(%arg13 : memref<!tpu.dma_semaphore, #tpu.memory_space<semaphore_mem>>) src(%dma_wait3A_1218 : memref<100000x128xf32, #tpu.memory_space<hbm>>) dst(%dma_wait3A_1213 : memref<64x128xf32, #tpu.memory_space<vmem>>)
    %dma_wait3A_1219 = arith.constant 1 : i32
    %dma_wait3A_1220 = arith.constant 0 : i32
    %dma_wait3A_1221 = arith.constant 0 : i32
    %dma_wait3A_1222 = tpu.memref_slice %arg10[%dma_wait3A_1219, %dma_wait3A_1220, %dma_wait3A_1221] : memref<2x320x128xf32, #tpu.memory_space<vmem>> -> memref<1x320x128xf32, #tpu.memory_space<vmem>>
    %dma_wait3A_1223 = tpu.memref_squeeze %dma_wait3A_1222 : memref<1x320x128xf32, #tpu.memory_space<vmem>> -> memref<320x128xf32, #tpu.memory_space<vmem>>
    %dma_wait3A_1224 = arith.constant 64 : i32
    %dma_wait3A_1225 = arith.constant 0 : i32
    %dma_wait3A_1226 = tpu.memref_slice %dma_wait3A_1223[%dma_wait3A_1224, %dma_wait3A_1225] : memref<320x128xf32, #tpu.memory_space<vmem>> -> memref<64x128xf32, #tpu.memory_space<vmem>>
    %dma_wait3A_1227 = arith.constant 960 : i32
    %dma_wait3A_1228 = tpu.memref_slice %arg8[%dma_wait3A_1227] : memref<2560xi32, #tpu.memory_space<vmem>> -> memref<64xi32, #tpu.memory_space<vmem>>
    %dma_wait3A_1229 = arith.constant 0 : i32
    %dma_wait3A_1230 = arith.constant 0 : i32
    %dma_wait3A_1231 = tpu.memref_slice %arg3[%dma_wait3A_1229, %dma_wait3A_1230] : memref<100000x128xf32, #tpu.memory_space<hbm>> -> memref<100000x128xf32, #tpu.memory_space<hbm>>
    tpu.wait_indirect_dma semaphore(%arg13 : memref<!tpu.dma_semaphore, #tpu.memory_space<semaphore_mem>>) src(%dma_wait3A_1231 : memref<100000x128xf32, #tpu.memory_space<hbm>>) dst(%dma_wait3A_1226 : memref<64x128xf32, #tpu.memory_space<vmem>>)
    %dma_wait3A_1232 = arith.constant 1 : i32
    %dma_wait3A_1233 = arith.constant 0 : i32
    %dma_wait3A_1234 = arith.constant 0 : i32
    %dma_wait3A_1235 = tpu.memref_slice %arg10[%dma_wait3A_1232, %dma_wait3A_1233, %dma_wait3A_1234] : memref<2x320x128xf32, #tpu.memory_space<vmem>> -> memref<1x320x128xf32, #tpu.memory_space<vmem>>
    %dma_wait3A_1236 = tpu.memref_squeeze %dma_wait3A_1235 : memref<1x320x128xf32, #tpu.memory_space<vmem>> -> memref<320x128xf32, #tpu.memory_space<vmem>>
    %dma_wait3A_1237 = arith.constant 128 : i32
    %dma_wait3A_1238 = arith.constant 0 : i32
    %dma_wait3A_1239 = tpu.memref_slice %dma_wait3A_1236[%dma_wait3A_1237, %dma_wait3A_1238] : memref<320x128xf32, #tpu.memory_space<vmem>> -> memref<64x128xf32, #tpu.memory_space<vmem>>
    %dma_wait3A_1240 = arith.constant 1472 : i32
    %dma_wait3A_1241 = tpu.memref_slice %arg8[%dma_wait3A_1240] : memref<2560xi32, #tpu.memory_space<vmem>> -> memref<64xi32, #tpu.memory_space<vmem>>
    %dma_wait3A_1242 = arith.constant 0 : i32
    %dma_wait3A_1243 = arith.constant 0 : i32
    %dma_wait3A_1244 = tpu.memref_slice %arg3[%dma_wait3A_1242, %dma_wait3A_1243] : memref<100000x128xf32, #tpu.memory_space<hbm>> -> memref<100000x128xf32, #tpu.memory_space<hbm>>
    tpu.wait_indirect_dma semaphore(%arg13 : memref<!tpu.dma_semaphore, #tpu.memory_space<semaphore_mem>>) src(%dma_wait3A_1244 : memref<100000x128xf32, #tpu.memory_space<hbm>>) dst(%dma_wait3A_1239 : memref<64x128xf32, #tpu.memory_space<vmem>>)
    %dma_wait3A_1245 = arith.constant 1 : i32
    %dma_wait3A_1246 = arith.constant 0 : i32
    %dma_wait3A_1247 = arith.constant 0 : i32
    %dma_wait3A_1248 = tpu.memref_slice %arg10[%dma_wait3A_1245, %dma_wait3A_1246, %dma_wait3A_1247] : memref<2x320x128xf32, #tpu.memory_space<vmem>> -> memref<1x320x128xf32, #tpu.memory_space<vmem>>
    %dma_wait3A_1249 = tpu.memref_squeeze %dma_wait3A_1248 : memref<1x320x128xf32, #tpu.memory_space<vmem>> -> memref<320x128xf32, #tpu.memory_space<vmem>>
    %dma_wait3A_1250 = arith.constant 192 : i32
    %dma_wait3A_1251 = arith.constant 0 : i32
    %dma_wait3A_1252 = tpu.memref_slice %dma_wait3A_1249[%dma_wait3A_1250, %dma_wait3A_1251] : memref<320x128xf32, #tpu.memory_space<vmem>> -> memref<64x128xf32, #tpu.memory_space<vmem>>
    %dma_wait3A_1253 = arith.constant 1984 : i32
    %dma_wait3A_1254 = tpu.memref_slice %arg8[%dma_wait3A_1253] : memref<2560xi32, #tpu.memory_space<vmem>> -> memref<64xi32, #tpu.memory_space<vmem>>
    %dma_wait3A_1255 = arith.constant 0 : i32
    %dma_wait3A_1256 = arith.constant 0 : i32
    %dma_wait3A_1257 = tpu.memref_slice %arg3[%dma_wait3A_1255, %dma_wait3A_1256] : memref<100000x128xf32, #tpu.memory_space<hbm>> -> memref<100000x128xf32, #tpu.memory_space<hbm>>
    tpu.wait_indirect_dma semaphore(%arg13 : memref<!tpu.dma_semaphore, #tpu.memory_space<semaphore_mem>>) src(%dma_wait3A_1257 : memref<100000x128xf32, #tpu.memory_space<hbm>>) dst(%dma_wait3A_1252 : memref<64x128xf32, #tpu.memory_space<vmem>>)
    %dma_wait3A_1258 = arith.constant 1 : i32
    %dma_wait3A_1259 = arith.constant 0 : i32
    %dma_wait3A_1260 = arith.constant 0 : i32
    %dma_wait3A_1261 = tpu.memref_slice %arg10[%dma_wait3A_1258, %dma_wait3A_1259, %dma_wait3A_1260] : memref<2x320x128xf32, #tpu.memory_space<vmem>> -> memref<1x320x128xf32, #tpu.memory_space<vmem>>
    %dma_wait3A_1262 = tpu.memref_squeeze %dma_wait3A_1261 : memref<1x320x128xf32, #tpu.memory_space<vmem>> -> memref<320x128xf32, #tpu.memory_space<vmem>>
    %dma_wait3A_1263 = arith.constant 256 : i32
    %dma_wait3A_1264 = arith.constant 0 : i32
    %dma_wait3A_1265 = tpu.memref_slice %dma_wait3A_1262[%dma_wait3A_1263, %dma_wait3A_1264] : memref<320x128xf32, #tpu.memory_space<vmem>> -> memref<64x128xf32, #tpu.memory_space<vmem>>
    %dma_wait3A_1266 = arith.constant 2496 : i32
    %dma_wait3A_1267 = tpu.memref_slice %arg8[%dma_wait3A_1266] : memref<2560xi32, #tpu.memory_space<vmem>> -> memref<64xi32, #tpu.memory_space<vmem>>
    %dma_wait3A_1268 = arith.constant 0 : i32
    %dma_wait3A_1269 = arith.constant 0 : i32
    %dma_wait3A_1270 = tpu.memref_slice %arg3[%dma_wait3A_1268, %dma_wait3A_1269] : memref<100000x128xf32, #tpu.memory_space<hbm>> -> memref<100000x128xf32, #tpu.memory_space<hbm>>
    tpu.wait_indirect_dma semaphore(%arg13 : memref<!tpu.dma_semaphore, #tpu.memory_space<semaphore_mem>>) src(%dma_wait3A_1270 : memref<100000x128xf32, #tpu.memory_space<hbm>>) dst(%dma_wait3A_1265 : memref<64x128xf32, #tpu.memory_space<vmem>>)
    %scan3A_1271 = arith.constant 0 : i32
    %scan3A_1272 = arith.constant 64 : i32
    %scan3A_1273 = arith.addi %scan3A_1271, %scan3A_1272 : i32
    %scan3A_1274 = arith.constant 1 : i32
    scf.for %scan3A_1296 = %scan3A_1271 to %scan3A_1273 step %scan3A_1274  : i32 {
      %mul3A_1297 = arith.constant 1 : i32
      %mul3A_1298 = arith.muli %scan3A_1296, %mul3A_1297 : i32
      %add3A_1299 = arith.constant 0 : i32
      %add3A_1300 = arith.addi %add3A_1299, %mul3A_1298 : i32
      %get3A = arith.constant 1 : i32
      %get3A_1301 = arith.index_cast %get3A : i32 to index
      %get3A_1302 = arith.index_cast %add3A_1300 : i32 to index
      %get3A_1303 = arith.constant 0 : index
      %get3A_1304 = tpu.vector_load %arg9[%get3A_1301, %get3A_1302, %get3A_1303] {strides = array<i32>} : memref<2x64x128xf32, #tpu.memory_space<vmem>>, vector<16xf32>,
      %get3A_1305 = arith.constant 1 : i32
      %get3A_1306 = arith.index_cast %get3A_1305 : i32 to index
      %get3A_1307 = arith.index_cast %add3A_1300 : i32 to index
      %get3A_1308 = arith.constant 16 : index
      %get3A_1309 = tpu.vector_load %arg9[%get3A_1306, %get3A_1307, %get3A_1308] {strides = array<i32>} : memref<2x64x128xf32, #tpu.memory_space<vmem>>, vector<16xf32>,
      %get3A_1310 = arith.constant 1 : i32
      %get3A_1311 = arith.index_cast %get3A_1310 : i32 to index
      %get3A_1312 = arith.index_cast %add3A_1300 : i32 to index
      %get3A_1313 = arith.constant 32 : index
      %get3A_1314 = tpu.vector_load %arg9[%get3A_1311, %get3A_1312, %get3A_1313] {strides = array<i32>} : memref<2x64x128xf32, #tpu.memory_space<vmem>>, vector<16xf32>,
      %get3A_1315 = arith.constant 1 : i32
      %get3A_1316 = arith.index_cast %get3A_1315 : i32 to index
      %get3A_1317 = arith.index_cast %add3A_1300 : i32 to index
      %get3A_1318 = arith.constant 48 : index
      %get3A_1319 = tpu.vector_load %arg9[%get3A_1316, %get3A_1317, %get3A_1318] {strides = array<i32>} : memref<2x64x128xf32, #tpu.memory_space<vmem>>, vector<16xf32>,
      %broadcast_in_dim3A = arith.constant 0.000000e+00 : f32
      %broadcast_in_dim3A_1320 = vector.broadcast %broadcast_in_dim3A : f32 to vector<16xf32>
      %add3A_1321 = arith.constant 0 : i32
      %add3A_1322 = arith.addi %add3A_1321, %add3A_1300 : i32
      %get3A_1323 = arith.constant 1 : i32
      %get3A_1324 = arith.index_cast %get3A_1323 : i32 to index
      %get3A_1325 = arith.index_cast %add3A_1322 : i32 to index
      %get3A_1326 = arith.constant 0 : index
      %get3A_1327 = tpu.vector_load %arg10[%get3A_1324, %get3A_1325, %get3A_1326] {strides = array<i32>} : memref<2x320x128xf32, #tpu.memory_space<vmem>>, vector<16xf32>,
      %mul3A_1328 = arith.mulf %get3A_1304, %get3A_1327 : vector<16xf32>
      %get3A_1329 = arith.constant 1 : i32
      %get3A_1330 = arith.index_cast %get3A_1329 : i32 to index
      %get3A_1331 = arith.index_cast %add3A_1322 : i32 to index
      %get3A_1332 = arith.constant 16 : index
      %get3A_1333 = tpu.vector_load %arg10[%get3A_1330, %get3A_1331, %get3A_1332] {strides = array<i32>} : memref<2x320x128xf32, #tpu.memory_space<vmem>>, vector<16xf32>,
      %mul3A_1334 = arith.mulf %get3A_1309, %get3A_1333 : vector<16xf32>
      %add3A_1335 = arith.addf %mul3A_1328, %mul3A_1334 : vector<16xf32>
      %get3A_1336 = arith.constant 1 : i32
      %get3A_1337 = arith.index_cast %get3A_1336 : i32 to index
      %get3A_1338 = arith.index_cast %add3A_1322 : i32 to index
      %get3A_1339 = arith.constant 32 : index
      %get3A_1340 = tpu.vector_load %arg10[%get3A_1337, %get3A_1338, %get3A_1339] {strides = array<i32>} : memref<2x320x128xf32, #tpu.memory_space<vmem>>, vector<16xf32>,
      %mul3A_1341 = arith.mulf %get3A_1314, %get3A_1340 : vector<16xf32>
      %add3A_1342 = arith.addf %add3A_1335, %mul3A_1341 : vector<16xf32>
      %get3A_1343 = arith.constant 1 : i32
      %get3A_1344 = arith.index_cast %get3A_1343 : i32 to index
      %get3A_1345 = arith.index_cast %add3A_1322 : i32 to index
      %get3A_1346 = arith.constant 48 : index
      %get3A_1347 = tpu.vector_load %arg10[%get3A_1344, %get3A_1345, %get3A_1346] {strides = array<i32>} : memref<2x320x128xf32, #tpu.memory_space<vmem>>, vector<16xf32>,
      %mul3A_1348 = arith.mulf %get3A_1319, %get3A_1347 : vector<16xf32>
      %add3A_1349 = arith.addf %add3A_1342, %mul3A_1348 : vector<16xf32>
      %reduce_sum3A = arith.constant true
      %reduce_sum3A_1350 = vector.broadcast %reduce_sum3A : i1 to vector<16xi1>
      %reduce_sum3A_1351 = tpu.scan <sum>, %add3A_1349 masked %reduce_sum3A_1350 : vector<16xf32>, vector<16xi1> -> vector<16xf32>
      %reduce_sum3A_1352 = vector.extract %reduce_sum3A_1351[15] : f32 from vector<16xf32>
      %broadcast_in_dim3A_1353 = vector.broadcast %reduce_sum3A_1352 : f32 to vector<16xf32>
      %select_n3A = arith.select %eq3A_24, %broadcast_in_dim3A_1353, %broadcast_in_dim3A_1320 : vector<16xi1>, vector<16xf32>
      %add3A_1354 = arith.constant 64 : i32
      %add3A_1355 = arith.addi %add3A_1354, %add3A_1300 : i32
      %get3A_1356 = arith.constant 1 : i32
      %get3A_1357 = arith.index_cast %get3A_1356 : i32 to index
      %get3A_1358 = arith.index_cast %add3A_1355 : i32 to index
      %get3A_1359 = arith.constant 0 : index
      %get3A_1360 = tpu.vector_load %arg10[%get3A_1357, %get3A_1358, %get3A_1359] {strides = array<i32>} : memref<2x320x128xf32, #tpu.memory_space<vmem>>, vector<16xf32>,
      %mul3A_1361 = arith.mulf %get3A_1304, %get3A_1360 : vector<16xf32>
      %get3A_1362 = arith.constant 1 : i32
      %get3A_1363 = arith.index_cast %get3A_1362 : i32 to index
      %get3A_1364 = arith.index_cast %add3A_1355 : i32 to index
      %get3A_1365 = arith.constant 16 : index
      %get3A_1366 = tpu.vector_load %arg10[%get3A_1363, %get3A_1364, %get3A_1365] {strides = array<i32>} : memref<2x320x128xf32, #tpu.memory_space<vmem>>, vector<16xf32>,
      %mul3A_1367 = arith.mulf %get3A_1309, %get3A_1366 : vector<16xf32>
      %add3A_1368 = arith.addf %mul3A_1361, %mul3A_1367 : vector<16xf32>
      %get3A_1369 = arith.constant 1 : i32
      %get3A_1370 = arith.index_cast %get3A_1369 : i32 to index
      %get3A_1371 = arith.index_cast %add3A_1355 : i32 to index
      %get3A_1372 = arith.constant 32 : index
      %get3A_1373 = tpu.vector_load %arg10[%get3A_1370, %get3A_1371, %get3A_1372] {strides = array<i32>} : memref<2x320x128xf32, #tpu.memory_space<vmem>>, vector<16xf32>,
      %mul3A_1374 = arith.mulf %get3A_1314, %get3A_1373 : vector<16xf32>
      %add3A_1375 = arith.addf %add3A_1368, %mul3A_1374 : vector<16xf32>
      %get3A_1376 = arith.constant 1 : i32
      %get3A_1377 = arith.index_cast %get3A_1376 : i32 to index
      %get3A_1378 = arith.index_cast %add3A_1355 : i32 to index
      %get3A_1379 = arith.constant 48 : index
      %get3A_1380 = tpu.vector_load %arg10[%get3A_1377, %get3A_1378, %get3A_1379] {strides = array<i32>} : memref<2x320x128xf32, #tpu.memory_space<vmem>>, vector<16xf32>,
      %mul3A_1381 = arith.mulf %get3A_1319, %get3A_1380 : vector<16xf32>
      %add3A_1382 = arith.addf %add3A_1375, %mul3A_1381 : vector<16xf32>
      %reduce_sum3A_1383 = arith.constant true
      %reduce_sum3A_1384 = vector.broadcast %reduce_sum3A_1383 : i1 to vector<16xi1>
      %reduce_sum3A_1385 = tpu.scan <sum>, %add3A_1382 masked %reduce_sum3A_1384 : vector<16xf32>, vector<16xi1> -> vector<16xf32>
      %reduce_sum3A_1386 = vector.extract %reduce_sum3A_1385[15] : f32 from vector<16xf32>
      %broadcast_in_dim3A_1387 = vector.broadcast %reduce_sum3A_1386 : f32 to vector<16xf32>
      %select_n3A_1388 = arith.select %eq3A_27, %broadcast_in_dim3A_1387, %select_n3A : vector<16xi1>, vector<16xf32>
      %add3A_1389 = arith.constant 128 : i32
      %add3A_1390 = arith.addi %add3A_1389, %add3A_1300 : i32
      %get3A_1391 = arith.constant 1 : i32
      %get3A_1392 = arith.index_cast %get3A_1391 : i32 to index
      %get3A_1393 = arith.index_cast %add3A_1390 : i32 to index
      %get3A_1394 = arith.constant 0 : index
      %get3A_1395 = tpu.vector_load %arg10[%get3A_1392, %get3A_1393, %get3A_1394] {strides = array<i32>} : memref<2x320x128xf32, #tpu.memory_space<vmem>>, vector<16xf32>,
      %mul3A_1396 = arith.mulf %get3A_1304, %get3A_1395 : vector<16xf32>
      %get3A_1397 = arith.constant 1 : i32
      %get3A_1398 = arith.index_cast %get3A_1397 : i32 to index
      %get3A_1399 = arith.index_cast %add3A_1390 : i32 to index
      %get3A_1400 = arith.constant 16 : index
      %get3A_1401 = tpu.vector_load %arg10[%get3A_1398, %get3A_1399, %get3A_1400] {strides = array<i32>} : memref<2x320x128xf32, #tpu.memory_space<vmem>>, vector<16xf32>,
      %mul3A_1402 = arith.mulf %get3A_1309, %get3A_1401 : vector<16xf32>
      %add3A_1403 = arith.addf %mul3A_1396, %mul3A_1402 : vector<16xf32>
      %get3A_1404 = arith.constant 1 : i32
      %get3A_1405 = arith.index_cast %get3A_1404 : i32 to index
      %get3A_1406 = arith.index_cast %add3A_1390 : i32 to index
      %get3A_1407 = arith.constant 32 : index
      %get3A_1408 = tpu.vector_load %arg10[%get3A_1405, %get3A_1406, %get3A_1407] {strides = array<i32>} : memref<2x320x128xf32, #tpu.memory_space<vmem>>, vector<16xf32>,
      %mul3A_1409 = arith.mulf %get3A_1314, %get3A_1408 : vector<16xf32>
      %add3A_1410 = arith.addf %add3A_1403, %mul3A_1409 : vector<16xf32>
      %get3A_1411 = arith.constant 1 : i32
      %get3A_1412 = arith.index_cast %get3A_1411 : i32 to index
      %get3A_1413 = arith.index_cast %add3A_1390 : i32 to index
      %get3A_1414 = arith.constant 48 : index
      %get3A_1415 = tpu.vector_load %arg10[%get3A_1412, %get3A_1413, %get3A_1414] {strides = array<i32>} : memref<2x320x128xf32, #tpu.memory_space<vmem>>, vector<16xf32>,
      %mul3A_1416 = arith.mulf %get3A_1319, %get3A_1415 : vector<16xf32>
      %add3A_1417 = arith.addf %add3A_1410, %mul3A_1416 : vector<16xf32>
      %reduce_sum3A_1418 = arith.constant true
      %reduce_sum3A_1419 = vector.broadcast %reduce_sum3A_1418 : i1 to vector<16xi1>
      %reduce_sum3A_1420 = tpu.scan <sum>, %add3A_1417 masked %reduce_sum3A_1419 : vector<16xf32>, vector<16xi1> -> vector<16xf32>
      %reduce_sum3A_1421 = vector.extract %reduce_sum3A_1420[15] : f32 from vector<16xf32>
      %broadcast_in_dim3A_1422 = vector.broadcast %reduce_sum3A_1421 : f32 to vector<16xf32>
      %select_n3A_1423 = arith.select %eq3A_30, %broadcast_in_dim3A_1422, %select_n3A_1388 : vector<16xi1>, vector<16xf32>
      %add3A_1424 = arith.constant 192 : i32
      %add3A_1425 = arith.addi %add3A_1424, %add3A_1300 : i32
      %get3A_1426 = arith.constant 1 : i32
      %get3A_1427 = arith.index_cast %get3A_1426 : i32 to index
      %get3A_1428 = arith.index_cast %add3A_1425 : i32 to index
      %get3A_1429 = arith.constant 0 : index
      %get3A_1430 = tpu.vector_load %arg10[%get3A_1427, %get3A_1428, %get3A_1429] {strides = array<i32>} : memref<2x320x128xf32, #tpu.memory_space<vmem>>, vector<16xf32>,
      %mul3A_1431 = arith.mulf %get3A_1304, %get3A_1430 : vector<16xf32>
      %get3A_1432 = arith.constant 1 : i32
      %get3A_1433 = arith.index_cast %get3A_1432 : i32 to index
      %get3A_1434 = arith.index_cast %add3A_1425 : i32 to index
      %get3A_1435 = arith.constant 16 : index
      %get3A_1436 = tpu.vector_load %arg10[%get3A_1433, %get3A_1434, %get3A_1435] {strides = array<i32>} : memref<2x320x128xf32, #tpu.memory_space<vmem>>, vector<16xf32>,
      %mul3A_1437 = arith.mulf %get3A_1309, %get3A_1436 : vector<16xf32>
      %add3A_1438 = arith.addf %mul3A_1431, %mul3A_1437 : vector<16xf32>
      %get3A_1439 = arith.constant 1 : i32
      %get3A_1440 = arith.index_cast %get3A_1439 : i32 to index
      %get3A_1441 = arith.index_cast %add3A_1425 : i32 to index
      %get3A_1442 = arith.constant 32 : index
      %get3A_1443 = tpu.vector_load %arg10[%get3A_1440, %get3A_1441, %get3A_1442] {strides = array<i32>} : memref<2x320x128xf32, #tpu.memory_space<vmem>>, vector<16xf32>,
      %mul3A_1444 = arith.mulf %get3A_1314, %get3A_1443 : vector<16xf32>
      %add3A_1445 = arith.addf %add3A_1438, %mul3A_1444 : vector<16xf32>
      %get3A_1446 = arith.constant 1 : i32
      %get3A_1447 = arith.index_cast %get3A_1446 : i32 to index
      %get3A_1448 = arith.index_cast %add3A_1425 : i32 to index
      %get3A_1449 = arith.constant 48 : index
      %get3A_1450 = tpu.vector_load %arg10[%get3A_1447, %get3A_1448, %get3A_1449] {strides = array<i32>} : memref<2x320x128xf32, #tpu.memory_space<vmem>>, vector<16xf32>,
      %mul3A_1451 = arith.mulf %get3A_1319, %get3A_1450 : vector<16xf32>
      %add3A_1452 = arith.addf %add3A_1445, %mul3A_1451 : vector<16xf32>
      %reduce_sum3A_1453 = arith.constant true
      %reduce_sum3A_1454 = vector.broadcast %reduce_sum3A_1453 : i1 to vector<16xi1>
      %reduce_sum3A_1455 = tpu.scan <sum>, %add3A_1452 masked %reduce_sum3A_1454 : vector<16xf32>, vector<16xi1> -> vector<16xf32>
      %reduce_sum3A_1456 = vector.extract %reduce_sum3A_1455[15] : f32 from vector<16xf32>
      %broadcast_in_dim3A_1457 = vector.broadcast %reduce_sum3A_1456 : f32 to vector<16xf32>
      %select_n3A_1458 = arith.select %eq3A_33, %broadcast_in_dim3A_1457, %select_n3A_1423 : vector<16xi1>, vector<16xf32>
      %add3A_1459 = arith.constant 256 : i32
      %add3A_1460 = arith.addi %add3A_1459, %add3A_1300 : i32
      %get3A_1461 = arith.constant 1 : i32
      %get3A_1462 = arith.index_cast %get3A_1461 : i32 to index
      %get3A_1463 = arith.index_cast %add3A_1460 : i32 to index
      %get3A_1464 = arith.constant 0 : index
      %get3A_1465 = tpu.vector_load %arg10[%get3A_1462, %get3A_1463, %get3A_1464] {strides = array<i32>} : memref<2x320x128xf32, #tpu.memory_space<vmem>>, vector<16xf32>,
      %mul3A_1466 = arith.mulf %get3A_1304, %get3A_1465 : vector<16xf32>
      %get3A_1467 = arith.constant 1 : i32
      %get3A_1468 = arith.index_cast %get3A_1467 : i32 to index
      %get3A_1469 = arith.index_cast %add3A_1460 : i32 to index
      %get3A_1470 = arith.constant 16 : index
      %get3A_1471 = tpu.vector_load %arg10[%get3A_1468, %get3A_1469, %get3A_1470] {strides = array<i32>} : memref<2x320x128xf32, #tpu.memory_space<vmem>>, vector<16xf32>,
      %mul3A_1472 = arith.mulf %get3A_1309, %get3A_1471 : vector<16xf32>
      %add3A_1473 = arith.addf %mul3A_1466, %mul3A_1472 : vector<16xf32>
      %get3A_1474 = arith.constant 1 : i32
      %get3A_1475 = arith.index_cast %get3A_1474 : i32 to index
      %get3A_1476 = arith.index_cast %add3A_1460 : i32 to index
      %get3A_1477 = arith.constant 32 : index
      %get3A_1478 = tpu.vector_load %arg10[%get3A_1475, %get3A_1476, %get3A_1477] {strides = array<i32>} : memref<2x320x128xf32, #tpu.memory_space<vmem>>, vector<16xf32>,
      %mul3A_1479 = arith.mulf %get3A_1314, %get3A_1478 : vector<16xf32>
      %add3A_1480 = arith.addf %add3A_1473, %mul3A_1479 : vector<16xf32>
      %get3A_1481 = arith.constant 1 : i32
      %get3A_1482 = arith.index_cast %get3A_1481 : i32 to index
      %get3A_1483 = arith.index_cast %add3A_1460 : i32 to index
      %get3A_1484 = arith.constant 48 : index
      %get3A_1485 = tpu.vector_load %arg10[%get3A_1482, %get3A_1483, %get3A_1484] {strides = array<i32>} : memref<2x320x128xf32, #tpu.memory_space<vmem>>, vector<16xf32>,
      %mul3A_1486 = arith.mulf %get3A_1319, %get3A_1485 : vector<16xf32>
      %add3A_1487 = arith.addf %add3A_1480, %mul3A_1486 : vector<16xf32>
      %reduce_sum3A_1488 = arith.constant true
      %reduce_sum3A_1489 = vector.broadcast %reduce_sum3A_1488 : i1 to vector<16xi1>
      %reduce_sum3A_1490 = tpu.scan <sum>, %add3A_1487 masked %reduce_sum3A_1489 : vector<16xf32>, vector<16xi1> -> vector<16xf32>
      %reduce_sum3A_1491 = vector.extract %reduce_sum3A_1490[15] : f32 from vector<16xf32>
      %broadcast_in_dim3A_1492 = vector.broadcast %reduce_sum3A_1491 : f32 to vector<16xf32>
      %select_n3A_1493 = arith.select %eq3A_36, %broadcast_in_dim3A_1492, %select_n3A_1458 : vector<16xi1>, vector<16xf32>
      %mul3A_1494 = arith.constant 512 : i32
      %mul3A_1495 = vector.broadcast %mul3A_1494 : i32 to vector<16xi32>
      %mul3A_1496 = arith.muli %iota3A, %mul3A_1495 : vector<16xi32>
      %add3A_1497 = arith.constant 448 : i32
      %add3A_1498 = arith.addi %add3A_1497, %add3A_1300 : i32
      %add3A_1499 = vector.broadcast %add3A_1498 : i32 to vector<16xi32>
      %add3A_1500 = arith.addi %mul3A_1496, %add3A_1499 : vector<16xi32>
      tpu.vector_store_idx %arg11[%add3A_1500], %select_n3A_1493 masked %lt3A_38 : memref<2560xf32, #tpu.memory_space<vmem>>[vector<16xi32>], vector<16xf32>, vector<16xi1>
    }
    %scan3A_1275 = arith.constant 64 : i32
    %mul3A_1276 = arith.constant 512 : i32
    %mul3A_1277 = arith.muli %add3A, %mul3A_1276 : i32
    %add3A_1278 = arith.constant 0 : i32
    %add3A_1279 = arith.addi %add3A_1278, %mul3A_1277 : i32
    "tpu.region"() ({
      %run_scoped3A = tpu.sem_alloc : memref<!tpu.dma_semaphore, #tpu.memory_space<semaphore_mem>>
      %dma_start3A_1296 = arith.constant 0 : i32
      %dma_start3A_1297 = tpu.memref_slice %arg11[%dma_start3A_1296] : memref<2560xf32, #tpu.memory_space<vmem>> -> memref<512xf32, #tpu.memory_space<vmem>>
      %dma_start3A_1298 = tpu.memref_slice %arg6[%add3A_1279] : memref<81920xf32, #tpu.memory_space<hbm>> -> memref<512xf32, #tpu.memory_space<hbm>>
      %dma_start3A_1299 = tpu.memref_slice %arg6[%add3A_1279] : memref<81920xf32, #tpu.memory_space<hbm>> -> memref<512xf32, #tpu.memory_space<hbm>>
      %dma_start3A_1300 = arith.constant 0 : i32
      %dma_start3A_1301 = tpu.memref_slice %arg11[%dma_start3A_1300] : memref<2560xf32, #tpu.memory_space<vmem>> -> memref<512xf32, #tpu.memory_space<vmem>>
      tpu.enqueue_dma source(%dma_start3A_1301 : memref<512xf32, #tpu.memory_space<vmem>>) target(%dma_start3A_1299 : memref<512xf32, #tpu.memory_space<hbm>>) target_semaphore(%run_scoped3A : memref<!tpu.dma_semaphore, #tpu.memory_space<semaphore_mem>>)
      %dma_wait3A_1302 = arith.constant 0 : i32
      %dma_wait3A_1303 = tpu.memref_slice %arg11[%dma_wait3A_1302] : memref<2560xf32, #tpu.memory_space<vmem>> -> memref<512xf32, #tpu.memory_space<vmem>>
      %dma_wait3A_1304 = tpu.memref_slice %arg6[%add3A_1279] : memref<81920xf32, #tpu.memory_space<hbm>> -> memref<512xf32, #tpu.memory_space<hbm>>
      %dma_wait3A_1305 = tpu.memref_slice %arg6[%add3A_1279] : memref<81920xf32, #tpu.memory_space<hbm>> -> memref<512xf32, #tpu.memory_space<hbm>>
      %dma_wait3A_1306 = arith.constant 0 : i32
      %dma_wait3A_1307 = tpu.memref_slice %arg11[%dma_wait3A_1306] : memref<2560xf32, #tpu.memory_space<vmem>> -> memref<512xf32, #tpu.memory_space<vmem>>
      tpu.wait_dma2 semaphore(%run_scoped3A : memref<!tpu.dma_semaphore, #tpu.memory_space<semaphore_mem>>) src(%dma_wait3A_1307 : memref<512xf32, #tpu.memory_space<vmem>>) dst(%dma_wait3A_1305 : memref<512xf32, #tpu.memory_space<hbm>>)
      tpu.yield
    }) : () -> ()
    %mul3A_1280 = arith.constant 512 : i32
    %mul3A_1281 = arith.muli %add3A, %mul3A_1280 : i32
    %add3A_1282 = arith.constant 16384 : i32
    %add3A_1283 = arith.addi %add3A_1282, %mul3A_1281 : i32
    "tpu.region"() ({
      %run_scoped3A = tpu.sem_alloc : memref<!tpu.dma_semaphore, #tpu.memory_space<semaphore_mem>>
      %dma_start3A_1296 = arith.constant 512 : i32
      %dma_start3A_1297 = tpu.memref_slice %arg11[%dma_start3A_1296] : memref<2560xf32, #tpu.memory_space<vmem>> -> memref<512xf32, #tpu.memory_space<vmem>>
      %dma_start3A_1298 = tpu.memref_slice %arg6[%add3A_1283] : memref<81920xf32, #tpu.memory_space<hbm>> -> memref<512xf32, #tpu.memory_space<hbm>>
      %dma_start3A_1299 = tpu.memref_slice %arg6[%add3A_1283] : memref<81920xf32, #tpu.memory_space<hbm>> -> memref<512xf32, #tpu.memory_space<hbm>>
      %dma_start3A_1300 = arith.constant 512 : i32
      %dma_start3A_1301 = tpu.memref_slice %arg11[%dma_start3A_1300] : memref<2560xf32, #tpu.memory_space<vmem>> -> memref<512xf32, #tpu.memory_space<vmem>>
      tpu.enqueue_dma source(%dma_start3A_1301 : memref<512xf32, #tpu.memory_space<vmem>>) target(%dma_start3A_1299 : memref<512xf32, #tpu.memory_space<hbm>>) target_semaphore(%run_scoped3A : memref<!tpu.dma_semaphore, #tpu.memory_space<semaphore_mem>>)
      %dma_wait3A_1302 = arith.constant 512 : i32
      %dma_wait3A_1303 = tpu.memref_slice %arg11[%dma_wait3A_1302] : memref<2560xf32, #tpu.memory_space<vmem>> -> memref<512xf32, #tpu.memory_space<vmem>>
      %dma_wait3A_1304 = tpu.memref_slice %arg6[%add3A_1283] : memref<81920xf32, #tpu.memory_space<hbm>> -> memref<512xf32, #tpu.memory_space<hbm>>
      %dma_wait3A_1305 = tpu.memref_slice %arg6[%add3A_1283] : memref<81920xf32, #tpu.memory_space<hbm>> -> memref<512xf32, #tpu.memory_space<hbm>>
      %dma_wait3A_1306 = arith.constant 512 : i32
      %dma_wait3A_1307 = tpu.memref_slice %arg11[%dma_wait3A_1306] : memref<2560xf32, #tpu.memory_space<vmem>> -> memref<512xf32, #tpu.memory_space<vmem>>
      tpu.wait_dma2 semaphore(%run_scoped3A : memref<!tpu.dma_semaphore, #tpu.memory_space<semaphore_mem>>) src(%dma_wait3A_1307 : memref<512xf32, #tpu.memory_space<vmem>>) dst(%dma_wait3A_1305 : memref<512xf32, #tpu.memory_space<hbm>>)
      tpu.yield
    }) : () -> ()
    %mul3A_1284 = arith.constant 512 : i32
    %mul3A_1285 = arith.muli %add3A, %mul3A_1284 : i32
    %add3A_1286 = arith.constant 32768 : i32
    %add3A_1287 = arith.addi %add3A_1286, %mul3A_1285 : i32
    "tpu.region"() ({
      %run_scoped3A = tpu.sem_alloc : memref<!tpu.dma_semaphore, #tpu.memory_space<semaphore_mem>>
      %dma_start3A_1296 = arith.constant 1024 : i32
      %dma_start3A_1297 = tpu.memref_slice %arg11[%dma_start3A_1296] : memref<2560xf32, #tpu.memory_space<vmem>> -> memref<512xf32, #tpu.memory_space<vmem>>
      %dma_start3A_1298 = tpu.memref_slice %arg6[%add3A_1287] : memref<81920xf32, #tpu.memory_space<hbm>> -> memref<512xf32, #tpu.memory_space<hbm>>
      %dma_start3A_1299 = tpu.memref_slice %arg6[%add3A_1287] : memref<81920xf32, #tpu.memory_space<hbm>> -> memref<512xf32, #tpu.memory_space<hbm>>
      %dma_start3A_1300 = arith.constant 1024 : i32
      %dma_start3A_1301 = tpu.memref_slice %arg11[%dma_start3A_1300] : memref<2560xf32, #tpu.memory_space<vmem>> -> memref<512xf32, #tpu.memory_space<vmem>>
      tpu.enqueue_dma source(%dma_start3A_1301 : memref<512xf32, #tpu.memory_space<vmem>>) target(%dma_start3A_1299 : memref<512xf32, #tpu.memory_space<hbm>>) target_semaphore(%run_scoped3A : memref<!tpu.dma_semaphore, #tpu.memory_space<semaphore_mem>>)
      %dma_wait3A_1302 = arith.constant 1024 : i32
      %dma_wait3A_1303 = tpu.memref_slice %arg11[%dma_wait3A_1302] : memref<2560xf32, #tpu.memory_space<vmem>> -> memref<512xf32, #tpu.memory_space<vmem>>
      %dma_wait3A_1304 = tpu.memref_slice %arg6[%add3A_1287] : memref<81920xf32, #tpu.memory_space<hbm>> -> memref<512xf32, #tpu.memory_space<hbm>>
      %dma_wait3A_1305 = tpu.memref_slice %arg6[%add3A_1287] : memref<81920xf32, #tpu.memory_space<hbm>> -> memref<512xf32, #tpu.memory_space<hbm>>
      %dma_wait3A_1306 = arith.constant 1024 : i32
      %dma_wait3A_1307 = tpu.memref_slice %arg11[%dma_wait3A_1306] : memref<2560xf32, #tpu.memory_space<vmem>> -> memref<512xf32, #tpu.memory_space<vmem>>
      tpu.wait_dma2 semaphore(%run_scoped3A : memref<!tpu.dma_semaphore, #tpu.memory_space<semaphore_mem>>) src(%dma_wait3A_1307 : memref<512xf32, #tpu.memory_space<vmem>>) dst(%dma_wait3A_1305 : memref<512xf32, #tpu.memory_space<hbm>>)
      tpu.yield
    }) : () -> ()
    %mul3A_1288 = arith.constant 512 : i32
    %mul3A_1289 = arith.muli %add3A, %mul3A_1288 : i32
    %add3A_1290 = arith.constant 49152 : i32
    %add3A_1291 = arith.addi %add3A_1290, %mul3A_1289 : i32
    "tpu.region"() ({
      %run_scoped3A = tpu.sem_alloc : memref<!tpu.dma_semaphore, #tpu.memory_space<semaphore_mem>>
      %dma_start3A_1296 = arith.constant 1536 : i32
      %dma_start3A_1297 = tpu.memref_slice %arg11[%dma_start3A_1296] : memref<2560xf32, #tpu.memory_space<vmem>> -> memref<512xf32, #tpu.memory_space<vmem>>
      %dma_start3A_1298 = tpu.memref_slice %arg6[%add3A_1291] : memref<81920xf32, #tpu.memory_space<hbm>> -> memref<512xf32, #tpu.memory_space<hbm>>
      %dma_start3A_1299 = tpu.memref_slice %arg6[%add3A_1291] : memref<81920xf32, #tpu.memory_space<hbm>> -> memref<512xf32, #tpu.memory_space<hbm>>
      %dma_start3A_1300 = arith.constant 1536 : i32
      %dma_start3A_1301 = tpu.memref_slice %arg11[%dma_start3A_1300] : memref<2560xf32, #tpu.memory_space<vmem>> -> memref<512xf32, #tpu.memory_space<vmem>>
      tpu.enqueue_dma source(%dma_start3A_1301 : memref<512xf32, #tpu.memory_space<vmem>>) target(%dma_start3A_1299 : memref<512xf32, #tpu.memory_space<hbm>>) target_semaphore(%run_scoped3A : memref<!tpu.dma_semaphore, #tpu.memory_space<semaphore_mem>>)
      %dma_wait3A_1302 = arith.constant 1536 : i32
      %dma_wait3A_1303 = tpu.memref_slice %arg11[%dma_wait3A_1302] : memref<2560xf32, #tpu.memory_space<vmem>> -> memref<512xf32, #tpu.memory_space<vmem>>
      %dma_wait3A_1304 = tpu.memref_slice %arg6[%add3A_1291] : memref<81920xf32, #tpu.memory_space<hbm>> -> memref<512xf32, #tpu.memory_space<hbm>>
      %dma_wait3A_1305 = tpu.memref_slice %arg6[%add3A_1291] : memref<81920xf32, #tpu.memory_space<hbm>> -> memref<512xf32, #tpu.memory_space<hbm>>
      %dma_wait3A_1306 = arith.constant 1536 : i32
      %dma_wait3A_1307 = tpu.memref_slice %arg11[%dma_wait3A_1306] : memref<2560xf32, #tpu.memory_space<vmem>> -> memref<512xf32, #tpu.memory_space<vmem>>
      tpu.wait_dma2 semaphore(%run_scoped3A : memref<!tpu.dma_semaphore, #tpu.memory_space<semaphore_mem>>) src(%dma_wait3A_1307 : memref<512xf32, #tpu.memory_space<vmem>>) dst(%dma_wait3A_1305 : memref<512xf32, #tpu.memory_space<hbm>>)
      tpu.yield
    }) : () -> ()
    %mul3A_1292 = arith.constant 512 : i32
    %mul3A_1293 = arith.muli %add3A, %mul3A_1292 : i32
    %add3A_1294 = arith.constant 65536 : i32
    %add3A_1295 = arith.addi %add3A_1294, %mul3A_1293 : i32
    "tpu.region"() ({
      %run_scoped3A = tpu.sem_alloc : memref<!tpu.dma_semaphore, #tpu.memory_space<semaphore_mem>>
      %dma_start3A_1296 = arith.constant 2048 : i32
      %dma_start3A_1297 = tpu.memref_slice %arg11[%dma_start3A_1296] : memref<2560xf32, #tpu.memory_space<vmem>> -> memref<512xf32, #tpu.memory_space<vmem>>
      %dma_start3A_1298 = tpu.memref_slice %arg6[%add3A_1295] : memref<81920xf32, #tpu.memory_space<hbm>> -> memref<512xf32, #tpu.memory_space<hbm>>
      %dma_start3A_1299 = tpu.memref_slice %arg6[%add3A_1295] : memref<81920xf32, #tpu.memory_space<hbm>> -> memref<512xf32, #tpu.memory_space<hbm>>
      %dma_start3A_1300 = arith.constant 2048 : i32
      %dma_start3A_1301 = tpu.memref_slice %arg11[%dma_start3A_1300] : memref<2560xf32, #tpu.memory_space<vmem>> -> memref<512xf32, #tpu.memory_space<vmem>>
      tpu.enqueue_dma source(%dma_start3A_1301 : memref<512xf32, #tpu.memory_space<vmem>>) target(%dma_start3A_1299 : memref<512xf32, #tpu.memory_space<hbm>>) target_semaphore(%run_scoped3A : memref<!tpu.dma_semaphore, #tpu.memory_space<semaphore_mem>>)
      %dma_wait3A_1302 = arith.constant 2048 : i32
      %dma_wait3A_1303 = tpu.memref_slice %arg11[%dma_wait3A_1302] : memref<2560xf32, #tpu.memory_space<vmem>> -> memref<512xf32, #tpu.memory_space<vmem>>
      %dma_wait3A_1304 = tpu.memref_slice %arg6[%add3A_1295] : memref<81920xf32, #tpu.memory_space<hbm>> -> memref<512xf32, #tpu.memory_space<hbm>>
      %dma_wait3A_1305 = tpu.memref_slice %arg6[%add3A_1295] : memref<81920xf32, #tpu.memory_space<hbm>> -> memref<512xf32, #tpu.memory_space<hbm>>
      %dma_wait3A_1306 = arith.constant 2048 : i32
      %dma_wait3A_1307 = tpu.memref_slice %arg11[%dma_wait3A_1306] : memref<2560xf32, #tpu.memory_space<vmem>> -> memref<512xf32, #tpu.memory_space<vmem>>
      tpu.wait_dma2 semaphore(%run_scoped3A : memref<!tpu.dma_semaphore, #tpu.memory_space<semaphore_mem>>) src(%dma_wait3A_1307 : memref<512xf32, #tpu.memory_space<vmem>>) dst(%dma_wait3A_1305 : memref<512xf32, #tpu.memory_space<hbm>>)
      tpu.yield
    }) : () -> ()
    return
  }
}

</mosaic_0001>

<sc_bundles>
// kernel: kernel.3.cloned.1.call-start
scs
__scs_entry_jumppad:
0x0: {  	(pc) =	sbr.rel $0x88, $3  }
0x1: {  	(tag) =	ssettag $0x0;
	lr =	simm.s32 $0x1  }
0x2: {  	[smem:$0x3F9D] =	sst lr;
	_ =	strace $0xD0000000  }
0x3: {  	_ = 	snop  }
0x4: {  	_ = 	snop  }
0x5: {  	_ = 	snop  }
0x6: {  	_ = 	snop  }
0x7: {  	_ = 	snop  }
__scs_overlays_trampoline_lowered:
0x8: {  	[smem:$0x3FAC] =	sst s0  }
0x9: {  	[smem:$0x3FAD] =	sst s1  }
0xa: {  	[smem:$0x3FAE] =	sst s2  }
0xb: {  	[smem:$0x3FAF] =	sst s3  }
0xc: {  	[smem:$0x3FB0] =	sst s4  }
0xd: {  	[smem:$0x3FB1] =	sst s5  }
0xe: {  	[smem:$0x3FB2] =	sst s6  }
0xf: {  	[smem:$0x3FB3] =	sst s7  }
0x10: {  	[smem:$0x3FB4] =	sst s8  }
0x11: {  	[smem:$0x3FB5] =	sst s9;
	s0 =	simm.s32 @!p0 $0x0  }
0x12: {  	s1 =	sld [smem:$0x3F9B];
	s0 =	simm.s32 @p0 $0x1  }
0x13: {  	[smem:$0x3FB6] =	sst s0;
	s0 =	simm.s32 @!p1 $0x0  }
0x14: {  	s2 =	sld [smem:$0x3F9A];
	s0 =	simm.s32 @p1 $0x1  }
0x15: {  	[smem:$0x3FB7] =	sst s0;
	s0 =	simm.s32 @!p2 $0x0  }
0x16: {  	s3 =	sld [smem:$0x3FDB];
	s0 =	simm.s32 @p2 $0x1  }
0x17: {  	s4 =	simm.s32 $0x1BF5;
	[smem:$0x3FB9] =	sst s0  }
0x18: {  	s0 =	sld [smem:$0x3F9C];
	_ =	swait.ge [sflag:s4], $0x0  }
0x19: {  	s7 =	sld [smem:$0x3F9D]  }
0x1a: {  	s8 =	sadd.s32 $0xFFFFE003, lr  }
0x1b: {  	s9 =	sadd.s32 $0xFFFFFEF7, lr;
	s5 =	simm.s32 $0xFFFFFFFF;
	p2 =	slt.u32 s8, $0xFFFFF086  }
0x1c: {  	p1 =	slt.u32 s9, $0xF7A;
	s5 =	simm.s32 @!p2 $0x0  }
0x1d: {  	s5 =	simm.s32 @p1 $0x1;
	p0 =	seq.s32 s7, s2  }
0x1e: {  	s7 =	smul.u32 @!p0 $0xF7A, s2;
	p2 =	seq.s32 @!p0 s5, $0x0  }
0x1f: {  	s9 =	smul.u32 $0xF7A, s1;
	s8 =	simm.s32 @!p0 $0x1BF5;
	p2 =	por !p2, p0  }
0x20: {  	[sflag:s8] =	ssyncset.s32 @!p0 $0xFFFFF086;
	s6 =	sadd.s32 @!p0 s3, s7;
	s7 =	simm.s32 @!p0 $0x108  }
0x21: {  	s3 =	sadd.s32 s3, s9;
	s6 =	sadd.s32 @!p0 $0x88, s6;
	s7 =	simm.s32 @p2 $0x1082  }
0x22: {  	[simem:s7], [sflag:s8] =	dma.local @!p0 [hbm:s6], $0xF7A  }
0x23: {  	s9 =	sor.u32 $0xD0000000, s2;
	s6 =	simm.s32 $0x108;
	_ =	swait.ge @!p0 [sflag:s8], $0x0  }
0x24: {  	s3 =	sadd.s32 $0x88, s3;
	s6 =	simm.s32 @!p1 $0x1082;
	[sflag:s4] =	ssyncset.s32 $0xFFFFF086  }
0x25: {  	[simem:s6], [sflag:s4] =	dma.local [hbm:s3], $0xF7A  }
0x26: {  	[smem:$0x3F9D] =	sst s1;
	(tag) =	ssettag s2;
	_ =	strace s9  }
0x27: {  	s1 =	sld [smem:$0x3FAD]  }
0x28: {  	s2 =	sld [smem:$0x3FAE]  }
0x29: {  	s4 =	sld [smem:$0x3FB0]  }
0x2a: {  	p0 =	seq.s32 s5, $0x0;
	s5 =	sld [smem:$0x3FB1]  }
0x2b: {  	s6 =	sld [smem:$0x3FB2]  }
0x2c: {  	s7 =	sld [smem:$0x3FB3]  }
0x2d: {  	s3 =	simm.s32 $0x108;
	s8 =	sld [smem:$0x3FB4]  }
0x2e: {  	s3 =	simm.s32 @!p0 $0x1082;
	s9 =	sld [smem:$0x3FB5]  }
0x2f: {  	lr =	sadd.s32 s0, s3;
	s0 =	sld [smem:$0x3FAC]  }
0x30: {  	s3 =	sld [smem:$0x3FAF]  }
0x31: {  	[smem:$0x3FB8] =	sst s10  }
0x32: {  	s10 =	sld [smem:$0x3FB6];
	_ =	sdelay $0x3  }
0x33: {  	p0 =	seq.s32 s10, $0x1;
	s10 =	sld [smem:$0x3FB8];
	_ =	sdelay $0x3  }
0x34: {  	[smem:$0x3FB8] =	sst s10  }
0x35: {  	s10 =	sld [smem:$0x3FB7];
	_ =	sdelay $0x3  }
0x36: {  	p1 =	seq.s32 s10, $0x1;
	s10 =	sld [smem:$0x3FB8];
	_ =	sdelay $0x3  }
0x37: {  	[smem:$0x3FB8] =	sst s10  }
0x38: {  	s10 =	sld [smem:$0x3FB9]  }
0x39: {  	_ = 	snop;
	(pc) =	sbr.ind lr, $3  }
0x3a: {  	_ = 	snop  }
0x3b: {  	_ = 	snop  }
0x3c: {  	p2 =	seq.s32 s10, $0x1;
	s10 =	sld [smem:$0x3FB8]  }
0x3d: {  	_ =	shalt  }
0x3e: {  	_ =	shalt  }
0x3f: {  	_ =	shalt  }
0x40: {  	_ =	shalt  }
0x41: {  	_ =	shalt  }
0x42: {  	_ =	shalt  }
0x43: {  	_ =	shalt  }
0x44: {  	_ =	shalt  }
0x45: {  	_ =	shalt  }
0x46: {  	_ =	shalt  }
0x47: {  	_ =	shalt  }
0x48: {  	_ =	shalt  }
0x49: {  	_ =	shalt  }
0x4a: {  	_ =	shalt  }
0x4b: {  	_ =	shalt  }
0x4c: {  	_ =	shalt  }
0x4d: {  	_ =	shalt  }
0x4e: {  	_ =	shalt  }
0x4f: {  	_ =	shalt  }
0x50: {  	_ =	shalt  }
0x51: {  	_ =	shalt  }
0x52: {  	_ =	shalt  }
0x53: {  	_ =	shalt  }
0x54: {  	_ =	shalt  }
0x55: {  	_ =	shalt  }
0x56: {  	_ =	shalt  }
0x57: {  	_ =	shalt  }
0x58: {  	_ =	shalt  }
0x59: {  	_ =	shalt  }
0x5a: {  	_ =	shalt  }
0x5b: {  	_ =	shalt  }
0x5c: {  	_ =	shalt  }
0x5d: {  	_ =	shalt  }
0x5e: {  	_ =	shalt  }
0x5f: {  	_ =	shalt  }
0x60: {  	_ =	shalt  }
0x61: {  	_ =	shalt  }
0x62: {  	_ =	shalt  }
0x63: {  	_ =	shalt  }
0x64: {  	_ =	shalt  }
0x65: {  	_ =	shalt  }
0x66: {  	_ =	shalt  }
0x67: {  	_ =	shalt  }
0x68: {  	_ =	shalt  }
0x69: {  	_ =	shalt  }
0x6a: {  	_ =	shalt  }
0x6b: {  	_ =	shalt  }
0x6c: {  	_ =	shalt  }
0x6d: {  	_ =	shalt  }
0x6e: {  	_ =	shalt  }
0x6f: {  	_ =	shalt  }
0x70: {  	_ =	shalt  }
0x71: {  	_ =	shalt  }
0x72: {  	_ =	shalt  }
0x73: {  	_ =	shalt  }
0x74: {  	_ =	shalt  }
0x75: {  	_ =	shalt  }
0x76: {  	_ =	shalt  }
0x77: {  	_ =	shalt  }
0x78: {  	_ =	shalt  }
0x79: {  	_ =	shalt  }
0x7a: {  	_ =	shalt  }
0x7b: {  	_ =	shalt  }
0x7c: {  	_ =	shalt  }
0x7d: {  	_ =	shalt  }
0x7e: {  	_ =	shalt  }
0x7f: {  	_ =	shalt  }
0x80: {  	_ =	shalt  }
0x81: {  	_ =	shalt  }
0x82: {  	_ =	shalt  }
0x83: {  	_ =	shalt  }
0x84: {  	_ =	shalt  }
0x85: {  	_ =	shalt  }
0x86: {  	_ =	shalt  }
0x87: {  	_ =	shalt  }
.Lfunc_end0:
.L_simem_size_0:
called_computation_lowered:
.L_overlay_start_0:
0x88: {  	s2 =	sld [smem:$0x3FD9]  }
0x89: {  	s3 =	sld [smem:$0x3FFE];
	_ =	sdelay $0x1  }
0x8a: {  	s1 =	srdreg.scid  }
0x8b: {  	s0 =	sand.u32 $0x1, s1  }
0x8c: {  	s17 =	sshll.u32 s0, $0xA;
	s2 =	sadd.s32 s3, s2  }
0x8d: {  	s2 =	sadd.s32 s2, s17  }
0x8e: {  	[smem:$0x3FC4] =	sst s2  }
0x8f: {  	_ = 	snop  }
0x90: {  	s2 =	sld [smem:$0x3FC9]  }
0x91: {  	s18 =	sld [smem:$0x3FD0];
	(tm) =	ssettm $0x1  }
0x92: {  	s4 =	sld [smem:$0x3FFB];
	_ =	sdelay $0x3  }
0x93: {  	_ =	strace s4  }
0x94: {  	s4 =	sld [smem:$0x3FFC];
	_ =	sdelay $0x3  }
0x95: {  	_ =	strace s4  }
0x96: {  	s4 =	sld [smem:$0x3FFD];
	_ =	sdelay $0x3  }
0x97: {  	_ =	strace s4  }
0x98: {  	_ =	strace $0x8FFFFFFF  }
0x99: {  	s19 =	sld [smem:$0x3FDB];
	_ =	sdelay $0x1  }
0x9a: {  	s5 =	simm.s32 $_scs_section_size  }
0x9b: {  	s6 =	simm.s32 $_size__tile_overlayer_lowered;
	s7 =	simm.s32 $_tile_overlayer_lowered  }
0x9c: {  	s22 =	simm.s32 $0x1BFF;
	s21 =	sshll.u32 s7, $0x1;
	s4 =	sadd.s32 s5, s19  }
0x9d: {  	s8 =	simm.s32 $0x0;
	s20 =	sshll.u32 s6, $0x1;
	s6 =	sadd.s32 s21, s4  }
0x9e: {  	[timem:s8], [sflag:s22] =	dma.local [hbm:s6], s20  }
0x9f: {  	_ =	swait.ge [sflag:s22], s20  }
0xa0: {  	s5 =	ssub.s32 $0x0, s20;
	[sflag:s22] =	ssyncset.done $0x0  }
0xa1: {  	[sflag:s22] =	ssyncadd.s32 s5;
	_ =	sdelay $0x1  }
0xa2: {  	s23 =	simm.s32 $0x1B8B  }
0xa3: {  	_ =	swait.ge [sflag:s23], $0x1  }
0xa4: {  	[sflag:s23] =	ssyncset.done $0x0  }
0xa5: {  	s25 =	simm.s32 $0x1B8E;
	s24 =	sld [smem:$0x3FFE];
	[sflag:s23] =	ssyncadd.s32 $0xFFFFFFFF  }
0xa6: {  	s26 =	simm.s32 $execute0_lowered;
	[smem:$0x3FD2] =	sst s25  }
0xa7: {  	s6 =	sshll.u32 s26, $0x1;
	_ =	strace $0x80000046;
	[dreg:$0x1] =	wrdreg $0xFFFFFFFF  }
0xa8: {  	s28 =	simm.s32 $_size_execute0_lowered;
	s4 =	sadd.s32 s4, s6;
	[dreg:$0x0] =	wrdreg $0x0  }
0xa9: {  	s6 =	sshll.u32 s28, $0x1;
	[dreg:$0x2] =	wrdreg s4  }
0xaa: {  	[dreg:$0x3] =	wrdreg s6  }
0xab: {  	[dreg:$0x4] =	wrdreg $0xC0  }
0xac: {  	_ =	task [dreg:s8], $0x5FFFF  }
0xad: {  	[dreg:$0x1] =	wrdreg $0xFFFFFFFF  }
0xae: {  	[dreg:$0x0] =	wrdreg $0x60  }
0xaf: {  	[dreg:$0x2] =	wrdreg s24  }
0xb0: {  	[dreg:$0x3] =	wrdreg s2  }
0xb1: {  	[dreg:$0x4] =	wrdreg s18  }
0xb2: {  	[dreg:$0x5] =	wrdreg $0x9  }
0xb3: {  	_ =	task.clear_ibuf [dreg:s8], $0x6FFFF;
	_ =	strace $0x90000046  }
0xb4: {  	s29 =	simm.s32 $0x9;
	_ =	strace $0x80000048  }
0xb5: {  	_ =	swait.ge [sflag:s29], $0x1  }
0xb6: {  	[sflag:s29] =	ssyncadd.s32 $0xFFFFFFFF  }
0xb7: {  	_ =	strace $0x90000048  }
0xb8: {  	_ =	sfence  }
0xb9: {  	s30 =	sld [smem:$0x0];
	_ =	sdelay $0x2  }
0xba: {  	s31 =	sshll.u32 s1, $0xD;
	s1 =	sshrl.u32 s1, $0x2  }
0xbb: {  	s3 =	sand.u32 $0x4000, s31;
	s1 =	sadd.s32 s1, s30  }
0xbc: {  	s0 =	sor.u32 s3, s0;
	s1 =	sshll.u32 s1, $0x11  }
0xbd: {  	s0 =	sor.u32 s1, s0  }
0xbe: {  	s0 =	sadd.s32 $0x8F2B, s0  }
0xbf: {  	[sflag:s0] =	ssyncadd.remote.s32 $0x1  }
0xc0: {  	_ =	sfence.sel $0xFFFF  }
0xc1: {  	[dreg:$0x0] =	wrdreg $0xFFFFFFFF;
	(pc) =	sbr.abs _section_cstart, $3  }
0xc2: {  	[dreg:$0x1] =	wrdreg $0xFFFFFFFF  }
0xc3: {  	_ =	task.clear_ibuf [dreg:s8], $0x2FFFF;
	_ =	strace $0x9FFFFFFF  }
0xc4: {  	(tm) =	ssettm $0x7FFFFFFF  }
0xc5: {  	_ =	shalt  }
tec
execute0_lowered:
.L_overlay_start_1:
0x0: {  	(tag) =	ssettag $0x1  }
0x1: {  	s0 =	rddreg [dreg:$0x0]  }
0x2: {  	s2 =	rddreg [dreg:$0x1]  }
0x3: {  	s5 =	rddreg [dreg:$0x2]  }
0x4: {  	s1 =	simm.s32 $0x0;
	s4 =	srdreg.scid;
	s9 =	stileid.u32  }
0x5: {  	s17 =	simm.s32 $0x3;
	s28 =	simm.s32 $0x8C00;
	s29 =	simm.s32 $0xAC00  }
0x6: {  	s30 =	simm.s32 $0xCC00;
	s31 =	simm.s32 $0x2C00;
	s18 =	simm.s32 $0x12C00  }
0x7: {  	s19 =	simm.s32 $0x14C00;
	s20 =	simm.s32 $0x16C00;
	s11 =	simm.s32 $0x800  }
0x8: {  	s12 =	simm.s32 $0xA00;
	[smem:$0x7FF] =	sst s1;
	s3 =	sadd.s32 $0x2000, s0  }
0x9: {  	s6 =	sand.u32 $0x1, s4;
	s4 =	sadd.s32 $0x188A00, s0;
	s9 =	sshll.u32 s9, $0x7  }
0xa: {  	s0 =	sadd.s32 $0x30F400, s0;
	s7 =	ssub.s32 $0x2, s6;
	s6 =	sshll.u32 s6, $0x6  }
0xb: {  	_ =	strace $0x80000047;
	s8 =	sshrl.u32 s7, $0x1;
	s6 =	sor.u32 s6, s9  }
0xc: {  	s7 =	ssub.s32 s7, s8;
	s2 =	sadd.s32 s2, s6;
	s21 =	sadd.s32 s5, s6  }
0xd: {  	s22 =	sor.u32 $0x800, s6;
	s24 =	sor.u32 $0x1000, s6;
	s9 =	sor.u32 $0x1800, s6  }
0xe: {  	s15 =	sor.u32 $0x2000, s6;
	s26 =	sadd.s32 s0, s6;
	[dreg:$0x4] =	wrdreg s2  }
0xf: {  	s6 =	simm.s32 $0x0;
	[dreg:$0x5] =	wrdreg s21;
	s23 =	sadd.s32 s5, s22  }
0x10: {  	s10 =	sadd.s32 s5, s24;
	s25 =	sadd.s32 s5, s9;
	s5 =	sadd.s32 s5, s15  }
0x11: {  	[dreg:$0xa] =	wrdreg s26;
	s2 =	sadd.s32 s0, s22;
	s13 =	sadd.s32 s0, s24  }
0x12: {  	s14 =	sadd.s32 s0, s9;
	s15 =	sadd.s32 s0, s15;
	[dreg:$0x6] =	wrdreg s23  }
0x13: {  	s16 =	smax.u32 s7, $0x1;
	s24 =	simm.s32 $0xC00;
	[dreg:$0x7] =	wrdreg s10  }
0x14: {  	s26 =	simm.s32 $0x6C00;
	s0 =	simm.s32 $0x10C00;
	[dreg:$0x8] =	wrdreg s25  }
0x15: {  	vm0 =	vmmov $0x1;
	s21 =	simm.s32 $0x1;
	s22 =	simm.s32 $0x18C00;
	[dreg:$0x9] =	wrdreg s5  }
0x16: {  	vm1 =	vcmask $0x314;
	vm2 =	vcmask $0x714;
	v0 =	vlaneseq.u32;
	[dreg:$0xb] =	wrdreg s2;
	s23 =	simm.s32 $0x40;
	s25 =	simm.s32 $0x4C00  }
0x17: {  	vm3 =	vcmask $0xB14;
	vm4 =	vcmask $0xF14;
	v0 =	vmul.u32 $0x200, v0;
	s2 =	simm.s32 $0xEC00;
	s5 =	simm.s32 $0x2;
	s10 =	simm.s32 $0x600  }
.LBB2_1:
0x18: {  	s7 =	rddreg [dreg:$0x4]  }
0x19: {  	[tilespmem:s1], [sflag:$0x3] =	stream.linear.gather [hbm4b:s7+s1], $0x200, $0x38;
	[tilespmem:$0x19600] =	vst v63  }
0x1a: {  	_ =	swait.ge [sflag:s17], $0x200  }
0x1b: {  	[sflag:s17] =	ssyncset.done $0x0  }
0x1c: {  	s8 =	simm.s32 $0x200;
	s9 =	rddreg [dreg:$0x5];
	[sflag:s17] =	ssyncadd.s32 $0xFFFFFE00  }
0x1d: {  	[tilespmem:s8], [sflag:$0x3] =	stream.linear.gather [hbm4b:s9+s1], $0x200, $0x38;
	[tilespmem:$0x19600] =	vst v63  }
0x1e: {  	_ =	swait.ge [sflag:s17], $0x200  }
0x1f: {  	[sflag:s17] =	ssyncset.done $0x0  }
0x20: {  	s9 =	simm.s32 $0x400;
	s7 =	rddreg [dreg:$0x6];
	[sflag:s17] =	ssyncadd.s32 $0xFFFFFE00  }
0x21: {  	[tilespmem:s9], [sflag:$0x3] =	stream.linear.gather [hbm4b:s7+s1], $0x200, $0x38;
	[tilespmem:$0x19600] =	vst v63  }
0x22: {  	_ =	swait.ge [sflag:s17], $0x200  }
0x23: {  	[sflag:s17] =	ssyncset.done $0x0  }
0x24: {  	s7 =	rddreg [dreg:$0x7];
	[sflag:s17] =	ssyncadd.s32 $0xFFFFFE00  }
0x25: {  	[tilespmem:s10], [sflag:$0x3] =	stream.linear.gather [hbm4b:s7+s1], $0x200, $0x38;
	[tilespmem:$0x19600] =	vst v63  }
0x26: {  	_ =	swait.ge [sflag:s17], $0x200  }
0x27: {  	[sflag:s17] =	ssyncset.done $0x0  }
0x28: {  	s7 =	rddreg [dreg:$0x8];
	[sflag:s17] =	ssyncadd.s32 $0xFFFFFE00  }
0x29: {  	[tilespmem:s11], [sflag:$0x3] =	stream.linear.gather [hbm4b:s7+s1], $0x200, $0x38;
	[tilespmem:$0x19600] =	vst v63  }
0x2a: {  	_ =	swait.ge [sflag:s17], $0x200  }
0x2b: {  	[sflag:s17] =	ssyncset.done $0x0  }
0x2c: {  	s7 =	rddreg [dreg:$0x9];
	[sflag:s17] =	ssyncadd.s32 $0xFFFFFE00  }
0x2d: {  	[tilespmem:s12], [sflag:$0x3] =	stream.linear.gather [hbm4b:s7+s1], $0x200, $0x38;
	[tilespmem:$0x19600] =	vst v63  }
0x2e: {  	_ =	swait.ge [sflag:s17], $0x200  }
0x2f: {  	[sflag:s17] =	ssyncset.done $0x0  }
0x30: {  	[sflag:s17] =	ssyncadd.s32 $0xFFFFFE00  }
0x31: {  	[tilespmem:s24], [sflag:$0x1] =	stream.indirect.gather [hbm4b:s3+s23], $0x80, s1, s23, $0xb8;
	[tilespmem:$0x19600] =	vst v63  }
0x32: {  	_ = 	snop  }
0x33: {  	[tilespmem:s25], [sflag:$0x1] =	stream.indirect.gather [hbm4b:s4+s23], $0x80, s8, s23, $0xb8;
	[tilespmem:$0x19600] =	vst v63  }
0x34: {  	_ = 	snop  }
0x35: {  	[tilespmem:s26], [sflag:$0x1] =	stream.indirect.gather [hbm4b:s4+s23], $0x80, s9, s23, $0xb8;
	[tilespmem:$0x19600] =	vst v63  }
0x36: {  	_ = 	snop  }
0x37: {  	[tilespmem:s28], [sflag:$0x1] =	stream.indirect.gather [hbm4b:s4+s23], $0x80, s10, s23, $0xb8;
	[tilespmem:$0x19600] =	vst v63  }
0x38: {  	_ = 	snop  }
0x39: {  	[tilespmem:s29], [sflag:$0x1] =	stream.indirect.gather [hbm4b:s4+s23], $0x80, s11, s23, $0xb8;
	[tilespmem:$0x19600] =	vst v63  }
0x3a: {  	_ = 	snop  }
0x3b: {  	[tilespmem:s30], [sflag:$0x1] =	stream.indirect.gather [hbm4b:s4+s23], $0x80, s12, s23, $0xb8;
	[tilespmem:$0x19600] =	vst v63  }
0x3c: {  	_ = 	snop  }
0x3d: {  	[tilespmem:s31], [sflag:$0x2] =	stream.indirect.gather [hbm4b:s3+s23], $0x80, s23, s23, $0xb8;
	[tilespmem:$0x19600] =	vst v63  }
0x3e: {  	s8 =	simm.s32 $0x240  }
0x3f: {  	[tilespmem:s2], [sflag:$0x2] =	stream.indirect.gather [hbm4b:s4+s23], $0x80, s8, s23, $0xb8;
	[tilespmem:$0x19600] =	vst v63  }
0x40: {  	s9 =	simm.s32 $0x440  }
0x41: {  	[tilespmem:s0], [sflag:$0x2] =	stream.indirect.gather [hbm4b:s4+s23], $0x80, s9, s23, $0xb8;
	[tilespmem:$0x19600] =	vst v63  }
0x42: {  	s8 =	simm.s32 $0x640  }
0x43: {  	[tilespmem:s18], [sflag:$0x2] =	stream.indirect.gather [hbm4b:s4+s23], $0x80, s8, s23, $0xb8;
	[tilespmem:$0x19600] =	vst v63  }
0x44: {  	s9 =	simm.s32 $0x840  }
0x45: {  	[tilespmem:s19], [sflag:$0x2] =	stream.indirect.gather [hbm4b:s4+s23], $0x80, s9, s23, $0xb8;
	[tilespmem:$0x19600] =	vst v63  }
0x46: {  	s8 =	simm.s32 $0xA40  }
0x47: {  	[tilespmem:s20], [sflag:$0x2] =	stream.indirect.gather [hbm4b:s4+s23], $0x80, s8, s23, $0xb8;
	[tilespmem:$0x19600] =	vst v63  }
0x48: {  	_ =	swait.ge [sflag:s21], $0x2000  }
0x49: {  	[sflag:s21] =	ssyncset.done $0x0  }
0x4a: {  	[sflag:s21] =	ssyncadd.s32 $0xFFFFE000  }
0x4b: {  	_ =	swait.ge [sflag:s21], $0x2000  }
0x4c: {  	[sflag:s21] =	ssyncset.done $0x0  }
0x4d: {  	[sflag:s21] =	ssyncadd.s32 $0xFFFFE000  }
0x4e: {  	_ =	swait.ge [sflag:s21], $0x2000  }
0x4f: {  	[sflag:s21] =	ssyncset.done $0x0  }
0x50: {  	[sflag:s21] =	ssyncadd.s32 $0xFFFFE000  }
0x51: {  	_ =	swait.ge [sflag:s21], $0x2000  }
0x52: {  	[sflag:s21] =	ssyncset.done $0x0  }
0x53: {  	[sflag:s21] =	ssyncadd.s32 $0xFFFFE000  }
0x54: {  	_ =	swait.ge [sflag:s21], $0x2000  }
0x55: {  	[sflag:s21] =	ssyncset.done $0x0  }
0x56: {  	[sflag:s21] =	ssyncadd.s32 $0xFFFFE000  }
0x57: {  	_ =	swait.ge [sflag:s21], $0x2000  }
0x58: {  	[sflag:s21] =	ssyncset.done $0x0  }
0x59: {  	s9 =	simm.s32 $0x0;
	[sflag:s21] =	ssyncadd.s32 $0xFFFFE000  }
0x5a: {  	v1 =	vld [tilespmem:s9+$0xCC30]  }
0x5b: {  	v2 =	vld [tilespmem:s9+$0xCC20]  }
0x5c: {  	v3 =	vld [tilespmem:s9+$0x8C30]  }
0x5d: {  	v4 =	vld [tilespmem:s9+$0xCC00]  }
0x5e: {  	v5 =	vld [tilespmem:s9+$0xCC10]  }
0x5f: {  	v6 =	vld [tilespmem:s9+$0x6C30]  }
0x60: {  	v7 =	vld [tilespmem:s9+$0x8C20]  }
0x61: {  	v8 =	vld [tilespmem:s9+$0xC00]  }
0x62: {  	v9 =	vld [tilespmem:s9+$0xC10]  }
0x63: {  	v10 =	vld [tilespmem:s9+$0x8C00]  }
0x64: {  	v11 =	vld [tilespmem:s9+$0xC20]  }
0x65: {  	v12 =	vld [tilespmem:s9+$0x8C10]  }
0x66: {  	v13 =	vld [tilespmem:s9+$0xC30]  }
0x67: {  	v14 =	vld [tilespmem:s9+$0x6C00]  }
0x68: {  	v15 =	vld [tilespmem:s9+$0x6C10]  }
0x69: {  	v16 =	vld [tilespmem:s9+$0x6C20];
	v4 =	vmul.f32 v4, v8;
	v5 =	vmul.f32 v5, v9  }
0x6a: {  	v17 =	vld [tilespmem:s9+$0x4C00]  }
0x6b: {  	v2 =	vmul.f32 v2, v11;
	v4 =	vadd.f32 v5, v4;
	v5 =	vld [tilespmem:s9+$0x4C10]  }
0x6c: {  	v18 =	vld [tilespmem:s9+$0xAC00];
	v10 =	vmul.f32 v10, v8;
	v12 =	vmul.f32 v12, v9  }
0x6d: {  	v1 =	vmul.f32 v1, v13;
	v2 =	vadd.f32 v2, v4;
	v4 =	vld [tilespmem:s9+$0x4C20]  }
0x6e: {  	v7 =	vmul.f32 v7, v11;
	v10 =	vadd.f32 v12, v10;
	v12 =	vld [tilespmem:s9+$0xAC10]  }
0x6f: {  	v14 =	vmul.f32 v14, v8;
	v15 =	vmul.f32 v15, v9;
	v1 =	vadd.f32 v1, v2;
	v2 =	vld [tilespmem:s9+$0x4C30]  }
0x70: {  	v7 =	vadd.f32 v7, v10;
	v10 =	vmul.f32 v17, v8;
	v17 =	vld [tilespmem:s9+$0xAC20];
	v5 =	vmul.f32 v5, v9  }
0x71: {  	v3 =	vmul.f32 v3, v13;
	v14 =	vadd.f32 v15, v14;
	v15 =	vmul.f32 v16, v11  }
0x72: {  	v6 =	vmul.f32 v6, v13;
	v5 =	vadd.f32 v5, v10;
	v4 =	vmul.f32 v4, v11;
	v10 =	vld [tilespmem:s9+$0xAC30]  }
0x73: {  	v14 =	vadd.f32 v15, v14;
	v8 =	vmul.f32 v18, v8;
	v9 =	vmul.f32 v12, v9  }
0x74: {  	v3 =	vadd.f32 v3, v7;
	v4 =	vadd.f32 v4, v5;
	v2 =	vmul.f32 v2, v13  }
0x75: {  	(xrf2) =	vadd.scan.msk.f32 $0xffff, v1;
	v1 =	vadd.f32 v6, v14;
	v6 =	vmul.f32 v17, v11;
	v5 =	vadd.f32 v9, v8  }
0x76: {  	(xrf2) =	vadd.scan.msk.f32 $0xffff, v3;
	v2 =	vadd.f32 v2, v4  }
0x77: {  	(xrf2) =	vadd.scan.msk.f32 $0xffff, v1;
	v1 =	vadd.f32 v6, v5;
	v3 =	vmul.f32 v10, v13  }
0x78: {  	(xrf2) =	vadd.scan.msk.f32 $0xffff, v2  }
0x79: {  	v1 =	vadd.f32 v3, v1;
	_ =	sdelay $0x1  }
0x7a: {  	(xrf2) =	vadd.scan.msk.f32 $0xffff, v1;
	_ =	sdelay $0x3  }
0x7b: {  	v1, _, _ =	vpop (xrf2)  }
0x7c: {  	v2, _, _ =	vpop (xrf2)  }
0x7d: {  	v3, _, _ =	vpop (xrf2)  }
0x7e: {  	v4, _, _ =	vpop (xrf2)  }
0x7f: {  	v4 =	vbroadcast v4, $0xF  }
0x80: {  	v3 =	vbroadcast v3, $0xF  }
0x81: {  	v5 =	vor.u32 s1, v0;
	v2 =	vbroadcast v2, $0xF;
	v4 =	vnsel vm0, $0x0, v4;
	v6, _, _ =	vpop (xrf2)  }
0x82: {  	v3 =	vsel vm1, v4, v3;
	v4 =	vbroadcast v6, $0xF  }
0x83: {  	v1 =	vbroadcast v1, $0xF;
	v2 =	vsel vm2, v3, v2  }
0x84: {  	v2 =	vsel vm3, v2, v4  }
0x85: {  	v1 =	vsel vm4, v2, v1  }
0x86: {  	s9 =	simm.s32 $0x80;
	[tilespmem:v5+s22+$0x0] =	vst.idx.msk $0x1f, v1  }
0x87: {  	v7 =	vld [tilespmem:s9+$0xCC30]  }
0x88: {  	v10 =	vld [tilespmem:s9+$0xCC20]  }
0x89: {  	v6 =	vld [tilespmem:s9+$0x8C30]  }
0x8a: {  	v9 =	vld [tilespmem:s9+$0xCC00]  }
0x8b: {  	v12 =	vld [tilespmem:s9+$0xCC10]  }
0x8c: {  	v5 =	vld [tilespmem:s9+$0x6C30]  }
0x8d: {  	v8 =	vld [tilespmem:s9+$0x8C20]  }
0x8e: {  	v3 =	vld [tilespmem:s9+$0xC00]  }
0x8f: {  	v4 =	vld [tilespmem:s9+$0xC10]  }
0x90: {  	v15 =	vld [tilespmem:s9+$0x8C00]  }
0x91: {  	v2 =	vld [tilespmem:s9+$0xC20]  }
0x92: {  	v16 =	vld [tilespmem:s9+$0x8C10]  }
0x93: {  	v1 =	vld [tilespmem:s9+$0xC30]  }
0x94: {  	v11 =	vld [tilespmem:s9+$0x6C00];
	v13 =	vmul.f32 v9, v3;
	v17 =	vmul.f32 v12, v4  }
0x95: {  	v12 =	vld [tilespmem:s9+$0x6C10]  }
0x96: {  	v9 =	vld [tilespmem:s9+$0x6C20];
	v14 =	vmul.f32 v10, v2;
	v13 =	vadd.f32 v17, v13  }
0x97: {  	s7 =	simm.s32 $0x0;
	s8 =	simm.s32 $0x400;
	v10 =	vld [tilespmem:s9+$0x4C00];
	v15 =	vmul.f32 v15, v3;
	v16 =	vmul.f32 v16, v4  }
.LBB2_2:
0x98: {  	p0 =	sne.s32 s8, $0x7E00;
	v17 =	vld [tilespmem:s9+$0x4C10];
	v13 =	vadd.f32 v14, v13;
	v7 =	vmul.f32 v7, v1  }
0x99: {  	v8 =	vmul.f32 v8, v2;
	v14 =	vadd.f32 v16, v15;
	v15 =	vld [tilespmem:s9+$0xAC00]  }
0x9a: {  	v11 =	vmul.f32 v11, v3;
	v16 =	vld [tilespmem:s9+$0x4C20];
	v12 =	vmul.f32 v12, v4;
	v7 =	vadd.f32 v7, v13  }
0x9b: {  	v6 =	vmul.f32 v6, v1;
	v8 =	vadd.f32 v8, v14;
	v13 =	vld [tilespmem:s9+$0xAC10]  }
0x9c: {  	v9 =	vmul.f32 v9, v2;
	v14 =	vld [tilespmem:s9+$0x4C30];
	v11 =	vadd.f32 v12, v11;
	(xrf2) =	vadd.scan.msk.f32 $0xffff, v7  }
0x9d: {  	v7 =	vmul.f32 v10, v3;
	v10 =	vmul.f32 v17, v4;
	v6 =	vadd.f32 v6, v8;
	v8 =	vld [tilespmem:s9+$0xAC20]  }
0x9e: {  	v5 =	vmul.f32 v5, v1;
	v9 =	vadd.f32 v9, v11  }
0x9f: {  	v7 =	vadd.f32 v10, v7;
	v10 =	vmul.f32 v16, v2;
	v11 =	vld [tilespmem:s9+$0xAC30];
	(xrf2) =	vadd.scan.msk.f32 $0xffff, v6  }
0xa0: {  	v3 =	vmul.f32 v15, v3;
	v5 =	vadd.f32 v5, v9;
	v4 =	vmul.f32 v13, v4  }
0xa1: {  	v6 =	vadd.f32 v10, v7;
	v7 =	vmul.f32 v14, v1  }
0xa2: {  	v3 =	vadd.f32 v4, v3;
	v2 =	vmul.f32 v8, v2;
	(xrf2) =	vadd.scan.msk.f32 $0xffff, v5  }
0xa3: {  	v4 =	vadd.f32 v7, v6  }
0xa4: {  	v3 =	vadd.f32 v2, v3;
	v1 =	vmul.f32 v11, v1  }
0xa5: {  	(xrf2) =	vadd.scan.msk.f32 $0xffff, v4  }
0xa6: {  	v3 =	vadd.f32 v1, v3;
	v2, _, _ =	vpop (xrf2);
	_ =	sdelay $0x1  }
0xa7: {  	(xrf2) =	vadd.scan.msk.f32 $0xffff, v3  }
0xa8: {  	v1, _, _ =	vpop (xrf2);
	_ =	sdelay $0x2  }
0xa9: {  	v3, _, _ =	vpop (xrf2);
	_ =	sdelay $0x2  }
0xaa: {  	v4, _, _ =	vpop (xrf2)  }
0xab: {  	v4 =	vbroadcast v4, $0xF  }
0xac: {  	s7 =	sadd.s32 $0x1, s7;
	v3 =	vbroadcast v3, $0xF  }
0xad: {  	v5 =	vor.u32 s7, v0;
	v1 =	vbroadcast v1, $0xF;
	v4 =	vnsel vm0, $0x0, v4;
	v6, _, _ =	vpop (xrf2)  }
0xae: {  	v3 =	vsel vm1, v4, v3;
	v4 =	vbroadcast v6, $0xF  }
0xaf: {  	v2 =	vbroadcast v2, $0xF;
	v1 =	vsel vm2, v3, v1  }
0xb0: {  	v1 =	vsel vm3, v1, v4  }
0xb1: {  	v1 =	vsel vm4, v1, v2  }
0xb2: {  	s9 =	sshra.s32 s8, $0x2;
	[tilespmem:v5+s22+$0x0] =	vst.idx.msk $0x1f, v1  }
0xb3: {  	v7 =	vld [tilespmem:s9+$0xCC30]  }
0xb4: {  	v10 =	vld [tilespmem:s9+$0xCC20]  }
0xb5: {  	v6 =	vld [tilespmem:s9+$0x8C30]  }
0xb6: {  	v9 =	vld [tilespmem:s9+$0xCC00]  }
0xb7: {  	v12 =	vld [tilespmem:s9+$0xCC10]  }
0xb8: {  	v5 =	vld [tilespmem:s9+$0x6C30]  }
0xb9: {  	v8 =	vld [tilespmem:s9+$0x8C20]  }
0xba: {  	v3 =	vld [tilespmem:s9+$0xC00]  }
0xbb: {  	v4 =	vld [tilespmem:s9+$0xC10]  }
0xbc: {  	v15 =	vld [tilespmem:s9+$0x8C00]  }
0xbd: {  	v2 =	vld [tilespmem:s9+$0xC20]  }
0xbe: {  	v16 =	vld [tilespmem:s9+$0x8C10]  }
.Ltmp0:
0xbf: {  	v1 =	vld [tilespmem:s9+$0xC30];
	(pc) =	sbr.rel @p0 .LBB2_2-.Ltmp0, $4  }
0xc0: {  	v13 =	vmul.f32 v9, v3;
	v11 =	vld [tilespmem:s9+$0x6C00];
	v14 =	vmul.f32 v12, v4  }
0xc1: {  	v12 =	vld [tilespmem:s9+$0x6C10]  }
0xc2: {  	v9 =	vld [tilespmem:s9+$0x6C20];
	v13 =	vadd.f32 v14, v13;
	v14 =	vmul.f32 v10, v2  }
0xc3: {  	s8 =	sadd.s32 $0x200, s8;
	v15 =	vmul.f32 v15, v3;
	v10 =	vld [tilespmem:s9+$0x4C00];
	v16 =	vmul.f32 v16, v4  }
0xc4: {  	v17 =	vld [tilespmem:s9+$0x4C10]  }
0xc5: {  	v18 =	vld [tilespmem:s9+$0xAC00]  }
0xc6: {  	v13 =	vadd.f32 v14, v13;
	v7 =	vmul.f32 v7, v1;
	v14 =	vld [tilespmem:s9+$0x4C20]  }
0xc7: {  	v8 =	vmul.f32 v8, v2;
	v15 =	vadd.f32 v16, v15;
	v16 =	vld [tilespmem:s9+$0xAC10]  }
0xc8: {  	v11 =	vmul.f32 v11, v3;
	v12 =	vmul.f32 v12, v4;
	v7 =	vadd.f32 v7, v13;
	v13 =	vld [tilespmem:s9+$0x4C30]  }
0xc9: {  	v8 =	vadd.f32 v8, v15;
	v10 =	vmul.f32 v10, v3;
	v15 =	vmul.f32 v17, v4;
	v17 =	vld [tilespmem:s9+$0xAC20]  }
0xca: {  	v6 =	vmul.f32 v6, v1;
	v9 =	vmul.f32 v9, v2;
	v11 =	vadd.f32 v12, v11  }
0xcb: {  	v5 =	vmul.f32 v5, v1;
	v12 =	vmul.f32 v14, v2;
	v14 =	vld [tilespmem:s9+$0xAC30];
	v10 =	vadd.f32 v15, v10  }
0xcc: {  	v3 =	vmul.f32 v18, v3;
	v9 =	vadd.f32 v9, v11;
	v4 =	vmul.f32 v16, v4  }
0xcd: {  	v6 =	vadd.f32 v6, v8;
	v8 =	vadd.f32 v12, v10;
	v10 =	vmul.f32 v13, v1  }
0xce: {  	(xrf2) =	vadd.scan.msk.f32 $0xffff, v7;
	v5 =	vadd.f32 v5, v9;
	v3 =	vadd.f32 v4, v3;
	v2 =	vmul.f32 v17, v2  }
0xcf: {  	(xrf2) =	vadd.scan.msk.f32 $0xffff, v6;
	v4 =	vadd.f32 v10, v8  }
0xd0: {  	(xrf2) =	vadd.scan.msk.f32 $0xffff, v5;
	v1 =	vmul.f32 v14, v1;
	v2 =	vadd.f32 v2, v3  }
0xd1: {  	(xrf2) =	vadd.scan.msk.f32 $0xffff, v4  }
0xd2: {  	v1 =	vadd.f32 v1, v2;
	_ =	sdelay $0x1  }
0xd3: {  	(xrf2) =	vadd.scan.msk.f32 $0xffff, v1;
	_ =	sdelay $0x3  }
0xd4: {  	v1, _, _ =	vpop (xrf2)  }
0xd5: {  	v2, _, _ =	vpop (xrf2)  }
0xd6: {  	v3, _, _ =	vpop (xrf2)  }
0xd7: {  	v4, _, _ =	vpop (xrf2)  }
0xd8: {  	v4 =	vbroadcast v4, $0xF  }
0xd9: {  	s7 =	sadd.s32 $0x1, s7;
	v3 =	vbroadcast v3, $0xF  }
0xda: {  	v5 =	vor.u32 s7, v0;
	v2 =	vbroadcast v2, $0xF;
	v4 =	vnsel vm0, $0x0, v4;
	v6, _, _ =	vpop (xrf2)  }
0xdb: {  	v3 =	vsel vm1, v4, v3;
	v4 =	vbroadcast v6, $0xF  }
0xdc: {  	v1 =	vbroadcast v1, $0xF;
	v2 =	vsel vm2, v3, v2  }
0xdd: {  	v2 =	vsel vm3, v2, v4  }
0xde: {  	v1 =	vsel vm4, v2, v1  }
0xdf: {  	s8 =	simm.s32 $0x80;
	s7 =	simm.s32 $0x40;
	[tilespmem:v5+s22+$0x0] =	vst.idx.msk $0x1f, v1  }
0xe0: {  	[tilespmem:s24], [sflag:$0x1] =	stream.indirect.gather [hbm4b:s3+s7], $0x80, s8, s7, $0xb8;
	[tilespmem:$0x19600] =	vst v63  }
0xe1: {  	s9 =	simm.s32 $0x280  }
0xe2: {  	[tilespmem:s25], [sflag:$0x1] =	stream.indirect.gather [hbm4b:s4+s7], $0x80, s9, s7, $0xb8;
	[tilespmem:$0x19600] =	vst v63  }
0xe3: {  	s9 =	simm.s32 $0x480  }
0xe4: {  	[tilespmem:s26], [sflag:$0x1] =	stream.indirect.gather [hbm4b:s4+s7], $0x80, s9, s7, $0xb8;
	[tilespmem:$0x19600] =	vst v63  }
0xe5: {  	s9 =	simm.s32 $0x680  }
0xe6: {  	[tilespmem:s28], [sflag:$0x1] =	stream.indirect.gather [hbm4b:s4+s7], $0x80, s9, s7, $0xb8;
	[tilespmem:$0x19600] =	vst v63  }
0xe7: {  	s9 =	simm.s32 $0x880  }
0xe8: {  	[tilespmem:s29], [sflag:$0x1] =	stream.indirect.gather [hbm4b:s4+s7], $0x80, s9, s7, $0xb8;
	[tilespmem:$0x19600] =	vst v63  }
0xe9: {  	s9 =	simm.s32 $0xA80  }
0xea: {  	[tilespmem:s30], [sflag:$0x1] =	stream.indirect.gather [hbm4b:s4+s7], $0x80, s9, s7, $0xb8;
	[tilespmem:$0x19600] =	vst v63  }
0xeb: {  	_ =	swait.ge [sflag:s5], $0x2000  }
0xec: {  	[sflag:s5] =	ssyncset.done $0x0  }
0xed: {  	[sflag:s5] =	ssyncadd.s32 $0xFFFFE000  }
0xee: {  	_ =	swait.ge [sflag:s5], $0x2000  }
0xef: {  	[sflag:s5] =	ssyncset.done $0x0  }
0xf0: {  	[sflag:s5] =	ssyncadd.s32 $0xFFFFE000  }
0xf1: {  	_ =	swait.ge [sflag:s5], $0x2000  }
0xf2: {  	[sflag:s5] =	ssyncset.done $0x0  }
0xf3: {  	[sflag:s5] =	ssyncadd.s32 $0xFFFFE000  }
0xf4: {  	_ =	swait.ge [sflag:s5], $0x2000  }
0xf5: {  	[sflag:s5] =	ssyncset.done $0x0  }
0xf6: {  	[sflag:s5] =	ssyncadd.s32 $0xFFFFE000  }
0xf7: {  	_ =	swait.ge [sflag:s5], $0x2000  }
0xf8: {  	[sflag:s5] =	ssyncset.done $0x0  }
0xf9: {  	[sflag:s5] =	ssyncadd.s32 $0xFFFFE000  }
0xfa: {  	_ =	swait.ge [sflag:s5], $0x2000  }
0xfb: {  	[sflag:s5] =	ssyncset.done $0x0  }
0xfc: {  	s9 =	simm.s32 $0x0;
	[sflag:s5] =	ssyncadd.s32 $0xFFFFE000  }
0xfd: {  	v1 =	vld [tilespmem:s9+$0x16C30]  }
0xfe: {  	v2 =	vld [tilespmem:s9+$0x16C20]  }
0xff: {  	v3 =	vld [tilespmem:s9+$0x12C30]  }
0x100: {  	v4 =	vld [tilespmem:s9+$0x16C00]  }
0x101: {  	v5 =	vld [tilespmem:s9+$0x16C10]  }
0x102: {  	v6 =	vld [tilespmem:s9+$0x10C30]  }
0x103: {  	v7 =	vld [tilespmem:s9+$0x12C20]  }
0x104: {  	v8 =	vld [tilespmem:s9+$0x2C00]  }
0x105: {  	v9 =	vld [tilespmem:s9+$0x2C10]  }
0x106: {  	v10 =	vld [tilespmem:s9+$0x12C00]  }
0x107: {  	v11 =	vld [tilespmem:s9+$0x2C20]  }
0x108: {  	v12 =	vld [tilespmem:s9+$0x12C10]  }
0x109: {  	v13 =	vld [tilespmem:s9+$0x2C30]  }
0x10a: {  	v14 =	vld [tilespmem:s9+$0x10C00]  }
0x10b: {  	v15 =	vld [tilespmem:s9+$0x10C10]  }
0x10c: {  	v16 =	vld [tilespmem:s9+$0x10C20];
	v4 =	vmul.f32 v4, v8;
	v5 =	vmul.f32 v5, v9  }
0x10d: {  	v17 =	vld [tilespmem:s9+$0xEC00]  }
0x10e: {  	v2 =	vmul.f32 v2, v11;
	v4 =	vadd.f32 v5, v4;
	v5 =	vld [tilespmem:s9+$0xEC10]  }
0x10f: {  	v18 =	vld [tilespmem:s9+$0x14C00];
	v10 =	vmul.f32 v10, v8;
	v12 =	vmul.f32 v12, v9  }
0x110: {  	v1 =	vmul.f32 v1, v13;
	v2 =	vadd.f32 v2, v4;
	v4 =	vld [tilespmem:s9+$0xEC20]  }
0x111: {  	v7 =	vmul.f32 v7, v11;
	v10 =	vadd.f32 v12, v10;
	v12 =	vld [tilespmem:s9+$0x14C10]  }
0x112: {  	v14 =	vmul.f32 v14, v8;
	v15 =	vmul.f32 v15, v9;
	v1 =	vadd.f32 v1, v2;
	v2 =	vld [tilespmem:s9+$0xEC30]  }
0x113: {  	v7 =	vadd.f32 v7, v10;
	v10 =	vmul.f32 v17, v8;
	v17 =	vld [tilespmem:s9+$0x14C20];
	v5 =	vmul.f32 v5, v9  }
0x114: {  	v3 =	vmul.f32 v3, v13;
	v14 =	vadd.f32 v15, v14;
	v15 =	vmul.f32 v16, v11  }
0x115: {  	v6 =	vmul.f32 v6, v13;
	v5 =	vadd.f32 v5, v10;
	v4 =	vmul.f32 v4, v11;
	v10 =	vld [tilespmem:s9+$0x14C30]  }
0x116: {  	v14 =	vadd.f32 v15, v14;
	v8 =	vmul.f32 v18, v8;
	v9 =	vmul.f32 v12, v9  }
0x117: {  	v3 =	vadd.f32 v3, v7;
	v4 =	vadd.f32 v4, v5;
	v2 =	vmul.f32 v2, v13  }
0x118: {  	(xrf2) =	vadd.scan.msk.f32 $0xffff, v1;
	v1 =	vadd.f32 v6, v14;
	v6 =	vmul.f32 v17, v11;
	v5 =	vadd.f32 v9, v8  }
0x119: {  	(xrf2) =	vadd.scan.msk.f32 $0xffff, v3;
	v2 =	vadd.f32 v2, v4  }
0x11a: {  	(xrf2) =	vadd.scan.msk.f32 $0xffff, v1;
	v1 =	vadd.f32 v6, v5;
	v3 =	vmul.f32 v10, v13  }
0x11b: {  	(xrf2) =	vadd.scan.msk.f32 $0xffff, v2  }
0x11c: {  	v1 =	vadd.f32 v3, v1;
	_ =	sdelay $0x1  }
0x11d: {  	(xrf2) =	vadd.scan.msk.f32 $0xffff, v1;
	_ =	sdelay $0x3  }
0x11e: {  	v1, _, _ =	vpop (xrf2)  }
0x11f: {  	v2, _, _ =	vpop (xrf2)  }
0x120: {  	v3, _, _ =	vpop (xrf2)  }
0x121: {  	v4, _, _ =	vpop (xrf2)  }
0x122: {  	v4 =	vbroadcast v4, $0xF  }
0x123: {  	v3 =	vbroadcast v3, $0xF  }
0x124: {  	v5 =	vor.u32 s7, v0;
	v2 =	vbroadcast v2, $0xF;
	v4 =	vnsel vm0, $0x0, v4;
	v6, _, _ =	vpop (xrf2)  }
0x125: {  	v3 =	vsel vm1, v4, v3;
	v4 =	vbroadcast v6, $0xF  }
0x126: {  	v1 =	vbroadcast v1, $0xF;
	v2 =	vsel vm2, v3, v2  }
0x127: {  	v2 =	vsel vm3, v2, v4  }
0x128: {  	v1 =	vsel vm4, v2, v1  }
0x129: {  	s9 =	simm.s32 $0x80;
	[tilespmem:v5+s22+$0x0] =	vst.idx.msk $0x1f, v1  }
0x12a: {  	v7 =	vld [tilespmem:s9+$0x16C30]  }
0x12b: {  	v10 =	vld [tilespmem:s9+$0x16C20]  }
0x12c: {  	v6 =	vld [tilespmem:s9+$0x12C30]  }
0x12d: {  	v9 =	vld [tilespmem:s9+$0x16C00]  }
0x12e: {  	v12 =	vld [tilespmem:s9+$0x16C10]  }
0x12f: {  	v5 =	vld [tilespmem:s9+$0x10C30]  }
0x130: {  	v8 =	vld [tilespmem:s9+$0x12C20]  }
0x131: {  	v3 =	vld [tilespmem:s9+$0x2C00]  }
0x132: {  	v4 =	vld [tilespmem:s9+$0x2C10]  }
0x133: {  	v15 =	vld [tilespmem:s9+$0x12C00]  }
0x134: {  	v2 =	vld [tilespmem:s9+$0x2C20]  }
0x135: {  	v16 =	vld [tilespmem:s9+$0x12C10]  }
0x136: {  	v1 =	vld [tilespmem:s9+$0x2C30]  }
0x137: {  	v11 =	vld [tilespmem:s9+$0x10C00];
	v13 =	vmul.f32 v9, v3;
	v17 =	vmul.f32 v12, v4  }
0x138: {  	v12 =	vld [tilespmem:s9+$0x10C10]  }
0x139: {  	v9 =	vld [tilespmem:s9+$0x10C20];
	v14 =	vmul.f32 v10, v2;
	v13 =	vadd.f32 v17, v13  }
0x13a: {  	s8 =	simm.s32 $0x400;
	v10 =	vld [tilespmem:s9+$0xEC00];
	v15 =	vmul.f32 v15, v3;
	v16 =	vmul.f32 v16, v4  }
.LBB2_4:
0x13b: {  	p0 =	sne.s32 s8, $0x7E00;
	v17 =	vld [tilespmem:s9+$0xEC10];
	v13 =	vadd.f32 v14, v13;
	v7 =	vmul.f32 v7, v1  }
0x13c: {  	v8 =	vmul.f32 v8, v2;
	v14 =	vadd.f32 v16, v15;
	v15 =	vld [tilespmem:s9+$0x14C00]  }
0x13d: {  	v11 =	vmul.f32 v11, v3;
	v16 =	vld [tilespmem:s9+$0xEC20];
	v12 =	vmul.f32 v12, v4;
	v7 =	vadd.f32 v7, v13  }
0x13e: {  	v6 =	vmul.f32 v6, v1;
	v8 =	vadd.f32 v8, v14;
	v13 =	vld [tilespmem:s9+$0x14C10]  }
0x13f: {  	v9 =	vmul.f32 v9, v2;
	v14 =	vld [tilespmem:s9+$0xEC30];
	v11 =	vadd.f32 v12, v11;
	(xrf2) =	vadd.scan.msk.f32 $0xffff, v7  }
0x140: {  	v7 =	vmul.f32 v10, v3;
	v10 =	vmul.f32 v17, v4;
	v6 =	vadd.f32 v6, v8;
	v8 =	vld [tilespmem:s9+$0x14C20]  }
0x141: {  	v5 =	vmul.f32 v5, v1;
	v9 =	vadd.f32 v9, v11  }
0x142: {  	v7 =	vadd.f32 v10, v7;
	v10 =	vmul.f32 v16, v2;
	v11 =	vld [tilespmem:s9+$0x14C30];
	(xrf2) =	vadd.scan.msk.f32 $0xffff, v6  }
0x143: {  	v3 =	vmul.f32 v15, v3;
	v5 =	vadd.f32 v5, v9;
	v4 =	vmul.f32 v13, v4  }
0x144: {  	v6 =	vadd.f32 v10, v7;
	v7 =	vmul.f32 v14, v1  }
0x145: {  	v3 =	vadd.f32 v4, v3;
	v2 =	vmul.f32 v8, v2;
	(xrf2) =	vadd.scan.msk.f32 $0xffff, v5  }
0x146: {  	v4 =	vadd.f32 v7, v6  }
0x147: {  	v3 =	vadd.f32 v2, v3;
	v1 =	vmul.f32 v11, v1  }
0x148: {  	(xrf2) =	vadd.scan.msk.f32 $0xffff, v4  }
0x149: {  	v3 =	vadd.f32 v1, v3;
	v2, _, _ =	vpop (xrf2);
	_ =	sdelay $0x1  }
0x14a: {  	(xrf2) =	vadd.scan.msk.f32 $0xffff, v3  }
0x14b: {  	v1, _, _ =	vpop (xrf2);
	_ =	sdelay $0x2  }
0x14c: {  	v3, _, _ =	vpop (xrf2);
	_ =	sdelay $0x2  }
0x14d: {  	v4, _, _ =	vpop (xrf2)  }
0x14e: {  	v4 =	vbroadcast v4, $0xF  }
0x14f: {  	s7 =	sadd.s32 $0x1, s7;
	v3 =	vbroadcast v3, $0xF  }
0x150: {  	v5 =	vor.u32 s7, v0;
	v1 =	vbroadcast v1, $0xF;
	v4 =	vnsel vm0, $0x0, v4;
	v6, _, _ =	vpop (xrf2)  }
0x151: {  	v3 =	vsel vm1, v4, v3;
	v4 =	vbroadcast v6, $0xF  }
0x152: {  	v2 =	vbroadcast v2, $0xF;
	v1 =	vsel vm2, v3, v1  }
0x153: {  	v1 =	vsel vm3, v1, v4  }
0x154: {  	v1 =	vsel vm4, v1, v2  }
0x155: {  	s9 =	sshra.s32 s8, $0x2;
	[tilespmem:v5+s22+$0x0] =	vst.idx.msk $0x1f, v1  }
0x156: {  	v7 =	vld [tilespmem:s9+$0x16C30]  }
0x157: {  	v10 =	vld [tilespmem:s9+$0x16C20]  }
0x158: {  	v6 =	vld [tilespmem:s9+$0x12C30]  }
0x159: {  	v9 =	vld [tilespmem:s9+$0x16C00]  }
0x15a: {  	v12 =	vld [tilespmem:s9+$0x16C10]  }
0x15b: {  	v5 =	vld [tilespmem:s9+$0x10C30]  }
0x15c: {  	v8 =	vld [tilespmem:s9+$0x12C20]  }
0x15d: {  	v3 =	vld [tilespmem:s9+$0x2C00]  }
0x15e: {  	v4 =	vld [tilespmem:s9+$0x2C10]  }
0x15f: {  	v15 =	vld [tilespmem:s9+$0x12C00]  }
0x160: {  	v2 =	vld [tilespmem:s9+$0x2C20]  }
0x161: {  	v16 =	vld [tilespmem:s9+$0x12C10]  }
.Ltmp1:
0x162: {  	v1 =	vld [tilespmem:s9+$0x2C30];
	(pc) =	sbr.rel @p0 .LBB2_4-.Ltmp1, $4  }
0x163: {  	v13 =	vmul.f32 v9, v3;
	v11 =	vld [tilespmem:s9+$0x10C00];
	v14 =	vmul.f32 v12, v4  }
0x164: {  	v12 =	vld [tilespmem:s9+$0x10C10]  }
0x165: {  	v9 =	vld [tilespmem:s9+$0x10C20];
	v13 =	vadd.f32 v14, v13;
	v14 =	vmul.f32 v10, v2  }
0x166: {  	s8 =	sadd.s32 $0x200, s8;
	v15 =	vmul.f32 v15, v3;
	v10 =	vld [tilespmem:s9+$0xEC00];
	v16 =	vmul.f32 v16, v4  }
0x167: {  	v17 =	vld [tilespmem:s9+$0xEC10]  }
0x168: {  	v18 =	vld [tilespmem:s9+$0x14C00]  }
0x169: {  	v13 =	vadd.f32 v14, v13;
	v7 =	vmul.f32 v7, v1;
	v14 =	vld [tilespmem:s9+$0xEC20]  }
0x16a: {  	v8 =	vmul.f32 v8, v2;
	v15 =	vadd.f32 v16, v15;
	v16 =	vld [tilespmem:s9+$0x14C10]  }
0x16b: {  	v11 =	vmul.f32 v11, v3;
	v12 =	vmul.f32 v12, v4;
	v7 =	vadd.f32 v7, v13;
	v13 =	vld [tilespmem:s9+$0xEC30]  }
0x16c: {  	v8 =	vadd.f32 v8, v15;
	v10 =	vmul.f32 v10, v3;
	v15 =	vmul.f32 v17, v4;
	v17 =	vld [tilespmem:s9+$0x14C20]  }
0x16d: {  	v6 =	vmul.f32 v6, v1;
	v9 =	vmul.f32 v9, v2;
	v11 =	vadd.f32 v12, v11  }
0x16e: {  	v5 =	vmul.f32 v5, v1;
	v12 =	vmul.f32 v14, v2;
	v14 =	vld [tilespmem:s9+$0x14C30];
	v10 =	vadd.f32 v15, v10  }
0x16f: {  	v3 =	vmul.f32 v18, v3;
	v9 =	vadd.f32 v9, v11;
	v4 =	vmul.f32 v16, v4  }
0x170: {  	v6 =	vadd.f32 v6, v8;
	v8 =	vadd.f32 v12, v10;
	v10 =	vmul.f32 v13, v1  }
0x171: {  	(xrf2) =	vadd.scan.msk.f32 $0xffff, v7;
	v5 =	vadd.f32 v5, v9;
	v3 =	vadd.f32 v4, v3;
	v2 =	vmul.f32 v17, v2  }
0x172: {  	(xrf2) =	vadd.scan.msk.f32 $0xffff, v6;
	v4 =	vadd.f32 v10, v8  }
0x173: {  	(xrf2) =	vadd.scan.msk.f32 $0xffff, v5;
	v1 =	vmul.f32 v14, v1;
	v2 =	vadd.f32 v2, v3  }
0x174: {  	(xrf2) =	vadd.scan.msk.f32 $0xffff, v4  }
0x175: {  	v1 =	vadd.f32 v1, v2;
	_ =	sdelay $0x1  }
0x176: {  	(xrf2) =	vadd.scan.msk.f32 $0xffff, v1;
	_ =	sdelay $0x3  }
0x177: {  	v1, _, _ =	vpop (xrf2)  }
0x178: {  	v2, _, _ =	vpop (xrf2)  }
0x179: {  	v3, _, _ =	vpop (xrf2)  }
0x17a: {  	v4, _, _ =	vpop (xrf2)  }
0x17b: {  	v4 =	vbroadcast v4, $0xF  }
0x17c: {  	s7 =	sadd.s32 $0x1, s7;
	v3 =	vbroadcast v3, $0xF  }
0x17d: {  	v5 =	vor.u32 s7, v0;
	v2 =	vbroadcast v2, $0xF;
	v4 =	vnsel vm0, $0x0, v4;
	v6, _, _ =	vpop (xrf2)  }
0x17e: {  	v3 =	vsel vm1, v4, v3;
	v4 =	vbroadcast v6, $0xF  }
0x17f: {  	v1 =	vbroadcast v1, $0xF;
	v2 =	vsel vm2, v3, v2  }
0x180: {  	v2 =	vsel vm3, v2, v4  }
0x181: {  	v1 =	vsel vm4, v2, v1  }
0x182: {  	s9 =	simm.s32 $0xC0;
	[tilespmem:v5+s22+$0x0] =	vst.idx.msk $0x1f, v1  }
0x183: {  	[tilespmem:s31], [sflag:$0x2] =	stream.indirect.gather [hbm4b:s3+s23], $0x80, s9, s23, $0xb8;
	[tilespmem:$0x19600] =	vst v63  }
0x184: {  	s8 =	simm.s32 $0x2C0  }
0x185: {  	[tilespmem:s2], [sflag:$0x2] =	stream.indirect.gather [hbm4b:s4+s23], $0x80, s8, s23, $0xb8;
	[tilespmem:$0x19600] =	vst v63  }
0x186: {  	s9 =	simm.s32 $0x4C0  }
0x187: {  	[tilespmem:s0], [sflag:$0x2] =	stream.indirect.gather [hbm4b:s4+s23], $0x80, s9, s23, $0xb8;
	[tilespmem:$0x19600] =	vst v63  }
0x188: {  	s8 =	simm.s32 $0x6C0  }
0x189: {  	[tilespmem:s18], [sflag:$0x2] =	stream.indirect.gather [hbm4b:s4+s23], $0x80, s8, s23, $0xb8;
	[tilespmem:$0x19600] =	vst v63  }
0x18a: {  	s9 =	simm.s32 $0x8C0  }
0x18b: {  	[tilespmem:s19], [sflag:$0x2] =	stream.indirect.gather [hbm4b:s4+s23], $0x80, s9, s23, $0xb8;
	[tilespmem:$0x19600] =	vst v63  }
0x18c: {  	s8 =	simm.s32 $0xAC0  }
0x18d: {  	[tilespmem:s20], [sflag:$0x2] =	stream.indirect.gather [hbm4b:s4+s23], $0x80, s8, s23, $0xb8;
	[tilespmem:$0x19600] =	vst v63  }
0x18e: {  	_ =	swait.ge [sflag:s21], $0x2000  }
0x18f: {  	[sflag:s21] =	ssyncset.done $0x0  }
0x190: {  	[sflag:s21] =	ssyncadd.s32 $0xFFFFE000  }
0x191: {  	_ =	swait.ge [sflag:s21], $0x2000  }
0x192: {  	[sflag:s21] =	ssyncset.done $0x0  }
0x193: {  	[sflag:s21] =	ssyncadd.s32 $0xFFFFE000  }
0x194: {  	_ =	swait.ge [sflag:s21], $0x2000  }
0x195: {  	[sflag:s21] =	ssyncset.done $0x0  }
0x196: {  	[sflag:s21] =	ssyncadd.s32 $0xFFFFE000  }
0x197: {  	_ =	swait.ge [sflag:s21], $0x2000  }
0x198: {  	[sflag:s21] =	ssyncset.done $0x0  }
0x199: {  	[sflag:s21] =	ssyncadd.s32 $0xFFFFE000  }
0x19a: {  	_ =	swait.ge [sflag:s21], $0x2000  }
0x19b: {  	[sflag:s21] =	ssyncset.done $0x0  }
0x19c: {  	[sflag:s21] =	ssyncadd.s32 $0xFFFFE000  }
0x19d: {  	_ =	swait.ge [sflag:s21], $0x2000  }
0x19e: {  	[sflag:s21] =	ssyncset.done $0x0  }
0x19f: {  	s9 =	simm.s32 $0x0;
	[sflag:s21] =	ssyncadd.s32 $0xFFFFE000  }
0x1a0: {  	v1 =	vld [tilespmem:s9+$0xCC30]  }
0x1a1: {  	v2 =	vld [tilespmem:s9+$0xCC20]  }
0x1a2: {  	v3 =	vld [tilespmem:s9+$0x8C30]  }
0x1a3: {  	v4 =	vld [tilespmem:s9+$0xCC00]  }
0x1a4: {  	v5 =	vld [tilespmem:s9+$0xCC10]  }
0x1a5: {  	v6 =	vld [tilespmem:s9+$0x6C30]  }
0x1a6: {  	v7 =	vld [tilespmem:s9+$0x8C20]  }
0x1a7: {  	v8 =	vld [tilespmem:s9+$0xC00]  }
0x1a8: {  	v9 =	vld [tilespmem:s9+$0xC10]  }
0x1a9: {  	v10 =	vld [tilespmem:s9+$0x8C00]  }
0x1aa: {  	v11 =	vld [tilespmem:s9+$0xC20]  }
0x1ab: {  	v12 =	vld [tilespmem:s9+$0x8C10]  }
0x1ac: {  	v13 =	vld [tilespmem:s9+$0xC30]  }
0x1ad: {  	v14 =	vld [tilespmem:s9+$0x6C00]  }
0x1ae: {  	v15 =	vld [tilespmem:s9+$0x6C10]  }
0x1af: {  	v16 =	vld [tilespmem:s9+$0x6C20];
	v4 =	vmul.f32 v4, v8;
	v5 =	vmul.f32 v5, v9  }
0x1b0: {  	v17 =	vld [tilespmem:s9+$0x4C00]  }
0x1b1: {  	v2 =	vmul.f32 v2, v11;
	v4 =	vadd.f32 v5, v4;
	v5 =	vld [tilespmem:s9+$0x4C10]  }
0x1b2: {  	v18 =	vld [tilespmem:s9+$0xAC00];
	v10 =	vmul.f32 v10, v8;
	v12 =	vmul.f32 v12, v9  }
0x1b3: {  	v1 =	vmul.f32 v1, v13;
	v2 =	vadd.f32 v2, v4;
	v4 =	vld [tilespmem:s9+$0x4C20]  }
0x1b4: {  	v7 =	vmul.f32 v7, v11;
	v10 =	vadd.f32 v12, v10;
	v12 =	vld [tilespmem:s9+$0xAC10]  }
0x1b5: {  	v14 =	vmul.f32 v14, v8;
	v15 =	vmul.f32 v15, v9;
	v1 =	vadd.f32 v1, v2;
	v2 =	vld [tilespmem:s9+$0x4C30]  }
0x1b6: {  	v7 =	vadd.f32 v7, v10;
	v10 =	vmul.f32 v17, v8;
	v17 =	vld [tilespmem:s9+$0xAC20];
	v5 =	vmul.f32 v5, v9  }
0x1b7: {  	v3 =	vmul.f32 v3, v13;
	v14 =	vadd.f32 v15, v14;
	v15 =	vmul.f32 v16, v11  }
0x1b8: {  	v6 =	vmul.f32 v6, v13;
	v5 =	vadd.f32 v5, v10;
	v4 =	vmul.f32 v4, v11;
	v10 =	vld [tilespmem:s9+$0xAC30]  }
0x1b9: {  	v14 =	vadd.f32 v15, v14;
	v8 =	vmul.f32 v18, v8;
	v9 =	vmul.f32 v12, v9  }
0x1ba: {  	v3 =	vadd.f32 v3, v7;
	v4 =	vadd.f32 v4, v5;
	v2 =	vmul.f32 v2, v13  }
0x1bb: {  	(xrf2) =	vadd.scan.msk.f32 $0xffff, v1;
	v1 =	vadd.f32 v6, v14;
	v6 =	vmul.f32 v17, v11;
	v5 =	vadd.f32 v9, v8  }
0x1bc: {  	(xrf2) =	vadd.scan.msk.f32 $0xffff, v3;
	v2 =	vadd.f32 v2, v4  }
0x1bd: {  	(xrf2) =	vadd.scan.msk.f32 $0xffff, v1;
	v1 =	vadd.f32 v6, v5;
	v3 =	vmul.f32 v10, v13  }
0x1be: {  	(xrf2) =	vadd.scan.msk.f32 $0xffff, v2  }
0x1bf: {  	v1 =	vadd.f32 v3, v1;
	_ =	sdelay $0x1  }
0x1c0: {  	(xrf2) =	vadd.scan.msk.f32 $0xffff, v1;
	_ =	sdelay $0x3  }
0x1c1: {  	v1, _, _ =	vpop (xrf2)  }
0x1c2: {  	v2, _, _ =	vpop (xrf2)  }
0x1c3: {  	v3, _, _ =	vpop (xrf2)  }
0x1c4: {  	v4, _, _ =	vpop (xrf2)  }
0x1c5: {  	v4 =	vbroadcast v4, $0xF  }
0x1c6: {  	s7 =	simm.s32 $0x80;
	v3 =	vbroadcast v3, $0xF  }
0x1c7: {  	v5 =	vor.u32 s7, v0;
	v2 =	vbroadcast v2, $0xF;
	v4 =	vnsel vm0, $0x0, v4;
	v6, _, _ =	vpop (xrf2)  }
0x1c8: {  	v3 =	vsel vm1, v4, v3;
	v4 =	vbroadcast v6, $0xF  }
0x1c9: {  	v1 =	vbroadcast v1, $0xF;
	v2 =	vsel vm2, v3, v2  }
0x1ca: {  	v2 =	vsel vm3, v2, v4  }
0x1cb: {  	v1 =	vsel vm4, v2, v1  }
0x1cc: {  	s9 =	simm.s32 $0x80;
	[tilespmem:v5+s22+$0x0] =	vst.idx.msk $0x1f, v1  }
0x1cd: {  	v7 =	vld [tilespmem:s9+$0xCC30]  }
0x1ce: {  	v10 =	vld [tilespmem:s9+$0xCC20]  }
0x1cf: {  	v6 =	vld [tilespmem:s9+$0x8C30]  }
0x1d0: {  	v9 =	vld [tilespmem:s9+$0xCC00]  }
0x1d1: {  	v12 =	vld [tilespmem:s9+$0xCC10]  }
0x1d2: {  	v5 =	vld [tilespmem:s9+$0x6C30]  }
0x1d3: {  	v8 =	vld [tilespmem:s9+$0x8C20]  }
0x1d4: {  	v3 =	vld [tilespmem:s9+$0xC00]  }
0x1d5: {  	v4 =	vld [tilespmem:s9+$0xC10]  }
0x1d6: {  	v15 =	vld [tilespmem:s9+$0x8C00]  }
0x1d7: {  	v2 =	vld [tilespmem:s9+$0xC20]  }
0x1d8: {  	v16 =	vld [tilespmem:s9+$0x8C10]  }
0x1d9: {  	v1 =	vld [tilespmem:s9+$0xC30]  }
0x1da: {  	v11 =	vld [tilespmem:s9+$0x6C00];
	v13 =	vmul.f32 v9, v3;
	v17 =	vmul.f32 v12, v4  }
0x1db: {  	v12 =	vld [tilespmem:s9+$0x6C10]  }
0x1dc: {  	v9 =	vld [tilespmem:s9+$0x6C20];
	v14 =	vmul.f32 v10, v2;
	v13 =	vadd.f32 v17, v13  }
0x1dd: {  	s8 =	simm.s32 $0x400;
	v10 =	vld [tilespmem:s9+$0x4C00];
	v15 =	vmul.f32 v15, v3;
	v16 =	vmul.f32 v16, v4  }
.LBB2_6:
0x1de: {  	p0 =	sne.s32 s8, $0x7E00;
	v17 =	vld [tilespmem:s9+$0x4C10];
	v13 =	vadd.f32 v14, v13;
	v7 =	vmul.f32 v7, v1  }
0x1df: {  	v8 =	vmul.f32 v8, v2;
	v14 =	vadd.f32 v16, v15;
	v15 =	vld [tilespmem:s9+$0xAC00]  }
0x1e0: {  	v11 =	vmul.f32 v11, v3;
	v16 =	vld [tilespmem:s9+$0x4C20];
	v12 =	vmul.f32 v12, v4;
	v7 =	vadd.f32 v7, v13  }
0x1e1: {  	v6 =	vmul.f32 v6, v1;
	v8 =	vadd.f32 v8, v14;
	v13 =	vld [tilespmem:s9+$0xAC10]  }
0x1e2: {  	v9 =	vmul.f32 v9, v2;
	v14 =	vld [tilespmem:s9+$0x4C30];
	v11 =	vadd.f32 v12, v11;
	(xrf2) =	vadd.scan.msk.f32 $0xffff, v7  }
0x1e3: {  	v7 =	vmul.f32 v10, v3;
	v10 =	vmul.f32 v17, v4;
	v6 =	vadd.f32 v6, v8;
	v8 =	vld [tilespmem:s9+$0xAC20]  }
0x1e4: {  	v5 =	vmul.f32 v5, v1;
	v9 =	vadd.f32 v9, v11  }
0x1e5: {  	v7 =	vadd.f32 v10, v7;
	v10 =	vmul.f32 v16, v2;
	v11 =	vld [tilespmem:s9+$0xAC30];
	(xrf2) =	vadd.scan.msk.f32 $0xffff, v6  }
0x1e6: {  	v3 =	vmul.f32 v15, v3;
	v5 =	vadd.f32 v5, v9;
	v4 =	vmul.f32 v13, v4  }
0x1e7: {  	v6 =	vadd.f32 v10, v7;
	v7 =	vmul.f32 v14, v1  }
0x1e8: {  	v3 =	vadd.f32 v4, v3;
	v2 =	vmul.f32 v8, v2;
	(xrf2) =	vadd.scan.msk.f32 $0xffff, v5  }
0x1e9: {  	v4 =	vadd.f32 v7, v6  }
0x1ea: {  	v3 =	vadd.f32 v2, v3;
	v1 =	vmul.f32 v11, v1  }
0x1eb: {  	(xrf2) =	vadd.scan.msk.f32 $0xffff, v4  }
0x1ec: {  	v3 =	vadd.f32 v1, v3;
	v2, _, _ =	vpop (xrf2);
	_ =	sdelay $0x1  }
0x1ed: {  	(xrf2) =	vadd.scan.msk.f32 $0xffff, v3  }
0x1ee: {  	v1, _, _ =	vpop (xrf2);
	_ =	sdelay $0x2  }
0x1ef: {  	v3, _, _ =	vpop (xrf2);
	_ =	sdelay $0x2  }
0x1f0: {  	v4, _, _ =	vpop (xrf2)  }
0x1f1: {  	v4 =	vbroadcast v4, $0xF  }
0x1f2: {  	s7 =	sadd.s32 $0x1, s7;
	v3 =	vbroadcast v3, $0xF  }
0x1f3: {  	v5 =	vor.u32 s7, v0;
	v1 =	vbroadcast v1, $0xF;
	v4 =	vnsel vm0, $0x0, v4;
	v6, _, _ =	vpop (xrf2)  }
0x1f4: {  	v3 =	vsel vm1, v4, v3;
	v4 =	vbroadcast v6, $0xF  }
0x1f5: {  	v2 =	vbroadcast v2, $0xF;
	v1 =	vsel vm2, v3, v1  }
0x1f6: {  	v1 =	vsel vm3, v1, v4  }
0x1f7: {  	v1 =	vsel vm4, v1, v2  }
0x1f8: {  	s9 =	sshra.s32 s8, $0x2;
	[tilespmem:v5+s22+$0x0] =	vst.idx.msk $0x1f, v1  }
0x1f9: {  	v7 =	vld [tilespmem:s9+$0xCC30]  }
0x1fa: {  	v10 =	vld [tilespmem:s9+$0xCC20]  }
0x1fb: {  	v6 =	vld [tilespmem:s9+$0x8C30]  }
0x1fc: {  	v9 =	vld [tilespmem:s9+$0xCC00]  }
0x1fd: {  	v12 =	vld [tilespmem:s9+$0xCC10]  }
0x1fe: {  	v5 =	vld [tilespmem:s9+$0x6C30]  }
0x1ff: {  	v8 =	vld [tilespmem:s9+$0x8C20]  }
0x200: {  	v3 =	vld [tilespmem:s9+$0xC00]  }
0x201: {  	v4 =	vld [tilespmem:s9+$0xC10]  }
0x202: {  	v15 =	vld [tilespmem:s9+$0x8C00]  }
0x203: {  	v2 =	vld [tilespmem:s9+$0xC20]  }
0x204: {  	v16 =	vld [tilespmem:s9+$0x8C10]  }
.Ltmp2:
0x205: {  	v1 =	vld [tilespmem:s9+$0xC30];
	(pc) =	sbr.rel @p0 .LBB2_6-.Ltmp2, $4  }
0x206: {  	v13 =	vmul.f32 v9, v3;
	v11 =	vld [tilespmem:s9+$0x6C00];
	v14 =	vmul.f32 v12, v4  }
0x207: {  	v12 =	vld [tilespmem:s9+$0x6C10]  }
0x208: {  	v9 =	vld [tilespmem:s9+$0x6C20];
	v13 =	vadd.f32 v14, v13;
	v14 =	vmul.f32 v10, v2  }
0x209: {  	s8 =	sadd.s32 $0x200, s8;
	v15 =	vmul.f32 v15, v3;
	v10 =	vld [tilespmem:s9+$0x4C00];
	v16 =	vmul.f32 v16, v4  }
0x20a: {  	v17 =	vld [tilespmem:s9+$0x4C10]  }
0x20b: {  	v18 =	vld [tilespmem:s9+$0xAC00]  }
0x20c: {  	v13 =	vadd.f32 v14, v13;
	v7 =	vmul.f32 v7, v1;
	v14 =	vld [tilespmem:s9+$0x4C20]  }
0x20d: {  	v8 =	vmul.f32 v8, v2;
	v15 =	vadd.f32 v16, v15;
	v16 =	vld [tilespmem:s9+$0xAC10]  }
0x20e: {  	v11 =	vmul.f32 v11, v3;
	v12 =	vmul.f32 v12, v4;
	v7 =	vadd.f32 v7, v13;
	v13 =	vld [tilespmem:s9+$0x4C30]  }
0x20f: {  	v8 =	vadd.f32 v8, v15;
	v10 =	vmul.f32 v10, v3;
	v15 =	vmul.f32 v17, v4;
	v17 =	vld [tilespmem:s9+$0xAC20]  }
0x210: {  	v6 =	vmul.f32 v6, v1;
	v9 =	vmul.f32 v9, v2;
	v11 =	vadd.f32 v12, v11  }
0x211: {  	v5 =	vmul.f32 v5, v1;
	v12 =	vmul.f32 v14, v2;
	v14 =	vld [tilespmem:s9+$0xAC30];
	v10 =	vadd.f32 v15, v10  }
0x212: {  	v3 =	vmul.f32 v18, v3;
	v9 =	vadd.f32 v9, v11;
	v4 =	vmul.f32 v16, v4  }
0x213: {  	v6 =	vadd.f32 v6, v8;
	v8 =	vadd.f32 v12, v10;
	v10 =	vmul.f32 v13, v1  }
0x214: {  	(xrf2) =	vadd.scan.msk.f32 $0xffff, v7;
	v5 =	vadd.f32 v5, v9;
	v3 =	vadd.f32 v4, v3;
	v2 =	vmul.f32 v17, v2  }
0x215: {  	(xrf2) =	vadd.scan.msk.f32 $0xffff, v6;
	v4 =	vadd.f32 v10, v8  }
0x216: {  	(xrf2) =	vadd.scan.msk.f32 $0xffff, v5;
	v1 =	vmul.f32 v14, v1;
	v2 =	vadd.f32 v2, v3  }
0x217: {  	(xrf2) =	vadd.scan.msk.f32 $0xffff, v4  }
0x218: {  	v1 =	vadd.f32 v1, v2;
	_ =	sdelay $0x1  }
0x219: {  	(xrf2) =	vadd.scan.msk.f32 $0xffff, v1;
	_ =	sdelay $0x3  }
0x21a: {  	v1, _, _ =	vpop (xrf2)  }
0x21b: {  	v2, _, _ =	vpop (xrf2)  }
0x21c: {  	v3, _, _ =	vpop (xrf2)  }
0x21d: {  	v4, _, _ =	vpop (xrf2)  }
0x21e: {  	v4 =	vbroadcast v4, $0xF  }
0x21f: {  	s7 =	sadd.s32 $0x1, s7;
	v3 =	vbroadcast v3, $0xF  }
0x220: {  	v5 =	vor.u32 s7, v0;
	v2 =	vbroadcast v2, $0xF;
	v4 =	vnsel vm0, $0x0, v4;
	v6, _, _ =	vpop (xrf2)  }
0x221: {  	v3 =	vsel vm1, v4, v3;
	v4 =	vbroadcast v6, $0xF  }
0x222: {  	v1 =	vbroadcast v1, $0xF;
	v2 =	vsel vm2, v3, v2  }
0x223: {  	v2 =	vsel vm3, v2, v4  }
0x224: {  	v1 =	vsel vm4, v2, v1  }
0x225: {  	s9 =	simm.s32 $0x100;
	[tilespmem:v5+s22+$0x0] =	vst.idx.msk $0x1f, v1  }
0x226: {  	[tilespmem:s24], [sflag:$0x1] =	stream.indirect.gather [hbm4b:s3+s23], $0x80, s9, s23, $0xb8;
	[tilespmem:$0x19600] =	vst v63  }
0x227: {  	s8 =	simm.s32 $0x300  }
0x228: {  	[tilespmem:s25], [sflag:$0x1] =	stream.indirect.gather [hbm4b:s4+s23], $0x80, s8, s23, $0xb8;
	[tilespmem:$0x19600] =	vst v63  }
0x229: {  	s9 =	simm.s32 $0x500  }
0x22a: {  	[tilespmem:s26], [sflag:$0x1] =	stream.indirect.gather [hbm4b:s4+s23], $0x80, s9, s23, $0xb8;
	[tilespmem:$0x19600] =	vst v63  }
0x22b: {  	s8 =	simm.s32 $0x700  }
0x22c: {  	[tilespmem:s28], [sflag:$0x1] =	stream.indirect.gather [hbm4b:s4+s23], $0x80, s8, s23, $0xb8;
	[tilespmem:$0x19600] =	vst v63  }
0x22d: {  	s9 =	simm.s32 $0x900  }
0x22e: {  	[tilespmem:s29], [sflag:$0x1] =	stream.indirect.gather [hbm4b:s4+s23], $0x80, s9, s23, $0xb8;
	[tilespmem:$0x19600] =	vst v63  }
0x22f: {  	s8 =	simm.s32 $0xB00  }
0x230: {  	[tilespmem:s30], [sflag:$0x1] =	stream.indirect.gather [hbm4b:s4+s23], $0x80, s8, s23, $0xb8;
	[tilespmem:$0x19600] =	vst v63  }
0x231: {  	_ =	swait.ge [sflag:s5], $0x2000  }
0x232: {  	[sflag:s5] =	ssyncset.done $0x0  }
0x233: {  	[sflag:s5] =	ssyncadd.s32 $0xFFFFE000  }
0x234: {  	_ =	swait.ge [sflag:s5], $0x2000  }
0x235: {  	[sflag:s5] =	ssyncset.done $0x0  }
0x236: {  	[sflag:s5] =	ssyncadd.s32 $0xFFFFE000  }
0x237: {  	_ =	swait.ge [sflag:s5], $0x2000  }
0x238: {  	[sflag:s5] =	ssyncset.done $0x0  }
0x239: {  	[sflag:s5] =	ssyncadd.s32 $0xFFFFE000  }
0x23a: {  	_ =	swait.ge [sflag:s5], $0x2000  }
0x23b: {  	[sflag:s5] =	ssyncset.done $0x0  }
0x23c: {  	[sflag:s5] =	ssyncadd.s32 $0xFFFFE000  }
0x23d: {  	_ =	swait.ge [sflag:s5], $0x2000  }
0x23e: {  	[sflag:s5] =	ssyncset.done $0x0  }
0x23f: {  	[sflag:s5] =	ssyncadd.s32 $0xFFFFE000  }
0x240: {  	_ =	swait.ge [sflag:s5], $0x2000  }
0x241: {  	[sflag:s5] =	ssyncset.done $0x0  }
0x242: {  	s9 =	simm.s32 $0x0;
	[sflag:s5] =	ssyncadd.s32 $0xFFFFE000  }
0x243: {  	v1 =	vld [tilespmem:s9+$0x16C30]  }
0x244: {  	v2 =	vld [tilespmem:s9+$0x16C20]  }
0x245: {  	v3 =	vld [tilespmem:s9+$0x12C30]  }
0x246: {  	v4 =	vld [tilespmem:s9+$0x16C00]  }
0x247: {  	v5 =	vld [tilespmem:s9+$0x16C10]  }
0x248: {  	v6 =	vld [tilespmem:s9+$0x10C30]  }
0x249: {  	v7 =	vld [tilespmem:s9+$0x12C20]  }
0x24a: {  	v8 =	vld [tilespmem:s9+$0x2C00]  }
0x24b: {  	v9 =	vld [tilespmem:s9+$0x2C10]  }
0x24c: {  	v10 =	vld [tilespmem:s9+$0x12C00]  }
0x24d: {  	v11 =	vld [tilespmem:s9+$0x2C20]  }
0x24e: {  	v12 =	vld [tilespmem:s9+$0x12C10]  }
0x24f: {  	v13 =	vld [tilespmem:s9+$0x2C30]  }
0x250: {  	v14 =	vld [tilespmem:s9+$0x10C00]  }
0x251: {  	v15 =	vld [tilespmem:s9+$0x10C10]  }
0x252: {  	v16 =	vld [tilespmem:s9+$0x10C20];
	v4 =	vmul.f32 v4, v8;
	v5 =	vmul.f32 v5, v9  }
0x253: {  	v17 =	vld [tilespmem:s9+$0xEC00]  }
0x254: {  	v2 =	vmul.f32 v2, v11;
	v4 =	vadd.f32 v5, v4;
	v5 =	vld [tilespmem:s9+$0xEC10]  }
0x255: {  	v18 =	vld [tilespmem:s9+$0x14C00];
	v10 =	vmul.f32 v10, v8;
	v12 =	vmul.f32 v12, v9  }
0x256: {  	v1 =	vmul.f32 v1, v13;
	v2 =	vadd.f32 v2, v4;
	v4 =	vld [tilespmem:s9+$0xEC20]  }
0x257: {  	v7 =	vmul.f32 v7, v11;
	v10 =	vadd.f32 v12, v10;
	v12 =	vld [tilespmem:s9+$0x14C10]  }
0x258: {  	v14 =	vmul.f32 v14, v8;
	v15 =	vmul.f32 v15, v9;
	v1 =	vadd.f32 v1, v2;
	v2 =	vld [tilespmem:s9+$0xEC30]  }
0x259: {  	v7 =	vadd.f32 v7, v10;
	v10 =	vmul.f32 v17, v8;
	v17 =	vld [tilespmem:s9+$0x14C20];
	v5 =	vmul.f32 v5, v9  }
0x25a: {  	v3 =	vmul.f32 v3, v13;
	v14 =	vadd.f32 v15, v14;
	v15 =	vmul.f32 v16, v11  }
0x25b: {  	v6 =	vmul.f32 v6, v13;
	v5 =	vadd.f32 v5, v10;
	v4 =	vmul.f32 v4, v11;
	v10 =	vld [tilespmem:s9+$0x14C30]  }
0x25c: {  	v14 =	vadd.f32 v15, v14;
	v8 =	vmul.f32 v18, v8;
	v9 =	vmul.f32 v12, v9  }
0x25d: {  	v3 =	vadd.f32 v3, v7;
	v4 =	vadd.f32 v4, v5;
	v2 =	vmul.f32 v2, v13  }
0x25e: {  	(xrf2) =	vadd.scan.msk.f32 $0xffff, v1;
	v1 =	vadd.f32 v6, v14;
	v6 =	vmul.f32 v17, v11;
	v5 =	vadd.f32 v9, v8  }
0x25f: {  	(xrf2) =	vadd.scan.msk.f32 $0xffff, v3;
	v2 =	vadd.f32 v2, v4  }
0x260: {  	(xrf2) =	vadd.scan.msk.f32 $0xffff, v1;
	v1 =	vadd.f32 v6, v5;
	v3 =	vmul.f32 v10, v13  }
0x261: {  	(xrf2) =	vadd.scan.msk.f32 $0xffff, v2  }
0x262: {  	v1 =	vadd.f32 v3, v1;
	_ =	sdelay $0x1  }
0x263: {  	(xrf2) =	vadd.scan.msk.f32 $0xffff, v1;
	_ =	sdelay $0x3  }
0x264: {  	v1, _, _ =	vpop (xrf2)  }
0x265: {  	v2, _, _ =	vpop (xrf2)  }
0x266: {  	v3, _, _ =	vpop (xrf2)  }
0x267: {  	v4, _, _ =	vpop (xrf2)  }
0x268: {  	v4 =	vbroadcast v4, $0xF  }
0x269: {  	s7 =	simm.s32 $0xC0;
	v3 =	vbroadcast v3, $0xF  }
0x26a: {  	v5 =	vor.u32 s7, v0;
	v2 =	vbroadcast v2, $0xF;
	v4 =	vnsel vm0, $0x0, v4;
	v6, _, _ =	vpop (xrf2)  }
0x26b: {  	v3 =	vsel vm1, v4, v3;
	v4 =	vbroadcast v6, $0xF  }
0x26c: {  	v1 =	vbroadcast v1, $0xF;
	v2 =	vsel vm2, v3, v2  }
0x26d: {  	v2 =	vsel vm3, v2, v4  }
0x26e: {  	v1 =	vsel vm4, v2, v1  }
0x26f: {  	s9 =	simm.s32 $0x80;
	[tilespmem:v5+s22+$0x0] =	vst.idx.msk $0x1f, v1  }
0x270: {  	v7 =	vld [tilespmem:s9+$0x16C30]  }
0x271: {  	v10 =	vld [tilespmem:s9+$0x16C20]  }
0x272: {  	v6 =	vld [tilespmem:s9+$0x12C30]  }
0x273: {  	v9 =	vld [tilespmem:s9+$0x16C00]  }
0x274: {  	v12 =	vld [tilespmem:s9+$0x16C10]  }
0x275: {  	v5 =	vld [tilespmem:s9+$0x10C30]  }
0x276: {  	v8 =	vld [tilespmem:s9+$0x12C20]  }
0x277: {  	v3 =	vld [tilespmem:s9+$0x2C00]  }
0x278: {  	v4 =	vld [tilespmem:s9+$0x2C10]  }
0x279: {  	v15 =	vld [tilespmem:s9+$0x12C00]  }
0x27a: {  	v2 =	vld [tilespmem:s9+$0x2C20]  }
0x27b: {  	v16 =	vld [tilespmem:s9+$0x12C10]  }
0x27c: {  	v1 =	vld [tilespmem:s9+$0x2C30]  }
0x27d: {  	v11 =	vld [tilespmem:s9+$0x10C00];
	v13 =	vmul.f32 v9, v3;
	v17 =	vmul.f32 v12, v4  }
0x27e: {  	v12 =	vld [tilespmem:s9+$0x10C10]  }
0x27f: {  	v9 =	vld [tilespmem:s9+$0x10C20];
	v14 =	vmul.f32 v10, v2;
	v13 =	vadd.f32 v17, v13  }
0x280: {  	s8 =	simm.s32 $0x400;
	v10 =	vld [tilespmem:s9+$0xEC00];
	v15 =	vmul.f32 v15, v3;
	v16 =	vmul.f32 v16, v4  }
.LBB2_8:
0x281: {  	p0 =	sne.s32 s8, $0x7E00;
	v17 =	vld [tilespmem:s9+$0xEC10];
	v13 =	vadd.f32 v14, v13;
	v7 =	vmul.f32 v7, v1  }
0x282: {  	v8 =	vmul.f32 v8, v2;
	v14 =	vadd.f32 v16, v15;
	v15 =	vld [tilespmem:s9+$0x14C00]  }
0x283: {  	v11 =	vmul.f32 v11, v3;
	v16 =	vld [tilespmem:s9+$0xEC20];
	v12 =	vmul.f32 v12, v4;
	v7 =	vadd.f32 v7, v13  }
0x284: {  	v6 =	vmul.f32 v6, v1;
	v8 =	vadd.f32 v8, v14;
	v13 =	vld [tilespmem:s9+$0x14C10]  }
0x285: {  	v9 =	vmul.f32 v9, v2;
	v14 =	vld [tilespmem:s9+$0xEC30];
	v11 =	vadd.f32 v12, v11;
	(xrf2) =	vadd.scan.msk.f32 $0xffff, v7  }
0x286: {  	v7 =	vmul.f32 v10, v3;
	v10 =	vmul.f32 v17, v4;
	v6 =	vadd.f32 v6, v8;
	v8 =	vld [tilespmem:s9+$0x14C20]  }
0x287: {  	v5 =	vmul.f32 v5, v1;
	v9 =	vadd.f32 v9, v11  }
0x288: {  	v7 =	vadd.f32 v10, v7;
	v10 =	vmul.f32 v16, v2;
	v11 =	vld [tilespmem:s9+$0x14C30];
	(xrf2) =	vadd.scan.msk.f32 $0xffff, v6  }
0x289: {  	v3 =	vmul.f32 v15, v3;
	v5 =	vadd.f32 v5, v9;
	v4 =	vmul.f32 v13, v4  }
0x28a: {  	v6 =	vadd.f32 v10, v7;
	v7 =	vmul.f32 v14, v1  }
0x28b: {  	v3 =	vadd.f32 v4, v3;
	v2 =	vmul.f32 v8, v2;
	(xrf2) =	vadd.scan.msk.f32 $0xffff, v5  }
0x28c: {  	v4 =	vadd.f32 v7, v6  }
0x28d: {  	v3 =	vadd.f32 v2, v3;
	v1 =	vmul.f32 v11, v1  }
0x28e: {  	(xrf2) =	vadd.scan.msk.f32 $0xffff, v4  }
0x28f: {  	v3 =	vadd.f32 v1, v3;
	v2, _, _ =	vpop (xrf2);
	_ =	sdelay $0x1  }
0x290: {  	(xrf2) =	vadd.scan.msk.f32 $0xffff, v3  }
0x291: {  	v1, _, _ =	vpop (xrf2);
	_ =	sdelay $0x2  }
0x292: {  	v3, _, _ =	vpop (xrf2);
	_ =	sdelay $0x2  }
0x293: {  	v4, _, _ =	vpop (xrf2)  }
0x294: {  	v4 =	vbroadcast v4, $0xF  }
0x295: {  	s7 =	sadd.s32 $0x1, s7;
	v3 =	vbroadcast v3, $0xF  }
0x296: {  	v5 =	vor.u32 s7, v0;
	v1 =	vbroadcast v1, $0xF;
	v4 =	vnsel vm0, $0x0, v4;
	v6, _, _ =	vpop (xrf2)  }
0x297: {  	v3 =	vsel vm1, v4, v3;
	v4 =	vbroadcast v6, $0xF  }
0x298: {  	v2 =	vbroadcast v2, $0xF;
	v1 =	vsel vm2, v3, v1  }
0x299: {  	v1 =	vsel vm3, v1, v4  }
0x29a: {  	v1 =	vsel vm4, v1, v2  }
0x29b: {  	s9 =	sshra.s32 s8, $0x2;
	[tilespmem:v5+s22+$0x0] =	vst.idx.msk $0x1f, v1  }
0x29c: {  	v7 =	vld [tilespmem:s9+$0x16C30]  }
0x29d: {  	v10 =	vld [tilespmem:s9+$0x16C20]  }
0x29e: {  	v6 =	vld [tilespmem:s9+$0x12C30]  }
0x29f: {  	v9 =	vld [tilespmem:s9+$0x16C00]  }
0x2a0: {  	v12 =	vld [tilespmem:s9+$0x16C10]  }
0x2a1: {  	v5 =	vld [tilespmem:s9+$0x10C30]  }
0x2a2: {  	v8 =	vld [tilespmem:s9+$0x12C20]  }
0x2a3: {  	v3 =	vld [tilespmem:s9+$0x2C00]  }
0x2a4: {  	v4 =	vld [tilespmem:s9+$0x2C10]  }
0x2a5: {  	v15 =	vld [tilespmem:s9+$0x12C00]  }
0x2a6: {  	v2 =	vld [tilespmem:s9+$0x2C20]  }
0x2a7: {  	v16 =	vld [tilespmem:s9+$0x12C10]  }
.Ltmp3:
0x2a8: {  	v1 =	vld [tilespmem:s9+$0x2C30];
	(pc) =	sbr.rel @p0 .LBB2_8-.Ltmp3, $4  }
0x2a9: {  	v13 =	vmul.f32 v9, v3;
	v11 =	vld [tilespmem:s9+$0x10C00];
	v14 =	vmul.f32 v12, v4  }
0x2aa: {  	v12 =	vld [tilespmem:s9+$0x10C10]  }
0x2ab: {  	v9 =	vld [tilespmem:s9+$0x10C20];
	v13 =	vadd.f32 v14, v13;
	v14 =	vmul.f32 v10, v2  }
0x2ac: {  	s8 =	sadd.s32 $0x200, s8;
	v15 =	vmul.f32 v15, v3;
	v10 =	vld [tilespmem:s9+$0xEC00];
	v16 =	vmul.f32 v16, v4  }
0x2ad: {  	v17 =	vld [tilespmem:s9+$0xEC10]  }
0x2ae: {  	v18 =	vld [tilespmem:s9+$0x14C00]  }
0x2af: {  	v13 =	vadd.f32 v14, v13;
	v7 =	vmul.f32 v7, v1;
	v14 =	vld [tilespmem:s9+$0xEC20]  }
0x2b0: {  	v8 =	vmul.f32 v8, v2;
	v15 =	vadd.f32 v16, v15;
	v16 =	vld [tilespmem:s9+$0x14C10]  }
0x2b1: {  	v11 =	vmul.f32 v11, v3;
	v12 =	vmul.f32 v12, v4;
	v7 =	vadd.f32 v7, v13;
	v13 =	vld [tilespmem:s9+$0xEC30]  }
0x2b2: {  	v8 =	vadd.f32 v8, v15;
	v10 =	vmul.f32 v10, v3;
	v15 =	vmul.f32 v17, v4;
	v17 =	vld [tilespmem:s9+$0x14C20]  }
0x2b3: {  	v6 =	vmul.f32 v6, v1;
	v9 =	vmul.f32 v9, v2;
	v11 =	vadd.f32 v12, v11  }
0x2b4: {  	v5 =	vmul.f32 v5, v1;
	v12 =	vmul.f32 v14, v2;
	v14 =	vld [tilespmem:s9+$0x14C30];
	v10 =	vadd.f32 v15, v10  }
0x2b5: {  	v3 =	vmul.f32 v18, v3;
	v9 =	vadd.f32 v9, v11;
	v4 =	vmul.f32 v16, v4  }
0x2b6: {  	v6 =	vadd.f32 v6, v8;
	v8 =	vadd.f32 v12, v10;
	v10 =	vmul.f32 v13, v1  }
0x2b7: {  	(xrf2) =	vadd.scan.msk.f32 $0xffff, v7;
	v5 =	vadd.f32 v5, v9;
	v3 =	vadd.f32 v4, v3;
	v2 =	vmul.f32 v17, v2  }
0x2b8: {  	(xrf2) =	vadd.scan.msk.f32 $0xffff, v6;
	v4 =	vadd.f32 v10, v8  }
0x2b9: {  	(xrf2) =	vadd.scan.msk.f32 $0xffff, v5;
	v1 =	vmul.f32 v14, v1;
	v2 =	vadd.f32 v2, v3  }
0x2ba: {  	(xrf2) =	vadd.scan.msk.f32 $0xffff, v4  }
0x2bb: {  	v1 =	vadd.f32 v1, v2;
	_ =	sdelay $0x1  }
0x2bc: {  	(xrf2) =	vadd.scan.msk.f32 $0xffff, v1;
	_ =	sdelay $0x3  }
0x2bd: {  	v1, _, _ =	vpop (xrf2)  }
0x2be: {  	v2, _, _ =	vpop (xrf2)  }
0x2bf: {  	v3, _, _ =	vpop (xrf2)  }
0x2c0: {  	v4, _, _ =	vpop (xrf2)  }
0x2c1: {  	v4 =	vbroadcast v4, $0xF  }
0x2c2: {  	s7 =	sadd.s32 $0x1, s7;
	v3 =	vbroadcast v3, $0xF  }
0x2c3: {  	v5 =	vor.u32 s7, v0;
	v2 =	vbroadcast v2, $0xF;
	v4 =	vnsel vm0, $0x0, v4;
	v6, _, _ =	vpop (xrf2)  }
0x2c4: {  	v3 =	vsel vm1, v4, v3;
	v4 =	vbroadcast v6, $0xF  }
0x2c5: {  	v1 =	vbroadcast v1, $0xF;
	v2 =	vsel vm2, v3, v2  }
0x2c6: {  	v2 =	vsel vm3, v2, v4  }
0x2c7: {  	v1 =	vsel vm4, v2, v1  }
0x2c8: {  	s9 =	simm.s32 $0x140;
	[tilespmem:v5+s22+$0x0] =	vst.idx.msk $0x1f, v1  }
0x2c9: {  	[tilespmem:s31], [sflag:$0x2] =	stream.indirect.gather [hbm4b:s3+s23], $0x80, s9, s23, $0xb8;
	[tilespmem:$0x19600] =	vst v63  }
0x2ca: {  	s8 =	simm.s32 $0x340  }
0x2cb: {  	[tilespmem:s2], [sflag:$0x2] =	stream.indirect.gather [hbm4b:s4+s23], $0x80, s8, s23, $0xb8;
	[tilespmem:$0x19600] =	vst v63  }
0x2cc: {  	s9 =	simm.s32 $0x540  }
0x2cd: {  	[tilespmem:s0], [sflag:$0x2] =	stream.indirect.gather [hbm4b:s4+s23], $0x80, s9, s23, $0xb8;
	[tilespmem:$0x19600] =	vst v63  }
0x2ce: {  	s8 =	simm.s32 $0x740  }
0x2cf: {  	[tilespmem:s18], [sflag:$0x2] =	stream.indirect.gather [hbm4b:s4+s23], $0x80, s8, s23, $0xb8;
	[tilespmem:$0x19600] =	vst v63  }
0x2d0: {  	s9 =	simm.s32 $0x940  }
0x2d1: {  	[tilespmem:s19], [sflag:$0x2] =	stream.indirect.gather [hbm4b:s4+s23], $0x80, s9, s23, $0xb8;
	[tilespmem:$0x19600] =	vst v63  }
0x2d2: {  	s8 =	simm.s32 $0xB40  }
0x2d3: {  	[tilespmem:s20], [sflag:$0x2] =	stream.indirect.gather [hbm4b:s4+s23], $0x80, s8, s23, $0xb8;
	[tilespmem:$0x19600] =	vst v63  }
0x2d4: {  	_ =	swait.ge [sflag:s21], $0x2000  }
0x2d5: {  	[sflag:s21] =	ssyncset.done $0x0  }
0x2d6: {  	[sflag:s21] =	ssyncadd.s32 $0xFFFFE000  }
0x2d7: {  	_ =	swait.ge [sflag:s21], $0x2000  }
0x2d8: {  	[sflag:s21] =	ssyncset.done $0x0  }
0x2d9: {  	[sflag:s21] =	ssyncadd.s32 $0xFFFFE000  }
0x2da: {  	_ =	swait.ge [sflag:s21], $0x2000  }
0x2db: {  	[sflag:s21] =	ssyncset.done $0x0  }
0x2dc: {  	[sflag:s21] =	ssyncadd.s32 $0xFFFFE000  }
0x2dd: {  	_ =	swait.ge [sflag:s21], $0x2000  }
0x2de: {  	[sflag:s21] =	ssyncset.done $0x0  }
0x2df: {  	[sflag:s21] =	ssyncadd.s32 $0xFFFFE000  }
0x2e0: {  	_ =	swait.ge [sflag:s21], $0x2000  }
0x2e1: {  	[sflag:s21] =	ssyncset.done $0x0  }
0x2e2: {  	[sflag:s21] =	ssyncadd.s32 $0xFFFFE000  }
0x2e3: {  	_ =	swait.ge [sflag:s21], $0x2000  }
0x2e4: {  	[sflag:s21] =	ssyncset.done $0x0  }
0x2e5: {  	s9 =	simm.s32 $0x0;
	[sflag:s21] =	ssyncadd.s32 $0xFFFFE000  }
0x2e6: {  	v1 =	vld [tilespmem:s9+$0xCC30]  }
0x2e7: {  	v2 =	vld [tilespmem:s9+$0xCC20]  }
0x2e8: {  	v3 =	vld [tilespmem:s9+$0x8C30]  }
0x2e9: {  	v4 =	vld [tilespmem:s9+$0xCC00]  }
0x2ea: {  	v5 =	vld [tilespmem:s9+$0xCC10]  }
0x2eb: {  	v6 =	vld [tilespmem:s9+$0x6C30]  }
0x2ec: {  	v7 =	vld [tilespmem:s9+$0x8C20]  }
0x2ed: {  	v8 =	vld [tilespmem:s9+$0xC00]  }
0x2ee: {  	v9 =	vld [tilespmem:s9+$0xC10]  }
0x2ef: {  	v10 =	vld [tilespmem:s9+$0x8C00]  }
0x2f0: {  	v11 =	vld [tilespmem:s9+$0xC20]  }
0x2f1: {  	v12 =	vld [tilespmem:s9+$0x8C10]  }
0x2f2: {  	v13 =	vld [tilespmem:s9+$0xC30]  }
0x2f3: {  	v14 =	vld [tilespmem:s9+$0x6C00]  }
0x2f4: {  	v15 =	vld [tilespmem:s9+$0x6C10]  }
0x2f5: {  	v16 =	vld [tilespmem:s9+$0x6C20];
	v4 =	vmul.f32 v4, v8;
	v5 =	vmul.f32 v5, v9  }
0x2f6: {  	v17 =	vld [tilespmem:s9+$0x4C00]  }
0x2f7: {  	v2 =	vmul.f32 v2, v11;
	v4 =	vadd.f32 v5, v4;
	v5 =	vld [tilespmem:s9+$0x4C10]  }
0x2f8: {  	v18 =	vld [tilespmem:s9+$0xAC00];
	v10 =	vmul.f32 v10, v8;
	v12 =	vmul.f32 v12, v9  }
0x2f9: {  	v1 =	vmul.f32 v1, v13;
	v2 =	vadd.f32 v2, v4;
	v4 =	vld [tilespmem:s9+$0x4C20]  }
0x2fa: {  	v7 =	vmul.f32 v7, v11;
	v10 =	vadd.f32 v12, v10;
	v12 =	vld [tilespmem:s9+$0xAC10]  }
0x2fb: {  	v14 =	vmul.f32 v14, v8;
	v15 =	vmul.f32 v15, v9;
	v1 =	vadd.f32 v1, v2;
	v2 =	vld [tilespmem:s9+$0x4C30]  }
0x2fc: {  	v7 =	vadd.f32 v7, v10;
	v10 =	vmul.f32 v17, v8;
	v17 =	vld [tilespmem:s9+$0xAC20];
	v5 =	vmul.f32 v5, v9  }
0x2fd: {  	v3 =	vmul.f32 v3, v13;
	v14 =	vadd.f32 v15, v14;
	v15 =	vmul.f32 v16, v11  }
0x2fe: {  	v6 =	vmul.f32 v6, v13;
	v5 =	vadd.f32 v5, v10;
	v4 =	vmul.f32 v4, v11;
	v10 =	vld [tilespmem:s9+$0xAC30]  }
0x2ff: {  	v14 =	vadd.f32 v15, v14;
	v8 =	vmul.f32 v18, v8;
	v9 =	vmul.f32 v12, v9  }
0x300: {  	v3 =	vadd.f32 v3, v7;
	v4 =	vadd.f32 v4, v5;
	v2 =	vmul.f32 v2, v13  }
0x301: {  	(xrf2) =	vadd.scan.msk.f32 $0xffff, v1;
	v1 =	vadd.f32 v6, v14;
	v6 =	vmul.f32 v17, v11;
	v5 =	vadd.f32 v9, v8  }
0x302: {  	(xrf2) =	vadd.scan.msk.f32 $0xffff, v3;
	v2 =	vadd.f32 v2, v4  }
0x303: {  	(xrf2) =	vadd.scan.msk.f32 $0xffff, v1;
	v1 =	vadd.f32 v6, v5;
	v3 =	vmul.f32 v10, v13  }
0x304: {  	(xrf2) =	vadd.scan.msk.f32 $0xffff, v2  }
0x305: {  	v1 =	vadd.f32 v3, v1;
	_ =	sdelay $0x1  }
0x306: {  	(xrf2) =	vadd.scan.msk.f32 $0xffff, v1;
	_ =	sdelay $0x3  }
0x307: {  	v1, _, _ =	vpop (xrf2)  }
0x308: {  	v2, _, _ =	vpop (xrf2)  }
0x309: {  	v3, _, _ =	vpop (xrf2)  }
0x30a: {  	v4, _, _ =	vpop (xrf2)  }
0x30b: {  	v4 =	vbroadcast v4, $0xF  }
0x30c: {  	s7 =	simm.s32 $0x100;
	v3 =	vbroadcast v3, $0xF  }
0x30d: {  	v5 =	vor.u32 s7, v0;
	v2 =	vbroadcast v2, $0xF;
	v4 =	vnsel vm0, $0x0, v4;
	v6, _, _ =	vpop (xrf2)  }
0x30e: {  	v3 =	vsel vm1, v4, v3;
	v4 =	vbroadcast v6, $0xF  }
0x30f: {  	v1 =	vbroadcast v1, $0xF;
	v2 =	vsel vm2, v3, v2  }
0x310: {  	v2 =	vsel vm3, v2, v4  }
0x311: {  	v1 =	vsel vm4, v2, v1  }
0x312: {  	s9 =	simm.s32 $0x80;
	[tilespmem:v5+s22+$0x0] =	vst.idx.msk $0x1f, v1  }
0x313: {  	v7 =	vld [tilespmem:s9+$0xCC30]  }
0x314: {  	v10 =	vld [tilespmem:s9+$0xCC20]  }
0x315: {  	v6 =	vld [tilespmem:s9+$0x8C30]  }
0x316: {  	v9 =	vld [tilespmem:s9+$0xCC00]  }
0x317: {  	v12 =	vld [tilespmem:s9+$0xCC10]  }
0x318: {  	v5 =	vld [tilespmem:s9+$0x6C30]  }
0x319: {  	v8 =	vld [tilespmem:s9+$0x8C20]  }
0x31a: {  	v3 =	vld [tilespmem:s9+$0xC00]  }
0x31b: {  	v4 =	vld [tilespmem:s9+$0xC10]  }
0x31c: {  	v15 =	vld [tilespmem:s9+$0x8C00]  }
0x31d: {  	v2 =	vld [tilespmem:s9+$0xC20]  }
0x31e: {  	v16 =	vld [tilespmem:s9+$0x8C10]  }
0x31f: {  	v1 =	vld [tilespmem:s9+$0xC30]  }
0x320: {  	v11 =	vld [tilespmem:s9+$0x6C00];
	v13 =	vmul.f32 v9, v3;
	v17 =	vmul.f32 v12, v4  }
0x321: {  	v12 =	vld [tilespmem:s9+$0x6C10]  }
0x322: {  	v9 =	vld [tilespmem:s9+$0x6C20];
	v14 =	vmul.f32 v10, v2;
	v13 =	vadd.f32 v17, v13  }
0x323: {  	s8 =	simm.s32 $0x400;
	v10 =	vld [tilespmem:s9+$0x4C00];
	v15 =	vmul.f32 v15, v3;
	v16 =	vmul.f32 v16, v4  }
.LBB2_10:
0x324: {  	p0 =	sne.s32 s8, $0x7E00;
	v17 =	vld [tilespmem:s9+$0x4C10];
	v13 =	vadd.f32 v14, v13;
	v7 =	vmul.f32 v7, v1  }
0x325: {  	v8 =	vmul.f32 v8, v2;
	v14 =	vadd.f32 v16, v15;
	v15 =	vld [tilespmem:s9+$0xAC00]  }
0x326: {  	v11 =	vmul.f32 v11, v3;
	v16 =	vld [tilespmem:s9+$0x4C20];
	v12 =	vmul.f32 v12, v4;
	v7 =	vadd.f32 v7, v13  }
0x327: {  	v6 =	vmul.f32 v6, v1;
	v8 =	vadd.f32 v8, v14;
	v13 =	vld [tilespmem:s9+$0xAC10]  }
0x328: {  	v9 =	vmul.f32 v9, v2;
	v14 =	vld [tilespmem:s9+$0x4C30];
	v11 =	vadd.f32 v12, v11;
	(xrf2) =	vadd.scan.msk.f32 $0xffff, v7  }
0x329: {  	v7 =	vmul.f32 v10, v3;
	v10 =	vmul.f32 v17, v4;
	v6 =	vadd.f32 v6, v8;
	v8 =	vld [tilespmem:s9+$0xAC20]  }
0x32a: {  	v5 =	vmul.f32 v5, v1;
	v9 =	vadd.f32 v9, v11  }
0x32b: {  	v7 =	vadd.f32 v10, v7;
	v10 =	vmul.f32 v16, v2;
	v11 =	vld [tilespmem:s9+$0xAC30];
	(xrf2) =	vadd.scan.msk.f32 $0xffff, v6  }
0x32c: {  	v3 =	vmul.f32 v15, v3;
	v5 =	vadd.f32 v5, v9;
	v4 =	vmul.f32 v13, v4  }
0x32d: {  	v6 =	vadd.f32 v10, v7;
	v7 =	vmul.f32 v14, v1  }
0x32e: {  	v3 =	vadd.f32 v4, v3;
	v2 =	vmul.f32 v8, v2;
	(xrf2) =	vadd.scan.msk.f32 $0xffff, v5  }
0x32f: {  	v4 =	vadd.f32 v7, v6  }
0x330: {  	v3 =	vadd.f32 v2, v3;
	v1 =	vmul.f32 v11, v1  }
0x331: {  	(xrf2) =	vadd.scan.msk.f32 $0xffff, v4  }
0x332: {  	v3 =	vadd.f32 v1, v3;
	v2, _, _ =	vpop (xrf2);
	_ =	sdelay $0x1  }
0x333: {  	(xrf2) =	vadd.scan.msk.f32 $0xffff, v3  }
0x334: {  	v1, _, _ =	vpop (xrf2);
	_ =	sdelay $0x2  }
0x335: {  	v3, _, _ =	vpop (xrf2);
	_ =	sdelay $0x2  }
0x336: {  	v4, _, _ =	vpop (xrf2)  }
0x337: {  	v4 =	vbroadcast v4, $0xF  }
0x338: {  	s7 =	sadd.s32 $0x1, s7;
	v3 =	vbroadcast v3, $0xF  }
0x339: {  	v5 =	vor.u32 s7, v0;
	v1 =	vbroadcast v1, $0xF;
	v4 =	vnsel vm0, $0x0, v4;
	v6, _, _ =	vpop (xrf2)  }
0x33a: {  	v3 =	vsel vm1, v4, v3;
	v4 =	vbroadcast v6, $0xF  }
0x33b: {  	v2 =	vbroadcast v2, $0xF;
	v1 =	vsel vm2, v3, v1  }
0x33c: {  	v1 =	vsel vm3, v1, v4  }
0x33d: {  	v1 =	vsel vm4, v1, v2  }
0x33e: {  	s9 =	sshra.s32 s8, $0x2;
	[tilespmem:v5+s22+$0x0] =	vst.idx.msk $0x1f, v1  }
0x33f: {  	v7 =	vld [tilespmem:s9+$0xCC30]  }
0x340: {  	v10 =	vld [tilespmem:s9+$0xCC20]  }
0x341: {  	v6 =	vld [tilespmem:s9+$0x8C30]  }
0x342: {  	v9 =	vld [tilespmem:s9+$0xCC00]  }
0x343: {  	v12 =	vld [tilespmem:s9+$0xCC10]  }
0x344: {  	v5 =	vld [tilespmem:s9+$0x6C30]  }
0x345: {  	v8 =	vld [tilespmem:s9+$0x8C20]  }
0x346: {  	v3 =	vld [tilespmem:s9+$0xC00]  }
0x347: {  	v4 =	vld [tilespmem:s9+$0xC10]  }
0x348: {  	v15 =	vld [tilespmem:s9+$0x8C00]  }
0x349: {  	v2 =	vld [tilespmem:s9+$0xC20]  }
0x34a: {  	v16 =	vld [tilespmem:s9+$0x8C10]  }
.Ltmp4:
0x34b: {  	v1 =	vld [tilespmem:s9+$0xC30];
	(pc) =	sbr.rel @p0 .LBB2_10-.Ltmp4, $4  }
0x34c: {  	v13 =	vmul.f32 v9, v3;
	v11 =	vld [tilespmem:s9+$0x6C00];
	v14 =	vmul.f32 v12, v4  }
0x34d: {  	v12 =	vld [tilespmem:s9+$0x6C10]  }
0x34e: {  	v9 =	vld [tilespmem:s9+$0x6C20];
	v13 =	vadd.f32 v14, v13;
	v14 =	vmul.f32 v10, v2  }
0x34f: {  	s8 =	sadd.s32 $0x200, s8;
	v15 =	vmul.f32 v15, v3;
	v10 =	vld [tilespmem:s9+$0x4C00];
	v16 =	vmul.f32 v16, v4  }
0x350: {  	v17 =	vld [tilespmem:s9+$0x4C10]  }
0x351: {  	v18 =	vld [tilespmem:s9+$0xAC00]  }
0x352: {  	v13 =	vadd.f32 v14, v13;
	v7 =	vmul.f32 v7, v1;
	v14 =	vld [tilespmem:s9+$0x4C20]  }
0x353: {  	v8 =	vmul.f32 v8, v2;
	v15 =	vadd.f32 v16, v15;
	v16 =	vld [tilespmem:s9+$0xAC10]  }
0x354: {  	v11 =	vmul.f32 v11, v3;
	v12 =	vmul.f32 v12, v4;
	v7 =	vadd.f32 v7, v13;
	v13 =	vld [tilespmem:s9+$0x4C30]  }
0x355: {  	v8 =	vadd.f32 v8, v15;
	v10 =	vmul.f32 v10, v3;
	v15 =	vmul.f32 v17, v4;
	v17 =	vld [tilespmem:s9+$0xAC20]  }
0x356: {  	v6 =	vmul.f32 v6, v1;
	v9 =	vmul.f32 v9, v2;
	v11 =	vadd.f32 v12, v11  }
0x357: {  	v5 =	vmul.f32 v5, v1;
	v12 =	vmul.f32 v14, v2;
	v14 =	vld [tilespmem:s9+$0xAC30];
	v10 =	vadd.f32 v15, v10  }
0x358: {  	v3 =	vmul.f32 v18, v3;
	v9 =	vadd.f32 v9, v11;
	v4 =	vmul.f32 v16, v4  }
0x359: {  	v6 =	vadd.f32 v6, v8;
	v8 =	vadd.f32 v12, v10;
	v10 =	vmul.f32 v13, v1  }
0x35a: {  	(xrf2) =	vadd.scan.msk.f32 $0xffff, v7;
	v5 =	vadd.f32 v5, v9;
	v3 =	vadd.f32 v4, v3;
	v2 =	vmul.f32 v17, v2  }
0x35b: {  	(xrf2) =	vadd.scan.msk.f32 $0xffff, v6;
	v4 =	vadd.f32 v10, v8  }
0x35c: {  	(xrf2) =	vadd.scan.msk.f32 $0xffff, v5;
	v1 =	vmul.f32 v14, v1;
	v2 =	vadd.f32 v2, v3  }
0x35d: {  	(xrf2) =	vadd.scan.msk.f32 $0xffff, v4  }
0x35e: {  	v1 =	vadd.f32 v1, v2;
	_ =	sdelay $0x1  }
0x35f: {  	(xrf2) =	vadd.scan.msk.f32 $0xffff, v1;
	_ =	sdelay $0x3  }
0x360: {  	v1, _, _ =	vpop (xrf2)  }
0x361: {  	v2, _, _ =	vpop (xrf2)  }
0x362: {  	v3, _, _ =	vpop (xrf2)  }
0x363: {  	v4, _, _ =	vpop (xrf2)  }
0x364: {  	v4 =	vbroadcast v4, $0xF  }
0x365: {  	s7 =	sadd.s32 $0x1, s7;
	v3 =	vbroadcast v3, $0xF  }
0x366: {  	v5 =	vor.u32 s7, v0;
	v2 =	vbroadcast v2, $0xF;
	v4 =	vnsel vm0, $0x0, v4;
	v6, _, _ =	vpop (xrf2)  }
0x367: {  	v3 =	vsel vm1, v4, v3;
	v4 =	vbroadcast v6, $0xF  }
0x368: {  	v1 =	vbroadcast v1, $0xF;
	v2 =	vsel vm2, v3, v2  }
0x369: {  	v2 =	vsel vm3, v2, v4  }
0x36a: {  	v1 =	vsel vm4, v2, v1  }
0x36b: {  	s9 =	simm.s32 $0x180;
	[tilespmem:v5+s22+$0x0] =	vst.idx.msk $0x1f, v1  }
0x36c: {  	[tilespmem:s24], [sflag:$0x1] =	stream.indirect.gather [hbm4b:s3+s23], $0x80, s9, s23, $0xb8;
	[tilespmem:$0x19600] =	vst v63  }
0x36d: {  	s8 =	simm.s32 $0x380  }
0x36e: {  	[tilespmem:s25], [sflag:$0x1] =	stream.indirect.gather [hbm4b:s4+s23], $0x80, s8, s23, $0xb8;
	[tilespmem:$0x19600] =	vst v63  }
0x36f: {  	s9 =	simm.s32 $0x580  }
0x370: {  	[tilespmem:s26], [sflag:$0x1] =	stream.indirect.gather [hbm4b:s4+s23], $0x80, s9, s23, $0xb8;
	[tilespmem:$0x19600] =	vst v63  }
0x371: {  	s8 =	simm.s32 $0x780  }
0x372: {  	[tilespmem:s28], [sflag:$0x1] =	stream.indirect.gather [hbm4b:s4+s23], $0x80, s8, s23, $0xb8;
	[tilespmem:$0x19600] =	vst v63  }
0x373: {  	s9 =	simm.s32 $0x980  }
0x374: {  	[tilespmem:s29], [sflag:$0x1] =	stream.indirect.gather [hbm4b:s4+s23], $0x80, s9, s23, $0xb8;
	[tilespmem:$0x19600] =	vst v63  }
0x375: {  	s8 =	simm.s32 $0xB80  }
0x376: {  	[tilespmem:s30], [sflag:$0x1] =	stream.indirect.gather [hbm4b:s4+s23], $0x80, s8, s23, $0xb8;
	[tilespmem:$0x19600] =	vst v63  }
0x377: {  	_ =	swait.ge [sflag:s5], $0x2000  }
0x378: {  	[sflag:s5] =	ssyncset.done $0x0  }
0x379: {  	[sflag:s5] =	ssyncadd.s32 $0xFFFFE000  }
0x37a: {  	_ =	swait.ge [sflag:s5], $0x2000  }
0x37b: {  	[sflag:s5] =	ssyncset.done $0x0  }
0x37c: {  	[sflag:s5] =	ssyncadd.s32 $0xFFFFE000  }
0x37d: {  	_ =	swait.ge [sflag:s5], $0x2000  }
0x37e: {  	[sflag:s5] =	ssyncset.done $0x0  }
0x37f: {  	[sflag:s5] =	ssyncadd.s32 $0xFFFFE000  }
0x380: {  	_ =	swait.ge [sflag:s5], $0x2000  }
0x381: {  	[sflag:s5] =	ssyncset.done $0x0  }
0x382: {  	[sflag:s5] =	ssyncadd.s32 $0xFFFFE000  }
0x383: {  	_ =	swait.ge [sflag:s5], $0x2000  }
0x384: {  	[sflag:s5] =	ssyncset.done $0x0  }
0x385: {  	[sflag:s5] =	ssyncadd.s32 $0xFFFFE000  }
0x386: {  	_ =	swait.ge [sflag:s5], $0x2000  }
0x387: {  	[sflag:s5] =	ssyncset.done $0x0  }
0x388: {  	s9 =	simm.s32 $0x0;
	[sflag:s5] =	ssyncadd.s32 $0xFFFFE000  }
0x389: {  	v1 =	vld [tilespmem:s9+$0x16C30]  }
0x38a: {  	v2 =	vld [tilespmem:s9+$0x16C20]  }
0x38b: {  	v3 =	vld [tilespmem:s9+$0x12C30]  }
0x38c: {  	v4 =	vld [tilespmem:s9+$0x16C00]  }
0x38d: {  	v5 =	vld [tilespmem:s9+$0x16C10]  }
0x38e: {  	v6 =	vld [tilespmem:s9+$0x10C30]  }
0x38f: {  	v7 =	vld [tilespmem:s9+$0x12C20]  }
0x390: {  	v8 =	vld [tilespmem:s9+$0x2C00]  }
0x391: {  	v9 =	vld [tilespmem:s9+$0x2C10]  }
0x392: {  	v10 =	vld [tilespmem:s9+$0x12C00]  }
0x393: {  	v11 =	vld [tilespmem:s9+$0x2C20]  }
0x394: {  	v12 =	vld [tilespmem:s9+$0x12C10]  }
0x395: {  	v13 =	vld [tilespmem:s9+$0x2C30]  }
0x396: {  	v14 =	vld [tilespmem:s9+$0x10C00]  }
0x397: {  	v15 =	vld [tilespmem:s9+$0x10C10]  }
0x398: {  	v16 =	vld [tilespmem:s9+$0x10C20];
	v4 =	vmul.f32 v4, v8;
	v5 =	vmul.f32 v5, v9  }
0x399: {  	v17 =	vld [tilespmem:s9+$0xEC00]  }
0x39a: {  	v2 =	vmul.f32 v2, v11;
	v4 =	vadd.f32 v5, v4;
	v5 =	vld [tilespmem:s9+$0xEC10]  }
0x39b: {  	v18 =	vld [tilespmem:s9+$0x14C00];
	v10 =	vmul.f32 v10, v8;
	v12 =	vmul.f32 v12, v9  }
0x39c: {  	v1 =	vmul.f32 v1, v13;
	v2 =	vadd.f32 v2, v4;
	v4 =	vld [tilespmem:s9+$0xEC20]  }
0x39d: {  	v7 =	vmul.f32 v7, v11;
	v10 =	vadd.f32 v12, v10;
	v12 =	vld [tilespmem:s9+$0x14C10]  }
0x39e: {  	v14 =	vmul.f32 v14, v8;
	v15 =	vmul.f32 v15, v9;
	v1 =	vadd.f32 v1, v2;
	v2 =	vld [tilespmem:s9+$0xEC30]  }
0x39f: {  	v7 =	vadd.f32 v7, v10;
	v10 =	vmul.f32 v17, v8;
	v17 =	vld [tilespmem:s9+$0x14C20];
	v5 =	vmul.f32 v5, v9  }
0x3a0: {  	v3 =	vmul.f32 v3, v13;
	v14 =	vadd.f32 v15, v14;
	v15 =	vmul.f32 v16, v11  }
0x3a1: {  	v6 =	vmul.f32 v6, v13;
	v5 =	vadd.f32 v5, v10;
	v4 =	vmul.f32 v4, v11;
	v10 =	vld [tilespmem:s9+$0x14C30]  }
0x3a2: {  	v14 =	vadd.f32 v15, v14;
	v8 =	vmul.f32 v18, v8;
	v9 =	vmul.f32 v12, v9  }
0x3a3: {  	v3 =	vadd.f32 v3, v7;
	v4 =	vadd.f32 v4, v5;
	v2 =	vmul.f32 v2, v13  }
0x3a4: {  	(xrf2) =	vadd.scan.msk.f32 $0xffff, v1;
	v1 =	vadd.f32 v6, v14;
	v6 =	vmul.f32 v17, v11;
	v5 =	vadd.f32 v9, v8  }
0x3a5: {  	(xrf2) =	vadd.scan.msk.f32 $0xffff, v3;
	v2 =	vadd.f32 v2, v4  }
0x3a6: {  	(xrf2) =	vadd.scan.msk.f32 $0xffff, v1;
	v1 =	vadd.f32 v6, v5;
	v3 =	vmul.f32 v10, v13  }
0x3a7: {  	(xrf2) =	vadd.scan.msk.f32 $0xffff, v2  }
0x3a8: {  	v1 =	vadd.f32 v3, v1;
	_ =	sdelay $0x1  }
0x3a9: {  	(xrf2) =	vadd.scan.msk.f32 $0xffff, v1;
	_ =	sdelay $0x3  }
0x3aa: {  	v1, _, _ =	vpop (xrf2)  }
0x3ab: {  	v2, _, _ =	vpop (xrf2)  }
0x3ac: {  	v3, _, _ =	vpop (xrf2)  }
0x3ad: {  	v4, _, _ =	vpop (xrf2)  }
0x3ae: {  	v4 =	vbroadcast v4, $0xF  }
0x3af: {  	s7 =	simm.s32 $0x140;
	v3 =	vbroadcast v3, $0xF  }
0x3b0: {  	v5 =	vor.u32 s7, v0;
	v2 =	vbroadcast v2, $0xF;
	v4 =	vnsel vm0, $0x0, v4;
	v6, _, _ =	vpop (xrf2)  }
0x3b1: {  	v3 =	vsel vm1, v4, v3;
	v4 =	vbroadcast v6, $0xF  }
0x3b2: {  	v1 =	vbroadcast v1, $0xF;
	v2 =	vsel vm2, v3, v2  }
0x3b3: {  	v2 =	vsel vm3, v2, v4  }
0x3b4: {  	v1 =	vsel vm4, v2, v1  }
0x3b5: {  	s9 =	simm.s32 $0x80;
	[tilespmem:v5+s22+$0x0] =	vst.idx.msk $0x1f, v1  }
0x3b6: {  	v7 =	vld [tilespmem:s9+$0x16C30]  }
0x3b7: {  	v10 =	vld [tilespmem:s9+$0x16C20]  }
0x3b8: {  	v6 =	vld [tilespmem:s9+$0x12C30]  }
0x3b9: {  	v9 =	vld [tilespmem:s9+$0x16C00]  }
0x3ba: {  	v12 =	vld [tilespmem:s9+$0x16C10]  }
0x3bb: {  	v5 =	vld [tilespmem:s9+$0x10C30]  }
0x3bc: {  	v8 =	vld [tilespmem:s9+$0x12C20]  }
0x3bd: {  	v3 =	vld [tilespmem:s9+$0x2C00]  }
0x3be: {  	v4 =	vld [tilespmem:s9+$0x2C10]  }
0x3bf: {  	v15 =	vld [tilespmem:s9+$0x12C00]  }
0x3c0: {  	v2 =	vld [tilespmem:s9+$0x2C20]  }
0x3c1: {  	v16 =	vld [tilespmem:s9+$0x12C10]  }
0x3c2: {  	v1 =	vld [tilespmem:s9+$0x2C30]  }
0x3c3: {  	v11 =	vld [tilespmem:s9+$0x10C00];
	v13 =	vmul.f32 v9, v3;
	v17 =	vmul.f32 v12, v4  }
0x3c4: {  	v12 =	vld [tilespmem:s9+$0x10C10]  }
0x3c5: {  	v9 =	vld [tilespmem:s9+$0x10C20];
	v14 =	vmul.f32 v10, v2;
	v13 =	vadd.f32 v17, v13  }
0x3c6: {  	s8 =	simm.s32 $0x400;
	v10 =	vld [tilespmem:s9+$0xEC00];
	v15 =	vmul.f32 v15, v3;
	v16 =	vmul.f32 v16, v4  }
.LBB2_12:
0x3c7: {  	p0 =	sne.s32 s8, $0x7E00;
	v17 =	vld [tilespmem:s9+$0xEC10];
	v13 =	vadd.f32 v14, v13;
	v7 =	vmul.f32 v7, v1  }
0x3c8: {  	v8 =	vmul.f32 v8, v2;
	v14 =	vadd.f32 v16, v15;
	v15 =	vld [tilespmem:s9+$0x14C00]  }
0x3c9: {  	v11 =	vmul.f32 v11, v3;
	v16 =	vld [tilespmem:s9+$0xEC20];
	v12 =	vmul.f32 v12, v4;
	v7 =	vadd.f32 v7, v13  }
0x3ca: {  	v6 =	vmul.f32 v6, v1;
	v8 =	vadd.f32 v8, v14;
	v13 =	vld [tilespmem:s9+$0x14C10]  }
0x3cb: {  	v9 =	vmul.f32 v9, v2;
	v14 =	vld [tilespmem:s9+$0xEC30];
	v11 =	vadd.f32 v12, v11;
	(xrf2) =	vadd.scan.msk.f32 $0xffff, v7  }
0x3cc: {  	v7 =	vmul.f32 v10, v3;
	v10 =	vmul.f32 v17, v4;
	v6 =	vadd.f32 v6, v8;
	v8 =	vld [tilespmem:s9+$0x14C20]  }
0x3cd: {  	v5 =	vmul.f32 v5, v1;
	v9 =	vadd.f32 v9, v11  }
0x3ce: {  	v7 =	vadd.f32 v10, v7;
	v10 =	vmul.f32 v16, v2;
	v11 =	vld [tilespmem:s9+$0x14C30];
	(xrf2) =	vadd.scan.msk.f32 $0xffff, v6  }
0x3cf: {  	v3 =	vmul.f32 v15, v3;
	v5 =	vadd.f32 v5, v9;
	v4 =	vmul.f32 v13, v4  }
0x3d0: {  	v6 =	vadd.f32 v10, v7;
	v7 =	vmul.f32 v14, v1  }
0x3d1: {  	v3 =	vadd.f32 v4, v3;
	v2 =	vmul.f32 v8, v2;
	(xrf2) =	vadd.scan.msk.f32 $0xffff, v5  }
0x3d2: {  	v4 =	vadd.f32 v7, v6  }
0x3d3: {  	v3 =	vadd.f32 v2, v3;
	v1 =	vmul.f32 v11, v1  }
0x3d4: {  	(xrf2) =	vadd.scan.msk.f32 $0xffff, v4  }
0x3d5: {  	v3 =	vadd.f32 v1, v3;
	v2, _, _ =	vpop (xrf2);
	_ =	sdelay $0x1  }
0x3d6: {  	(xrf2) =	vadd.scan.msk.f32 $0xffff, v3  }
0x3d7: {  	v1, _, _ =	vpop (xrf2);
	_ =	sdelay $0x2  }
0x3d8: {  	v3, _, _ =	vpop (xrf2);
	_ =	sdelay $0x2  }
0x3d9: {  	v4, _, _ =	vpop (xrf2)  }
0x3da: {  	v4 =	vbroadcast v4, $0xF  }
0x3db: {  	s7 =	sadd.s32 $0x1, s7;
	v3 =	vbroadcast v3, $0xF  }
0x3dc: {  	v5 =	vor.u32 s7, v0;
	v1 =	vbroadcast v1, $0xF;
	v4 =	vnsel vm0, $0x0, v4;
	v6, _, _ =	vpop (xrf2)  }
0x3dd: {  	v3 =	vsel vm1, v4, v3;
	v4 =	vbroadcast v6, $0xF  }
0x3de: {  	v2 =	vbroadcast v2, $0xF;
	v1 =	vsel vm2, v3, v1  }
0x3df: {  	v1 =	vsel vm3, v1, v4  }
0x3e0: {  	v1 =	vsel vm4, v1, v2  }
0x3e1: {  	s9 =	sshra.s32 s8, $0x2;
	[tilespmem:v5+s22+$0x0] =	vst.idx.msk $0x1f, v1  }
0x3e2: {  	v7 =	vld [tilespmem:s9+$0x16C30]  }
0x3e3: {  	v10 =	vld [tilespmem:s9+$0x16C20]  }
0x3e4: {  	v6 =	vld [tilespmem:s9+$0x12C30]  }
0x3e5: {  	v9 =	vld [tilespmem:s9+$0x16C00]  }
0x3e6: {  	v12 =	vld [tilespmem:s9+$0x16C10]  }
0x3e7: {  	v5 =	vld [tilespmem:s9+$0x10C30]  }
0x3e8: {  	v8 =	vld [tilespmem:s9+$0x12C20]  }
0x3e9: {  	v3 =	vld [tilespmem:s9+$0x2C00]  }
0x3ea: {  	v4 =	vld [tilespmem:s9+$0x2C10]  }
0x3eb: {  	v15 =	vld [tilespmem:s9+$0x12C00]  }
0x3ec: {  	v2 =	vld [tilespmem:s9+$0x2C20]  }
0x3ed: {  	v16 =	vld [tilespmem:s9+$0x12C10]  }
.Ltmp5:
0x3ee: {  	v1 =	vld [tilespmem:s9+$0x2C30];
	(pc) =	sbr.rel @p0 .LBB2_12-.Ltmp5, $4  }
0x3ef: {  	v13 =	vmul.f32 v9, v3;
	v11 =	vld [tilespmem:s9+$0x10C00];
	v14 =	vmul.f32 v12, v4  }
0x3f0: {  	v12 =	vld [tilespmem:s9+$0x10C10]  }
0x3f1: {  	v9 =	vld [tilespmem:s9+$0x10C20];
	v13 =	vadd.f32 v14, v13;
	v14 =	vmul.f32 v10, v2  }
0x3f2: {  	s8 =	sadd.s32 $0x200, s8;
	v15 =	vmul.f32 v15, v3;
	v10 =	vld [tilespmem:s9+$0xEC00];
	v16 =	vmul.f32 v16, v4  }
0x3f3: {  	v17 =	vld [tilespmem:s9+$0xEC10]  }
0x3f4: {  	v18 =	vld [tilespmem:s9+$0x14C00]  }
0x3f5: {  	v13 =	vadd.f32 v14, v13;
	v7 =	vmul.f32 v7, v1;
	v14 =	vld [tilespmem:s9+$0xEC20]  }
0x3f6: {  	v8 =	vmul.f32 v8, v2;
	v15 =	vadd.f32 v16, v15;
	v16 =	vld [tilespmem:s9+$0x14C10]  }
0x3f7: {  	v11 =	vmul.f32 v11, v3;
	v12 =	vmul.f32 v12, v4;
	v7 =	vadd.f32 v7, v13;
	v13 =	vld [tilespmem:s9+$0xEC30]  }
0x3f8: {  	v8 =	vadd.f32 v8, v15;
	v10 =	vmul.f32 v10, v3;
	v15 =	vmul.f32 v17, v4;
	v17 =	vld [tilespmem:s9+$0x14C20]  }
0x3f9: {  	v6 =	vmul.f32 v6, v1;
	v9 =	vmul.f32 v9, v2;
	v11 =	vadd.f32 v12, v11  }
0x3fa: {  	v5 =	vmul.f32 v5, v1;
	v12 =	vmul.f32 v14, v2;
	v14 =	vld [tilespmem:s9+$0x14C30];
	v10 =	vadd.f32 v15, v10  }
0x3fb: {  	v3 =	vmul.f32 v18, v3;
	v9 =	vadd.f32 v9, v11;
	v4 =	vmul.f32 v16, v4  }
0x3fc: {  	v6 =	vadd.f32 v6, v8;
	v8 =	vadd.f32 v12, v10;
	v10 =	vmul.f32 v13, v1  }
0x3fd: {  	(xrf2) =	vadd.scan.msk.f32 $0xffff, v7;
	v5 =	vadd.f32 v5, v9;
	v3 =	vadd.f32 v4, v3;
	v2 =	vmul.f32 v17, v2  }
0x3fe: {  	(xrf2) =	vadd.scan.msk.f32 $0xffff, v6;
	v4 =	vadd.f32 v10, v8  }
0x3ff: {  	(xrf2) =	vadd.scan.msk.f32 $0xffff, v5;
	v1 =	vmul.f32 v14, v1;
	v2 =	vadd.f32 v2, v3  }
0x400: {  	(xrf2) =	vadd.scan.msk.f32 $0xffff, v4  }
0x401: {  	v1 =	vadd.f32 v1, v2;
	_ =	sdelay $0x1  }
0x402: {  	(xrf2) =	vadd.scan.msk.f32 $0xffff, v1;
	_ =	sdelay $0x3  }
0x403: {  	v1, _, _ =	vpop (xrf2)  }
0x404: {  	v2, _, _ =	vpop (xrf2)  }
0x405: {  	v3, _, _ =	vpop (xrf2)  }
0x406: {  	v4, _, _ =	vpop (xrf2)  }
0x407: {  	v4 =	vbroadcast v4, $0xF  }
0x408: {  	s7 =	sadd.s32 $0x1, s7;
	v3 =	vbroadcast v3, $0xF  }
0x409: {  	v5 =	vor.u32 s7, v0;
	v2 =	vbroadcast v2, $0xF;
	v4 =	vnsel vm0, $0x0, v4;
	v6, _, _ =	vpop (xrf2)  }
0x40a: {  	v3 =	vsel vm1, v4, v3;
	v4 =	vbroadcast v6, $0xF  }
0x40b: {  	v1 =	vbroadcast v1, $0xF;
	v2 =	vsel vm2, v3, v2  }
0x40c: {  	v2 =	vsel vm3, v2, v4  }
0x40d: {  	v1 =	vsel vm4, v2, v1  }
0x40e: {  	s9 =	simm.s32 $0x1C0;
	[tilespmem:v5+s22+$0x0] =	vst.idx.msk $0x1f, v1  }
0x40f: {  	[tilespmem:s31], [sflag:$0x2] =	stream.indirect.gather [hbm4b:s3+s23], $0x80, s9, s23, $0xb8;
	[tilespmem:$0x19600] =	vst v63  }
0x410: {  	s8 =	simm.s32 $0x3C0  }
0x411: {  	[tilespmem:s2], [sflag:$0x2] =	stream.indirect.gather [hbm4b:s4+s23], $0x80, s8, s23, $0xb8;
	[tilespmem:$0x19600] =	vst v63  }
0x412: {  	s9 =	simm.s32 $0x5C0  }
0x413: {  	[tilespmem:s0], [sflag:$0x2] =	stream.indirect.gather [hbm4b:s4+s23], $0x80, s9, s23, $0xb8;
	[tilespmem:$0x19600] =	vst v63  }
0x414: {  	s8 =	simm.s32 $0x7C0  }
0x415: {  	[tilespmem:s18], [sflag:$0x2] =	stream.indirect.gather [hbm4b:s4+s23], $0x80, s8, s23, $0xb8;
	[tilespmem:$0x19600] =	vst v63  }
0x416: {  	s9 =	simm.s32 $0x9C0  }
0x417: {  	[tilespmem:s19], [sflag:$0x2] =	stream.indirect.gather [hbm4b:s4+s23], $0x80, s9, s23, $0xb8;
	[tilespmem:$0x19600] =	vst v63  }
0x418: {  	s8 =	simm.s32 $0xBC0  }
0x419: {  	[tilespmem:s20], [sflag:$0x2] =	stream.indirect.gather [hbm4b:s4+s23], $0x80, s8, s23, $0xb8;
	[tilespmem:$0x19600] =	vst v63  }
0x41a: {  	_ =	swait.ge [sflag:s21], $0x2000  }
0x41b: {  	[sflag:s21] =	ssyncset.done $0x0  }
0x41c: {  	[sflag:s21] =	ssyncadd.s32 $0xFFFFE000  }
0x41d: {  	_ =	swait.ge [sflag:s21], $0x2000  }
0x41e: {  	[sflag:s21] =	ssyncset.done $0x0  }
0x41f: {  	[sflag:s21] =	ssyncadd.s32 $0xFFFFE000  }
0x420: {  	_ =	swait.ge [sflag:s21], $0x2000  }
0x421: {  	[sflag:s21] =	ssyncset.done $0x0  }
0x422: {  	[sflag:s21] =	ssyncadd.s32 $0xFFFFE000  }
0x423: {  	_ =	swait.ge [sflag:s21], $0x2000  }
0x424: {  	[sflag:s21] =	ssyncset.done $0x0  }
0x425: {  	[sflag:s21] =	ssyncadd.s32 $0xFFFFE000  }
0x426: {  	_ =	swait.ge [sflag:s21], $0x2000  }
0x427: {  	[sflag:s21] =	ssyncset.done $0x0  }
0x428: {  	[sflag:s21] =	ssyncadd.s32 $0xFFFFE000  }
0x429: {  	_ =	swait.ge [sflag:s21], $0x2000  }
0x42a: {  	[sflag:s21] =	ssyncset.done $0x0  }
0x42b: {  	s9 =	simm.s32 $0x0;
	[sflag:s21] =	ssyncadd.s32 $0xFFFFE000  }
0x42c: {  	v1 =	vld [tilespmem:s9+$0xCC30]  }
0x42d: {  	v2 =	vld [tilespmem:s9+$0xCC20]  }
0x42e: {  	v3 =	vld [tilespmem:s9+$0x8C30]  }
0x42f: {  	v4 =	vld [tilespmem:s9+$0xCC00]  }
0x430: {  	v5 =	vld [tilespmem:s9+$0xCC10]  }
0x431: {  	v6 =	vld [tilespmem:s9+$0x6C30]  }
0x432: {  	v7 =	vld [tilespmem:s9+$0x8C20]  }
0x433: {  	v8 =	vld [tilespmem:s9+$0xC00]  }
0x434: {  	v9 =	vld [tilespmem:s9+$0xC10]  }
0x435: {  	v10 =	vld [tilespmem:s9+$0x8C00]  }
0x436: {  	v11 =	vld [tilespmem:s9+$0xC20]  }
0x437: {  	v12 =	vld [tilespmem:s9+$0x8C10]  }
0x438: {  	v13 =	vld [tilespmem:s9+$0xC30]  }
0x439: {  	v14 =	vld [tilespmem:s9+$0x6C00]  }
0x43a: {  	v15 =	vld [tilespmem:s9+$0x6C10]  }
0x43b: {  	v16 =	vld [tilespmem:s9+$0x6C20];
	v4 =	vmul.f32 v4, v8;
	v5 =	vmul.f32 v5, v9  }
0x43c: {  	v17 =	vld [tilespmem:s9+$0x4C00]  }
0x43d: {  	v2 =	vmul.f32 v2, v11;
	v4 =	vadd.f32 v5, v4;
	v5 =	vld [tilespmem:s9+$0x4C10]  }
0x43e: {  	v18 =	vld [tilespmem:s9+$0xAC00];
	v10 =	vmul.f32 v10, v8;
	v12 =	vmul.f32 v12, v9  }
0x43f: {  	v1 =	vmul.f32 v1, v13;
	v2 =	vadd.f32 v2, v4;
	v4 =	vld [tilespmem:s9+$0x4C20]  }
0x440: {  	v7 =	vmul.f32 v7, v11;
	v10 =	vadd.f32 v12, v10;
	v12 =	vld [tilespmem:s9+$0xAC10]  }
0x441: {  	v14 =	vmul.f32 v14, v8;
	v15 =	vmul.f32 v15, v9;
	v1 =	vadd.f32 v1, v2;
	v2 =	vld [tilespmem:s9+$0x4C30]  }
0x442: {  	v7 =	vadd.f32 v7, v10;
	v10 =	vmul.f32 v17, v8;
	v17 =	vld [tilespmem:s9+$0xAC20];
	v5 =	vmul.f32 v5, v9  }
0x443: {  	v3 =	vmul.f32 v3, v13;
	v14 =	vadd.f32 v15, v14;
	v15 =	vmul.f32 v16, v11  }
0x444: {  	v6 =	vmul.f32 v6, v13;
	v5 =	vadd.f32 v5, v10;
	v4 =	vmul.f32 v4, v11;
	v10 =	vld [tilespmem:s9+$0xAC30]  }
0x445: {  	v14 =	vadd.f32 v15, v14;
	v8 =	vmul.f32 v18, v8;
	v9 =	vmul.f32 v12, v9  }
0x446: {  	v3 =	vadd.f32 v3, v7;
	v4 =	vadd.f32 v4, v5;
	v2 =	vmul.f32 v2, v13  }
0x447: {  	(xrf2) =	vadd.scan.msk.f32 $0xffff, v1;
	v1 =	vadd.f32 v6, v14;
	v6 =	vmul.f32 v17, v11;
	v5 =	vadd.f32 v9, v8  }
0x448: {  	(xrf2) =	vadd.scan.msk.f32 $0xffff, v3;
	v2 =	vadd.f32 v2, v4  }
0x449: {  	(xrf2) =	vadd.scan.msk.f32 $0xffff, v1;
	v1 =	vadd.f32 v6, v5;
	v3 =	vmul.f32 v10, v13  }
0x44a: {  	(xrf2) =	vadd.scan.msk.f32 $0xffff, v2  }
0x44b: {  	v1 =	vadd.f32 v3, v1;
	_ =	sdelay $0x1  }
0x44c: {  	(xrf2) =	vadd.scan.msk.f32 $0xffff, v1;
	_ =	sdelay $0x3  }
0x44d: {  	v1, _, _ =	vpop (xrf2)  }
0x44e: {  	v2, _, _ =	vpop (xrf2)  }
0x44f: {  	v3, _, _ =	vpop (xrf2)  }
0x450: {  	v4, _, _ =	vpop (xrf2)  }
0x451: {  	v4 =	vbroadcast v4, $0xF  }
0x452: {  	s7 =	simm.s32 $0x180;
	v3 =	vbroadcast v3, $0xF  }
0x453: {  	v5 =	vor.u32 s7, v0;
	v2 =	vbroadcast v2, $0xF;
	v4 =	vnsel vm0, $0x0, v4;
	v6, _, _ =	vpop (xrf2)  }
0x454: {  	v3 =	vsel vm1, v4, v3;
	v4 =	vbroadcast v6, $0xF  }
0x455: {  	v1 =	vbroadcast v1, $0xF;
	v2 =	vsel vm2, v3, v2  }
0x456: {  	v2 =	vsel vm3, v2, v4  }
0x457: {  	v1 =	vsel vm4, v2, v1  }
0x458: {  	s9 =	simm.s32 $0x80;
	[tilespmem:v5+s22+$0x0] =	vst.idx.msk $0x1f, v1  }
0x459: {  	v7 =	vld [tilespmem:s9+$0xCC30]  }
0x45a: {  	v10 =	vld [tilespmem:s9+$0xCC20]  }
0x45b: {  	v6 =	vld [tilespmem:s9+$0x8C30]  }
0x45c: {  	v9 =	vld [tilespmem:s9+$0xCC00]  }
0x45d: {  	v12 =	vld [tilespmem:s9+$0xCC10]  }
0x45e: {  	v5 =	vld [tilespmem:s9+$0x6C30]  }
0x45f: {  	v8 =	vld [tilespmem:s9+$0x8C20]  }
0x460: {  	v3 =	vld [tilespmem:s9+$0xC00]  }
0x461: {  	v4 =	vld [tilespmem:s9+$0xC10]  }
0x462: {  	v15 =	vld [tilespmem:s9+$0x8C00]  }
0x463: {  	v2 =	vld [tilespmem:s9+$0xC20]  }
0x464: {  	v16 =	vld [tilespmem:s9+$0x8C10]  }
0x465: {  	v1 =	vld [tilespmem:s9+$0xC30]  }
0x466: {  	v11 =	vld [tilespmem:s9+$0x6C00];
	v13 =	vmul.f32 v9, v3;
	v17 =	vmul.f32 v12, v4  }
0x467: {  	v12 =	vld [tilespmem:s9+$0x6C10]  }
0x468: {  	v9 =	vld [tilespmem:s9+$0x6C20];
	v14 =	vmul.f32 v10, v2;
	v13 =	vadd.f32 v17, v13  }
0x469: {  	s8 =	simm.s32 $0x400;
	v10 =	vld [tilespmem:s9+$0x4C00];
	v15 =	vmul.f32 v15, v3;
	v16 =	vmul.f32 v16, v4  }
.LBB2_14:
0x46a: {  	p0 =	sne.s32 s8, $0x7E00;
	v17 =	vld [tilespmem:s9+$0x4C10];
	v13 =	vadd.f32 v14, v13;
	v7 =	vmul.f32 v7, v1  }
0x46b: {  	v8 =	vmul.f32 v8, v2;
	v14 =	vadd.f32 v16, v15;
	v15 =	vld [tilespmem:s9+$0xAC00]  }
0x46c: {  	v11 =	vmul.f32 v11, v3;
	v16 =	vld [tilespmem:s9+$0x4C20];
	v12 =	vmul.f32 v12, v4;
	v7 =	vadd.f32 v7, v13  }
0x46d: {  	v6 =	vmul.f32 v6, v1;
	v8 =	vadd.f32 v8, v14;
	v13 =	vld [tilespmem:s9+$0xAC10]  }
0x46e: {  	v9 =	vmul.f32 v9, v2;
	v14 =	vld [tilespmem:s9+$0x4C30];
	v11 =	vadd.f32 v12, v11;
	(xrf2) =	vadd.scan.msk.f32 $0xffff, v7  }
0x46f: {  	v7 =	vmul.f32 v10, v3;
	v10 =	vmul.f32 v17, v4;
	v6 =	vadd.f32 v6, v8;
	v8 =	vld [tilespmem:s9+$0xAC20]  }
0x470: {  	v5 =	vmul.f32 v5, v1;
	v9 =	vadd.f32 v9, v11  }
0x471: {  	v7 =	vadd.f32 v10, v7;
	v10 =	vmul.f32 v16, v2;
	v11 =	vld [tilespmem:s9+$0xAC30];
	(xrf2) =	vadd.scan.msk.f32 $0xffff, v6  }
0x472: {  	v3 =	vmul.f32 v15, v3;
	v5 =	vadd.f32 v5, v9;
	v4 =	vmul.f32 v13, v4  }
0x473: {  	v6 =	vadd.f32 v10, v7;
	v7 =	vmul.f32 v14, v1  }
0x474: {  	v3 =	vadd.f32 v4, v3;
	v2 =	vmul.f32 v8, v2;
	(xrf2) =	vadd.scan.msk.f32 $0xffff, v5  }
0x475: {  	v4 =	vadd.f32 v7, v6  }
0x476: {  	v3 =	vadd.f32 v2, v3;
	v1 =	vmul.f32 v11, v1  }
0x477: {  	(xrf2) =	vadd.scan.msk.f32 $0xffff, v4  }
0x478: {  	v3 =	vadd.f32 v1, v3;
	v2, _, _ =	vpop (xrf2);
	_ =	sdelay $0x1  }
0x479: {  	(xrf2) =	vadd.scan.msk.f32 $0xffff, v3  }
0x47a: {  	v1, _, _ =	vpop (xrf2);
	_ =	sdelay $0x2  }
0x47b: {  	v3, _, _ =	vpop (xrf2);
	_ =	sdelay $0x2  }
0x47c: {  	v4, _, _ =	vpop (xrf2)  }
0x47d: {  	v4 =	vbroadcast v4, $0xF  }
0x47e: {  	s7 =	sadd.s32 $0x1, s7;
	v3 =	vbroadcast v3, $0xF  }
0x47f: {  	v5 =	vor.u32 s7, v0;
	v1 =	vbroadcast v1, $0xF;
	v4 =	vnsel vm0, $0x0, v4;
	v6, _, _ =	vpop (xrf2)  }
0x480: {  	v3 =	vsel vm1, v4, v3;
	v4 =	vbroadcast v6, $0xF  }
0x481: {  	v2 =	vbroadcast v2, $0xF;
	v1 =	vsel vm2, v3, v1  }
0x482: {  	v1 =	vsel vm3, v1, v4  }
0x483: {  	v1 =	vsel vm4, v1, v2  }
0x484: {  	s9 =	sshra.s32 s8, $0x2;
	[tilespmem:v5+s22+$0x0] =	vst.idx.msk $0x1f, v1  }
0x485: {  	v7 =	vld [tilespmem:s9+$0xCC30]  }
0x486: {  	v10 =	vld [tilespmem:s9+$0xCC20]  }
0x487: {  	v6 =	vld [tilespmem:s9+$0x8C30]  }
0x488: {  	v9 =	vld [tilespmem:s9+$0xCC00]  }
0x489: {  	v12 =	vld [tilespmem:s9+$0xCC10]  }
0x48a: {  	v5 =	vld [tilespmem:s9+$0x6C30]  }
0x48b: {  	v8 =	vld [tilespmem:s9+$0x8C20]  }
0x48c: {  	v3 =	vld [tilespmem:s9+$0xC00]  }
0x48d: {  	v4 =	vld [tilespmem:s9+$0xC10]  }
0x48e: {  	v15 =	vld [tilespmem:s9+$0x8C00]  }
0x48f: {  	v2 =	vld [tilespmem:s9+$0xC20]  }
0x490: {  	v16 =	vld [tilespmem:s9+$0x8C10]  }
.Ltmp6:
0x491: {  	v1 =	vld [tilespmem:s9+$0xC30];
	(pc) =	sbr.rel @p0 .LBB2_14-.Ltmp6, $4  }
0x492: {  	v13 =	vmul.f32 v9, v3;
	v11 =	vld [tilespmem:s9+$0x6C00];
	v14 =	vmul.f32 v12, v4  }
0x493: {  	v12 =	vld [tilespmem:s9+$0x6C10]  }
0x494: {  	v9 =	vld [tilespmem:s9+$0x6C20];
	v13 =	vadd.f32 v14, v13;
	v14 =	vmul.f32 v10, v2  }
0x495: {  	s8 =	sadd.s32 $0x200, s8;
	v15 =	vmul.f32 v15, v3;
	v10 =	vld [tilespmem:s9+$0x4C00];
	v16 =	vmul.f32 v16, v4  }
0x496: {  	v17 =	vld [tilespmem:s9+$0x4C10]  }
0x497: {  	v18 =	vld [tilespmem:s9+$0xAC00]  }
0x498: {  	v13 =	vadd.f32 v14, v13;
	v7 =	vmul.f32 v7, v1;
	v14 =	vld [tilespmem:s9+$0x4C20]  }
0x499: {  	v8 =	vmul.f32 v8, v2;
	v15 =	vadd.f32 v16, v15;
	v16 =	vld [tilespmem:s9+$0xAC10]  }
0x49a: {  	v11 =	vmul.f32 v11, v3;
	v12 =	vmul.f32 v12, v4;
	v7 =	vadd.f32 v7, v13;
	v13 =	vld [tilespmem:s9+$0x4C30]  }
0x49b: {  	v8 =	vadd.f32 v8, v15;
	v10 =	vmul.f32 v10, v3;
	v15 =	vmul.f32 v17, v4;
	v17 =	vld [tilespmem:s9+$0xAC20]  }
0x49c: {  	v6 =	vmul.f32 v6, v1;
	v9 =	vmul.f32 v9, v2;
	v11 =	vadd.f32 v12, v11  }
0x49d: {  	v5 =	vmul.f32 v5, v1;
	v12 =	vmul.f32 v14, v2;
	v14 =	vld [tilespmem:s9+$0xAC30];
	v10 =	vadd.f32 v15, v10  }
0x49e: {  	v3 =	vmul.f32 v18, v3;
	v9 =	vadd.f32 v9, v11;
	v4 =	vmul.f32 v16, v4  }
0x49f: {  	v6 =	vadd.f32 v6, v8;
	v8 =	vadd.f32 v12, v10;
	v10 =	vmul.f32 v13, v1  }
0x4a0: {  	(xrf2) =	vadd.scan.msk.f32 $0xffff, v7;
	v5 =	vadd.f32 v5, v9;
	v3 =	vadd.f32 v4, v3;
	v2 =	vmul.f32 v17, v2  }
0x4a1: {  	(xrf2) =	vadd.scan.msk.f32 $0xffff, v6;
	v4 =	vadd.f32 v10, v8  }
0x4a2: {  	(xrf2) =	vadd.scan.msk.f32 $0xffff, v5;
	v1 =	vmul.f32 v14, v1;
	v2 =	vadd.f32 v2, v3  }
0x4a3: {  	(xrf2) =	vadd.scan.msk.f32 $0xffff, v4  }
0x4a4: {  	v1 =	vadd.f32 v1, v2;
	_ =	sdelay $0x1  }
0x4a5: {  	(xrf2) =	vadd.scan.msk.f32 $0xffff, v1;
	_ =	sdelay $0x3  }
0x4a6: {  	v1, _, _ =	vpop (xrf2)  }
0x4a7: {  	v2, _, _ =	vpop (xrf2)  }
0x4a8: {  	v3, _, _ =	vpop (xrf2)  }
0x4a9: {  	v4, _, _ =	vpop (xrf2)  }
0x4aa: {  	v4 =	vbroadcast v4, $0xF  }
0x4ab: {  	s7 =	sadd.s32 $0x1, s7;
	v3 =	vbroadcast v3, $0xF  }
0x4ac: {  	v5 =	vor.u32 s7, v0;
	v2 =	vbroadcast v2, $0xF;
	v4 =	vnsel vm0, $0x0, v4;
	v6, _, _ =	vpop (xrf2)  }
0x4ad: {  	v3 =	vsel vm1, v4, v3;
	v4 =	vbroadcast v6, $0xF  }
0x4ae: {  	v1 =	vbroadcast v1, $0xF;
	v2 =	vsel vm2, v3, v2  }
0x4af: {  	v2 =	vsel vm3, v2, v4  }
0x4b0: {  	v1 =	vsel vm4, v2, v1  }
0x4b1: {  	[tilespmem:v5+s22+$0x0] =	vst.idx.msk $0x1f, v1  }
0x4b2: {  	_ =	swait.ge [sflag:s5], $0x2000  }
0x4b3: {  	[sflag:s5] =	ssyncset.done $0x0  }
0x4b4: {  	[sflag:s5] =	ssyncadd.s32 $0xFFFFE000  }
0x4b5: {  	_ =	swait.ge [sflag:s5], $0x2000  }
0x4b6: {  	[sflag:s5] =	ssyncset.done $0x0  }
0x4b7: {  	[sflag:s5] =	ssyncadd.s32 $0xFFFFE000  }
0x4b8: {  	_ =	swait.ge [sflag:s5], $0x2000  }
0x4b9: {  	[sflag:s5] =	ssyncset.done $0x0  }
0x4ba: {  	[sflag:s5] =	ssyncadd.s32 $0xFFFFE000  }
0x4bb: {  	_ =	swait.ge [sflag:s5], $0x2000  }
0x4bc: {  	[sflag:s5] =	ssyncset.done $0x0  }
0x4bd: {  	[sflag:s5] =	ssyncadd.s32 $0xFFFFE000  }
0x4be: {  	_ =	swait.ge [sflag:s5], $0x2000  }
0x4bf: {  	[sflag:s5] =	ssyncset.done $0x0  }
0x4c0: {  	[sflag:s5] =	ssyncadd.s32 $0xFFFFE000  }
0x4c1: {  	_ =	swait.ge [sflag:s5], $0x2000  }
0x4c2: {  	[sflag:s5] =	ssyncset.done $0x0  }
0x4c3: {  	s9 =	simm.s32 $0x0;
	[sflag:s5] =	ssyncadd.s32 $0xFFFFE000  }
0x4c4: {  	v1 =	vld [tilespmem:s9+$0x16C30]  }
0x4c5: {  	v2 =	vld [tilespmem:s9+$0x16C20]  }
0x4c6: {  	v3 =	vld [tilespmem:s9+$0x12C30]  }
0x4c7: {  	v4 =	vld [tilespmem:s9+$0x16C00]  }
0x4c8: {  	v5 =	vld [tilespmem:s9+$0x16C10]  }
0x4c9: {  	v6 =	vld [tilespmem:s9+$0x10C30]  }
0x4ca: {  	v7 =	vld [tilespmem:s9+$0x12C20]  }
0x4cb: {  	v8 =	vld [tilespmem:s9+$0x2C00]  }
0x4cc: {  	v9 =	vld [tilespmem:s9+$0x2C10]  }
0x4cd: {  	v10 =	vld [tilespmem:s9+$0x12C00]  }
0x4ce: {  	v11 =	vld [tilespmem:s9+$0x2C20]  }
0x4cf: {  	v12 =	vld [tilespmem:s9+$0x12C10]  }
0x4d0: {  	v13 =	vld [tilespmem:s9+$0x2C30]  }
0x4d1: {  	v14 =	vld [tilespmem:s9+$0x10C00]  }
0x4d2: {  	v15 =	vld [tilespmem:s9+$0x10C10]  }
0x4d3: {  	v16 =	vld [tilespmem:s9+$0x10C20];
	v4 =	vmul.f32 v4, v8;
	v5 =	vmul.f32 v5, v9  }
0x4d4: {  	v17 =	vld [tilespmem:s9+$0xEC00]  }
0x4d5: {  	v2 =	vmul.f32 v2, v11;
	v4 =	vadd.f32 v5, v4;
	v5 =	vld [tilespmem:s9+$0xEC10]  }
0x4d6: {  	v18 =	vld [tilespmem:s9+$0x14C00];
	v10 =	vmul.f32 v10, v8;
	v12 =	vmul.f32 v12, v9  }
0x4d7: {  	v1 =	vmul.f32 v1, v13;
	v2 =	vadd.f32 v2, v4;
	v4 =	vld [tilespmem:s9+$0xEC20]  }
0x4d8: {  	v7 =	vmul.f32 v7, v11;
	v10 =	vadd.f32 v12, v10;
	v12 =	vld [tilespmem:s9+$0x14C10]  }
0x4d9: {  	v14 =	vmul.f32 v14, v8;
	v15 =	vmul.f32 v15, v9;
	v1 =	vadd.f32 v1, v2;
	v2 =	vld [tilespmem:s9+$0xEC30]  }
0x4da: {  	v7 =	vadd.f32 v7, v10;
	v10 =	vmul.f32 v17, v8;
	v17 =	vld [tilespmem:s9+$0x14C20];
	v5 =	vmul.f32 v5, v9  }
0x4db: {  	v3 =	vmul.f32 v3, v13;
	v14 =	vadd.f32 v15, v14;
	v15 =	vmul.f32 v16, v11  }
0x4dc: {  	v6 =	vmul.f32 v6, v13;
	v5 =	vadd.f32 v5, v10;
	v4 =	vmul.f32 v4, v11;
	v10 =	vld [tilespmem:s9+$0x14C30]  }
0x4dd: {  	v14 =	vadd.f32 v15, v14;
	v8 =	vmul.f32 v18, v8;
	v9 =	vmul.f32 v12, v9  }
0x4de: {  	v3 =	vadd.f32 v3, v7;
	v4 =	vadd.f32 v4, v5;
	v2 =	vmul.f32 v2, v13  }
0x4df: {  	(xrf2) =	vadd.scan.msk.f32 $0xffff, v1;
	v1 =	vadd.f32 v6, v14;
	v6 =	vmul.f32 v17, v11;
	v5 =	vadd.f32 v9, v8  }
0x4e0: {  	(xrf2) =	vadd.scan.msk.f32 $0xffff, v3;
	v2 =	vadd.f32 v2, v4  }
0x4e1: {  	(xrf2) =	vadd.scan.msk.f32 $0xffff, v1;
	v1 =	vadd.f32 v6, v5;
	v3 =	vmul.f32 v10, v13  }
0x4e2: {  	(xrf2) =	vadd.scan.msk.f32 $0xffff, v2  }
0x4e3: {  	v1 =	vadd.f32 v3, v1;
	_ =	sdelay $0x1  }
0x4e4: {  	(xrf2) =	vadd.scan.msk.f32 $0xffff, v1;
	_ =	sdelay $0x3  }
0x4e5: {  	v1, _, _ =	vpop (xrf2)  }
0x4e6: {  	v2, _, _ =	vpop (xrf2)  }
0x4e7: {  	v3, _, _ =	vpop (xrf2)  }
0x4e8: {  	v4, _, _ =	vpop (xrf2)  }
0x4e9: {  	v4 =	vbroadcast v4, $0xF  }
0x4ea: {  	s7 =	simm.s32 $0x1C0;
	v3 =	vbroadcast v3, $0xF  }
0x4eb: {  	v5 =	vor.u32 s7, v0;
	v2 =	vbroadcast v2, $0xF;
	v4 =	vnsel vm0, $0x0, v4;
	v6, _, _ =	vpop (xrf2)  }
0x4ec: {  	v3 =	vsel vm1, v4, v3;
	v4 =	vbroadcast v6, $0xF  }
0x4ed: {  	v1 =	vbroadcast v1, $0xF;
	v2 =	vsel vm2, v3, v2  }
0x4ee: {  	v2 =	vsel vm3, v2, v4  }
0x4ef: {  	v1 =	vsel vm4, v2, v1  }
0x4f0: {  	s9 =	simm.s32 $0x80;
	[tilespmem:v5+s22+$0x0] =	vst.idx.msk $0x1f, v1  }
0x4f1: {  	v7 =	vld [tilespmem:s9+$0x16C30]  }
0x4f2: {  	v10 =	vld [tilespmem:s9+$0x16C20]  }
0x4f3: {  	v6 =	vld [tilespmem:s9+$0x12C30]  }
0x4f4: {  	v9 =	vld [tilespmem:s9+$0x16C00]  }
0x4f5: {  	v12 =	vld [tilespmem:s9+$0x16C10]  }
0x4f6: {  	v5 =	vld [tilespmem:s9+$0x10C30]  }
0x4f7: {  	v8 =	vld [tilespmem:s9+$0x12C20]  }
0x4f8: {  	v3 =	vld [tilespmem:s9+$0x2C00]  }
0x4f9: {  	v4 =	vld [tilespmem:s9+$0x2C10]  }
0x4fa: {  	v15 =	vld [tilespmem:s9+$0x12C00]  }
0x4fb: {  	v2 =	vld [tilespmem:s9+$0x2C20]  }
0x4fc: {  	v16 =	vld [tilespmem:s9+$0x12C10]  }
0x4fd: {  	v1 =	vld [tilespmem:s9+$0x2C30]  }
0x4fe: {  	v11 =	vld [tilespmem:s9+$0x10C00];
	v13 =	vmul.f32 v9, v3;
	v17 =	vmul.f32 v12, v4  }
0x4ff: {  	v12 =	vld [tilespmem:s9+$0x10C10]  }
0x500: {  	v9 =	vld [tilespmem:s9+$0x10C20];
	v14 =	vmul.f32 v10, v2;
	v13 =	vadd.f32 v17, v13  }
0x501: {  	s8 =	simm.s32 $0x400;
	v10 =	vld [tilespmem:s9+$0xEC00];
	v15 =	vmul.f32 v15, v3;
	v16 =	vmul.f32 v16, v4  }
.LBB2_16:
0x502: {  	p0 =	sne.s32 s8, $0x7E00;
	v17 =	vld [tilespmem:s9+$0xEC10];
	v13 =	vadd.f32 v14, v13;
	v7 =	vmul.f32 v7, v1  }
0x503: {  	v8 =	vmul.f32 v8, v2;
	v14 =	vadd.f32 v16, v15;
	v15 =	vld [tilespmem:s9+$0x14C00]  }
0x504: {  	v11 =	vmul.f32 v11, v3;
	v16 =	vld [tilespmem:s9+$0xEC20];
	v12 =	vmul.f32 v12, v4;
	v7 =	vadd.f32 v7, v13  }
0x505: {  	v6 =	vmul.f32 v6, v1;
	v8 =	vadd.f32 v8, v14;
	v13 =	vld [tilespmem:s9+$0x14C10]  }
0x506: {  	v9 =	vmul.f32 v9, v2;
	v14 =	vld [tilespmem:s9+$0xEC30];
	v11 =	vadd.f32 v12, v11;
	(xrf2) =	vadd.scan.msk.f32 $0xffff, v7  }
0x507: {  	v7 =	vmul.f32 v10, v3;
	v10 =	vmul.f32 v17, v4;
	v6 =	vadd.f32 v6, v8;
	v8 =	vld [tilespmem:s9+$0x14C20]  }
0x508: {  	v5 =	vmul.f32 v5, v1;
	v9 =	vadd.f32 v9, v11  }
0x509: {  	v7 =	vadd.f32 v10, v7;
	v10 =	vmul.f32 v16, v2;
	v11 =	vld [tilespmem:s9+$0x14C30];
	(xrf2) =	vadd.scan.msk.f32 $0xffff, v6  }
0x50a: {  	v3 =	vmul.f32 v15, v3;
	v5 =	vadd.f32 v5, v9;
	v4 =	vmul.f32 v13, v4  }
0x50b: {  	v6 =	vadd.f32 v10, v7;
	v7 =	vmul.f32 v14, v1  }
0x50c: {  	v3 =	vadd.f32 v4, v3;
	v2 =	vmul.f32 v8, v2;
	(xrf2) =	vadd.scan.msk.f32 $0xffff, v5  }
0x50d: {  	v4 =	vadd.f32 v7, v6  }
0x50e: {  	v3 =	vadd.f32 v2, v3;
	v1 =	vmul.f32 v11, v1  }
0x50f: {  	(xrf2) =	vadd.scan.msk.f32 $0xffff, v4  }
0x510: {  	v3 =	vadd.f32 v1, v3;
	v2, _, _ =	vpop (xrf2);
	_ =	sdelay $0x1  }
0x511: {  	(xrf2) =	vadd.scan.msk.f32 $0xffff, v3  }
0x512: {  	v1, _, _ =	vpop (xrf2);
	_ =	sdelay $0x2  }
0x513: {  	v3, _, _ =	vpop (xrf2);
	_ =	sdelay $0x2  }
0x514: {  	v4, _, _ =	vpop (xrf2)  }
0x515: {  	v4 =	vbroadcast v4, $0xF  }
0x516: {  	s7 =	sadd.s32 $0x1, s7;
	v3 =	vbroadcast v3, $0xF  }
0x517: {  	v5 =	vor.u32 s7, v0;
	v1 =	vbroadcast v1, $0xF;
	v4 =	vnsel vm0, $0x0, v4;
	v6, _, _ =	vpop (xrf2)  }
0x518: {  	v3 =	vsel vm1, v4, v3;
	v4 =	vbroadcast v6, $0xF  }
0x519: {  	v2 =	vbroadcast v2, $0xF;
	v1 =	vsel vm2, v3, v1  }
0x51a: {  	v1 =	vsel vm3, v1, v4  }
0x51b: {  	v1 =	vsel vm4, v1, v2  }
0x51c: {  	s9 =	sshra.s32 s8, $0x2;
	[tilespmem:v5+s22+$0x0] =	vst.idx.msk $0x1f, v1  }
0x51d: {  	v7 =	vld [tilespmem:s9+$0x16C30]  }
0x51e: {  	v10 =	vld [tilespmem:s9+$0x16C20]  }
0x51f: {  	v6 =	vld [tilespmem:s9+$0x12C30]  }
0x520: {  	v9 =	vld [tilespmem:s9+$0x16C00]  }
0x521: {  	v12 =	vld [tilespmem:s9+$0x16C10]  }
0x522: {  	v5 =	vld [tilespmem:s9+$0x10C30]  }
0x523: {  	v8 =	vld [tilespmem:s9+$0x12C20]  }
0x524: {  	v3 =	vld [tilespmem:s9+$0x2C00]  }
0x525: {  	v4 =	vld [tilespmem:s9+$0x2C10]  }
0x526: {  	v15 =	vld [tilespmem:s9+$0x12C00]  }
0x527: {  	v2 =	vld [tilespmem:s9+$0x2C20]  }
0x528: {  	v16 =	vld [tilespmem:s9+$0x12C10]  }
.Ltmp7:
0x529: {  	v1 =	vld [tilespmem:s9+$0x2C30];
	(pc) =	sbr.rel @p0 .LBB2_16-.Ltmp7, $4  }
0x52a: {  	v13 =	vmul.f32 v9, v3;
	v11 =	vld [tilespmem:s9+$0x10C00];
	v14 =	vmul.f32 v12, v4  }
0x52b: {  	v12 =	vld [tilespmem:s9+$0x10C10]  }
0x52c: {  	v9 =	vld [tilespmem:s9+$0x10C20];
	v13 =	vadd.f32 v14, v13;
	v14 =	vmul.f32 v10, v2  }
0x52d: {  	s8 =	sadd.s32 $0x200, s8;
	v15 =	vmul.f32 v15, v3;
	v10 =	vld [tilespmem:s9+$0xEC00];
	v16 =	vmul.f32 v16, v4  }
0x52e: {  	v17 =	vld [tilespmem:s9+$0xEC10]  }
0x52f: {  	v18 =	vld [tilespmem:s9+$0x14C00]  }
0x530: {  	v7 =	vmul.f32 v7, v1;
	v50 =	vld [tilespmem:s9+$0xEC20];
	v8 =	vmul.f32 v8, v2  }
0x531: {  	v51 =	vld [tilespmem:s9+$0x14C10];
	v6 =	vmul.f32 v6, v1;
	v5 =	vmul.f32 v5, v1  }
0x532: {  	v13 =	vadd.f32 v14, v13;
	v52 =	vld [tilespmem:s9+$0xEC30];
	v11 =	vmul.f32 v11, v3;
	v12 =	vmul.f32 v12, v4  }
0x533: {  	v54 =	vld [tilespmem:s9+$0x14C20];
	v15 =	vadd.f32 v16, v15;
	v10 =	vmul.f32 v10, v3;
	v53 =	vmul.f32 v17, v4  }
0x534: {  	v7 =	vadd.f32 v7, v13;
	v9 =	vmul.f32 v9, v2;
	v11 =	vadd.f32 v12, v11  }
0x535: {  	v56 =	vld [tilespmem:s9+$0x14C30];
	v8 =	vadd.f32 v8, v15;
	v55 =	vmul.f32 v50, v2;
	v10 =	vadd.f32 v53, v10  }
0x536: {  	v3 =	vmul.f32 v18, v3;
	v57 =	vmul.f32 v51, v4;
	v9 =	vadd.f32 v9, v11  }
0x537: {  	v6 =	vadd.f32 v6, v8;
	v59 =	vmul.f32 v52, v1;
	v58 =	vadd.f32 v55, v10  }
0x538: {  	(xrf2) =	vadd.scan.msk.f32 $0xffff, v7;
	v2 =	vmul.f32 v54, v2;
	v3 =	vadd.f32 v57, v3;
	v5 =	vadd.f32 v5, v9  }
0x539: {  	(xrf2) =	vadd.scan.msk.f32 $0xffff, v6;
	v60 =	vadd.f32 v59, v58  }
0x53a: {  	v1 =	vmul.f32 v56, v1;
	v2 =	vadd.f32 v2, v3;
	(xrf2) =	vadd.scan.msk.f32 $0xffff, v5  }
0x53b: {  	(xrf2) =	vadd.scan.msk.f32 $0xffff, v60  }
0x53c: {  	v1 =	vadd.f32 v1, v2;
	_ =	sdelay $0x1  }
0x53d: {  	(xrf2) =	vadd.scan.msk.f32 $0xffff, v1;
	_ =	sdelay $0x3  }
0x53e: {  	v1, _, _ =	vpop (xrf2)  }
0x53f: {  	v2, _, _ =	vpop (xrf2)  }
0x540: {  	v3, _, _ =	vpop (xrf2)  }
0x541: {  	v4, _, _ =	vpop (xrf2)  }
0x542: {  	v4 =	vbroadcast v4, $0xF  }
0x543: {  	s7 =	sadd.s32 $0x1, s7;
	v3 =	vbroadcast v3, $0xF  }
0x544: {  	v61 =	vor.u32 s7, v0;
	v2 =	vbroadcast v2, $0xF;
	v62, _, _ =	vpop (xrf2);
	v4 =	vnsel vm0, $0x0, v4  }
0x545: {  	v63 =	vbroadcast v62, $0xF;
	v3 =	vsel vm1, v4, v3  }
0x546: {  	v1 =	vbroadcast v1, $0xF;
	v2 =	vsel vm2, v3, v2  }
0x547: {  	v2 =	vsel vm3, v2, v63  }
0x548: {  	v1 =	vsel vm4, v2, v1  }
0x549: {  	s8 =	rddreg [dreg:$0xa];
	[tilespmem:v61+s22+$0x0] =	vst.idx.msk $0x1f, v1  }
0x54a: {  	[hbm4b:s8+s1] =	stream.linear.scatter [tilespmem:s22], [sflag:$0x3], $0x200, $0x38;
	[tilespmem:$0x19600] =	vst v63  }
0x54b: {  	_ =	swait.ge [sflag:s17], $0x200  }
0x54c: {  	[sflag:s17] =	ssyncset.done $0x0  }
0x54d: {  	s8 =	simm.s32 $0x18E00;
	s9 =	rddreg [dreg:$0xb];
	[sflag:s17] =	ssyncadd.s32 $0xFFFFFE00  }
0x54e: {  	[hbm4b:s9+s1] =	stream.linear.scatter [tilespmem:s8], [sflag:$0x3], $0x200, $0x38;
	[tilespmem:$0x19600] =	vst v63  }
0x54f: {  	_ =	swait.ge [sflag:s17], $0x200  }
0x550: {  	[sflag:s17] =	ssyncset.done $0x0  }
0x551: {  	s9 =	simm.s32 $0x19000;
	[sflag:s17] =	ssyncadd.s32 $0xFFFFFE00  }
0x552: {  	[hbm4b:s13+s1] =	stream.linear.scatter [tilespmem:s9], [sflag:$0x3], $0x200, $0x38;
	[tilespmem:$0x19600] =	vst v63  }
0x553: {  	_ =	swait.ge [sflag:s17], $0x200  }
0x554: {  	[sflag:s17] =	ssyncset.done $0x0  }
0x555: {  	s8 =	simm.s32 $0x19200;
	[sflag:s17] =	ssyncadd.s32 $0xFFFFFE00  }
0x556: {  	[hbm4b:s14+s1] =	stream.linear.scatter [tilespmem:s8], [sflag:$0x3], $0x200, $0x38;
	[tilespmem:$0x19600] =	vst v63  }
0x557: {  	s6 =	sadd.s32 $0x1, s6;
	_ =	swait.ge [sflag:s17], $0x200  }
0x558: {  	p0 =	sne.s32 s6, s16;
	[sflag:s17] =	ssyncset.done $0x0  }
.Ltmp8:
0x559: {  	s9 =	simm.s32 $0x19400;
	[sflag:s17] =	ssyncadd.s32 $0xFFFFFE00;
	(pc) =	sbr.rel @p0 .LBB2_1-.Ltmp8, $4  }
0x55a: {  	[hbm4b:s15+s1] =	stream.linear.scatter [tilespmem:s9], [sflag:$0x3], $0x200, $0x38;
	[tilespmem:$0x19600] =	vst v63  }
0x55b: {  	_ =	swait.ge [sflag:s17], $0x200  }
0x55c: {  	[sflag:s17] =	ssyncset.done $0x0  }
0x55d: {  	[sflag:s17] =	ssyncadd.s32 $0xFFFFFE00  }
0x55e: {  	_ =	sfence.sel $0x180000  }
0x55f: {  	[bflag:$0x0] =	sbarrier.arrive $0xFFFF  }
0x560: {  	_ =	strace $0x90000047  }
0x561: {  	s0 =	stileid.u32;
	[bflag:$0x2] =	sbarrier.arrive $0xFFFF  }
0x562: {  	p0 =	sne.s32 s0, $0x0;
	s0 =	rddreg [dreg:$0x3]  }
0x563: {  	s0 =	sadd.s32 @!p0 $0x100000, s0  }
0x564: {  	[sflag:s0] =	ssyncadd.tile.s32 @!p0 $0x1;
	_ =	shalt  }
.Lfunc_end2:
_tile_overlayer_lowered:
.L_overlay_start_2:
0x565: {  	(tag) =	ssettag $0x2  }
0x566: {  	s0 =	rddreg [dreg:$0x0];
	s2 =	stileid.u32  }
0x567: {  	s1 =	rddreg [dreg:$0x1];
	p0 =	sne.s32 s2, $0x0  }
0x568: {  	s3 =	rddreg [dreg:$0x2];
	[bflag:$0x3] =	sbarrier.arrive $0xFFFF;
	s2 =	simm.s32 @!p0 $0x1C03  }
0x569: {  	[timem:s3], [sflag:s2] =	dma.local @!p0 [hbm:s0], s1  }
0x56a: {  	s0 =	simm.s32 @!p0 $0x3  }
0x56b: {  	_ =	swait.ge @!p0 [sflag:s0], s1  }
0x56c: {  	s1 =	ssub.s32 @!p0 $0x0, s1;
	[sflag:s0] =	ssyncset.done @!p0 $0x0  }
0x56d: {  	[sflag:s0] =	ssyncadd.s32 @!p0 s1  }
0x56e: {  	[bflag:$0x3] =	sbarrier.arrive $0xFFFF  }
0x56f: {  	_ =	shalt  }

</sc_bundles>
